<compile_context>
chip_gen: v7x
topology: tpu7x:2x2x1
jax: 0.10.2.dev20260603
libtpu: 0.0.44.dev20260713+nightly
codegen_flags: <defaults>
</compile_context>

<pallas_src>
import jax
import jax.numpy as jnp
from jax import lax
from jax.experimental import pallas as pl
from jax.experimental.pallas import tpu as pltpu
from jax.experimental.pallas import tpu_sc as plsc

T = 2048
D = 1024
E = 8
F = 512
SF = 512
NG = 4
GSZ = E // NG
SCALE = 2.446
A = 2 * T

BT = 512
NB = A // BT
G = NB + E

NC = 2
NS = 16
NW = NC * NS
TPW = T // NW
CH = 16


def _router_body(x_ref, gw_ref, gb_ref, r0_ref, r1_ref, w0_ref, w1_ref,
                 te_ref, rb_ref, lo_ref, hi_ref):
    x = x_ref[...]
    gates = lax.dot_general(x, gw_ref[...], (((1,), (1,)), ((), ())),
                            preferred_element_type=jnp.float32)
    sig = jax.nn.sigmoid(gates)
    s = sig + gb_ref[...]

    gsum = jnp.concatenate(
        [s[:, g * GSZ:g * GSZ + 1] + s[:, g * GSZ + 1:g * GSZ + 2]
         for g in range(NG)], axis=1)

    neg = jnp.float32(-jnp.inf)
    idx4 = lax.broadcasted_iota(jnp.int32, (T, NG), 1)
    m1 = jnp.max(gsum, axis=1, keepdims=True)
    g1 = jnp.min(jnp.where(gsum == m1, idx4, NG), axis=1, keepdims=True)
    gs2 = jnp.where(idx4 == g1, neg, gsum)
    m2 = jnp.max(gs2, axis=1, keepdims=True)
    g2 = jnp.min(jnp.where(gs2 == m2, idx4, NG), axis=1, keepdims=True)
    keptg = ((idx4 == g1) | (idx4 == g2)).astype(jnp.float32)
    kept = jnp.concatenate(
        [keptg[:, g:g + 1] for g in range(NG) for _ in range(GSZ)],
        axis=1)

    ms = jnp.where(kept > 0.5, s, 0.0)
    idx8 = lax.broadcasted_iota(jnp.int32, (T, E), 1)
    e1v = jnp.max(ms, axis=1, keepdims=True)
    i1 = jnp.min(jnp.where(ms == e1v, idx8, E), axis=1, keepdims=True)
    ms2 = jnp.where(idx8 == i1, neg, ms)
    e2v = jnp.max(ms2, axis=1, keepdims=True)
    i2 = jnp.min(jnp.where(ms2 == e2v, idx8, E), axis=1, keepdims=True)

    oh1 = (idx8 == i1).astype(jnp.float32)
    oh2 = (idx8 == i2).astype(jnp.float32)
    sel1 = jnp.sum(oh1 * sig, axis=1, keepdims=True)
    sel2 = jnp.sum(oh2 * sig, axis=1, keepdims=True)
    den = sel1 + sel2 + 1e-20
    w0_ref[...] = (sel1 / den * SCALE).reshape(T)
    w1_ref[...] = (sel2 / den * SCALE).reshape(T)

    a = oh1 + oh2
    c = a
    k = 1
    while k < T:
        c = c + jnp.concatenate(
            [jnp.zeros((k, E), jnp.float32), c[:T - k]], axis=0)
        k *= 2
    counts = c[T - 1:T, :]
    parts = [jnp.zeros((1, 1), jnp.float32)]
    run = jnp.zeros((1, 1), jnp.float32)
    for e in range(1, E):
        run = run + counts[:, e - 1:e]
        parts.append(run)
    off = jnp.concatenate(parts, axis=1)
    p0 = c - a
    p1 = c - oh2
    r0_ref[...] = jnp.sum(oh1 * (off + p0), axis=1).astype(jnp.int32)
    r1_ref[...] = jnp.sum(oh2 * (off + p1), axis=1).astype(jnp.int32)

    cnt_i = counts.astype(jnp.int32)
    off_i = off.astype(jnp.int32)
    offe_i = off_i + cnt_i
    first_blk = off_i // BT
    nt = jnp.where(cnt_i > 0, (offe_i - 1) // BT - first_blk + 1, 0)
    tparts = [jnp.zeros((1, 1), jnp.int32)]
    trun = jnp.zeros((1, 1), jnp.int32)
    for e in range(1, E):
        trun = trun + nt[:, e - 1:e]
        tparts.append(trun)
    tstart = jnp.concatenate(tparts, axis=1)
    tend = tstart + nt
    total = tend[:, E - 1:E]
    gcol = lax.broadcasted_iota(jnp.int32, (G, 1), 0)
    tendb = jnp.broadcast_to(tend, (G, E))
    eg = jnp.sum((tendb <= gcol).astype(jnp.int32), axis=1,
                 keepdims=True)
    egc = jnp.clip(eg, 0, E - 1)
    iotae = lax.broadcasted_iota(jnp.int32, (G, E), 1)
    sel = (iotae == egc).astype(jnp.int32)

    def pick(v):
        return jnp.sum(sel * jnp.broadcast_to(v, (G, E)), axis=1,
                       keepdims=True)

    valid = gcol < total
    te_last = jnp.sum((tend <= total - 1).astype(jnp.int32), axis=1,
                      keepdims=True)
    te_last = jnp.clip(te_last, 0, E - 1)
    te_ref[...] = jnp.where(valid, egc,
                            jnp.broadcast_to(te_last, (G, 1))).reshape(G)
    rb_ref[...] = jnp.where(valid, pick(first_blk) + (gcol - pick(tstart)),
                            NB - 1).reshape(G)
    lo_ref[...] = jnp.where(valid, pick(off_i), 0).reshape(G)
    hi_ref[...] = jnp.where(valid, pick(offe_i), 0).reshape(G)


def _router_tc(x, gate_w, gate_bias):
    return pl.pallas_call(
        _router_body,
        out_shape=(
            jax.ShapeDtypeStruct((T,), jnp.int32),
            jax.ShapeDtypeStruct((T,), jnp.int32),
            jax.ShapeDtypeStruct((T,), jnp.float32),
            jax.ShapeDtypeStruct((T,), jnp.float32),
            jax.ShapeDtypeStruct((G,), jnp.int32),
            jax.ShapeDtypeStruct((G,), jnp.int32),
            jax.ShapeDtypeStruct((G,), jnp.int32),
            jax.ShapeDtypeStruct((G,), jnp.int32),
        ),
    )(x, gate_w, gate_bias.reshape(1, E))


def _gmm_body(te_ref, rb_ref, lo_ref, hi_ref, xs_ref, wg_ref, wu_ref, wd_ref,
              out_ref):
    g = pl.program_id(0)

    @pl.when(hi_ref[g] > lo_ref[g])
    def _():
        xb = xs_ref[...].astype(jnp.float32)
        hg = lax.dot_general(xb, wg_ref[0], (((1,), (0,)), ((), ())),
                             preferred_element_type=jnp.float32)
        hu = lax.dot_general(xb, wu_ref[0], (((1,), (0,)), ((), ())),
                             preferred_element_type=jnp.float32)
        h = hg * jax.nn.sigmoid(hg) * hu
        y = lax.dot_general(h, wd_ref[0], (((1,), (0,)), ((), ())),
                            preferred_element_type=jnp.float32)
        rows = rb_ref[g] * BT + lax.broadcasted_iota(jnp.int32, (BT, 1), 0)
        mask = (rows >= lo_ref[g]) & (rows < hi_ref[g])
        out_ref[...] = jnp.where(mask, y, out_ref[...])


def _gmm_tc(te, rb, lo, hi, xs, w_gate, w_up, w_down):
    grid_spec = pltpu.PrefetchScalarGridSpec(
        num_scalar_prefetch=4,
        grid=(G,),
        in_specs=[
            pl.BlockSpec((BT, D), lambda g, te, rb, lo, hi: (rb[g], 0)),
            pl.BlockSpec((1, D, F), lambda g, te, rb, lo, hi: (te[g], 0, 0)),
            pl.BlockSpec((1, D, F), lambda g, te, rb, lo, hi: (te[g], 0, 0)),
            pl.BlockSpec((1, F, D), lambda g, te, rb, lo, hi: (te[g], 0, 0)),
        ],
        out_specs=pl.BlockSpec((BT, D), lambda g, te, rb, lo, hi: (rb[g], 0)),
    )
    return pl.pallas_call(
        _gmm_body,
        grid_spec=grid_spec,
        out_shape=jax.ShapeDtypeStruct((A, D), jnp.float32),
    )(te, rb, lo, hi, xs, w_gate, w_up, w_down)


def _shared_body(x_ref, wg_ref, wu_ref, wd_ref, out_ref):
    xb = x_ref[...]
    hg = lax.dot_general(xb, wg_ref[...], (((1,), (0,)), ((), ())),
                         preferred_element_type=jnp.float32)
    hu = lax.dot_general(xb, wu_ref[...], (((1,), (0,)), ((), ())),
                         preferred_element_type=jnp.float32)
    h = hg * jax.nn.sigmoid(hg) * hu
    out_ref[...] = lax.dot_general(h, wd_ref[...], (((1,), (0,)), ((), ())),
                                   preferred_element_type=jnp.float32)


def _shared_tc(x, sw_gate, sw_up, sw_down):
    sbt = 512
    return pl.pallas_call(
        _shared_body,
        grid=(T // sbt,),
        in_specs=[
            pl.BlockSpec((sbt, D), lambda i: (i, 0)),
            pl.BlockSpec((D, SF), lambda i: (0, 0)),
            pl.BlockSpec((D, SF), lambda i: (0, 0)),
            pl.BlockSpec((SF, D), lambda i: (0, 0)),
        ],
        out_specs=pl.BlockSpec((sbt, D), lambda i: (i, 0)),
        out_shape=jax.ShapeDtypeStruct((T, D), jnp.float32),
    )(x, sw_gate, sw_up, sw_down)


def _dispatch_body(x_hbm, r0_hbm, r1_hbm, xs_hbm, xbuf, i0, i1, sem):
    wid = lax.axis_index("s") * NC + lax.axis_index("c")
    base = wid * TPW
    pltpu.sync_copy(x_hbm.at[pl.ds(base, TPW)], xbuf)
    pltpu.sync_copy(r0_hbm.at[pl.ds(base, TPW)], i0)
    pltpu.sync_copy(r1_hbm.at[pl.ds(base, TPW)], i1)
    copies = []
    for c in range(TPW // CH):
        src = xbuf.at[pl.ds(c * CH, CH)]
        copies.append(
            pltpu.async_copy(src, xs_hbm.at[i0[pl.ds(c * CH, CH)]], sem))
        copies.append(
            pltpu.async_copy(src, xs_hbm.at[i1[pl.ds(c * CH, CH)]], sem))
    for cp in copies:
        cp.wait()


def _dispatch_sc(x, r0f, r1f):
    mesh = plsc.VectorSubcoreMesh(core_axis_name="c", subcore_axis_name="s")
    return pl.kernel(
        _dispatch_body,
        mesh=mesh,
        out_type=jax.ShapeDtypeStruct((A, D), jnp.float32),
        scratch_types=[
            pltpu.VMEM((TPW, D), jnp.float32),
            pltpu.VMEM((TPW,), jnp.int32),
            pltpu.VMEM((TPW,), jnp.int32),
            pltpu.SemaphoreType.DMA,
        ],
    )(x, r0f, r1f)


def _combine_body(ys_hbm, r0_hbm, r1_hbm, w0_hbm, w1_hbm, sh_hbm, out_hbm,
                  i0, i1, v0, v1, y0a, y0b, y1a, y1b, oba, obb,
                  sg0a, sg0b, sg1a, sg1b, ssha, sshb, ssta, sstb):
    wid = lax.axis_index("s") * NC + lax.axis_index("c")
    base = wid * TPW
    pltpu.sync_copy(r0_hbm.at[pl.ds(base, TPW)], i0)
    pltpu.sync_copy(r1_hbm.at[pl.ds(base, TPW)], i1)
    pltpu.sync_copy(w0_hbm.at[pl.ds(base, TPW)], v0)
    pltpu.sync_copy(w1_hbm.at[pl.ds(base, TPW)], v1)
    y0 = (y0a, y0b)
    y1 = (y1a, y1b)
    ob = (oba, obb)
    sg0 = (sg0a, sg0b)
    sg1 = (sg1a, sg1b)
    ssh = (ssha, sshb)
    sst = (ssta, sstb)
    nch = TPW // CH

    def fire(c):
        p = c & 1
        return (
            pltpu.async_copy(ys_hbm.at[i0[pl.ds(c * CH, CH)]], y0[p], sg0[p]),
            pltpu.async_copy(ys_hbm.at[i1[pl.ds(c * CH, CH)]], y1[p], sg1[p]),
            pltpu.async_copy(sh_hbm.at[pl.ds(base + c * CH, CH)], ob[p],
                             ssh[p]),
        )

    gh = {0: fire(0)}
    sth = {}
    for c in range(nch):
        p = c & 1
        for h in gh[c]:
            h.wait()
        if c + 1 < nch:
            if c >= 1:
                sth[c - 1].wait()
            gh[c + 1] = fire(c + 1)
        vv0 = v0[pl.ds(c * CH, CH)]
        vv1 = v1[pl.ds(c * CH, CH)]
        a0s = [vv0[t] for t in range(CH)]
        a1s = [vv1[t] for t in range(CH)]

        def body(v, carry, p=p, a0s=a0s, a1s=a1s):
            sl = pl.ds(v * 16, 16)
            for t in range(CH):
                ob[p][t, sl] = (ob[p][t, sl] + a0s[t] * y0[p][t, sl]
                                + a1s[t] * y1[p][t, sl])
            return carry

        lax.fori_loop(0, D // 16, body, 0)
        sth[c] = pltpu.async_copy(ob[p], out_hbm.at[pl.ds(base + c * CH, CH)],
                                  sst[p])
    sth[nch - 2].wait()
    sth[nch - 1].wait()


def _combine_sc(ys, r0f, r1f, w0f, w1f, shared):
    mesh = plsc.VectorSubcoreMesh(core_axis_name="c", subcore_axis_name="s")
    return pl.kernel(
        _combine_body,
        mesh=mesh,
        out_type=jax.ShapeDtypeStruct((T, D), jnp.float32),
        scratch_types=(
            [pltpu.VMEM((TPW,), jnp.int32)] * 2
            + [pltpu.VMEM((TPW,), jnp.float32)] * 2
            + [pltpu.VMEM((CH, D), jnp.float32)] * 6
            + [pltpu.SemaphoreType.DMA] * 8
        ),
    )(ys, r0f, r1f, w0f, w1f, shared)


def kernel(x, gate_w, gate_bias, w_gate, w_up, w_down, sw_gate, sw_up,
           sw_down):
    r0f, r1f, w0f, w1f, te, rb, lo, hi = _router_tc(x, gate_w, gate_bias)
    xs = _dispatch_sc(x, r0f, r1f)
    ys = _gmm_tc(te, rb, lo, hi, xs, w_gate, w_up, w_down)
    shared = _shared_tc(x, sw_gate, sw_up, sw_down)
    return _combine_sc(ys, r0f, r1f, w0f, w1f, shared)

# --- scband reference (transcript-rebuilt; emitter-appended) ---
"""Pipeline reference for scband-kimi-decoder-layer-43963285242613 (READ-ONLY COPY).

The authoritative reference and input builder live on the scoring server;
editing this copy changes nothing except your own understanding.
"""

import jax, jax.numpy as jnp
import numpy as np

T = 2048
D_MODEL = 1024
N_EXPERTS = 8
TOP_K = 2
D_FF = 512
N_GROUP = 4
TOPK_GROUP = 2
SHARED_FF = 512
ROUTED_SCALING = 2.446
RENORMALIZE = True


def setup_inputs(seed: int = 0) -> dict:
    key = jax.random.key(seed)
    ks = jax.random.split(key, 9)
    s = 0.02
    x = jax.random.normal(ks[0], (T, D_MODEL), dtype=jnp.float32)
    gate_w = jax.random.normal(ks[1], (N_EXPERTS, D_MODEL), dtype=jnp.float32) * s
    gate_bias = jax.random.normal(ks[2], (N_EXPERTS,), dtype=jnp.float32) * 0.1
    w_gate = jax.random.normal(ks[3], (N_EXPERTS, D_MODEL, D_FF), dtype=jnp.float32) * s
    w_up = jax.random.normal(ks[4], (N_EXPERTS, D_MODEL, D_FF), dtype=jnp.float32) * s
    w_down = jax.random.normal(ks[5], (N_EXPERTS, D_FF, D_MODEL), dtype=jnp.float32) * s
    sw_gate = jax.random.normal(ks[6], (D_MODEL, SHARED_FF), dtype=jnp.float32) * s
    sw_up = jax.random.normal(ks[7], (D_MODEL, SHARED_FF), dtype=jnp.float32) * s
    sw_down = jax.random.normal(ks[8], (SHARED_FF, D_MODEL), dtype=jnp.float32) * s
    return {"x": x, "gate_w": gate_w, "gate_bias": gate_bias,
            "w_gate": w_gate, "w_up": w_up, "w_down": w_down,
            "sw_gate": sw_gate, "sw_up": sw_up, "sw_down": sw_down}


def _group_expert_select(gates, bias):
    # score_function == 'sigmoid'
    scores = jax.nn.sigmoid(gates)
    orig_scores = scores
    scores = scores + bias.astype(scores.dtype)
    if N_GROUP > 1:
        gs = scores.reshape(-1, N_GROUP, N_EXPERTS // N_GROUP)
        # per-group score = sum of top-2 expert scores in the group
        group_scores = jnp.sum(jax.lax.top_k(gs, 2)[0], axis=-1)  # [T, n_group]
        k = N_GROUP - TOPK_GROUP
        group_idx = jax.lax.top_k(group_scores, k)[1]  # [T, k]
        mask = jnp.any(jnp.arange(N_GROUP)[None, None, :] == group_idx[:, :, None], axis=1)  # [T, n_group]
        gs = jnp.where(mask[:, :, None], gs, 0.0)
        scores = gs.reshape(-1, N_EXPERTS)
    inds = jax.lax.top_k(scores, TOP_K)[1]  # [T, top_k]
    sel = jnp.take_along_axis(orig_scores, inds, axis=-1)
    if TOP_K > 1 and RENORMALIZE:
        sel = sel / (jnp.sum(sel, axis=-1, keepdims=True) + 1e-20)
    return inds, sel * ROUTED_SCALING


def reference(x, gate_w, gate_bias, w_gate, w_up, w_down, sw_gate, sw_up, sw_down):
    # router
    gates = x @ gate_w.T  # [T, E]
    inds, scores = _group_expert_select(gates, gate_bias)
    # combine weights per (token, expert): zero for unselected experts
    combine = jnp.sum(jax.nn.one_hot(inds, N_EXPERTS, dtype=x.dtype) * scores[..., None], axis=1)  # [T, E]
    # routed experts (SwiGLU MLPs); weighted-dense form is mathematically identical to dispatch
    y = jnp.zeros_like(x)
    for e in range(N_EXPERTS):
        h = jax.nn.silu(x @ w_gate[e]) * (x @ w_up[e])
        y = y + combine[:, e:e + 1] * (h @ w_down[e])
    # shared expert
    shared = (jax.nn.silu(x @ sw_gate) * (x @ sw_up)) @ sw_down
    return y + shared

if __name__ == "__main__":
    import jax
    _d = setup_inputs()
    print(jax.jit(kernel)(*tuple(_d.values())))

</pallas_src>

<mosaic_0001>
#map = affine_map<(d0, d1) -> (0, 0)>
#map1 = affine_map<(d0, d1) -> (0)>
module attributes {stable_mosaic.version = 14 : i64} {
  func.func @_dispatch_body(%arg0: i32, %arg1: i32, %arg2: memref<2048x1024xf32, #tpu.memory_space<hbm>>, %arg3: memref<2048xi32, #tpu.memory_space<hbm>>, %arg4: memref<2048xi32, #tpu.memory_space<hbm>>, %arg5: memref<4096x1024xf32, #tpu.memory_space<hbm>>, %arg6: memref<64x1024xf32, #tpu.memory_space<vmem>>, %arg7: memref<64xi32, #tpu.memory_space<vmem>>, %arg8: memref<64xi32, #tpu.memory_space<vmem>>, %arg9: memref<!tpu.dma_semaphore, #tpu.memory_space<semaphore_mem>>) attributes {dimension_semantics = [#tpu.dimension_semantics<core_parallel>, #tpu.dimension_semantics<subcore_parallel>], iteration_bounds = array<i64: 2, 16>, scalar_prefetch = 0 : i64, scratch_operands = 4 : i64, tpu.core_type = #tpu.core_type<sc_vector_subcore>, window_params = [{transform_indices = #map}, {transform_indices = #map1}, {transform_indices = #map1}, {transform_indices = #map}]} {
    %mul3A = arith.constant 2 : i32
    %mul3A_0 = arith.muli %arg1, %mul3A : i32
    %add3A = arith.addi %mul3A_0, %arg0 : i32
    %mul3A_1 = arith.constant 64 : i32
    %mul3A_2 = arith.muli %add3A, %mul3A_1 : i32
    "tpu.region"() ({
      %run_scoped3A = tpu.sem_alloc : memref<!tpu.dma_semaphore, #tpu.memory_space<semaphore_mem>>
      %dma_start3A_120 = arith.constant 0 : i32
      %dma_start3A_121 = tpu.memref_slice %arg2[%mul3A_2, %dma_start3A_120] : memref<2048x1024xf32, #tpu.memory_space<hbm>> -> memref<64x1024xf32, #tpu.memory_space<hbm>>
      %dma_start3A_122 = arith.constant 0 : i32
      %dma_start3A_123 = tpu.memref_slice %arg2[%mul3A_2, %dma_start3A_122] : memref<2048x1024xf32, #tpu.memory_space<hbm>> -> memref<64x1024xf32, #tpu.memory_space<hbm>>
      tpu.enqueue_dma source(%dma_start3A_123 : memref<64x1024xf32, #tpu.memory_space<hbm>>) target(%arg6 : memref<64x1024xf32, #tpu.memory_space<vmem>>) target_semaphore(%run_scoped3A : memref<!tpu.dma_semaphore, #tpu.memory_space<semaphore_mem>>)
      %dma_wait3A_124 = arith.constant 0 : i32
      %dma_wait3A_125 = tpu.memref_slice %arg2[%mul3A_2, %dma_wait3A_124] : memref<2048x1024xf32, #tpu.memory_space<hbm>> -> memref<64x1024xf32, #tpu.memory_space<hbm>>
      %dma_wait3A_126 = arith.constant 0 : i32
      %dma_wait3A_127 = tpu.memref_slice %arg2[%mul3A_2, %dma_wait3A_126] : memref<2048x1024xf32, #tpu.memory_space<hbm>> -> memref<64x1024xf32, #tpu.memory_space<hbm>>
      tpu.wait_dma2 semaphore(%run_scoped3A : memref<!tpu.dma_semaphore, #tpu.memory_space<semaphore_mem>>) src(%dma_wait3A_127 : memref<64x1024xf32, #tpu.memory_space<hbm>>) dst(%arg6 : memref<64x1024xf32, #tpu.memory_space<vmem>>)
      tpu.yield
    }) : () -> ()
    "tpu.region"() ({
      %run_scoped3A = tpu.sem_alloc : memref<!tpu.dma_semaphore, #tpu.memory_space<semaphore_mem>>
      %dma_start3A_120 = tpu.memref_slice %arg3[%mul3A_2] : memref<2048xi32, #tpu.memory_space<hbm>> -> memref<64xi32, #tpu.memory_space<hbm>>
      %dma_start3A_121 = tpu.memref_slice %arg3[%mul3A_2] : memref<2048xi32, #tpu.memory_space<hbm>> -> memref<64xi32, #tpu.memory_space<hbm>>
      tpu.enqueue_dma source(%dma_start3A_121 : memref<64xi32, #tpu.memory_space<hbm>>) target(%arg7 : memref<64xi32, #tpu.memory_space<vmem>>) target_semaphore(%run_scoped3A : memref<!tpu.dma_semaphore, #tpu.memory_space<semaphore_mem>>)
      %dma_wait3A_122 = tpu.memref_slice %arg3[%mul3A_2] : memref<2048xi32, #tpu.memory_space<hbm>> -> memref<64xi32, #tpu.memory_space<hbm>>
      %dma_wait3A_123 = tpu.memref_slice %arg3[%mul3A_2] : memref<2048xi32, #tpu.memory_space<hbm>> -> memref<64xi32, #tpu.memory_space<hbm>>
      tpu.wait_dma2 semaphore(%run_scoped3A : memref<!tpu.dma_semaphore, #tpu.memory_space<semaphore_mem>>) src(%dma_wait3A_123 : memref<64xi32, #tpu.memory_space<hbm>>) dst(%arg7 : memref<64xi32, #tpu.memory_space<vmem>>)
      tpu.yield
    }) : () -> ()
    "tpu.region"() ({
      %run_scoped3A = tpu.sem_alloc : memref<!tpu.dma_semaphore, #tpu.memory_space<semaphore_mem>>
      %dma_start3A_120 = tpu.memref_slice %arg4[%mul3A_2] : memref<2048xi32, #tpu.memory_space<hbm>> -> memref<64xi32, #tpu.memory_space<hbm>>
      %dma_start3A_121 = tpu.memref_slice %arg4[%mul3A_2] : memref<2048xi32, #tpu.memory_space<hbm>> -> memref<64xi32, #tpu.memory_space<hbm>>
      tpu.enqueue_dma source(%dma_start3A_121 : memref<64xi32, #tpu.memory_space<hbm>>) target(%arg8 : memref<64xi32, #tpu.memory_space<vmem>>) target_semaphore(%run_scoped3A : memref<!tpu.dma_semaphore, #tpu.memory_space<semaphore_mem>>)
      %dma_wait3A_122 = tpu.memref_slice %arg4[%mul3A_2] : memref<2048xi32, #tpu.memory_space<hbm>> -> memref<64xi32, #tpu.memory_space<hbm>>
      %dma_wait3A_123 = tpu.memref_slice %arg4[%mul3A_2] : memref<2048xi32, #tpu.memory_space<hbm>> -> memref<64xi32, #tpu.memory_space<hbm>>
      tpu.wait_dma2 semaphore(%run_scoped3A : memref<!tpu.dma_semaphore, #tpu.memory_space<semaphore_mem>>) src(%dma_wait3A_123 : memref<64xi32, #tpu.memory_space<hbm>>) dst(%arg8 : memref<64xi32, #tpu.memory_space<vmem>>)
      tpu.yield
    }) : () -> ()
    %get3A = arith.constant 0 : index
    %get3A_3 = tpu.vector_load %arg7[%get3A] {strides = array<i32>} : memref<64xi32, #tpu.memory_space<vmem>>, vector<16xi32>,
    %get3A_4 = vector.shape_cast %get3A_3 : vector<16xi32> to vector<16xi32>
    %dma_start3A = arith.constant 0 : i32
    %dma_start3A_5 = arith.constant 0 : i32
    %dma_start3A_6 = tpu.memref_slice %arg6[%dma_start3A, %dma_start3A_5] : memref<64x1024xf32, #tpu.memory_space<vmem>> -> memref<16x1024xf32, #tpu.memory_space<vmem>>
    %dma_start3A_7 = arith.constant 0 : i32
    %dma_start3A_8 = arith.constant 0 : i32
    %dma_start3A_9 = tpu.memref_slice %arg5[%dma_start3A_7, %dma_start3A_8] : memref<4096x1024xf32, #tpu.memory_space<hbm>> -> memref<4096x1024xf32, #tpu.memory_space<hbm>>
    tpu.enqueue_indirect_dma source(%dma_start3A_6 : memref<16x1024xf32, #tpu.memory_space<vmem>>) target(%dma_start3A_9 : memref<4096x1024xf32, #tpu.memory_space<hbm>>) offsets(%get3A_4 : vector<16xi32>) semaphore(%arg9 : memref<!tpu.dma_semaphore, #tpu.memory_space<semaphore_mem>>)
    %get3A_10 = arith.constant 0 : index
    %get3A_11 = tpu.vector_load %arg8[%get3A_10] {strides = array<i32>} : memref<64xi32, #tpu.memory_space<vmem>>, vector<16xi32>,
    %get3A_12 = vector.shape_cast %get3A_11 : vector<16xi32> to vector<16xi32>
    %dma_start3A_13 = arith.constant 0 : i32
    %dma_start3A_14 = arith.constant 0 : i32
    %dma_start3A_15 = tpu.memref_slice %arg6[%dma_start3A_13, %dma_start3A_14] : memref<64x1024xf32, #tpu.memory_space<vmem>> -> memref<16x1024xf32, #tpu.memory_space<vmem>>
    %dma_start3A_16 = arith.constant 0 : i32
    %dma_start3A_17 = arith.constant 0 : i32
    %dma_start3A_18 = tpu.memref_slice %arg5[%dma_start3A_16, %dma_start3A_17] : memref<4096x1024xf32, #tpu.memory_space<hbm>> -> memref<4096x1024xf32, #tpu.memory_space<hbm>>
    tpu.enqueue_indirect_dma source(%dma_start3A_15 : memref<16x1024xf32, #tpu.memory_space<vmem>>) target(%dma_start3A_18 : memref<4096x1024xf32, #tpu.memory_space<hbm>>) offsets(%get3A_12 : vector<16xi32>) semaphore(%arg9 : memref<!tpu.dma_semaphore, #tpu.memory_space<semaphore_mem>>)
    %get3A_19 = arith.constant 16 : index
    %get3A_20 = tpu.vector_load %arg7[%get3A_19] {strides = array<i32>} : memref<64xi32, #tpu.memory_space<vmem>>, vector<16xi32>,
    %get3A_21 = vector.shape_cast %get3A_20 : vector<16xi32> to vector<16xi32>
    %dma_start3A_22 = arith.constant 16 : i32
    %dma_start3A_23 = arith.constant 0 : i32
    %dma_start3A_24 = tpu.memref_slice %arg6[%dma_start3A_22, %dma_start3A_23] : memref<64x1024xf32, #tpu.memory_space<vmem>> -> memref<16x1024xf32, #tpu.memory_space<vmem>>
    %dma_start3A_25 = arith.constant 0 : i32
    %dma_start3A_26 = arith.constant 0 : i32
    %dma_start3A_27 = tpu.memref_slice %arg5[%dma_start3A_25, %dma_start3A_26] : memref<4096x1024xf32, #tpu.memory_space<hbm>> -> memref<4096x1024xf32, #tpu.memory_space<hbm>>
    tpu.enqueue_indirect_dma source(%dma_start3A_24 : memref<16x1024xf32, #tpu.memory_space<vmem>>) target(%dma_start3A_27 : memref<4096x1024xf32, #tpu.memory_space<hbm>>) offsets(%get3A_21 : vector<16xi32>) semaphore(%arg9 : memref<!tpu.dma_semaphore, #tpu.memory_space<semaphore_mem>>)
    %get3A_28 = arith.constant 16 : index
    %get3A_29 = tpu.vector_load %arg8[%get3A_28] {strides = array<i32>} : memref<64xi32, #tpu.memory_space<vmem>>, vector<16xi32>,
    %get3A_30 = vector.shape_cast %get3A_29 : vector<16xi32> to vector<16xi32>
    %dma_start3A_31 = arith.constant 16 : i32
    %dma_start3A_32 = arith.constant 0 : i32
    %dma_start3A_33 = tpu.memref_slice %arg6[%dma_start3A_31, %dma_start3A_32] : memref<64x1024xf32, #tpu.memory_space<vmem>> -> memref<16x1024xf32, #tpu.memory_space<vmem>>
    %dma_start3A_34 = arith.constant 0 : i32
    %dma_start3A_35 = arith.constant 0 : i32
    %dma_start3A_36 = tpu.memref_slice %arg5[%dma_start3A_34, %dma_start3A_35] : memref<4096x1024xf32, #tpu.memory_space<hbm>> -> memref<4096x1024xf32, #tpu.memory_space<hbm>>
    tpu.enqueue_indirect_dma source(%dma_start3A_33 : memref<16x1024xf32, #tpu.memory_space<vmem>>) target(%dma_start3A_36 : memref<4096x1024xf32, #tpu.memory_space<hbm>>) offsets(%get3A_30 : vector<16xi32>) semaphore(%arg9 : memref<!tpu.dma_semaphore, #tpu.memory_space<semaphore_mem>>)
    %get3A_37 = arith.constant 32 : index
    %get3A_38 = tpu.vector_load %arg7[%get3A_37] {strides = array<i32>} : memref<64xi32, #tpu.memory_space<vmem>>, vector<16xi32>,
    %get3A_39 = vector.shape_cast %get3A_38 : vector<16xi32> to vector<16xi32>
    %dma_start3A_40 = arith.constant 32 : i32
    %dma_start3A_41 = arith.constant 0 : i32
    %dma_start3A_42 = tpu.memref_slice %arg6[%dma_start3A_40, %dma_start3A_41] : memref<64x1024xf32, #tpu.memory_space<vmem>> -> memref<16x1024xf32, #tpu.memory_space<vmem>>
    %dma_start3A_43 = arith.constant 0 : i32
    %dma_start3A_44 = arith.constant 0 : i32
    %dma_start3A_45 = tpu.memref_slice %arg5[%dma_start3A_43, %dma_start3A_44] : memref<4096x1024xf32, #tpu.memory_space<hbm>> -> memref<4096x1024xf32, #tpu.memory_space<hbm>>
    tpu.enqueue_indirect_dma source(%dma_start3A_42 : memref<16x1024xf32, #tpu.memory_space<vmem>>) target(%dma_start3A_45 : memref<4096x1024xf32, #tpu.memory_space<hbm>>) offsets(%get3A_39 : vector<16xi32>) semaphore(%arg9 : memref<!tpu.dma_semaphore, #tpu.memory_space<semaphore_mem>>)
    %get3A_46 = arith.constant 32 : index
    %get3A_47 = tpu.vector_load %arg8[%get3A_46] {strides = array<i32>} : memref<64xi32, #tpu.memory_space<vmem>>, vector<16xi32>,
    %get3A_48 = vector.shape_cast %get3A_47 : vector<16xi32> to vector<16xi32>
    %dma_start3A_49 = arith.constant 32 : i32
    %dma_start3A_50 = arith.constant 0 : i32
    %dma_start3A_51 = tpu.memref_slice %arg6[%dma_start3A_49, %dma_start3A_50] : memref<64x1024xf32, #tpu.memory_space<vmem>> -> memref<16x1024xf32, #tpu.memory_space<vmem>>
    %dma_start3A_52 = arith.constant 0 : i32
    %dma_start3A_53 = arith.constant 0 : i32
    %dma_start3A_54 = tpu.memref_slice %arg5[%dma_start3A_52, %dma_start3A_53] : memref<4096x1024xf32, #tpu.memory_space<hbm>> -> memref<4096x1024xf32, #tpu.memory_space<hbm>>
    tpu.enqueue_indirect_dma source(%dma_start3A_51 : memref<16x1024xf32, #tpu.memory_space<vmem>>) target(%dma_start3A_54 : memref<4096x1024xf32, #tpu.memory_space<hbm>>) offsets(%get3A_48 : vector<16xi32>) semaphore(%arg9 : memref<!tpu.dma_semaphore, #tpu.memory_space<semaphore_mem>>)
    %get3A_55 = arith.constant 48 : index
    %get3A_56 = tpu.vector_load %arg7[%get3A_55] {strides = array<i32>} : memref<64xi32, #tpu.memory_space<vmem>>, vector<16xi32>,
    %get3A_57 = vector.shape_cast %get3A_56 : vector<16xi32> to vector<16xi32>
    %dma_start3A_58 = arith.constant 48 : i32
    %dma_start3A_59 = arith.constant 0 : i32
    %dma_start3A_60 = tpu.memref_slice %arg6[%dma_start3A_58, %dma_start3A_59] : memref<64x1024xf32, #tpu.memory_space<vmem>> -> memref<16x1024xf32, #tpu.memory_space<vmem>>
    %dma_start3A_61 = arith.constant 0 : i32
    %dma_start3A_62 = arith.constant 0 : i32
    %dma_start3A_63 = tpu.memref_slice %arg5[%dma_start3A_61, %dma_start3A_62] : memref<4096x1024xf32, #tpu.memory_space<hbm>> -> memref<4096x1024xf32, #tpu.memory_space<hbm>>
    tpu.enqueue_indirect_dma source(%dma_start3A_60 : memref<16x1024xf32, #tpu.memory_space<vmem>>) target(%dma_start3A_63 : memref<4096x1024xf32, #tpu.memory_space<hbm>>) offsets(%get3A_57 : vector<16xi32>) semaphore(%arg9 : memref<!tpu.dma_semaphore, #tpu.memory_space<semaphore_mem>>)
    %get3A_64 = arith.constant 48 : index
    %get3A_65 = tpu.vector_load %arg8[%get3A_64] {strides = array<i32>} : memref<64xi32, #tpu.memory_space<vmem>>, vector<16xi32>,
    %get3A_66 = vector.shape_cast %get3A_65 : vector<16xi32> to vector<16xi32>
    %dma_start3A_67 = arith.constant 48 : i32
    %dma_start3A_68 = arith.constant 0 : i32
    %dma_start3A_69 = tpu.memref_slice %arg6[%dma_start3A_67, %dma_start3A_68] : memref<64x1024xf32, #tpu.memory_space<vmem>> -> memref<16x1024xf32, #tpu.memory_space<vmem>>
    %dma_start3A_70 = arith.constant 0 : i32
    %dma_start3A_71 = arith.constant 0 : i32
    %dma_start3A_72 = tpu.memref_slice %arg5[%dma_start3A_70, %dma_start3A_71] : memref<4096x1024xf32, #tpu.memory_space<hbm>> -> memref<4096x1024xf32, #tpu.memory_space<hbm>>
    tpu.enqueue_indirect_dma source(%dma_start3A_69 : memref<16x1024xf32, #tpu.memory_space<vmem>>) target(%dma_start3A_72 : memref<4096x1024xf32, #tpu.memory_space<hbm>>) offsets(%get3A_66 : vector<16xi32>) semaphore(%arg9 : memref<!tpu.dma_semaphore, #tpu.memory_space<semaphore_mem>>)
    %dma_wait3A = arith.constant 0 : i32
    %dma_wait3A_73 = arith.constant 0 : i32
    %dma_wait3A_74 = tpu.memref_slice %arg6[%dma_wait3A, %dma_wait3A_73] : memref<64x1024xf32, #tpu.memory_space<vmem>> -> memref<16x1024xf32, #tpu.memory_space<vmem>>
    %dma_wait3A_75 = arith.constant 0 : i32
    %dma_wait3A_76 = arith.constant 0 : i32
    %dma_wait3A_77 = tpu.memref_slice %arg5[%dma_wait3A_75, %dma_wait3A_76] : memref<4096x1024xf32, #tpu.memory_space<hbm>> -> memref<4096x1024xf32, #tpu.memory_space<hbm>>
    tpu.wait_indirect_dma semaphore(%arg9 : memref<!tpu.dma_semaphore, #tpu.memory_space<semaphore_mem>>) src(%dma_wait3A_74 : memref<16x1024xf32, #tpu.memory_space<vmem>>) dst(%dma_wait3A_77 : memref<4096x1024xf32, #tpu.memory_space<hbm>>)
    %dma_wait3A_78 = arith.constant 0 : i32
    %dma_wait3A_79 = arith.constant 0 : i32
    %dma_wait3A_80 = tpu.memref_slice %arg6[%dma_wait3A_78, %dma_wait3A_79] : memref<64x1024xf32, #tpu.memory_space<vmem>> -> memref<16x1024xf32, #tpu.memory_space<vmem>>
    %dma_wait3A_81 = arith.constant 0 : i32
    %dma_wait3A_82 = arith.constant 0 : i32
    %dma_wait3A_83 = tpu.memref_slice %arg5[%dma_wait3A_81, %dma_wait3A_82] : memref<4096x1024xf32, #tpu.memory_space<hbm>> -> memref<4096x1024xf32, #tpu.memory_space<hbm>>
    tpu.wait_indirect_dma semaphore(%arg9 : memref<!tpu.dma_semaphore, #tpu.memory_space<semaphore_mem>>) src(%dma_wait3A_80 : memref<16x1024xf32, #tpu.memory_space<vmem>>) dst(%dma_wait3A_83 : memref<4096x1024xf32, #tpu.memory_space<hbm>>)
    %dma_wait3A_84 = arith.constant 16 : i32
    %dma_wait3A_85 = arith.constant 0 : i32
    %dma_wait3A_86 = tpu.memref_slice %arg6[%dma_wait3A_84, %dma_wait3A_85] : memref<64x1024xf32, #tpu.memory_space<vmem>> -> memref<16x1024xf32, #tpu.memory_space<vmem>>
    %dma_wait3A_87 = arith.constant 0 : i32
    %dma_wait3A_88 = arith.constant 0 : i32
    %dma_wait3A_89 = tpu.memref_slice %arg5[%dma_wait3A_87, %dma_wait3A_88] : memref<4096x1024xf32, #tpu.memory_space<hbm>> -> memref<4096x1024xf32, #tpu.memory_space<hbm>>
    tpu.wait_indirect_dma semaphore(%arg9 : memref<!tpu.dma_semaphore, #tpu.memory_space<semaphore_mem>>) src(%dma_wait3A_86 : memref<16x1024xf32, #tpu.memory_space<vmem>>) dst(%dma_wait3A_89 : memref<4096x1024xf32, #tpu.memory_space<hbm>>)
    %dma_wait3A_90 = arith.constant 16 : i32
    %dma_wait3A_91 = arith.constant 0 : i32
    %dma_wait3A_92 = tpu.memref_slice %arg6[%dma_wait3A_90, %dma_wait3A_91] : memref<64x1024xf32, #tpu.memory_space<vmem>> -> memref<16x1024xf32, #tpu.memory_space<vmem>>
    %dma_wait3A_93 = arith.constant 0 : i32
    %dma_wait3A_94 = arith.constant 0 : i32
    %dma_wait3A_95 = tpu.memref_slice %arg5[%dma_wait3A_93, %dma_wait3A_94] : memref<4096x1024xf32, #tpu.memory_space<hbm>> -> memref<4096x1024xf32, #tpu.memory_space<hbm>>
    tpu.wait_indirect_dma semaphore(%arg9 : memref<!tpu.dma_semaphore, #tpu.memory_space<semaphore_mem>>) src(%dma_wait3A_92 : memref<16x1024xf32, #tpu.memory_space<vmem>>) dst(%dma_wait3A_95 : memref<4096x1024xf32, #tpu.memory_space<hbm>>)
    %dma_wait3A_96 = arith.constant 32 : i32
    %dma_wait3A_97 = arith.constant 0 : i32
    %dma_wait3A_98 = tpu.memref_slice %arg6[%dma_wait3A_96, %dma_wait3A_97] : memref<64x1024xf32, #tpu.memory_space<vmem>> -> memref<16x1024xf32, #tpu.memory_space<vmem>>
    %dma_wait3A_99 = arith.constant 0 : i32
    %dma_wait3A_100 = arith.constant 0 : i32
    %dma_wait3A_101 = tpu.memref_slice %arg5[%dma_wait3A_99, %dma_wait3A_100] : memref<4096x1024xf32, #tpu.memory_space<hbm>> -> memref<4096x1024xf32, #tpu.memory_space<hbm>>
    tpu.wait_indirect_dma semaphore(%arg9 : memref<!tpu.dma_semaphore, #tpu.memory_space<semaphore_mem>>) src(%dma_wait3A_98 : memref<16x1024xf32, #tpu.memory_space<vmem>>) dst(%dma_wait3A_101 : memref<4096x1024xf32, #tpu.memory_space<hbm>>)
    %dma_wait3A_102 = arith.constant 32 : i32
    %dma_wait3A_103 = arith.constant 0 : i32
    %dma_wait3A_104 = tpu.memref_slice %arg6[%dma_wait3A_102, %dma_wait3A_103] : memref<64x1024xf32, #tpu.memory_space<vmem>> -> memref<16x1024xf32, #tpu.memory_space<vmem>>
    %dma_wait3A_105 = arith.constant 0 : i32
    %dma_wait3A_106 = arith.constant 0 : i32
    %dma_wait3A_107 = tpu.memref_slice %arg5[%dma_wait3A_105, %dma_wait3A_106] : memref<4096x1024xf32, #tpu.memory_space<hbm>> -> memref<4096x1024xf32, #tpu.memory_space<hbm>>
    tpu.wait_indirect_dma semaphore(%arg9 : memref<!tpu.dma_semaphore, #tpu.memory_space<semaphore_mem>>) src(%dma_wait3A_104 : memref<16x1024xf32, #tpu.memory_space<vmem>>) dst(%dma_wait3A_107 : memref<4096x1024xf32, #tpu.memory_space<hbm>>)
    %dma_wait3A_108 = arith.constant 48 : i32
    %dma_wait3A_109 = arith.constant 0 : i32
    %dma_wait3A_110 = tpu.memref_slice %arg6[%dma_wait3A_108, %dma_wait3A_109] : memref<64x1024xf32, #tpu.memory_space<vmem>> -> memref<16x1024xf32, #tpu.memory_space<vmem>>
    %dma_wait3A_111 = arith.constant 0 : i32
    %dma_wait3A_112 = arith.constant 0 : i32
    %dma_wait3A_113 = tpu.memref_slice %arg5[%dma_wait3A_111, %dma_wait3A_112] : memref<4096x1024xf32, #tpu.memory_space<hbm>> -> memref<4096x1024xf32, #tpu.memory_space<hbm>>
    tpu.wait_indirect_dma semaphore(%arg9 : memref<!tpu.dma_semaphore, #tpu.memory_space<semaphore_mem>>) src(%dma_wait3A_110 : memref<16x1024xf32, #tpu.memory_space<vmem>>) dst(%dma_wait3A_113 : memref<4096x1024xf32, #tpu.memory_space<hbm>>)
    %dma_wait3A_114 = arith.constant 48 : i32
    %dma_wait3A_115 = arith.constant 0 : i32
    %dma_wait3A_116 = tpu.memref_slice %arg6[%dma_wait3A_114, %dma_wait3A_115] : memref<64x1024xf32, #tpu.memory_space<vmem>> -> memref<16x1024xf32, #tpu.memory_space<vmem>>
    %dma_wait3A_117 = arith.constant 0 : i32
    %dma_wait3A_118 = arith.constant 0 : i32
    %dma_wait3A_119 = tpu.memref_slice %arg5[%dma_wait3A_117, %dma_wait3A_118] : memref<4096x1024xf32, #tpu.memory_space<hbm>> -> memref<4096x1024xf32, #tpu.memory_space<hbm>>
    tpu.wait_indirect_dma semaphore(%arg9 : memref<!tpu.dma_semaphore, #tpu.memory_space<semaphore_mem>>) src(%dma_wait3A_116 : memref<16x1024xf32, #tpu.memory_space<vmem>>) dst(%dma_wait3A_119 : memref<4096x1024xf32, #tpu.memory_space<hbm>>)
    return
  }
}

#map = affine_map<(d0, d1) -> (0, 0)>
#map1 = affine_map<(d0, d1) -> (0)>
module attributes {stable_mosaic.version = 14 : i64} {
  func.func @_combine_body(%arg0: i32, %arg1: i32, %arg2: memref<4096x1024xf32, #tpu.memory_space<hbm>>, %arg3: memref<2048xi32, #tpu.memory_space<hbm>>, %arg4: memref<2048xi32, #tpu.memory_space<hbm>>, %arg5: memref<2048xf32, #tpu.memory_space<hbm>>, %arg6: memref<2048xf32, #tpu.memory_space<hbm>>, %arg7: memref<2048x1024xf32, #tpu.memory_space<hbm>>, %arg8: memref<2048x1024xf32, #tpu.memory_space<hbm>>, %arg9: memref<64xi32, #tpu.memory_space<vmem>>, %arg10: memref<64xi32, #tpu.memory_space<vmem>>, %arg11: memref<64xf32, #tpu.memory_space<vmem>>, %arg12: memref<64xf32, #tpu.memory_space<vmem>>, %arg13: memref<16x1024xf32, #tpu.memory_space<vmem>>, %arg14: memref<16x1024xf32, #tpu.memory_space<vmem>>, %arg15: memref<16x1024xf32, #tpu.memory_space<vmem>>, %arg16: memref<16x1024xf32, #tpu.memory_space<vmem>>, %arg17: memref<16x1024xf32, #tpu.memory_space<vmem>>, %arg18: memref<16x1024xf32, #tpu.memory_space<vmem>>, %arg19: memref<!tpu.dma_semaphore, #tpu.memory_space<semaphore_mem>>, %arg20: memref<!tpu.dma_semaphore, #tpu.memory_space<semaphore_mem>>, %arg21: memref<!tpu.dma_semaphore, #tpu.memory_space<semaphore_mem>>, %arg22: memref<!tpu.dma_semaphore, #tpu.memory_space<semaphore_mem>>, %arg23: memref<!tpu.dma_semaphore, #tpu.memory_space<semaphore_mem>>, %arg24: memref<!tpu.dma_semaphore, #tpu.memory_space<semaphore_mem>>, %arg25: memref<!tpu.dma_semaphore, #tpu.memory_space<semaphore_mem>>, %arg26: memref<!tpu.dma_semaphore, #tpu.memory_space<semaphore_mem>>) attributes {dimension_semantics = [#tpu.dimension_semantics<core_parallel>, #tpu.dimension_semantics<subcore_parallel>], iteration_bounds = array<i64: 2, 16>, scalar_prefetch = 0 : i64, scratch_operands = 18 : i64, tpu.core_type = #tpu.core_type<sc_vector_subcore>, window_params = [{transform_indices = #map}, {transform_indices = #map1}, {transform_indices = #map1}, {transform_indices = #map1}, {transform_indices = #map1}, {transform_indices = #map}, {transform_indices = #map}]} {
    %mul3A = arith.constant 2 : i32
    %mul3A_0 = arith.muli %arg1, %mul3A : i32
    %add3A = arith.addi %mul3A_0, %arg0 : i32
    %mul3A_1 = arith.constant 64 : i32
    %mul3A_2 = arith.muli %add3A, %mul3A_1 : i32
    "tpu.region"() ({
      %run_scoped3A = tpu.sem_alloc : memref<!tpu.dma_semaphore, #tpu.memory_space<semaphore_mem>>
      %dma_start3A_453 = tpu.memref_slice %arg3[%mul3A_2] : memref<2048xi32, #tpu.memory_space<hbm>> -> memref<64xi32, #tpu.memory_space<hbm>>
      %dma_start3A_454 = tpu.memref_slice %arg3[%mul3A_2] : memref<2048xi32, #tpu.memory_space<hbm>> -> memref<64xi32, #tpu.memory_space<hbm>>
      tpu.enqueue_dma source(%dma_start3A_454 : memref<64xi32, #tpu.memory_space<hbm>>) target(%arg9 : memref<64xi32, #tpu.memory_space<vmem>>) target_semaphore(%run_scoped3A : memref<!tpu.dma_semaphore, #tpu.memory_space<semaphore_mem>>)
      %dma_wait3A_455 = tpu.memref_slice %arg3[%mul3A_2] : memref<2048xi32, #tpu.memory_space<hbm>> -> memref<64xi32, #tpu.memory_space<hbm>>
      %dma_wait3A_456 = tpu.memref_slice %arg3[%mul3A_2] : memref<2048xi32, #tpu.memory_space<hbm>> -> memref<64xi32, #tpu.memory_space<hbm>>
      tpu.wait_dma2 semaphore(%run_scoped3A : memref<!tpu.dma_semaphore, #tpu.memory_space<semaphore_mem>>) src(%dma_wait3A_456 : memref<64xi32, #tpu.memory_space<hbm>>) dst(%arg9 : memref<64xi32, #tpu.memory_space<vmem>>)
      tpu.yield
    }) : () -> ()
    "tpu.region"() ({
      %run_scoped3A = tpu.sem_alloc : memref<!tpu.dma_semaphore, #tpu.memory_space<semaphore_mem>>
      %dma_start3A_453 = tpu.memref_slice %arg4[%mul3A_2] : memref<2048xi32, #tpu.memory_space<hbm>> -> memref<64xi32, #tpu.memory_space<hbm>>
      %dma_start3A_454 = tpu.memref_slice %arg4[%mul3A_2] : memref<2048xi32, #tpu.memory_space<hbm>> -> memref<64xi32, #tpu.memory_space<hbm>>
      tpu.enqueue_dma source(%dma_start3A_454 : memref<64xi32, #tpu.memory_space<hbm>>) target(%arg10 : memref<64xi32, #tpu.memory_space<vmem>>) target_semaphore(%run_scoped3A : memref<!tpu.dma_semaphore, #tpu.memory_space<semaphore_mem>>)
      %dma_wait3A_455 = tpu.memref_slice %arg4[%mul3A_2] : memref<2048xi32, #tpu.memory_space<hbm>> -> memref<64xi32, #tpu.memory_space<hbm>>
      %dma_wait3A_456 = tpu.memref_slice %arg4[%mul3A_2] : memref<2048xi32, #tpu.memory_space<hbm>> -> memref<64xi32, #tpu.memory_space<hbm>>
      tpu.wait_dma2 semaphore(%run_scoped3A : memref<!tpu.dma_semaphore, #tpu.memory_space<semaphore_mem>>) src(%dma_wait3A_456 : memref<64xi32, #tpu.memory_space<hbm>>) dst(%arg10 : memref<64xi32, #tpu.memory_space<vmem>>)
      tpu.yield
    }) : () -> ()
    "tpu.region"() ({
      %run_scoped3A = tpu.sem_alloc : memref<!tpu.dma_semaphore, #tpu.memory_space<semaphore_mem>>
      %dma_start3A_453 = tpu.memref_slice %arg5[%mul3A_2] : memref<2048xf32, #tpu.memory_space<hbm>> -> memref<64xf32, #tpu.memory_space<hbm>>
      %dma_start3A_454 = tpu.memref_slice %arg5[%mul3A_2] : memref<2048xf32, #tpu.memory_space<hbm>> -> memref<64xf32, #tpu.memory_space<hbm>>
      tpu.enqueue_dma source(%dma_start3A_454 : memref<64xf32, #tpu.memory_space<hbm>>) target(%arg11 : memref<64xf32, #tpu.memory_space<vmem>>) target_semaphore(%run_scoped3A : memref<!tpu.dma_semaphore, #tpu.memory_space<semaphore_mem>>)
      %dma_wait3A_455 = tpu.memref_slice %arg5[%mul3A_2] : memref<2048xf32, #tpu.memory_space<hbm>> -> memref<64xf32, #tpu.memory_space<hbm>>
      %dma_wait3A_456 = tpu.memref_slice %arg5[%mul3A_2] : memref<2048xf32, #tpu.memory_space<hbm>> -> memref<64xf32, #tpu.memory_space<hbm>>
      tpu.wait_dma2 semaphore(%run_scoped3A : memref<!tpu.dma_semaphore, #tpu.memory_space<semaphore_mem>>) src(%dma_wait3A_456 : memref<64xf32, #tpu.memory_space<hbm>>) dst(%arg11 : memref<64xf32, #tpu.memory_space<vmem>>)
      tpu.yield
    }) : () -> ()
    "tpu.region"() ({
      %run_scoped3A = tpu.sem_alloc : memref<!tpu.dma_semaphore, #tpu.memory_space<semaphore_mem>>
      %dma_start3A_453 = tpu.memref_slice %arg6[%mul3A_2] : memref<2048xf32, #tpu.memory_space<hbm>> -> memref<64xf32, #tpu.memory_space<hbm>>
      %dma_start3A_454 = tpu.memref_slice %arg6[%mul3A_2] : memref<2048xf32, #tpu.memory_space<hbm>> -> memref<64xf32, #tpu.memory_space<hbm>>
      tpu.enqueue_dma source(%dma_start3A_454 : memref<64xf32, #tpu.memory_space<hbm>>) target(%arg12 : memref<64xf32, #tpu.memory_space<vmem>>) target_semaphore(%run_scoped3A : memref<!tpu.dma_semaphore, #tpu.memory_space<semaphore_mem>>)
      %dma_wait3A_455 = tpu.memref_slice %arg6[%mul3A_2] : memref<2048xf32, #tpu.memory_space<hbm>> -> memref<64xf32, #tpu.memory_space<hbm>>
      %dma_wait3A_456 = tpu.memref_slice %arg6[%mul3A_2] : memref<2048xf32, #tpu.memory_space<hbm>> -> memref<64xf32, #tpu.memory_space<hbm>>
      tpu.wait_dma2 semaphore(%run_scoped3A : memref<!tpu.dma_semaphore, #tpu.memory_space<semaphore_mem>>) src(%dma_wait3A_456 : memref<64xf32, #tpu.memory_space<hbm>>) dst(%arg12 : memref<64xf32, #tpu.memory_space<vmem>>)
      tpu.yield
    }) : () -> ()
    %get3A = arith.constant 0 : index
    %get3A_3 = tpu.vector_load %arg9[%get3A] {strides = array<i32>} : memref<64xi32, #tpu.memory_space<vmem>>, vector<16xi32>,
    %get3A_4 = vector.shape_cast %get3A_3 : vector<16xi32> to vector<16xi32>
    %dma_start3A = arith.constant 0 : i32
    %dma_start3A_5 = arith.constant 0 : i32
    %dma_start3A_6 = tpu.memref_slice %arg2[%dma_start3A, %dma_start3A_5] : memref<4096x1024xf32, #tpu.memory_space<hbm>> -> memref<4096x1024xf32, #tpu.memory_space<hbm>>
    tpu.enqueue_indirect_dma source(%dma_start3A_6 : memref<4096x1024xf32, #tpu.memory_space<hbm>>) target(%arg13 : memref<16x1024xf32, #tpu.memory_space<vmem>>) offsets(%get3A_4 : vector<16xi32>) semaphore(%arg19 : memref<!tpu.dma_semaphore, #tpu.memory_space<semaphore_mem>>)
    %get3A_7 = arith.constant 0 : index
    %get3A_8 = tpu.vector_load %arg10[%get3A_7] {strides = array<i32>} : memref<64xi32, #tpu.memory_space<vmem>>, vector<16xi32>,
    %get3A_9 = vector.shape_cast %get3A_8 : vector<16xi32> to vector<16xi32>
    %dma_start3A_10 = arith.constant 0 : i32
    %dma_start3A_11 = arith.constant 0 : i32
    %dma_start3A_12 = tpu.memref_slice %arg2[%dma_start3A_10, %dma_start3A_11] : memref<4096x1024xf32, #tpu.memory_space<hbm>> -> memref<4096x1024xf32, #tpu.memory_space<hbm>>
    tpu.enqueue_indirect_dma source(%dma_start3A_12 : memref<4096x1024xf32, #tpu.memory_space<hbm>>) target(%arg15 : memref<16x1024xf32, #tpu.memory_space<vmem>>) offsets(%get3A_9 : vector<16xi32>) semaphore(%arg21 : memref<!tpu.dma_semaphore, #tpu.memory_space<semaphore_mem>>)
    %add3A_13 = arith.constant 0 : i32
    %add3A_14 = arith.addi %mul3A_2, %add3A_13 : i32
    %dma_start3A_15 = arith.constant 0 : i32
    %dma_start3A_16 = tpu.memref_slice %arg7[%add3A_14, %dma_start3A_15] : memref<2048x1024xf32, #tpu.memory_space<hbm>> -> memref<16x1024xf32, #tpu.memory_space<hbm>>
    %dma_start3A_17 = arith.constant 0 : i32
    %dma_start3A_18 = tpu.memref_slice %arg7[%add3A_14, %dma_start3A_17] : memref<2048x1024xf32, #tpu.memory_space<hbm>> -> memref<16x1024xf32, #tpu.memory_space<hbm>>
    tpu.enqueue_dma source(%dma_start3A_18 : memref<16x1024xf32, #tpu.memory_space<hbm>>) target(%arg17 : memref<16x1024xf32, #tpu.memory_space<vmem>>) target_semaphore(%arg23 : memref<!tpu.dma_semaphore, #tpu.memory_space<semaphore_mem>>)
    %dma_wait3A = arith.constant 0 : i32
    %dma_wait3A_19 = arith.constant 0 : i32
    %dma_wait3A_20 = tpu.memref_slice %arg2[%dma_wait3A, %dma_wait3A_19] : memref<4096x1024xf32, #tpu.memory_space<hbm>> -> memref<4096x1024xf32, #tpu.memory_space<hbm>>
    tpu.wait_indirect_dma semaphore(%arg19 : memref<!tpu.dma_semaphore, #tpu.memory_space<semaphore_mem>>) src(%dma_wait3A_20 : memref<4096x1024xf32, #tpu.memory_space<hbm>>) dst(%arg13 : memref<16x1024xf32, #tpu.memory_space<vmem>>)
    %dma_wait3A_21 = arith.constant 0 : i32
    %dma_wait3A_22 = arith.constant 0 : i32
    %dma_wait3A_23 = tpu.memref_slice %arg2[%dma_wait3A_21, %dma_wait3A_22] : memref<4096x1024xf32, #tpu.memory_space<hbm>> -> memref<4096x1024xf32, #tpu.memory_space<hbm>>
    tpu.wait_indirect_dma semaphore(%arg21 : memref<!tpu.dma_semaphore, #tpu.memory_space<semaphore_mem>>) src(%dma_wait3A_23 : memref<4096x1024xf32, #tpu.memory_space<hbm>>) dst(%arg15 : memref<16x1024xf32, #tpu.memory_space<vmem>>)
    %dma_wait3A_24 = arith.constant 0 : i32
    %dma_wait3A_25 = tpu.memref_slice %arg7[%add3A_14, %dma_wait3A_24] : memref<2048x1024xf32, #tpu.memory_space<hbm>> -> memref<16x1024xf32, #tpu.memory_space<hbm>>
    %dma_wait3A_26 = arith.constant 0 : i32
    %dma_wait3A_27 = tpu.memref_slice %arg7[%add3A_14, %dma_wait3A_26] : memref<2048x1024xf32, #tpu.memory_space<hbm>> -> memref<16x1024xf32, #tpu.memory_space<hbm>>
    tpu.wait_dma2 semaphore(%arg23 : memref<!tpu.dma_semaphore, #tpu.memory_space<semaphore_mem>>) src(%dma_wait3A_27 : memref<16x1024xf32, #tpu.memory_space<hbm>>) dst(%arg17 : memref<16x1024xf32, #tpu.memory_space<vmem>>)
    %get3A_28 = arith.constant 16 : index
    %get3A_29 = tpu.vector_load %arg9[%get3A_28] {strides = array<i32>} : memref<64xi32, #tpu.memory_space<vmem>>, vector<16xi32>,
    %get3A_30 = vector.shape_cast %get3A_29 : vector<16xi32> to vector<16xi32>
    %dma_start3A_31 = arith.constant 0 : i32
    %dma_start3A_32 = arith.constant 0 : i32
    %dma_start3A_33 = tpu.memref_slice %arg2[%dma_start3A_31, %dma_start3A_32] : memref<4096x1024xf32, #tpu.memory_space<hbm>> -> memref<4096x1024xf32, #tpu.memory_space<hbm>>
    tpu.enqueue_indirect_dma source(%dma_start3A_33 : memref<4096x1024xf32, #tpu.memory_space<hbm>>) target(%arg14 : memref<16x1024xf32, #tpu.memory_space<vmem>>) offsets(%get3A_30 : vector<16xi32>) semaphore(%arg20 : memref<!tpu.dma_semaphore, #tpu.memory_space<semaphore_mem>>)
    %get3A_34 = arith.constant 16 : index
    %get3A_35 = tpu.vector_load %arg10[%get3A_34] {strides = array<i32>} : memref<64xi32, #tpu.memory_space<vmem>>, vector<16xi32>,
    %get3A_36 = vector.shape_cast %get3A_35 : vector<16xi32> to vector<16xi32>
    %dma_start3A_37 = arith.constant 0 : i32
    %dma_start3A_38 = arith.constant 0 : i32
    %dma_start3A_39 = tpu.memref_slice %arg2[%dma_start3A_37, %dma_start3A_38] : memref<4096x1024xf32, #tpu.memory_space<hbm>> -> memref<4096x1024xf32, #tpu.memory_space<hbm>>
    tpu.enqueue_indirect_dma source(%dma_start3A_39 : memref<4096x1024xf32, #tpu.memory_space<hbm>>) target(%arg16 : memref<16x1024xf32, #tpu.memory_space<vmem>>) offsets(%get3A_36 : vector<16xi32>) semaphore(%arg22 : memref<!tpu.dma_semaphore, #tpu.memory_space<semaphore_mem>>)
    %add3A_40 = arith.constant 16 : i32
    %add3A_41 = arith.addi %mul3A_2, %add3A_40 : i32
    %dma_start3A_42 = arith.constant 0 : i32
    %dma_start3A_43 = tpu.memref_slice %arg7[%add3A_41, %dma_start3A_42] : memref<2048x1024xf32, #tpu.memory_space<hbm>> -> memref<16x1024xf32, #tpu.memory_space<hbm>>
    %dma_start3A_44 = arith.constant 0 : i32
    %dma_start3A_45 = tpu.memref_slice %arg7[%add3A_41, %dma_start3A_44] : memref<2048x1024xf32, #tpu.memory_space<hbm>> -> memref<16x1024xf32, #tpu.memory_space<hbm>>
    tpu.enqueue_dma source(%dma_start3A_45 : memref<16x1024xf32, #tpu.memory_space<hbm>>) target(%arg18 : memref<16x1024xf32, #tpu.memory_space<vmem>>) target_semaphore(%arg24 : memref<!tpu.dma_semaphore, #tpu.memory_space<semaphore_mem>>)
    %get3A_46 = arith.constant 0 : index
    %get3A_47 = tpu.vector_load %arg11[%get3A_46] {strides = array<i32>} : memref<64xf32, #tpu.memory_space<vmem>>, vector<16xf32>,
    %get3A_48 = vector.shape_cast %get3A_47 : vector<16xf32> to vector<16xf32>
    %get3A_49 = arith.constant 0 : index
    %get3A_50 = tpu.vector_load %arg12[%get3A_49] {strides = array<i32>} : memref<64xf32, #tpu.memory_space<vmem>>, vector<16xf32>,
    %get3A_51 = vector.shape_cast %get3A_50 : vector<16xf32> to vector<16xf32>
    %slice3A = vector.extract_strided_slice %get3A_48 {offsets = [0], sizes = [1], strides = [1]} : vector<16xf32> to vector<1xf32>
    %squeeze3A = vector.extract %slice3A[0] : f32 from vector<1xf32>
    %slice3A_52 = vector.extract_strided_slice %get3A_48 {offsets = [1], sizes = [1], strides = [1]} : vector<16xf32> to vector<1xf32>
    %squeeze3A_53 = vector.extract %slice3A_52[0] : f32 from vector<1xf32>
    %slice3A_54 = vector.extract_strided_slice %get3A_48 {offsets = [2], sizes = [1], strides = [1]} : vector<16xf32> to vector<1xf32>
    %squeeze3A_55 = vector.extract %slice3A_54[0] : f32 from vector<1xf32>
    %slice3A_56 = vector.extract_strided_slice %get3A_48 {offsets = [3], sizes = [1], strides = [1]} : vector<16xf32> to vector<1xf32>
    %squeeze3A_57 = vector.extract %slice3A_56[0] : f32 from vector<1xf32>
    %slice3A_58 = vector.extract_strided_slice %get3A_48 {offsets = [4], sizes = [1], strides = [1]} : vector<16xf32> to vector<1xf32>
    %squeeze3A_59 = vector.extract %slice3A_58[0] : f32 from vector<1xf32>
    %slice3A_60 = vector.extract_strided_slice %get3A_48 {offsets = [5], sizes = [1], strides = [1]} : vector<16xf32> to vector<1xf32>
    %squeeze3A_61 = vector.extract %slice3A_60[0] : f32 from vector<1xf32>
    %slice3A_62 = vector.extract_strided_slice %get3A_48 {offsets = [6], sizes = [1], strides = [1]} : vector<16xf32> to vector<1xf32>
    %squeeze3A_63 = vector.extract %slice3A_62[0] : f32 from vector<1xf32>
    %slice3A_64 = vector.extract_strided_slice %get3A_48 {offsets = [7], sizes = [1], strides = [1]} : vector<16xf32> to vector<1xf32>
    %squeeze3A_65 = vector.extract %slice3A_64[0] : f32 from vector<1xf32>
    %slice3A_66 = vector.extract_strided_slice %get3A_48 {offsets = [8], sizes = [1], strides = [1]} : vector<16xf32> to vector<1xf32>
    %squeeze3A_67 = vector.extract %slice3A_66[0] : f32 from vector<1xf32>
    %slice3A_68 = vector.extract_strided_slice %get3A_48 {offsets = [9], sizes = [1], strides = [1]} : vector<16xf32> to vector<1xf32>
    %squeeze3A_69 = vector.extract %slice3A_68[0] : f32 from vector<1xf32>
    %slice3A_70 = vector.extract_strided_slice %get3A_48 {offsets = [10], sizes = [1], strides = [1]} : vector<16xf32> to vector<1xf32>
    %squeeze3A_71 = vector.extract %slice3A_70[0] : f32 from vector<1xf32>
    %slice3A_72 = vector.extract_strided_slice %get3A_48 {offsets = [11], sizes = [1], strides = [1]} : vector<16xf32> to vector<1xf32>
    %squeeze3A_73 = vector.extract %slice3A_72[0] : f32 from vector<1xf32>
    %slice3A_74 = vector.extract_strided_slice %get3A_48 {offsets = [12], sizes = [1], strides = [1]} : vector<16xf32> to vector<1xf32>
    %squeeze3A_75 = vector.extract %slice3A_74[0] : f32 from vector<1xf32>
    %slice3A_76 = vector.extract_strided_slice %get3A_48 {offsets = [13], sizes = [1], strides = [1]} : vector<16xf32> to vector<1xf32>
    %squeeze3A_77 = vector.extract %slice3A_76[0] : f32 from vector<1xf32>
    %slice3A_78 = vector.extract_strided_slice %get3A_48 {offsets = [14], sizes = [1], strides = [1]} : vector<16xf32> to vector<1xf32>
    %squeeze3A_79 = vector.extract %slice3A_78[0] : f32 from vector<1xf32>
    %slice3A_80 = vector.extract_strided_slice %get3A_48 {offsets = [15], sizes = [1], strides = [1]} : vector<16xf32> to vector<1xf32>
    %squeeze3A_81 = vector.extract %slice3A_80[0] : f32 from vector<1xf32>
    %slice3A_82 = vector.extract_strided_slice %get3A_51 {offsets = [0], sizes = [1], strides = [1]} : vector<16xf32> to vector<1xf32>
    %squeeze3A_83 = vector.extract %slice3A_82[0] : f32 from vector<1xf32>
    %slice3A_84 = vector.extract_strided_slice %get3A_51 {offsets = [1], sizes = [1], strides = [1]} : vector<16xf32> to vector<1xf32>
    %squeeze3A_85 = vector.extract %slice3A_84[0] : f32 from vector<1xf32>
    %slice3A_86 = vector.extract_strided_slice %get3A_51 {offsets = [2], sizes = [1], strides = [1]} : vector<16xf32> to vector<1xf32>
    %squeeze3A_87 = vector.extract %slice3A_86[0] : f32 from vector<1xf32>
    %slice3A_88 = vector.extract_strided_slice %get3A_51 {offsets = [3], sizes = [1], strides = [1]} : vector<16xf32> to vector<1xf32>
    %squeeze3A_89 = vector.extract %slice3A_88[0] : f32 from vector<1xf32>
    %slice3A_90 = vector.extract_strided_slice %get3A_51 {offsets = [4], sizes = [1], strides = [1]} : vector<16xf32> to vector<1xf32>
    %squeeze3A_91 = vector.extract %slice3A_90[0] : f32 from vector<1xf32>
    %slice3A_92 = vector.extract_strided_slice %get3A_51 {offsets = [5], sizes = [1], strides = [1]} : vector<16xf32> to vector<1xf32>
    %squeeze3A_93 = vector.extract %slice3A_92[0] : f32 from vector<1xf32>
    %slice3A_94 = vector.extract_strided_slice %get3A_51 {offsets = [6], sizes = [1], strides = [1]} : vector<16xf32> to vector<1xf32>
    %squeeze3A_95 = vector.extract %slice3A_94[0] : f32 from vector<1xf32>
    %slice3A_96 = vector.extract_strided_slice %get3A_51 {offsets = [7], sizes = [1], strides = [1]} : vector<16xf32> to vector<1xf32>
    %squeeze3A_97 = vector.extract %slice3A_96[0] : f32 from vector<1xf32>
    %slice3A_98 = vector.extract_strided_slice %get3A_51 {offsets = [8], sizes = [1], strides = [1]} : vector<16xf32> to vector<1xf32>
    %squeeze3A_99 = vector.extract %slice3A_98[0] : f32 from vector<1xf32>
    %slice3A_100 = vector.extract_strided_slice %get3A_51 {offsets = [9], sizes = [1], strides = [1]} : vector<16xf32> to vector<1xf32>
    %squeeze3A_101 = vector.extract %slice3A_100[0] : f32 from vector<1xf32>
    %slice3A_102 = vector.extract_strided_slice %get3A_51 {offsets = [10], sizes = [1], strides = [1]} : vector<16xf32> to vector<1xf32>
    %squeeze3A_103 = vector.extract %slice3A_102[0] : f32 from vector<1xf32>
    %slice3A_104 = vector.extract_strided_slice %get3A_51 {offsets = [11], sizes = [1], strides = [1]} : vector<16xf32> to vector<1xf32>
    %squeeze3A_105 = vector.extract %slice3A_104[0] : f32 from vector<1xf32>
    %slice3A_106 = vector.extract_strided_slice %get3A_51 {offsets = [12], sizes = [1], strides = [1]} : vector<16xf32> to vector<1xf32>
    %squeeze3A_107 = vector.extract %slice3A_106[0] : f32 from vector<1xf32>
    %slice3A_108 = vector.extract_strided_slice %get3A_51 {offsets = [13], sizes = [1], strides = [1]} : vector<16xf32> to vector<1xf32>
    %squeeze3A_109 = vector.extract %slice3A_108[0] : f32 from vector<1xf32>
    %slice3A_110 = vector.extract_strided_slice %get3A_51 {offsets = [14], sizes = [1], strides = [1]} : vector<16xf32> to vector<1xf32>
    %squeeze3A_111 = vector.extract %slice3A_110[0] : f32 from vector<1xf32>
    %slice3A_112 = vector.extract_strided_slice %get3A_51 {offsets = [15], sizes = [1], strides = [1]} : vector<16xf32> to vector<1xf32>
    %squeeze3A_113 = vector.extract %slice3A_112[0] : f32 from vector<1xf32>
    %scan3A = arith.constant 0 : i32
    %scan3A_114 = arith.constant 0 : i32
    %scan3A_115 = arith.constant 64 : i32
    %scan3A_116 = arith.addi %scan3A_114, %scan3A_115 : i32
    %scan3A_117 = arith.constant 1 : i32
    scf.for %scan3A_453 = %scan3A_114 to %scan3A_116 step %scan3A_117  : i32 {
      %mul3A_454 = arith.constant 16 : i32
      %mul3A_455 = arith.muli %scan3A_453, %mul3A_454 : i32
      %get3A_456 = arith.constant 0 : i32
      %get3A_457 = arith.index_cast %get3A_456 : i32 to index
      %get3A_458 = arith.index_cast %mul3A_455 : i32 to index
      %get3A_459 = tpu.vector_load %arg17[%get3A_457, %get3A_458] {strides = array<i32>} : memref<16x1024xf32, #tpu.memory_space<vmem>>, vector<1x16xf32>,
      %get3A_460 = vector.shape_cast %get3A_459 : vector<1x16xf32> to vector<16xf32>
      %get3A_461 = arith.constant 0 : i32
      %get3A_462 = arith.index_cast %get3A_461 : i32 to index
      %get3A_463 = arith.index_cast %mul3A_455 : i32 to index
      %get3A_464 = tpu.vector_load %arg13[%get3A_462, %get3A_463] {strides = array<i32>} : memref<16x1024xf32, #tpu.memory_space<vmem>>, vector<1x16xf32>,
      %get3A_465 = vector.shape_cast %get3A_464 : vector<1x16xf32> to vector<16xf32>
      %mul3A_466 = vector.broadcast %squeeze3A : f32 to vector<16xf32>
      %mul3A_467 = arith.mulf %mul3A_466, %get3A_465 : vector<16xf32>
      %add3A_468 = arith.addf %get3A_460, %mul3A_467 : vector<16xf32>
      %get3A_469 = arith.constant 0 : i32
      %get3A_470 = arith.index_cast %get3A_469 : i32 to index
      %get3A_471 = arith.index_cast %mul3A_455 : i32 to index
      %get3A_472 = tpu.vector_load %arg15[%get3A_470, %get3A_471] {strides = array<i32>} : memref<16x1024xf32, #tpu.memory_space<vmem>>, vector<1x16xf32>,
      %get3A_473 = vector.shape_cast %get3A_472 : vector<1x16xf32> to vector<16xf32>
      %mul3A_474 = vector.broadcast %squeeze3A_83 : f32 to vector<16xf32>
      %mul3A_475 = arith.mulf %mul3A_474, %get3A_473 : vector<16xf32>
      %add3A_476 = arith.addf %add3A_468, %mul3A_475 : vector<16xf32>
      %swap3A = arith.constant 0 : i32
      %swap3A_477 = arith.index_cast %swap3A : i32 to index
      %swap3A_478 = arith.index_cast %mul3A_455 : i32 to index
      %swap3A_479 = tpu.vector_load %arg17[%swap3A_477, %swap3A_478] {strides = array<i32>} : memref<16x1024xf32, #tpu.memory_space<vmem>>, vector<1x16xf32>,
      %swap3A_480 = vector.shape_cast %swap3A_479 : vector<1x16xf32> to vector<16xf32>
      %swap3A_481 = vector.shape_cast %add3A_476 : vector<16xf32> to vector<1x16xf32>
      tpu.vector_store %arg17[%swap3A_477, %swap3A_478], %swap3A_481 {strides = array<i32>} : memref<16x1024xf32, #tpu.memory_space<vmem>>, vector<1x16xf32>,
      %get3A_482 = arith.constant 1 : i32
      %get3A_483 = arith.index_cast %get3A_482 : i32 to index
      %get3A_484 = arith.index_cast %mul3A_455 : i32 to index
      %get3A_485 = tpu.vector_load %arg17[%get3A_483, %get3A_484] {strides = array<i32>} : memref<16x1024xf32, #tpu.memory_space<vmem>>, vector<1x16xf32>,
      %get3A_486 = vector.shape_cast %get3A_485 : vector<1x16xf32> to vector<16xf32>
      %get3A_487 = arith.constant 1 : i32
      %get3A_488 = arith.index_cast %get3A_487 : i32 to index
      %get3A_489 = arith.index_cast %mul3A_455 : i32 to index
      %get3A_490 = tpu.vector_load %arg13[%get3A_488, %get3A_489] {strides = array<i32>} : memref<16x1024xf32, #tpu.memory_space<vmem>>, vector<1x16xf32>,
      %get3A_491 = vector.shape_cast %get3A_490 : vector<1x16xf32> to vector<16xf32>
      %mul3A_492 = vector.broadcast %squeeze3A_53 : f32 to vector<16xf32>
      %mul3A_493 = arith.mulf %mul3A_492, %get3A_491 : vector<16xf32>
      %add3A_494 = arith.addf %get3A_486, %mul3A_493 : vector<16xf32>
      %get3A_495 = arith.constant 1 : i32
      %get3A_496 = arith.index_cast %get3A_495 : i32 to index
      %get3A_497 = arith.index_cast %mul3A_455 : i32 to index
      %get3A_498 = tpu.vector_load %arg15[%get3A_496, %get3A_497] {strides = array<i32>} : memref<16x1024xf32, #tpu.memory_space<vmem>>, vector<1x16xf32>,
      %get3A_499 = vector.shape_cast %get3A_498 : vector<1x16xf32> to vector<16xf32>
      %mul3A_500 = vector.broadcast %squeeze3A_85 : f32 to vector<16xf32>
      %mul3A_501 = arith.mulf %mul3A_500, %get3A_499 : vector<16xf32>
      %add3A_502 = arith.addf %add3A_494, %mul3A_501 : vector<16xf32>
      %swap3A_503 = arith.constant 1 : i32
      %swap3A_504 = arith.index_cast %swap3A_503 : i32 to index
      %swap3A_505 = arith.index_cast %mul3A_455 : i32 to index
      %swap3A_506 = tpu.vector_load %arg17[%swap3A_504, %swap3A_505] {strides = array<i32>} : memref<16x1024xf32, #tpu.memory_space<vmem>>, vector<1x16xf32>,
      %swap3A_507 = vector.shape_cast %swap3A_506 : vector<1x16xf32> to vector<16xf32>
      %swap3A_508 = vector.shape_cast %add3A_502 : vector<16xf32> to vector<1x16xf32>
      tpu.vector_store %arg17[%swap3A_504, %swap3A_505], %swap3A_508 {strides = array<i32>} : memref<16x1024xf32, #tpu.memory_space<vmem>>, vector<1x16xf32>,
      %get3A_509 = arith.constant 2 : i32
      %get3A_510 = arith.index_cast %get3A_509 : i32 to index
      %get3A_511 = arith.index_cast %mul3A_455 : i32 to index
      %get3A_512 = tpu.vector_load %arg17[%get3A_510, %get3A_511] {strides = array<i32>} : memref<16x1024xf32, #tpu.memory_space<vmem>>, vector<1x16xf32>,
      %get3A_513 = vector.shape_cast %get3A_512 : vector<1x16xf32> to vector<16xf32>
      %get3A_514 = arith.constant 2 : i32
      %get3A_515 = arith.index_cast %get3A_514 : i32 to index
      %get3A_516 = arith.index_cast %mul3A_455 : i32 to index
      %get3A_517 = tpu.vector_load %arg13[%get3A_515, %get3A_516] {strides = array<i32>} : memref<16x1024xf32, #tpu.memory_space<vmem>>, vector<1x16xf32>,
      %get3A_518 = vector.shape_cast %get3A_517 : vector<1x16xf32> to vector<16xf32>
      %mul3A_519 = vector.broadcast %squeeze3A_55 : f32 to vector<16xf32>
      %mul3A_520 = arith.mulf %mul3A_519, %get3A_518 : vector<16xf32>
      %add3A_521 = arith.addf %get3A_513, %mul3A_520 : vector<16xf32>
      %get3A_522 = arith.constant 2 : i32
      %get3A_523 = arith.index_cast %get3A_522 : i32 to index
      %get3A_524 = arith.index_cast %mul3A_455 : i32 to index
      %get3A_525 = tpu.vector_load %arg15[%get3A_523, %get3A_524] {strides = array<i32>} : memref<16x1024xf32, #tpu.memory_space<vmem>>, vector<1x16xf32>,
      %get3A_526 = vector.shape_cast %get3A_525 : vector<1x16xf32> to vector<16xf32>
      %mul3A_527 = vector.broadcast %squeeze3A_87 : f32 to vector<16xf32>
      %mul3A_528 = arith.mulf %mul3A_527, %get3A_526 : vector<16xf32>
      %add3A_529 = arith.addf %add3A_521, %mul3A_528 : vector<16xf32>
      %swap3A_530 = arith.constant 2 : i32
      %swap3A_531 = arith.index_cast %swap3A_530 : i32 to index
      %swap3A_532 = arith.index_cast %mul3A_455 : i32 to index
      %swap3A_533 = tpu.vector_load %arg17[%swap3A_531, %swap3A_532] {strides = array<i32>} : memref<16x1024xf32, #tpu.memory_space<vmem>>, vector<1x16xf32>,
      %swap3A_534 = vector.shape_cast %swap3A_533 : vector<1x16xf32> to vector<16xf32>
      %swap3A_535 = vector.shape_cast %add3A_529 : vector<16xf32> to vector<1x16xf32>
      tpu.vector_store %arg17[%swap3A_531, %swap3A_532], %swap3A_535 {strides = array<i32>} : memref<16x1024xf32, #tpu.memory_space<vmem>>, vector<1x16xf32>,
      %get3A_536 = arith.constant 3 : i32
      %get3A_537 = arith.index_cast %get3A_536 : i32 to index
      %get3A_538 = arith.index_cast %mul3A_455 : i32 to index
      %get3A_539 = tpu.vector_load %arg17[%get3A_537, %get3A_538] {strides = array<i32>} : memref<16x1024xf32, #tpu.memory_space<vmem>>, vector<1x16xf32>,
      %get3A_540 = vector.shape_cast %get3A_539 : vector<1x16xf32> to vector<16xf32>
      %get3A_541 = arith.constant 3 : i32
      %get3A_542 = arith.index_cast %get3A_541 : i32 to index
      %get3A_543 = arith.index_cast %mul3A_455 : i32 to index
      %get3A_544 = tpu.vector_load %arg13[%get3A_542, %get3A_543] {strides = array<i32>} : memref<16x1024xf32, #tpu.memory_space<vmem>>, vector<1x16xf32>,
      %get3A_545 = vector.shape_cast %get3A_544 : vector<1x16xf32> to vector<16xf32>
      %mul3A_546 = vector.broadcast %squeeze3A_57 : f32 to vector<16xf32>
      %mul3A_547 = arith.mulf %mul3A_546, %get3A_545 : vector<16xf32>
      %add3A_548 = arith.addf %get3A_540, %mul3A_547 : vector<16xf32>
      %get3A_549 = arith.constant 3 : i32
      %get3A_550 = arith.index_cast %get3A_549 : i32 to index
      %get3A_551 = arith.index_cast %mul3A_455 : i32 to index
      %get3A_552 = tpu.vector_load %arg15[%get3A_550, %get3A_551] {strides = array<i32>} : memref<16x1024xf32, #tpu.memory_space<vmem>>, vector<1x16xf32>,
      %get3A_553 = vector.shape_cast %get3A_552 : vector<1x16xf32> to vector<16xf32>
      %mul3A_554 = vector.broadcast %squeeze3A_89 : f32 to vector<16xf32>
      %mul3A_555 = arith.mulf %mul3A_554, %get3A_553 : vector<16xf32>
      %add3A_556 = arith.addf %add3A_548, %mul3A_555 : vector<16xf32>
      %swap3A_557 = arith.constant 3 : i32
      %swap3A_558 = arith.index_cast %swap3A_557 : i32 to index
      %swap3A_559 = arith.index_cast %mul3A_455 : i32 to index
      %swap3A_560 = tpu.vector_load %arg17[%swap3A_558, %swap3A_559] {strides = array<i32>} : memref<16x1024xf32, #tpu.memory_space<vmem>>, vector<1x16xf32>,
      %swap3A_561 = vector.shape_cast %swap3A_560 : vector<1x16xf32> to vector<16xf32>
      %swap3A_562 = vector.shape_cast %add3A_556 : vector<16xf32> to vector<1x16xf32>
      tpu.vector_store %arg17[%swap3A_558, %swap3A_559], %swap3A_562 {strides = array<i32>} : memref<16x1024xf32, #tpu.memory_space<vmem>>, vector<1x16xf32>,
      %get3A_563 = arith.constant 4 : i32
      %get3A_564 = arith.index_cast %get3A_563 : i32 to index
      %get3A_565 = arith.index_cast %mul3A_455 : i32 to index
      %get3A_566 = tpu.vector_load %arg17[%get3A_564, %get3A_565] {strides = array<i32>} : memref<16x1024xf32, #tpu.memory_space<vmem>>, vector<1x16xf32>,
      %get3A_567 = vector.shape_cast %get3A_566 : vector<1x16xf32> to vector<16xf32>
      %get3A_568 = arith.constant 4 : i32
      %get3A_569 = arith.index_cast %get3A_568 : i32 to index
      %get3A_570 = arith.index_cast %mul3A_455 : i32 to index
      %get3A_571 = tpu.vector_load %arg13[%get3A_569, %get3A_570] {strides = array<i32>} : memref<16x1024xf32, #tpu.memory_space<vmem>>, vector<1x16xf32>,
      %get3A_572 = vector.shape_cast %get3A_571 : vector<1x16xf32> to vector<16xf32>
      %mul3A_573 = vector.broadcast %squeeze3A_59 : f32 to vector<16xf32>
      %mul3A_574 = arith.mulf %mul3A_573, %get3A_572 : vector<16xf32>
      %add3A_575 = arith.addf %get3A_567, %mul3A_574 : vector<16xf32>
      %get3A_576 = arith.constant 4 : i32
      %get3A_577 = arith.index_cast %get3A_576 : i32 to index
      %get3A_578 = arith.index_cast %mul3A_455 : i32 to index
      %get3A_579 = tpu.vector_load %arg15[%get3A_577, %get3A_578] {strides = array<i32>} : memref<16x1024xf32, #tpu.memory_space<vmem>>, vector<1x16xf32>,
      %get3A_580 = vector.shape_cast %get3A_579 : vector<1x16xf32> to vector<16xf32>
      %mul3A_581 = vector.broadcast %squeeze3A_91 : f32 to vector<16xf32>
      %mul3A_582 = arith.mulf %mul3A_581, %get3A_580 : vector<16xf32>
      %add3A_583 = arith.addf %add3A_575, %mul3A_582 : vector<16xf32>
      %swap3A_584 = arith.constant 4 : i32
      %swap3A_585 = arith.index_cast %swap3A_584 : i32 to index
      %swap3A_586 = arith.index_cast %mul3A_455 : i32 to index
      %swap3A_587 = tpu.vector_load %arg17[%swap3A_585, %swap3A_586] {strides = array<i32>} : memref<16x1024xf32, #tpu.memory_space<vmem>>, vector<1x16xf32>,
      %swap3A_588 = vector.shape_cast %swap3A_587 : vector<1x16xf32> to vector<16xf32>
      %swap3A_589 = vector.shape_cast %add3A_583 : vector<16xf32> to vector<1x16xf32>
      tpu.vector_store %arg17[%swap3A_585, %swap3A_586], %swap3A_589 {strides = array<i32>} : memref<16x1024xf32, #tpu.memory_space<vmem>>, vector<1x16xf32>,
      %get3A_590 = arith.constant 5 : i32
      %get3A_591 = arith.index_cast %get3A_590 : i32 to index
      %get3A_592 = arith.index_cast %mul3A_455 : i32 to index
      %get3A_593 = tpu.vector_load %arg17[%get3A_591, %get3A_592] {strides = array<i32>} : memref<16x1024xf32, #tpu.memory_space<vmem>>, vector<1x16xf32>,
      %get3A_594 = vector.shape_cast %get3A_593 : vector<1x16xf32> to vector<16xf32>
      %get3A_595 = arith.constant 5 : i32
      %get3A_596 = arith.index_cast %get3A_595 : i32 to index
      %get3A_597 = arith.index_cast %mul3A_455 : i32 to index
      %get3A_598 = tpu.vector_load %arg13[%get3A_596, %get3A_597] {strides = array<i32>} : memref<16x1024xf32, #tpu.memory_space<vmem>>, vector<1x16xf32>,
      %get3A_599 = vector.shape_cast %get3A_598 : vector<1x16xf32> to vector<16xf32>
      %mul3A_600 = vector.broadcast %squeeze3A_61 : f32 to vector<16xf32>
      %mul3A_601 = arith.mulf %mul3A_600, %get3A_599 : vector<16xf32>
      %add3A_602 = arith.addf %get3A_594, %mul3A_601 : vector<16xf32>
      %get3A_603 = arith.constant 5 : i32
      %get3A_604 = arith.index_cast %get3A_603 : i32 to index
      %get3A_605 = arith.index_cast %mul3A_455 : i32 to index
      %get3A_606 = tpu.vector_load %arg15[%get3A_604, %get3A_605] {strides = array<i32>} : memref<16x1024xf32, #tpu.memory_space<vmem>>, vector<1x16xf32>,
      %get3A_607 = vector.shape_cast %get3A_606 : vector<1x16xf32> to vector<16xf32>
      %mul3A_608 = vector.broadcast %squeeze3A_93 : f32 to vector<16xf32>
      %mul3A_609 = arith.mulf %mul3A_608, %get3A_607 : vector<16xf32>
      %add3A_610 = arith.addf %add3A_602, %mul3A_609 : vector<16xf32>
      %swap3A_611 = arith.constant 5 : i32
      %swap3A_612 = arith.index_cast %swap3A_611 : i32 to index
      %swap3A_613 = arith.index_cast %mul3A_455 : i32 to index
      %swap3A_614 = tpu.vector_load %arg17[%swap3A_612, %swap3A_613] {strides = array<i32>} : memref<16x1024xf32, #tpu.memory_space<vmem>>, vector<1x16xf32>,
      %swap3A_615 = vector.shape_cast %swap3A_614 : vector<1x16xf32> to vector<16xf32>
      %swap3A_616 = vector.shape_cast %add3A_610 : vector<16xf32> to vector<1x16xf32>
      tpu.vector_store %arg17[%swap3A_612, %swap3A_613], %swap3A_616 {strides = array<i32>} : memref<16x1024xf32, #tpu.memory_space<vmem>>, vector<1x16xf32>,
      %get3A_617 = arith.constant 6 : i32
      %get3A_618 = arith.index_cast %get3A_617 : i32 to index
      %get3A_619 = arith.index_cast %mul3A_455 : i32 to index
      %get3A_620 = tpu.vector_load %arg17[%get3A_618, %get3A_619] {strides = array<i32>} : memref<16x1024xf32, #tpu.memory_space<vmem>>, vector<1x16xf32>,
      %get3A_621 = vector.shape_cast %get3A_620 : vector<1x16xf32> to vector<16xf32>
      %get3A_622 = arith.constant 6 : i32
      %get3A_623 = arith.index_cast %get3A_622 : i32 to index
      %get3A_624 = arith.index_cast %mul3A_455 : i32 to index
      %get3A_625 = tpu.vector_load %arg13[%get3A_623, %get3A_624] {strides = array<i32>} : memref<16x1024xf32, #tpu.memory_space<vmem>>, vector<1x16xf32>,
      %get3A_626 = vector.shape_cast %get3A_625 : vector<1x16xf32> to vector<16xf32>
      %mul3A_627 = vector.broadcast %squeeze3A_63 : f32 to vector<16xf32>
      %mul3A_628 = arith.mulf %mul3A_627, %get3A_626 : vector<16xf32>
      %add3A_629 = arith.addf %get3A_621, %mul3A_628 : vector<16xf32>
      %get3A_630 = arith.constant 6 : i32
      %get3A_631 = arith.index_cast %get3A_630 : i32 to index
      %get3A_632 = arith.index_cast %mul3A_455 : i32 to index
      %get3A_633 = tpu.vector_load %arg15[%get3A_631, %get3A_632] {strides = array<i32>} : memref<16x1024xf32, #tpu.memory_space<vmem>>, vector<1x16xf32>,
      %get3A_634 = vector.shape_cast %get3A_633 : vector<1x16xf32> to vector<16xf32>
      %mul3A_635 = vector.broadcast %squeeze3A_95 : f32 to vector<16xf32>
      %mul3A_636 = arith.mulf %mul3A_635, %get3A_634 : vector<16xf32>
      %add3A_637 = arith.addf %add3A_629, %mul3A_636 : vector<16xf32>
      %swap3A_638 = arith.constant 6 : i32
      %swap3A_639 = arith.index_cast %swap3A_638 : i32 to index
      %swap3A_640 = arith.index_cast %mul3A_455 : i32 to index
      %swap3A_641 = tpu.vector_load %arg17[%swap3A_639, %swap3A_640] {strides = array<i32>} : memref<16x1024xf32, #tpu.memory_space<vmem>>, vector<1x16xf32>,
      %swap3A_642 = vector.shape_cast %swap3A_641 : vector<1x16xf32> to vector<16xf32>
      %swap3A_643 = vector.shape_cast %add3A_637 : vector<16xf32> to vector<1x16xf32>
      tpu.vector_store %arg17[%swap3A_639, %swap3A_640], %swap3A_643 {strides = array<i32>} : memref<16x1024xf32, #tpu.memory_space<vmem>>, vector<1x16xf32>,
      %get3A_644 = arith.constant 7 : i32
      %get3A_645 = arith.index_cast %get3A_644 : i32 to index
      %get3A_646 = arith.index_cast %mul3A_455 : i32 to index
      %get3A_647 = tpu.vector_load %arg17[%get3A_645, %get3A_646] {strides = array<i32>} : memref<16x1024xf32, #tpu.memory_space<vmem>>, vector<1x16xf32>,
      %get3A_648 = vector.shape_cast %get3A_647 : vector<1x16xf32> to vector<16xf32>
      %get3A_649 = arith.constant 7 : i32
      %get3A_650 = arith.index_cast %get3A_649 : i32 to index
      %get3A_651 = arith.index_cast %mul3A_455 : i32 to index
      %get3A_652 = tpu.vector_load %arg13[%get3A_650, %get3A_651] {strides = array<i32>} : memref<16x1024xf32, #tpu.memory_space<vmem>>, vector<1x16xf32>,
      %get3A_653 = vector.shape_cast %get3A_652 : vector<1x16xf32> to vector<16xf32>
      %mul3A_654 = vector.broadcast %squeeze3A_65 : f32 to vector<16xf32>
      %mul3A_655 = arith.mulf %mul3A_654, %get3A_653 : vector<16xf32>
      %add3A_656 = arith.addf %get3A_648, %mul3A_655 : vector<16xf32>
      %get3A_657 = arith.constant 7 : i32
      %get3A_658 = arith.index_cast %get3A_657 : i32 to index
      %get3A_659 = arith.index_cast %mul3A_455 : i32 to index
      %get3A_660 = tpu.vector_load %arg15[%get3A_658, %get3A_659] {strides = array<i32>} : memref<16x1024xf32, #tpu.memory_space<vmem>>, vector<1x16xf32>,
      %get3A_661 = vector.shape_cast %get3A_660 : vector<1x16xf32> to vector<16xf32>
      %mul3A_662 = vector.broadcast %squeeze3A_97 : f32 to vector<16xf32>
      %mul3A_663 = arith.mulf %mul3A_662, %get3A_661 : vector<16xf32>
      %add3A_664 = arith.addf %add3A_656, %mul3A_663 : vector<16xf32>
      %swap3A_665 = arith.constant 7 : i32
      %swap3A_666 = arith.index_cast %swap3A_665 : i32 to index
      %swap3A_667 = arith.index_cast %mul3A_455 : i32 to index
      %swap3A_668 = tpu.vector_load %arg17[%swap3A_666, %swap3A_667] {strides = array<i32>} : memref<16x1024xf32, #tpu.memory_space<vmem>>, vector<1x16xf32>,
      %swap3A_669 = vector.shape_cast %swap3A_668 : vector<1x16xf32> to vector<16xf32>
      %swap3A_670 = vector.shape_cast %add3A_664 : vector<16xf32> to vector<1x16xf32>
      tpu.vector_store %arg17[%swap3A_666, %swap3A_667], %swap3A_670 {strides = array<i32>} : memref<16x1024xf32, #tpu.memory_space<vmem>>, vector<1x16xf32>,
      %get3A_671 = arith.constant 8 : i32
      %get3A_672 = arith.index_cast %get3A_671 : i32 to index
      %get3A_673 = arith.index_cast %mul3A_455 : i32 to index
      %get3A_674 = tpu.vector_load %arg17[%get3A_672, %get3A_673] {strides = array<i32>} : memref<16x1024xf32, #tpu.memory_space<vmem>>, vector<1x16xf32>,
      %get3A_675 = vector.shape_cast %get3A_674 : vector<1x16xf32> to vector<16xf32>
      %get3A_676 = arith.constant 8 : i32
      %get3A_677 = arith.index_cast %get3A_676 : i32 to index
      %get3A_678 = arith.index_cast %mul3A_455 : i32 to index
      %get3A_679 = tpu.vector_load %arg13[%get3A_677, %get3A_678] {strides = array<i32>} : memref<16x1024xf32, #tpu.memory_space<vmem>>, vector<1x16xf32>,
      %get3A_680 = vector.shape_cast %get3A_679 : vector<1x16xf32> to vector<16xf32>
      %mul3A_681 = vector.broadcast %squeeze3A_67 : f32 to vector<16xf32>
      %mul3A_682 = arith.mulf %mul3A_681, %get3A_680 : vector<16xf32>
      %add3A_683 = arith.addf %get3A_675, %mul3A_682 : vector<16xf32>
      %get3A_684 = arith.constant 8 : i32
      %get3A_685 = arith.index_cast %get3A_684 : i32 to index
      %get3A_686 = arith.index_cast %mul3A_455 : i32 to index
      %get3A_687 = tpu.vector_load %arg15[%get3A_685, %get3A_686] {strides = array<i32>} : memref<16x1024xf32, #tpu.memory_space<vmem>>, vector<1x16xf32>,
      %get3A_688 = vector.shape_cast %get3A_687 : vector<1x16xf32> to vector<16xf32>
      %mul3A_689 = vector.broadcast %squeeze3A_99 : f32 to vector<16xf32>
      %mul3A_690 = arith.mulf %mul3A_689, %get3A_688 : vector<16xf32>
      %add3A_691 = arith.addf %add3A_683, %mul3A_690 : vector<16xf32>
      %swap3A_692 = arith.constant 8 : i32
      %swap3A_693 = arith.index_cast %swap3A_692 : i32 to index
      %swap3A_694 = arith.index_cast %mul3A_455 : i32 to index
      %swap3A_695 = tpu.vector_load %arg17[%swap3A_693, %swap3A_694] {strides = array<i32>} : memref<16x1024xf32, #tpu.memory_space<vmem>>, vector<1x16xf32>,
      %swap3A_696 = vector.shape_cast %swap3A_695 : vector<1x16xf32> to vector<16xf32>
      %swap3A_697 = vector.shape_cast %add3A_691 : vector<16xf32> to vector<1x16xf32>
      tpu.vector_store %arg17[%swap3A_693, %swap3A_694], %swap3A_697 {strides = array<i32>} : memref<16x1024xf32, #tpu.memory_space<vmem>>, vector<1x16xf32>,
      %get3A_698 = arith.constant 9 : i32
      %get3A_699 = arith.index_cast %get3A_698 : i32 to index
      %get3A_700 = arith.index_cast %mul3A_455 : i32 to index
      %get3A_701 = tpu.vector_load %arg17[%get3A_699, %get3A_700] {strides = array<i32>} : memref<16x1024xf32, #tpu.memory_space<vmem>>, vector<1x16xf32>,
      %get3A_702 = vector.shape_cast %get3A_701 : vector<1x16xf32> to vector<16xf32>
      %get3A_703 = arith.constant 9 : i32
      %get3A_704 = arith.index_cast %get3A_703 : i32 to index
      %get3A_705 = arith.index_cast %mul3A_455 : i32 to index
      %get3A_706 = tpu.vector_load %arg13[%get3A_704, %get3A_705] {strides = array<i32>} : memref<16x1024xf32, #tpu.memory_space<vmem>>, vector<1x16xf32>,
      %get3A_707 = vector.shape_cast %get3A_706 : vector<1x16xf32> to vector<16xf32>
      %mul3A_708 = vector.broadcast %squeeze3A_69 : f32 to vector<16xf32>
      %mul3A_709 = arith.mulf %mul3A_708, %get3A_707 : vector<16xf32>
      %add3A_710 = arith.addf %get3A_702, %mul3A_709 : vector<16xf32>
      %get3A_711 = arith.constant 9 : i32
      %get3A_712 = arith.index_cast %get3A_711 : i32 to index
      %get3A_713 = arith.index_cast %mul3A_455 : i32 to index
      %get3A_714 = tpu.vector_load %arg15[%get3A_712, %get3A_713] {strides = array<i32>} : memref<16x1024xf32, #tpu.memory_space<vmem>>, vector<1x16xf32>,
      %get3A_715 = vector.shape_cast %get3A_714 : vector<1x16xf32> to vector<16xf32>
      %mul3A_716 = vector.broadcast %squeeze3A_101 : f32 to vector<16xf32>
      %mul3A_717 = arith.mulf %mul3A_716, %get3A_715 : vector<16xf32>
      %add3A_718 = arith.addf %add3A_710, %mul3A_717 : vector<16xf32>
      %swap3A_719 = arith.constant 9 : i32
      %swap3A_720 = arith.index_cast %swap3A_719 : i32 to index
      %swap3A_721 = arith.index_cast %mul3A_455 : i32 to index
      %swap3A_722 = tpu.vector_load %arg17[%swap3A_720, %swap3A_721] {strides = array<i32>} : memref<16x1024xf32, #tpu.memory_space<vmem>>, vector<1x16xf32>,
      %swap3A_723 = vector.shape_cast %swap3A_722 : vector<1x16xf32> to vector<16xf32>
      %swap3A_724 = vector.shape_cast %add3A_718 : vector<16xf32> to vector<1x16xf32>
      tpu.vector_store %arg17[%swap3A_720, %swap3A_721], %swap3A_724 {strides = array<i32>} : memref<16x1024xf32, #tpu.memory_space<vmem>>, vector<1x16xf32>,
      %get3A_725 = arith.constant 10 : i32
      %get3A_726 = arith.index_cast %get3A_725 : i32 to index
      %get3A_727 = arith.index_cast %mul3A_455 : i32 to index
      %get3A_728 = tpu.vector_load %arg17[%get3A_726, %get3A_727] {strides = array<i32>} : memref<16x1024xf32, #tpu.memory_space<vmem>>, vector<1x16xf32>,
      %get3A_729 = vector.shape_cast %get3A_728 : vector<1x16xf32> to vector<16xf32>
      %get3A_730 = arith.constant 10 : i32
      %get3A_731 = arith.index_cast %get3A_730 : i32 to index
      %get3A_732 = arith.index_cast %mul3A_455 : i32 to index
      %get3A_733 = tpu.vector_load %arg13[%get3A_731, %get3A_732] {strides = array<i32>} : memref<16x1024xf32, #tpu.memory_space<vmem>>, vector<1x16xf32>,
      %get3A_734 = vector.shape_cast %get3A_733 : vector<1x16xf32> to vector<16xf32>
      %mul3A_735 = vector.broadcast %squeeze3A_71 : f32 to vector<16xf32>
      %mul3A_736 = arith.mulf %mul3A_735, %get3A_734 : vector<16xf32>
      %add3A_737 = arith.addf %get3A_729, %mul3A_736 : vector<16xf32>
      %get3A_738 = arith.constant 10 : i32
      %get3A_739 = arith.index_cast %get3A_738 : i32 to index
      %get3A_740 = arith.index_cast %mul3A_455 : i32 to index
      %get3A_741 = tpu.vector_load %arg15[%get3A_739, %get3A_740] {strides = array<i32>} : memref<16x1024xf32, #tpu.memory_space<vmem>>, vector<1x16xf32>,
      %get3A_742 = vector.shape_cast %get3A_741 : vector<1x16xf32> to vector<16xf32>
      %mul3A_743 = vector.broadcast %squeeze3A_103 : f32 to vector<16xf32>
      %mul3A_744 = arith.mulf %mul3A_743, %get3A_742 : vector<16xf32>
      %add3A_745 = arith.addf %add3A_737, %mul3A_744 : vector<16xf32>
      %swap3A_746 = arith.constant 10 : i32
      %swap3A_747 = arith.index_cast %swap3A_746 : i32 to index
      %swap3A_748 = arith.index_cast %mul3A_455 : i32 to index
      %swap3A_749 = tpu.vector_load %arg17[%swap3A_747, %swap3A_748] {strides = array<i32>} : memref<16x1024xf32, #tpu.memory_space<vmem>>, vector<1x16xf32>,
      %swap3A_750 = vector.shape_cast %swap3A_749 : vector<1x16xf32> to vector<16xf32>
      %swap3A_751 = vector.shape_cast %add3A_745 : vector<16xf32> to vector<1x16xf32>
      tpu.vector_store %arg17[%swap3A_747, %swap3A_748], %swap3A_751 {strides = array<i32>} : memref<16x1024xf32, #tpu.memory_space<vmem>>, vector<1x16xf32>,
      %get3A_752 = arith.constant 11 : i32
      %get3A_753 = arith.index_cast %get3A_752 : i32 to index
      %get3A_754 = arith.index_cast %mul3A_455 : i32 to index
      %get3A_755 = tpu.vector_load %arg17[%get3A_753, %get3A_754] {strides = array<i32>} : memref<16x1024xf32, #tpu.memory_space<vmem>>, vector<1x16xf32>,
      %get3A_756 = vector.shape_cast %get3A_755 : vector<1x16xf32> to vector<16xf32>
      %get3A_757 = arith.constant 11 : i32
      %get3A_758 = arith.index_cast %get3A_757 : i32 to index
      %get3A_759 = arith.index_cast %mul3A_455 : i32 to index
      %get3A_760 = tpu.vector_load %arg13[%get3A_758, %get3A_759] {strides = array<i32>} : memref<16x1024xf32, #tpu.memory_space<vmem>>, vector<1x16xf32>,
      %get3A_761 = vector.shape_cast %get3A_760 : vector<1x16xf32> to vector<16xf32>
      %mul3A_762 = vector.broadcast %squeeze3A_73 : f32 to vector<16xf32>
      %mul3A_763 = arith.mulf %mul3A_762, %get3A_761 : vector<16xf32>
      %add3A_764 = arith.addf %get3A_756, %mul3A_763 : vector<16xf32>
      %get3A_765 = arith.constant 11 : i32
      %get3A_766 = arith.index_cast %get3A_765 : i32 to index
      %get3A_767 = arith.index_cast %mul3A_455 : i32 to index
      %get3A_768 = tpu.vector_load %arg15[%get3A_766, %get3A_767] {strides = array<i32>} : memref<16x1024xf32, #tpu.memory_space<vmem>>, vector<1x16xf32>,
      %get3A_769 = vector.shape_cast %get3A_768 : vector<1x16xf32> to vector<16xf32>
      %mul3A_770 = vector.broadcast %squeeze3A_105 : f32 to vector<16xf32>
      %mul3A_771 = arith.mulf %mul3A_770, %get3A_769 : vector<16xf32>
      %add3A_772 = arith.addf %add3A_764, %mul3A_771 : vector<16xf32>
      %swap3A_773 = arith.constant 11 : i32
      %swap3A_774 = arith.index_cast %swap3A_773 : i32 to index
      %swap3A_775 = arith.index_cast %mul3A_455 : i32 to index
      %swap3A_776 = tpu.vector_load %arg17[%swap3A_774, %swap3A_775] {strides = array<i32>} : memref<16x1024xf32, #tpu.memory_space<vmem>>, vector<1x16xf32>,
      %swap3A_777 = vector.shape_cast %swap3A_776 : vector<1x16xf32> to vector<16xf32>
      %swap3A_778 = vector.shape_cast %add3A_772 : vector<16xf32> to vector<1x16xf32>
      tpu.vector_store %arg17[%swap3A_774, %swap3A_775], %swap3A_778 {strides = array<i32>} : memref<16x1024xf32, #tpu.memory_space<vmem>>, vector<1x16xf32>,
      %get3A_779 = arith.constant 12 : i32
      %get3A_780 = arith.index_cast %get3A_779 : i32 to index
      %get3A_781 = arith.index_cast %mul3A_455 : i32 to index
      %get3A_782 = tpu.vector_load %arg17[%get3A_780, %get3A_781] {strides = array<i32>} : memref<16x1024xf32, #tpu.memory_space<vmem>>, vector<1x16xf32>,
      %get3A_783 = vector.shape_cast %get3A_782 : vector<1x16xf32> to vector<16xf32>
      %get3A_784 = arith.constant 12 : i32
      %get3A_785 = arith.index_cast %get3A_784 : i32 to index
      %get3A_786 = arith.index_cast %mul3A_455 : i32 to index
      %get3A_787 = tpu.vector_load %arg13[%get3A_785, %get3A_786] {strides = array<i32>} : memref<16x1024xf32, #tpu.memory_space<vmem>>, vector<1x16xf32>,
      %get3A_788 = vector.shape_cast %get3A_787 : vector<1x16xf32> to vector<16xf32>
      %mul3A_789 = vector.broadcast %squeeze3A_75 : f32 to vector<16xf32>
      %mul3A_790 = arith.mulf %mul3A_789, %get3A_788 : vector<16xf32>
      %add3A_791 = arith.addf %get3A_783, %mul3A_790 : vector<16xf32>
      %get3A_792 = arith.constant 12 : i32
      %get3A_793 = arith.index_cast %get3A_792 : i32 to index
      %get3A_794 = arith.index_cast %mul3A_455 : i32 to index
      %get3A_795 = tpu.vector_load %arg15[%get3A_793, %get3A_794] {strides = array<i32>} : memref<16x1024xf32, #tpu.memory_space<vmem>>, vector<1x16xf32>,
      %get3A_796 = vector.shape_cast %get3A_795 : vector<1x16xf32> to vector<16xf32>
      %mul3A_797 = vector.broadcast %squeeze3A_107 : f32 to vector<16xf32>
      %mul3A_798 = arith.mulf %mul3A_797, %get3A_796 : vector<16xf32>
      %add3A_799 = arith.addf %add3A_791, %mul3A_798 : vector<16xf32>
      %swap3A_800 = arith.constant 12 : i32
      %swap3A_801 = arith.index_cast %swap3A_800 : i32 to index
      %swap3A_802 = arith.index_cast %mul3A_455 : i32 to index
      %swap3A_803 = tpu.vector_load %arg17[%swap3A_801, %swap3A_802] {strides = array<i32>} : memref<16x1024xf32, #tpu.memory_space<vmem>>, vector<1x16xf32>,
      %swap3A_804 = vector.shape_cast %swap3A_803 : vector<1x16xf32> to vector<16xf32>
      %swap3A_805 = vector.shape_cast %add3A_799 : vector<16xf32> to vector<1x16xf32>
      tpu.vector_store %arg17[%swap3A_801, %swap3A_802], %swap3A_805 {strides = array<i32>} : memref<16x1024xf32, #tpu.memory_space<vmem>>, vector<1x16xf32>,
      %get3A_806 = arith.constant 13 : i32
      %get3A_807 = arith.index_cast %get3A_806 : i32 to index
      %get3A_808 = arith.index_cast %mul3A_455 : i32 to index
      %get3A_809 = tpu.vector_load %arg17[%get3A_807, %get3A_808] {strides = array<i32>} : memref<16x1024xf32, #tpu.memory_space<vmem>>, vector<1x16xf32>,
      %get3A_810 = vector.shape_cast %get3A_809 : vector<1x16xf32> to vector<16xf32>
      %get3A_811 = arith.constant 13 : i32
      %get3A_812 = arith.index_cast %get3A_811 : i32 to index
      %get3A_813 = arith.index_cast %mul3A_455 : i32 to index
      %get3A_814 = tpu.vector_load %arg13[%get3A_812, %get3A_813] {strides = array<i32>} : memref<16x1024xf32, #tpu.memory_space<vmem>>, vector<1x16xf32>,
      %get3A_815 = vector.shape_cast %get3A_814 : vector<1x16xf32> to vector<16xf32>
      %mul3A_816 = vector.broadcast %squeeze3A_77 : f32 to vector<16xf32>
      %mul3A_817 = arith.mulf %mul3A_816, %get3A_815 : vector<16xf32>
      %add3A_818 = arith.addf %get3A_810, %mul3A_817 : vector<16xf32>
      %get3A_819 = arith.constant 13 : i32
      %get3A_820 = arith.index_cast %get3A_819 : i32 to index
      %get3A_821 = arith.index_cast %mul3A_455 : i32 to index
      %get3A_822 = tpu.vector_load %arg15[%get3A_820, %get3A_821] {strides = array<i32>} : memref<16x1024xf32, #tpu.memory_space<vmem>>, vector<1x16xf32>,
      %get3A_823 = vector.shape_cast %get3A_822 : vector<1x16xf32> to vector<16xf32>
      %mul3A_824 = vector.broadcast %squeeze3A_109 : f32 to vector<16xf32>
      %mul3A_825 = arith.mulf %mul3A_824, %get3A_823 : vector<16xf32>
      %add3A_826 = arith.addf %add3A_818, %mul3A_825 : vector<16xf32>
      %swap3A_827 = arith.constant 13 : i32
      %swap3A_828 = arith.index_cast %swap3A_827 : i32 to index
      %swap3A_829 = arith.index_cast %mul3A_455 : i32 to index
      %swap3A_830 = tpu.vector_load %arg17[%swap3A_828, %swap3A_829] {strides = array<i32>} : memref<16x1024xf32, #tpu.memory_space<vmem>>, vector<1x16xf32>,
      %swap3A_831 = vector.shape_cast %swap3A_830 : vector<1x16xf32> to vector<16xf32>
      %swap3A_832 = vector.shape_cast %add3A_826 : vector<16xf32> to vector<1x16xf32>
      tpu.vector_store %arg17[%swap3A_828, %swap3A_829], %swap3A_832 {strides = array<i32>} : memref<16x1024xf32, #tpu.memory_space<vmem>>, vector<1x16xf32>,
      %get3A_833 = arith.constant 14 : i32
      %get3A_834 = arith.index_cast %get3A_833 : i32 to index
      %get3A_835 = arith.index_cast %mul3A_455 : i32 to index
      %get3A_836 = tpu.vector_load %arg17[%get3A_834, %get3A_835] {strides = array<i32>} : memref<16x1024xf32, #tpu.memory_space<vmem>>, vector<1x16xf32>,
      %get3A_837 = vector.shape_cast %get3A_836 : vector<1x16xf32> to vector<16xf32>
      %get3A_838 = arith.constant 14 : i32
      %get3A_839 = arith.index_cast %get3A_838 : i32 to index
      %get3A_840 = arith.index_cast %mul3A_455 : i32 to index
      %get3A_841 = tpu.vector_load %arg13[%get3A_839, %get3A_840] {strides = array<i32>} : memref<16x1024xf32, #tpu.memory_space<vmem>>, vector<1x16xf32>,
      %get3A_842 = vector.shape_cast %get3A_841 : vector<1x16xf32> to vector<16xf32>
      %mul3A_843 = vector.broadcast %squeeze3A_79 : f32 to vector<16xf32>
      %mul3A_844 = arith.mulf %mul3A_843, %get3A_842 : vector<16xf32>
      %add3A_845 = arith.addf %get3A_837, %mul3A_844 : vector<16xf32>
      %get3A_846 = arith.constant 14 : i32
      %get3A_847 = arith.index_cast %get3A_846 : i32 to index
      %get3A_848 = arith.index_cast %mul3A_455 : i32 to index
      %get3A_849 = tpu.vector_load %arg15[%get3A_847, %get3A_848] {strides = array<i32>} : memref<16x1024xf32, #tpu.memory_space<vmem>>, vector<1x16xf32>,
      %get3A_850 = vector.shape_cast %get3A_849 : vector<1x16xf32> to vector<16xf32>
      %mul3A_851 = vector.broadcast %squeeze3A_111 : f32 to vector<16xf32>
      %mul3A_852 = arith.mulf %mul3A_851, %get3A_850 : vector<16xf32>
      %add3A_853 = arith.addf %add3A_845, %mul3A_852 : vector<16xf32>
      %swap3A_854 = arith.constant 14 : i32
      %swap3A_855 = arith.index_cast %swap3A_854 : i32 to index
      %swap3A_856 = arith.index_cast %mul3A_455 : i32 to index
      %swap3A_857 = tpu.vector_load %arg17[%swap3A_855, %swap3A_856] {strides = array<i32>} : memref<16x1024xf32, #tpu.memory_space<vmem>>, vector<1x16xf32>,
      %swap3A_858 = vector.shape_cast %swap3A_857 : vector<1x16xf32> to vector<16xf32>
      %swap3A_859 = vector.shape_cast %add3A_853 : vector<16xf32> to vector<1x16xf32>
      tpu.vector_store %arg17[%swap3A_855, %swap3A_856], %swap3A_859 {strides = array<i32>} : memref<16x1024xf32, #tpu.memory_space<vmem>>, vector<1x16xf32>,
      %get3A_860 = arith.constant 15 : i32
      %get3A_861 = arith.index_cast %get3A_860 : i32 to index
      %get3A_862 = arith.index_cast %mul3A_455 : i32 to index
      %get3A_863 = tpu.vector_load %arg17[%get3A_861, %get3A_862] {strides = array<i32>} : memref<16x1024xf32, #tpu.memory_space<vmem>>, vector<1x16xf32>,
      %get3A_864 = vector.shape_cast %get3A_863 : vector<1x16xf32> to vector<16xf32>
      %get3A_865 = arith.constant 15 : i32
      %get3A_866 = arith.index_cast %get3A_865 : i32 to index
      %get3A_867 = arith.index_cast %mul3A_455 : i32 to index
      %get3A_868 = tpu.vector_load %arg13[%get3A_866, %get3A_867] {strides = array<i32>} : memref<16x1024xf32, #tpu.memory_space<vmem>>, vector<1x16xf32>,
      %get3A_869 = vector.shape_cast %get3A_868 : vector<1x16xf32> to vector<16xf32>
      %mul3A_870 = vector.broadcast %squeeze3A_81 : f32 to vector<16xf32>
      %mul3A_871 = arith.mulf %mul3A_870, %get3A_869 : vector<16xf32>
      %add3A_872 = arith.addf %get3A_864, %mul3A_871 : vector<16xf32>
      %get3A_873 = arith.constant 15 : i32
      %get3A_874 = arith.index_cast %get3A_873 : i32 to index
      %get3A_875 = arith.index_cast %mul3A_455 : i32 to index
      %get3A_876 = tpu.vector_load %arg15[%get3A_874, %get3A_875] {strides = array<i32>} : memref<16x1024xf32, #tpu.memory_space<vmem>>, vector<1x16xf32>,
      %get3A_877 = vector.shape_cast %get3A_876 : vector<1x16xf32> to vector<16xf32>
      %mul3A_878 = vector.broadcast %squeeze3A_113 : f32 to vector<16xf32>
      %mul3A_879 = arith.mulf %mul3A_878, %get3A_877 : vector<16xf32>
      %add3A_880 = arith.addf %add3A_872, %mul3A_879 : vector<16xf32>
      %swap3A_881 = arith.constant 15 : i32
      %swap3A_882 = arith.index_cast %swap3A_881 : i32 to index
      %swap3A_883 = arith.index_cast %mul3A_455 : i32 to index
      %swap3A_884 = tpu.vector_load %arg17[%swap3A_882, %swap3A_883] {strides = array<i32>} : memref<16x1024xf32, #tpu.memory_space<vmem>>, vector<1x16xf32>,
      %swap3A_885 = vector.shape_cast %swap3A_884 : vector<1x16xf32> to vector<16xf32>
      %swap3A_886 = vector.shape_cast %add3A_880 : vector<16xf32> to vector<1x16xf32>
      tpu.vector_store %arg17[%swap3A_882, %swap3A_883], %swap3A_886 {strides = array<i32>} : memref<16x1024xf32, #tpu.memory_space<vmem>>, vector<1x16xf32>,
    }
    %scan3A_118 = arith.constant 64 : i32
    %add3A_119 = arith.constant 0 : i32
    %add3A_120 = arith.addi %mul3A_2, %add3A_119 : i32
    %dma_start3A_121 = arith.constant 0 : i32
    %dma_start3A_122 = tpu.memref_slice %arg8[%add3A_120, %dma_start3A_121] : memref<2048x1024xf32, #tpu.memory_space<hbm>> -> memref<16x1024xf32, #tpu.memory_space<hbm>>
    %dma_start3A_123 = arith.constant 0 : i32
    %dma_start3A_124 = tpu.memref_slice %arg8[%add3A_120, %dma_start3A_123] : memref<2048x1024xf32, #tpu.memory_space<hbm>> -> memref<16x1024xf32, #tpu.memory_space<hbm>>
    tpu.enqueue_dma source(%arg17 : memref<16x1024xf32, #tpu.memory_space<vmem>>) target(%dma_start3A_124 : memref<16x1024xf32, #tpu.memory_space<hbm>>) target_semaphore(%arg25 : memref<!tpu.dma_semaphore, #tpu.memory_space<semaphore_mem>>)
    %dma_wait3A_125 = arith.constant 0 : i32
    %dma_wait3A_126 = arith.constant 0 : i32
    %dma_wait3A_127 = tpu.memref_slice %arg2[%dma_wait3A_125, %dma_wait3A_126] : memref<4096x1024xf32, #tpu.memory_space<hbm>> -> memref<4096x1024xf32, #tpu.memory_space<hbm>>
    tpu.wait_indirect_dma semaphore(%arg20 : memref<!tpu.dma_semaphore, #tpu.memory_space<semaphore_mem>>) src(%dma_wait3A_127 : memref<4096x1024xf32, #tpu.memory_space<hbm>>) dst(%arg14 : memref<16x1024xf32, #tpu.memory_space<vmem>>)
    %dma_wait3A_128 = arith.constant 0 : i32
    %dma_wait3A_129 = arith.constant 0 : i32
    %dma_wait3A_130 = tpu.memref_slice %arg2[%dma_wait3A_128, %dma_wait3A_129] : memref<4096x1024xf32, #tpu.memory_space<hbm>> -> memref<4096x1024xf32, #tpu.memory_space<hbm>>
    tpu.wait_indirect_dma semaphore(%arg22 : memref<!tpu.dma_semaphore, #tpu.memory_space<semaphore_mem>>) src(%dma_wait3A_130 : memref<4096x1024xf32, #tpu.memory_space<hbm>>) dst(%arg16 : memref<16x1024xf32, #tpu.memory_space<vmem>>)
    %dma_wait3A_131 = arith.constant 0 : i32
    %dma_wait3A_132 = tpu.memref_slice %arg7[%add3A_41, %dma_wait3A_131] : memref<2048x1024xf32, #tpu.memory_space<hbm>> -> memref<16x1024xf32, #tpu.memory_space<hbm>>
    %dma_wait3A_133 = arith.constant 0 : i32
    %dma_wait3A_134 = tpu.memref_slice %arg7[%add3A_41, %dma_wait3A_133] : memref<2048x1024xf32, #tpu.memory_space<hbm>> -> memref<16x1024xf32, #tpu.memory_space<hbm>>
    tpu.wait_dma2 semaphore(%arg24 : memref<!tpu.dma_semaphore, #tpu.memory_space<semaphore_mem>>) src(%dma_wait3A_134 : memref<16x1024xf32, #tpu.memory_space<hbm>>) dst(%arg18 : memref<16x1024xf32, #tpu.memory_space<vmem>>)
    %dma_wait3A_135 = arith.constant 0 : i32
    %dma_wait3A_136 = tpu.memref_slice %arg8[%add3A_120, %dma_wait3A_135] : memref<2048x1024xf32, #tpu.memory_space<hbm>> -> memref<16x1024xf32, #tpu.memory_space<hbm>>
    %dma_wait3A_137 = arith.constant 0 : i32
    %dma_wait3A_138 = tpu.memref_slice %arg8[%add3A_120, %dma_wait3A_137] : memref<2048x1024xf32, #tpu.memory_space<hbm>> -> memref<16x1024xf32, #tpu.memory_space<hbm>>
    tpu.wait_dma2 semaphore(%arg25 : memref<!tpu.dma_semaphore, #tpu.memory_space<semaphore_mem>>) src(%arg17 : memref<16x1024xf32, #tpu.memory_space<vmem>>) dst(%dma_wait3A_138 : memref<16x1024xf32, #tpu.memory_space<hbm>>)
    %get3A_139 = arith.constant 32 : index
    %get3A_140 = tpu.vector_load %arg9[%get3A_139] {strides = array<i32>} : memref<64xi32, #tpu.memory_space<vmem>>, vector<16xi32>,
    %get3A_141 = vector.shape_cast %get3A_140 : vector<16xi32> to vector<16xi32>
    %dma_start3A_142 = arith.constant 0 : i32
    %dma_start3A_143 = arith.constant 0 : i32
    %dma_start3A_144 = tpu.memref_slice %arg2[%dma_start3A_142, %dma_start3A_143] : memref<4096x1024xf32, #tpu.memory_space<hbm>> -> memref<4096x1024xf32, #tpu.memory_space<hbm>>
    tpu.enqueue_indirect_dma source(%dma_start3A_144 : memref<4096x1024xf32, #tpu.memory_space<hbm>>) target(%arg13 : memref<16x1024xf32, #tpu.memory_space<vmem>>) offsets(%get3A_141 : vector<16xi32>) semaphore(%arg19 : memref<!tpu.dma_semaphore, #tpu.memory_space<semaphore_mem>>)
    %get3A_145 = arith.constant 32 : index
    %get3A_146 = tpu.vector_load %arg10[%get3A_145] {strides = array<i32>} : memref<64xi32, #tpu.memory_space<vmem>>, vector<16xi32>,
    %get3A_147 = vector.shape_cast %get3A_146 : vector<16xi32> to vector<16xi32>
    %dma_start3A_148 = arith.constant 0 : i32
    %dma_start3A_149 = arith.constant 0 : i32
    %dma_start3A_150 = tpu.memref_slice %arg2[%dma_start3A_148, %dma_start3A_149] : memref<4096x1024xf32, #tpu.memory_space<hbm>> -> memref<4096x1024xf32, #tpu.memory_space<hbm>>
    tpu.enqueue_indirect_dma source(%dma_start3A_150 : memref<4096x1024xf32, #tpu.memory_space<hbm>>) target(%arg15 : memref<16x1024xf32, #tpu.memory_space<vmem>>) offsets(%get3A_147 : vector<16xi32>) semaphore(%arg21 : memref<!tpu.dma_semaphore, #tpu.memory_space<semaphore_mem>>)
    %add3A_151 = arith.constant 32 : i32
    %add3A_152 = arith.addi %mul3A_2, %add3A_151 : i32
    %dma_start3A_153 = arith.constant 0 : i32
    %dma_start3A_154 = tpu.memref_slice %arg7[%add3A_152, %dma_start3A_153] : memref<2048x1024xf32, #tpu.memory_space<hbm>> -> memref<16x1024xf32, #tpu.memory_space<hbm>>
    %dma_start3A_155 = arith.constant 0 : i32
    %dma_start3A_156 = tpu.memref_slice %arg7[%add3A_152, %dma_start3A_155] : memref<2048x1024xf32, #tpu.memory_space<hbm>> -> memref<16x1024xf32, #tpu.memory_space<hbm>>
    tpu.enqueue_dma source(%dma_start3A_156 : memref<16x1024xf32, #tpu.memory_space<hbm>>) target(%arg17 : memref<16x1024xf32, #tpu.memory_space<vmem>>) target_semaphore(%arg23 : memref<!tpu.dma_semaphore, #tpu.memory_space<semaphore_mem>>)
    %get3A_157 = arith.constant 16 : index
    %get3A_158 = tpu.vector_load %arg11[%get3A_157] {strides = array<i32>} : memref<64xf32, #tpu.memory_space<vmem>>, vector<16xf32>,
    %get3A_159 = vector.shape_cast %get3A_158 : vector<16xf32> to vector<16xf32>
    %get3A_160 = arith.constant 16 : index
    %get3A_161 = tpu.vector_load %arg12[%get3A_160] {strides = array<i32>} : memref<64xf32, #tpu.memory_space<vmem>>, vector<16xf32>,
    %get3A_162 = vector.shape_cast %get3A_161 : vector<16xf32> to vector<16xf32>
    %slice3A_163 = vector.extract_strided_slice %get3A_159 {offsets = [0], sizes = [1], strides = [1]} : vector<16xf32> to vector<1xf32>
    %squeeze3A_164 = vector.extract %slice3A_163[0] : f32 from vector<1xf32>
    %slice3A_165 = vector.extract_strided_slice %get3A_159 {offsets = [1], sizes = [1], strides = [1]} : vector<16xf32> to vector<1xf32>
    %squeeze3A_166 = vector.extract %slice3A_165[0] : f32 from vector<1xf32>
    %slice3A_167 = vector.extract_strided_slice %get3A_159 {offsets = [2], sizes = [1], strides = [1]} : vector<16xf32> to vector<1xf32>
    %squeeze3A_168 = vector.extract %slice3A_167[0] : f32 from vector<1xf32>
    %slice3A_169 = vector.extract_strided_slice %get3A_159 {offsets = [3], sizes = [1], strides = [1]} : vector<16xf32> to vector<1xf32>
    %squeeze3A_170 = vector.extract %slice3A_169[0] : f32 from vector<1xf32>
    %slice3A_171 = vector.extract_strided_slice %get3A_159 {offsets = [4], sizes = [1], strides = [1]} : vector<16xf32> to vector<1xf32>
    %squeeze3A_172 = vector.extract %slice3A_171[0] : f32 from vector<1xf32>
    %slice3A_173 = vector.extract_strided_slice %get3A_159 {offsets = [5], sizes = [1], strides = [1]} : vector<16xf32> to vector<1xf32>
    %squeeze3A_174 = vector.extract %slice3A_173[0] : f32 from vector<1xf32>
    %slice3A_175 = vector.extract_strided_slice %get3A_159 {offsets = [6], sizes = [1], strides = [1]} : vector<16xf32> to vector<1xf32>
    %squeeze3A_176 = vector.extract %slice3A_175[0] : f32 from vector<1xf32>
    %slice3A_177 = vector.extract_strided_slice %get3A_159 {offsets = [7], sizes = [1], strides = [1]} : vector<16xf32> to vector<1xf32>
    %squeeze3A_178 = vector.extract %slice3A_177[0] : f32 from vector<1xf32>
    %slice3A_179 = vector.extract_strided_slice %get3A_159 {offsets = [8], sizes = [1], strides = [1]} : vector<16xf32> to vector<1xf32>
    %squeeze3A_180 = vector.extract %slice3A_179[0] : f32 from vector<1xf32>
    %slice3A_181 = vector.extract_strided_slice %get3A_159 {offsets = [9], sizes = [1], strides = [1]} : vector<16xf32> to vector<1xf32>
    %squeeze3A_182 = vector.extract %slice3A_181[0] : f32 from vector<1xf32>
    %slice3A_183 = vector.extract_strided_slice %get3A_159 {offsets = [10], sizes = [1], strides = [1]} : vector<16xf32> to vector<1xf32>
    %squeeze3A_184 = vector.extract %slice3A_183[0] : f32 from vector<1xf32>
    %slice3A_185 = vector.extract_strided_slice %get3A_159 {offsets = [11], sizes = [1], strides = [1]} : vector<16xf32> to vector<1xf32>
    %squeeze3A_186 = vector.extract %slice3A_185[0] : f32 from vector<1xf32>
    %slice3A_187 = vector.extract_strided_slice %get3A_159 {offsets = [12], sizes = [1], strides = [1]} : vector<16xf32> to vector<1xf32>
    %squeeze3A_188 = vector.extract %slice3A_187[0] : f32 from vector<1xf32>
    %slice3A_189 = vector.extract_strided_slice %get3A_159 {offsets = [13], sizes = [1], strides = [1]} : vector<16xf32> to vector<1xf32>
    %squeeze3A_190 = vector.extract %slice3A_189[0] : f32 from vector<1xf32>
    %slice3A_191 = vector.extract_strided_slice %get3A_159 {offsets = [14], sizes = [1], strides = [1]} : vector<16xf32> to vector<1xf32>
    %squeeze3A_192 = vector.extract %slice3A_191[0] : f32 from vector<1xf32>
    %slice3A_193 = vector.extract_strided_slice %get3A_159 {offsets = [15], sizes = [1], strides = [1]} : vector<16xf32> to vector<1xf32>
    %squeeze3A_194 = vector.extract %slice3A_193[0] : f32 from vector<1xf32>
    %slice3A_195 = vector.extract_strided_slice %get3A_162 {offsets = [0], sizes = [1], strides = [1]} : vector<16xf32> to vector<1xf32>
    %squeeze3A_196 = vector.extract %slice3A_195[0] : f32 from vector<1xf32>
    %slice3A_197 = vector.extract_strided_slice %get3A_162 {offsets = [1], sizes = [1], strides = [1]} : vector<16xf32> to vector<1xf32>
    %squeeze3A_198 = vector.extract %slice3A_197[0] : f32 from vector<1xf32>
    %slice3A_199 = vector.extract_strided_slice %get3A_162 {offsets = [2], sizes = [1], strides = [1]} : vector<16xf32> to vector<1xf32>
    %squeeze3A_200 = vector.extract %slice3A_199[0] : f32 from vector<1xf32>
    %slice3A_201 = vector.extract_strided_slice %get3A_162 {offsets = [3], sizes = [1], strides = [1]} : vector<16xf32> to vector<1xf32>
    %squeeze3A_202 = vector.extract %slice3A_201[0] : f32 from vector<1xf32>
    %slice3A_203 = vector.extract_strided_slice %get3A_162 {offsets = [4], sizes = [1], strides = [1]} : vector<16xf32> to vector<1xf32>
    %squeeze3A_204 = vector.extract %slice3A_203[0] : f32 from vector<1xf32>
    %slice3A_205 = vector.extract_strided_slice %get3A_162 {offsets = [5], sizes = [1], strides = [1]} : vector<16xf32> to vector<1xf32>
    %squeeze3A_206 = vector.extract %slice3A_205[0] : f32 from vector<1xf32>
    %slice3A_207 = vector.extract_strided_slice %get3A_162 {offsets = [6], sizes = [1], strides = [1]} : vector<16xf32> to vector<1xf32>
    %squeeze3A_208 = vector.extract %slice3A_207[0] : f32 from vector<1xf32>
    %slice3A_209 = vector.extract_strided_slice %get3A_162 {offsets = [7], sizes = [1], strides = [1]} : vector<16xf32> to vector<1xf32>
    %squeeze3A_210 = vector.extract %slice3A_209[0] : f32 from vector<1xf32>
    %slice3A_211 = vector.extract_strided_slice %get3A_162 {offsets = [8], sizes = [1], strides = [1]} : vector<16xf32> to vector<1xf32>
    %squeeze3A_212 = vector.extract %slice3A_211[0] : f32 from vector<1xf32>
    %slice3A_213 = vector.extract_strided_slice %get3A_162 {offsets = [9], sizes = [1], strides = [1]} : vector<16xf32> to vector<1xf32>
    %squeeze3A_214 = vector.extract %slice3A_213[0] : f32 from vector<1xf32>
    %slice3A_215 = vector.extract_strided_slice %get3A_162 {offsets = [10], sizes = [1], strides = [1]} : vector<16xf32> to vector<1xf32>
    %squeeze3A_216 = vector.extract %slice3A_215[0] : f32 from vector<1xf32>
    %slice3A_217 = vector.extract_strided_slice %get3A_162 {offsets = [11], sizes = [1], strides = [1]} : vector<16xf32> to vector<1xf32>
    %squeeze3A_218 = vector.extract %slice3A_217[0] : f32 from vector<1xf32>
    %slice3A_219 = vector.extract_strided_slice %get3A_162 {offsets = [12], sizes = [1], strides = [1]} : vector<16xf32> to vector<1xf32>
    %squeeze3A_220 = vector.extract %slice3A_219[0] : f32 from vector<1xf32>
    %slice3A_221 = vector.extract_strided_slice %get3A_162 {offsets = [13], sizes = [1], strides = [1]} : vector<16xf32> to vector<1xf32>
    %squeeze3A_222 = vector.extract %slice3A_221[0] : f32 from vector<1xf32>
    %slice3A_223 = vector.extract_strided_slice %get3A_162 {offsets = [14], sizes = [1], strides = [1]} : vector<16xf32> to vector<1xf32>
    %squeeze3A_224 = vector.extract %slice3A_223[0] : f32 from vector<1xf32>
    %slice3A_225 = vector.extract_strided_slice %get3A_162 {offsets = [15], sizes = [1], strides = [1]} : vector<16xf32> to vector<1xf32>
    %squeeze3A_226 = vector.extract %slice3A_225[0] : f32 from vector<1xf32>
    %scan3A_227 = arith.constant 0 : i32
    %scan3A_228 = arith.constant 0 : i32
    %scan3A_229 = arith.constant 64 : i32
    %scan3A_230 = arith.addi %scan3A_228, %scan3A_229 : i32
    %scan3A_231 = arith.constant 1 : i32
    scf.for %scan3A_453 = %scan3A_228 to %scan3A_230 step %scan3A_231  : i32 {
      %mul3A_454 = arith.constant 16 : i32
      %mul3A_455 = arith.muli %scan3A_453, %mul3A_454 : i32
      %get3A_456 = arith.constant 0 : i32
      %get3A_457 = arith.index_cast %get3A_456 : i32 to index
      %get3A_458 = arith.index_cast %mul3A_455 : i32 to index
      %get3A_459 = tpu.vector_load %arg18[%get3A_457, %get3A_458] {strides = array<i32>} : memref<16x1024xf32, #tpu.memory_space<vmem>>, vector<1x16xf32>,
      %get3A_460 = vector.shape_cast %get3A_459 : vector<1x16xf32> to vector<16xf32>
      %get3A_461 = arith.constant 0 : i32
      %get3A_462 = arith.index_cast %get3A_461 : i32 to index
      %get3A_463 = arith.index_cast %mul3A_455 : i32 to index
      %get3A_464 = tpu.vector_load %arg14[%get3A_462, %get3A_463] {strides = array<i32>} : memref<16x1024xf32, #tpu.memory_space<vmem>>, vector<1x16xf32>,
      %get3A_465 = vector.shape_cast %get3A_464 : vector<1x16xf32> to vector<16xf32>
      %mul3A_466 = vector.broadcast %squeeze3A_164 : f32 to vector<16xf32>
      %mul3A_467 = arith.mulf %mul3A_466, %get3A_465 : vector<16xf32>
      %add3A_468 = arith.addf %get3A_460, %mul3A_467 : vector<16xf32>
      %get3A_469 = arith.constant 0 : i32
      %get3A_470 = arith.index_cast %get3A_469 : i32 to index
      %get3A_471 = arith.index_cast %mul3A_455 : i32 to index
      %get3A_472 = tpu.vector_load %arg16[%get3A_470, %get3A_471] {strides = array<i32>} : memref<16x1024xf32, #tpu.memory_space<vmem>>, vector<1x16xf32>,
      %get3A_473 = vector.shape_cast %get3A_472 : vector<1x16xf32> to vector<16xf32>
      %mul3A_474 = vector.broadcast %squeeze3A_196 : f32 to vector<16xf32>
      %mul3A_475 = arith.mulf %mul3A_474, %get3A_473 : vector<16xf32>
      %add3A_476 = arith.addf %add3A_468, %mul3A_475 : vector<16xf32>
      %swap3A = arith.constant 0 : i32
      %swap3A_477 = arith.index_cast %swap3A : i32 to index
      %swap3A_478 = arith.index_cast %mul3A_455 : i32 to index
      %swap3A_479 = tpu.vector_load %arg18[%swap3A_477, %swap3A_478] {strides = array<i32>} : memref<16x1024xf32, #tpu.memory_space<vmem>>, vector<1x16xf32>,
      %swap3A_480 = vector.shape_cast %swap3A_479 : vector<1x16xf32> to vector<16xf32>
      %swap3A_481 = vector.shape_cast %add3A_476 : vector<16xf32> to vector<1x16xf32>
      tpu.vector_store %arg18[%swap3A_477, %swap3A_478], %swap3A_481 {strides = array<i32>} : memref<16x1024xf32, #tpu.memory_space<vmem>>, vector<1x16xf32>,
      %get3A_482 = arith.constant 1 : i32
      %get3A_483 = arith.index_cast %get3A_482 : i32 to index
      %get3A_484 = arith.index_cast %mul3A_455 : i32 to index
      %get3A_485 = tpu.vector_load %arg18[%get3A_483, %get3A_484] {strides = array<i32>} : memref<16x1024xf32, #tpu.memory_space<vmem>>, vector<1x16xf32>,
      %get3A_486 = vector.shape_cast %get3A_485 : vector<1x16xf32> to vector<16xf32>
      %get3A_487 = arith.constant 1 : i32
      %get3A_488 = arith.index_cast %get3A_487 : i32 to index
      %get3A_489 = arith.index_cast %mul3A_455 : i32 to index
      %get3A_490 = tpu.vector_load %arg14[%get3A_488, %get3A_489] {strides = array<i32>} : memref<16x1024xf32, #tpu.memory_space<vmem>>, vector<1x16xf32>,
      %get3A_491 = vector.shape_cast %get3A_490 : vector<1x16xf32> to vector<16xf32>
      %mul3A_492 = vector.broadcast %squeeze3A_166 : f32 to vector<16xf32>
      %mul3A_493 = arith.mulf %mul3A_492, %get3A_491 : vector<16xf32>
      %add3A_494 = arith.addf %get3A_486, %mul3A_493 : vector<16xf32>
      %get3A_495 = arith.constant 1 : i32
      %get3A_496 = arith.index_cast %get3A_495 : i32 to index
      %get3A_497 = arith.index_cast %mul3A_455 : i32 to index
      %get3A_498 = tpu.vector_load %arg16[%get3A_496, %get3A_497] {strides = array<i32>} : memref<16x1024xf32, #tpu.memory_space<vmem>>, vector<1x16xf32>,
      %get3A_499 = vector.shape_cast %get3A_498 : vector<1x16xf32> to vector<16xf32>
      %mul3A_500 = vector.broadcast %squeeze3A_198 : f32 to vector<16xf32>
      %mul3A_501 = arith.mulf %mul3A_500, %get3A_499 : vector<16xf32>
      %add3A_502 = arith.addf %add3A_494, %mul3A_501 : vector<16xf32>
      %swap3A_503 = arith.constant 1 : i32
      %swap3A_504 = arith.index_cast %swap3A_503 : i32 to index
      %swap3A_505 = arith.index_cast %mul3A_455 : i32 to index
      %swap3A_506 = tpu.vector_load %arg18[%swap3A_504, %swap3A_505] {strides = array<i32>} : memref<16x1024xf32, #tpu.memory_space<vmem>>, vector<1x16xf32>,
      %swap3A_507 = vector.shape_cast %swap3A_506 : vector<1x16xf32> to vector<16xf32>
      %swap3A_508 = vector.shape_cast %add3A_502 : vector<16xf32> to vector<1x16xf32>
      tpu.vector_store %arg18[%swap3A_504, %swap3A_505], %swap3A_508 {strides = array<i32>} : memref<16x1024xf32, #tpu.memory_space<vmem>>, vector<1x16xf32>,
      %get3A_509 = arith.constant 2 : i32
      %get3A_510 = arith.index_cast %get3A_509 : i32 to index
      %get3A_511 = arith.index_cast %mul3A_455 : i32 to index
      %get3A_512 = tpu.vector_load %arg18[%get3A_510, %get3A_511] {strides = array<i32>} : memref<16x1024xf32, #tpu.memory_space<vmem>>, vector<1x16xf32>,
      %get3A_513 = vector.shape_cast %get3A_512 : vector<1x16xf32> to vector<16xf32>
      %get3A_514 = arith.constant 2 : i32
      %get3A_515 = arith.index_cast %get3A_514 : i32 to index
      %get3A_516 = arith.index_cast %mul3A_455 : i32 to index
      %get3A_517 = tpu.vector_load %arg14[%get3A_515, %get3A_516] {strides = array<i32>} : memref<16x1024xf32, #tpu.memory_space<vmem>>, vector<1x16xf32>,
      %get3A_518 = vector.shape_cast %get3A_517 : vector<1x16xf32> to vector<16xf32>
      %mul3A_519 = vector.broadcast %squeeze3A_168 : f32 to vector<16xf32>
      %mul3A_520 = arith.mulf %mul3A_519, %get3A_518 : vector<16xf32>
      %add3A_521 = arith.addf %get3A_513, %mul3A_520 : vector<16xf32>
      %get3A_522 = arith.constant 2 : i32
      %get3A_523 = arith.index_cast %get3A_522 : i32 to index
      %get3A_524 = arith.index_cast %mul3A_455 : i32 to index
      %get3A_525 = tpu.vector_load %arg16[%get3A_523, %get3A_524] {strides = array<i32>} : memref<16x1024xf32, #tpu.memory_space<vmem>>, vector<1x16xf32>,
      %get3A_526 = vector.shape_cast %get3A_525 : vector<1x16xf32> to vector<16xf32>
      %mul3A_527 = vector.broadcast %squeeze3A_200 : f32 to vector<16xf32>
      %mul3A_528 = arith.mulf %mul3A_527, %get3A_526 : vector<16xf32>
      %add3A_529 = arith.addf %add3A_521, %mul3A_528 : vector<16xf32>
      %swap3A_530 = arith.constant 2 : i32
      %swap3A_531 = arith.index_cast %swap3A_530 : i32 to index
      %swap3A_532 = arith.index_cast %mul3A_455 : i32 to index
      %swap3A_533 = tpu.vector_load %arg18[%swap3A_531, %swap3A_532] {strides = array<i32>} : memref<16x1024xf32, #tpu.memory_space<vmem>>, vector<1x16xf32>,
      %swap3A_534 = vector.shape_cast %swap3A_533 : vector<1x16xf32> to vector<16xf32>
      %swap3A_535 = vector.shape_cast %add3A_529 : vector<16xf32> to vector<1x16xf32>
      tpu.vector_store %arg18[%swap3A_531, %swap3A_532], %swap3A_535 {strides = array<i32>} : memref<16x1024xf32, #tpu.memory_space<vmem>>, vector<1x16xf32>,
      %get3A_536 = arith.constant 3 : i32
      %get3A_537 = arith.index_cast %get3A_536 : i32 to index
      %get3A_538 = arith.index_cast %mul3A_455 : i32 to index
      %get3A_539 = tpu.vector_load %arg18[%get3A_537, %get3A_538] {strides = array<i32>} : memref<16x1024xf32, #tpu.memory_space<vmem>>, vector<1x16xf32>,
      %get3A_540 = vector.shape_cast %get3A_539 : vector<1x16xf32> to vector<16xf32>
      %get3A_541 = arith.constant 3 : i32
      %get3A_542 = arith.index_cast %get3A_541 : i32 to index
      %get3A_543 = arith.index_cast %mul3A_455 : i32 to index
      %get3A_544 = tpu.vector_load %arg14[%get3A_542, %get3A_543] {strides = array<i32>} : memref<16x1024xf32, #tpu.memory_space<vmem>>, vector<1x16xf32>,
      %get3A_545 = vector.shape_cast %get3A_544 : vector<1x16xf32> to vector<16xf32>
      %mul3A_546 = vector.broadcast %squeeze3A_170 : f32 to vector<16xf32>
      %mul3A_547 = arith.mulf %mul3A_546, %get3A_545 : vector<16xf32>
      %add3A_548 = arith.addf %get3A_540, %mul3A_547 : vector<16xf32>
      %get3A_549 = arith.constant 3 : i32
      %get3A_550 = arith.index_cast %get3A_549 : i32 to index
      %get3A_551 = arith.index_cast %mul3A_455 : i32 to index
      %get3A_552 = tpu.vector_load %arg16[%get3A_550, %get3A_551] {strides = array<i32>} : memref<16x1024xf32, #tpu.memory_space<vmem>>, vector<1x16xf32>,
      %get3A_553 = vector.shape_cast %get3A_552 : vector<1x16xf32> to vector<16xf32>
      %mul3A_554 = vector.broadcast %squeeze3A_202 : f32 to vector<16xf32>
      %mul3A_555 = arith.mulf %mul3A_554, %get3A_553 : vector<16xf32>
      %add3A_556 = arith.addf %add3A_548, %mul3A_555 : vector<16xf32>
      %swap3A_557 = arith.constant 3 : i32
      %swap3A_558 = arith.index_cast %swap3A_557 : i32 to index
      %swap3A_559 = arith.index_cast %mul3A_455 : i32 to index
      %swap3A_560 = tpu.vector_load %arg18[%swap3A_558, %swap3A_559] {strides = array<i32>} : memref<16x1024xf32, #tpu.memory_space<vmem>>, vector<1x16xf32>,
      %swap3A_561 = vector.shape_cast %swap3A_560 : vector<1x16xf32> to vector<16xf32>
      %swap3A_562 = vector.shape_cast %add3A_556 : vector<16xf32> to vector<1x16xf32>
      tpu.vector_store %arg18[%swap3A_558, %swap3A_559], %swap3A_562 {strides = array<i32>} : memref<16x1024xf32, #tpu.memory_space<vmem>>, vector<1x16xf32>,
      %get3A_563 = arith.constant 4 : i32
      %get3A_564 = arith.index_cast %get3A_563 : i32 to index
      %get3A_565 = arith.index_cast %mul3A_455 : i32 to index
      %get3A_566 = tpu.vector_load %arg18[%get3A_564, %get3A_565] {strides = array<i32>} : memref<16x1024xf32, #tpu.memory_space<vmem>>, vector<1x16xf32>,
      %get3A_567 = vector.shape_cast %get3A_566 : vector<1x16xf32> to vector<16xf32>
      %get3A_568 = arith.constant 4 : i32
      %get3A_569 = arith.index_cast %get3A_568 : i32 to index
      %get3A_570 = arith.index_cast %mul3A_455 : i32 to index
      %get3A_571 = tpu.vector_load %arg14[%get3A_569, %get3A_570] {strides = array<i32>} : memref<16x1024xf32, #tpu.memory_space<vmem>>, vector<1x16xf32>,
      %get3A_572 = vector.shape_cast %get3A_571 : vector<1x16xf32> to vector<16xf32>
      %mul3A_573 = vector.broadcast %squeeze3A_172 : f32 to vector<16xf32>
      %mul3A_574 = arith.mulf %mul3A_573, %get3A_572 : vector<16xf32>
      %add3A_575 = arith.addf %get3A_567, %mul3A_574 : vector<16xf32>
      %get3A_576 = arith.constant 4 : i32
      %get3A_577 = arith.index_cast %get3A_576 : i32 to index
      %get3A_578 = arith.index_cast %mul3A_455 : i32 to index
      %get3A_579 = tpu.vector_load %arg16[%get3A_577, %get3A_578] {strides = array<i32>} : memref<16x1024xf32, #tpu.memory_space<vmem>>, vector<1x16xf32>,
      %get3A_580 = vector.shape_cast %get3A_579 : vector<1x16xf32> to vector<16xf32>
      %mul3A_581 = vector.broadcast %squeeze3A_204 : f32 to vector<16xf32>
      %mul3A_582 = arith.mulf %mul3A_581, %get3A_580 : vector<16xf32>
      %add3A_583 = arith.addf %add3A_575, %mul3A_582 : vector<16xf32>
      %swap3A_584 = arith.constant 4 : i32
      %swap3A_585 = arith.index_cast %swap3A_584 : i32 to index
      %swap3A_586 = arith.index_cast %mul3A_455 : i32 to index
      %swap3A_587 = tpu.vector_load %arg18[%swap3A_585, %swap3A_586] {strides = array<i32>} : memref<16x1024xf32, #tpu.memory_space<vmem>>, vector<1x16xf32>,
      %swap3A_588 = vector.shape_cast %swap3A_587 : vector<1x16xf32> to vector<16xf32>
      %swap3A_589 = vector.shape_cast %add3A_583 : vector<16xf32> to vector<1x16xf32>
      tpu.vector_store %arg18[%swap3A_585, %swap3A_586], %swap3A_589 {strides = array<i32>} : memref<16x1024xf32, #tpu.memory_space<vmem>>, vector<1x16xf32>,
      %get3A_590 = arith.constant 5 : i32
      %get3A_591 = arith.index_cast %get3A_590 : i32 to index
      %get3A_592 = arith.index_cast %mul3A_455 : i32 to index
      %get3A_593 = tpu.vector_load %arg18[%get3A_591, %get3A_592] {strides = array<i32>} : memref<16x1024xf32, #tpu.memory_space<vmem>>, vector<1x16xf32>,
      %get3A_594 = vector.shape_cast %get3A_593 : vector<1x16xf32> to vector<16xf32>
      %get3A_595 = arith.constant 5 : i32
      %get3A_596 = arith.index_cast %get3A_595 : i32 to index
      %get3A_597 = arith.index_cast %mul3A_455 : i32 to index
      %get3A_598 = tpu.vector_load %arg14[%get3A_596, %get3A_597] {strides = array<i32>} : memref<16x1024xf32, #tpu.memory_space<vmem>>, vector<1x16xf32>,
      %get3A_599 = vector.shape_cast %get3A_598 : vector<1x16xf32> to vector<16xf32>
      %mul3A_600 = vector.broadcast %squeeze3A_174 : f32 to vector<16xf32>
      %mul3A_601 = arith.mulf %mul3A_600, %get3A_599 : vector<16xf32>
      %add3A_602 = arith.addf %get3A_594, %mul3A_601 : vector<16xf32>
      %get3A_603 = arith.constant 5 : i32
      %get3A_604 = arith.index_cast %get3A_603 : i32 to index
      %get3A_605 = arith.index_cast %mul3A_455 : i32 to index
      %get3A_606 = tpu.vector_load %arg16[%get3A_604, %get3A_605] {strides = array<i32>} : memref<16x1024xf32, #tpu.memory_space<vmem>>, vector<1x16xf32>,
      %get3A_607 = vector.shape_cast %get3A_606 : vector<1x16xf32> to vector<16xf32>
      %mul3A_608 = vector.broadcast %squeeze3A_206 : f32 to vector<16xf32>
      %mul3A_609 = arith.mulf %mul3A_608, %get3A_607 : vector<16xf32>
      %add3A_610 = arith.addf %add3A_602, %mul3A_609 : vector<16xf32>
      %swap3A_611 = arith.constant 5 : i32
      %swap3A_612 = arith.index_cast %swap3A_611 : i32 to index
      %swap3A_613 = arith.index_cast %mul3A_455 : i32 to index
      %swap3A_614 = tpu.vector_load %arg18[%swap3A_612, %swap3A_613] {strides = array<i32>} : memref<16x1024xf32, #tpu.memory_space<vmem>>, vector<1x16xf32>,
      %swap3A_615 = vector.shape_cast %swap3A_614 : vector<1x16xf32> to vector<16xf32>
      %swap3A_616 = vector.shape_cast %add3A_610 : vector<16xf32> to vector<1x16xf32>
      tpu.vector_store %arg18[%swap3A_612, %swap3A_613], %swap3A_616 {strides = array<i32>} : memref<16x1024xf32, #tpu.memory_space<vmem>>, vector<1x16xf32>,
      %get3A_617 = arith.constant 6 : i32
      %get3A_618 = arith.index_cast %get3A_617 : i32 to index
      %get3A_619 = arith.index_cast %mul3A_455 : i32 to index
      %get3A_620 = tpu.vector_load %arg18[%get3A_618, %get3A_619] {strides = array<i32>} : memref<16x1024xf32, #tpu.memory_space<vmem>>, vector<1x16xf32>,
      %get3A_621 = vector.shape_cast %get3A_620 : vector<1x16xf32> to vector<16xf32>
      %get3A_622 = arith.constant 6 : i32
      %get3A_623 = arith.index_cast %get3A_622 : i32 to index
      %get3A_624 = arith.index_cast %mul3A_455 : i32 to index
      %get3A_625 = tpu.vector_load %arg14[%get3A_623, %get3A_624] {strides = array<i32>} : memref<16x1024xf32, #tpu.memory_space<vmem>>, vector<1x16xf32>,
      %get3A_626 = vector.shape_cast %get3A_625 : vector<1x16xf32> to vector<16xf32>
      %mul3A_627 = vector.broadcast %squeeze3A_176 : f32 to vector<16xf32>
      %mul3A_628 = arith.mulf %mul3A_627, %get3A_626 : vector<16xf32>
      %add3A_629 = arith.addf %get3A_621, %mul3A_628 : vector<16xf32>
      %get3A_630 = arith.constant 6 : i32
      %get3A_631 = arith.index_cast %get3A_630 : i32 to index
      %get3A_632 = arith.index_cast %mul3A_455 : i32 to index
      %get3A_633 = tpu.vector_load %arg16[%get3A_631, %get3A_632] {strides = array<i32>} : memref<16x1024xf32, #tpu.memory_space<vmem>>, vector<1x16xf32>,
      %get3A_634 = vector.shape_cast %get3A_633 : vector<1x16xf32> to vector<16xf32>
      %mul3A_635 = vector.broadcast %squeeze3A_208 : f32 to vector<16xf32>
      %mul3A_636 = arith.mulf %mul3A_635, %get3A_634 : vector<16xf32>
      %add3A_637 = arith.addf %add3A_629, %mul3A_636 : vector<16xf32>
      %swap3A_638 = arith.constant 6 : i32
      %swap3A_639 = arith.index_cast %swap3A_638 : i32 to index
      %swap3A_640 = arith.index_cast %mul3A_455 : i32 to index
      %swap3A_641 = tpu.vector_load %arg18[%swap3A_639, %swap3A_640] {strides = array<i32>} : memref<16x1024xf32, #tpu.memory_space<vmem>>, vector<1x16xf32>,
      %swap3A_642 = vector.shape_cast %swap3A_641 : vector<1x16xf32> to vector<16xf32>
      %swap3A_643 = vector.shape_cast %add3A_637 : vector<16xf32> to vector<1x16xf32>
      tpu.vector_store %arg18[%swap3A_639, %swap3A_640], %swap3A_643 {strides = array<i32>} : memref<16x1024xf32, #tpu.memory_space<vmem>>, vector<1x16xf32>,
      %get3A_644 = arith.constant 7 : i32
      %get3A_645 = arith.index_cast %get3A_644 : i32 to index
      %get3A_646 = arith.index_cast %mul3A_455 : i32 to index
      %get3A_647 = tpu.vector_load %arg18[%get3A_645, %get3A_646] {strides = array<i32>} : memref<16x1024xf32, #tpu.memory_space<vmem>>, vector<1x16xf32>,
      %get3A_648 = vector.shape_cast %get3A_647 : vector<1x16xf32> to vector<16xf32>
      %get3A_649 = arith.constant 7 : i32
      %get3A_650 = arith.index_cast %get3A_649 : i32 to index
      %get3A_651 = arith.index_cast %mul3A_455 : i32 to index
      %get3A_652 = tpu.vector_load %arg14[%get3A_650, %get3A_651] {strides = array<i32>} : memref<16x1024xf32, #tpu.memory_space<vmem>>, vector<1x16xf32>,
      %get3A_653 = vector.shape_cast %get3A_652 : vector<1x16xf32> to vector<16xf32>
      %mul3A_654 = vector.broadcast %squeeze3A_178 : f32 to vector<16xf32>
      %mul3A_655 = arith.mulf %mul3A_654, %get3A_653 : vector<16xf32>
      %add3A_656 = arith.addf %get3A_648, %mul3A_655 : vector<16xf32>
      %get3A_657 = arith.constant 7 : i32
      %get3A_658 = arith.index_cast %get3A_657 : i32 to index
      %get3A_659 = arith.index_cast %mul3A_455 : i32 to index
      %get3A_660 = tpu.vector_load %arg16[%get3A_658, %get3A_659] {strides = array<i32>} : memref<16x1024xf32, #tpu.memory_space<vmem>>, vector<1x16xf32>,
      %get3A_661 = vector.shape_cast %get3A_660 : vector<1x16xf32> to vector<16xf32>
      %mul3A_662 = vector.broadcast %squeeze3A_210 : f32 to vector<16xf32>
      %mul3A_663 = arith.mulf %mul3A_662, %get3A_661 : vector<16xf32>
      %add3A_664 = arith.addf %add3A_656, %mul3A_663 : vector<16xf32>
      %swap3A_665 = arith.constant 7 : i32
      %swap3A_666 = arith.index_cast %swap3A_665 : i32 to index
      %swap3A_667 = arith.index_cast %mul3A_455 : i32 to index
      %swap3A_668 = tpu.vector_load %arg18[%swap3A_666, %swap3A_667] {strides = array<i32>} : memref<16x1024xf32, #tpu.memory_space<vmem>>, vector<1x16xf32>,
      %swap3A_669 = vector.shape_cast %swap3A_668 : vector<1x16xf32> to vector<16xf32>
      %swap3A_670 = vector.shape_cast %add3A_664 : vector<16xf32> to vector<1x16xf32>
      tpu.vector_store %arg18[%swap3A_666, %swap3A_667], %swap3A_670 {strides = array<i32>} : memref<16x1024xf32, #tpu.memory_space<vmem>>, vector<1x16xf32>,
      %get3A_671 = arith.constant 8 : i32
      %get3A_672 = arith.index_cast %get3A_671 : i32 to index
      %get3A_673 = arith.index_cast %mul3A_455 : i32 to index
      %get3A_674 = tpu.vector_load %arg18[%get3A_672, %get3A_673] {strides = array<i32>} : memref<16x1024xf32, #tpu.memory_space<vmem>>, vector<1x16xf32>,
      %get3A_675 = vector.shape_cast %get3A_674 : vector<1x16xf32> to vector<16xf32>
      %get3A_676 = arith.constant 8 : i32
      %get3A_677 = arith.index_cast %get3A_676 : i32 to index
      %get3A_678 = arith.index_cast %mul3A_455 : i32 to index
      %get3A_679 = tpu.vector_load %arg14[%get3A_677, %get3A_678] {strides = array<i32>} : memref<16x1024xf32, #tpu.memory_space<vmem>>, vector<1x16xf32>,
      %get3A_680 = vector.shape_cast %get3A_679 : vector<1x16xf32> to vector<16xf32>
      %mul3A_681 = vector.broadcast %squeeze3A_180 : f32 to vector<16xf32>
      %mul3A_682 = arith.mulf %mul3A_681, %get3A_680 : vector<16xf32>
      %add3A_683 = arith.addf %get3A_675, %mul3A_682 : vector<16xf32>
      %get3A_684 = arith.constant 8 : i32
      %get3A_685 = arith.index_cast %get3A_684 : i32 to index
      %get3A_686 = arith.index_cast %mul3A_455 : i32 to index
      %get3A_687 = tpu.vector_load %arg16[%get3A_685, %get3A_686] {strides = array<i32>} : memref<16x1024xf32, #tpu.memory_space<vmem>>, vector<1x16xf32>,
      %get3A_688 = vector.shape_cast %get3A_687 : vector<1x16xf32> to vector<16xf32>
      %mul3A_689 = vector.broadcast %squeeze3A_212 : f32 to vector<16xf32>
      %mul3A_690 = arith.mulf %mul3A_689, %get3A_688 : vector<16xf32>
      %add3A_691 = arith.addf %add3A_683, %mul3A_690 : vector<16xf32>
      %swap3A_692 = arith.constant 8 : i32
      %swap3A_693 = arith.index_cast %swap3A_692 : i32 to index
      %swap3A_694 = arith.index_cast %mul3A_455 : i32 to index
      %swap3A_695 = tpu.vector_load %arg18[%swap3A_693, %swap3A_694] {strides = array<i32>} : memref<16x1024xf32, #tpu.memory_space<vmem>>, vector<1x16xf32>,
      %swap3A_696 = vector.shape_cast %swap3A_695 : vector<1x16xf32> to vector<16xf32>
      %swap3A_697 = vector.shape_cast %add3A_691 : vector<16xf32> to vector<1x16xf32>
      tpu.vector_store %arg18[%swap3A_693, %swap3A_694], %swap3A_697 {strides = array<i32>} : memref<16x1024xf32, #tpu.memory_space<vmem>>, vector<1x16xf32>,
      %get3A_698 = arith.constant 9 : i32
      %get3A_699 = arith.index_cast %get3A_698 : i32 to index
      %get3A_700 = arith.index_cast %mul3A_455 : i32 to index
      %get3A_701 = tpu.vector_load %arg18[%get3A_699, %get3A_700] {strides = array<i32>} : memref<16x1024xf32, #tpu.memory_space<vmem>>, vector<1x16xf32>,
      %get3A_702 = vector.shape_cast %get3A_701 : vector<1x16xf32> to vector<16xf32>
      %get3A_703 = arith.constant 9 : i32
      %get3A_704 = arith.index_cast %get3A_703 : i32 to index
      %get3A_705 = arith.index_cast %mul3A_455 : i32 to index
      %get3A_706 = tpu.vector_load %arg14[%get3A_704, %get3A_705] {strides = array<i32>} : memref<16x1024xf32, #tpu.memory_space<vmem>>, vector<1x16xf32>,
      %get3A_707 = vector.shape_cast %get3A_706 : vector<1x16xf32> to vector<16xf32>
      %mul3A_708 = vector.broadcast %squeeze3A_182 : f32 to vector<16xf32>
      %mul3A_709 = arith.mulf %mul3A_708, %get3A_707 : vector<16xf32>
      %add3A_710 = arith.addf %get3A_702, %mul3A_709 : vector<16xf32>
      %get3A_711 = arith.constant 9 : i32
      %get3A_712 = arith.index_cast %get3A_711 : i32 to index
      %get3A_713 = arith.index_cast %mul3A_455 : i32 to index
      %get3A_714 = tpu.vector_load %arg16[%get3A_712, %get3A_713] {strides = array<i32>} : memref<16x1024xf32, #tpu.memory_space<vmem>>, vector<1x16xf32>,
      %get3A_715 = vector.shape_cast %get3A_714 : vector<1x16xf32> to vector<16xf32>
      %mul3A_716 = vector.broadcast %squeeze3A_214 : f32 to vector<16xf32>
      %mul3A_717 = arith.mulf %mul3A_716, %get3A_715 : vector<16xf32>
      %add3A_718 = arith.addf %add3A_710, %mul3A_717 : vector<16xf32>
      %swap3A_719 = arith.constant 9 : i32
      %swap3A_720 = arith.index_cast %swap3A_719 : i32 to index
      %swap3A_721 = arith.index_cast %mul3A_455 : i32 to index
      %swap3A_722 = tpu.vector_load %arg18[%swap3A_720, %swap3A_721] {strides = array<i32>} : memref<16x1024xf32, #tpu.memory_space<vmem>>, vector<1x16xf32>,
      %swap3A_723 = vector.shape_cast %swap3A_722 : vector<1x16xf32> to vector<16xf32>
      %swap3A_724 = vector.shape_cast %add3A_718 : vector<16xf32> to vector<1x16xf32>
      tpu.vector_store %arg18[%swap3A_720, %swap3A_721], %swap3A_724 {strides = array<i32>} : memref<16x1024xf32, #tpu.memory_space<vmem>>, vector<1x16xf32>,
      %get3A_725 = arith.constant 10 : i32
      %get3A_726 = arith.index_cast %get3A_725 : i32 to index
      %get3A_727 = arith.index_cast %mul3A_455 : i32 to index
      %get3A_728 = tpu.vector_load %arg18[%get3A_726, %get3A_727] {strides = array<i32>} : memref<16x1024xf32, #tpu.memory_space<vmem>>, vector<1x16xf32>,
      %get3A_729 = vector.shape_cast %get3A_728 : vector<1x16xf32> to vector<16xf32>
      %get3A_730 = arith.constant 10 : i32
      %get3A_731 = arith.index_cast %get3A_730 : i32 to index
      %get3A_732 = arith.index_cast %mul3A_455 : i32 to index
      %get3A_733 = tpu.vector_load %arg14[%get3A_731, %get3A_732] {strides = array<i32>} : memref<16x1024xf32, #tpu.memory_space<vmem>>, vector<1x16xf32>,
      %get3A_734 = vector.shape_cast %get3A_733 : vector<1x16xf32> to vector<16xf32>
      %mul3A_735 = vector.broadcast %squeeze3A_184 : f32 to vector<16xf32>
      %mul3A_736 = arith.mulf %mul3A_735, %get3A_734 : vector<16xf32>
      %add3A_737 = arith.addf %get3A_729, %mul3A_736 : vector<16xf32>
      %get3A_738 = arith.constant 10 : i32
      %get3A_739 = arith.index_cast %get3A_738 : i32 to index
      %get3A_740 = arith.index_cast %mul3A_455 : i32 to index
      %get3A_741 = tpu.vector_load %arg16[%get3A_739, %get3A_740] {strides = array<i32>} : memref<16x1024xf32, #tpu.memory_space<vmem>>, vector<1x16xf32>,
      %get3A_742 = vector.shape_cast %get3A_741 : vector<1x16xf32> to vector<16xf32>
      %mul3A_743 = vector.broadcast %squeeze3A_216 : f32 to vector<16xf32>
      %mul3A_744 = arith.mulf %mul3A_743, %get3A_742 : vector<16xf32>
      %add3A_745 = arith.addf %add3A_737, %mul3A_744 : vector<16xf32>
      %swap3A_746 = arith.constant 10 : i32
      %swap3A_747 = arith.index_cast %swap3A_746 : i32 to index
      %swap3A_748 = arith.index_cast %mul3A_455 : i32 to index
      %swap3A_749 = tpu.vector_load %arg18[%swap3A_747, %swap3A_748] {strides = array<i32>} : memref<16x1024xf32, #tpu.memory_space<vmem>>, vector<1x16xf32>,
      %swap3A_750 = vector.shape_cast %swap3A_749 : vector<1x16xf32> to vector<16xf32>
      %swap3A_751 = vector.shape_cast %add3A_745 : vector<16xf32> to vector<1x16xf32>
      tpu.vector_store %arg18[%swap3A_747, %swap3A_748], %swap3A_751 {strides = array<i32>} : memref<16x1024xf32, #tpu.memory_space<vmem>>, vector<1x16xf32>,
      %get3A_752 = arith.constant 11 : i32
      %get3A_753 = arith.index_cast %get3A_752 : i32 to index
      %get3A_754 = arith.index_cast %mul3A_455 : i32 to index
      %get3A_755 = tpu.vector_load %arg18[%get3A_753, %get3A_754] {strides = array<i32>} : memref<16x1024xf32, #tpu.memory_space<vmem>>, vector<1x16xf32>,
      %get3A_756 = vector.shape_cast %get3A_755 : vector<1x16xf32> to vector<16xf32>
      %get3A_757 = arith.constant 11 : i32
      %get3A_758 = arith.index_cast %get3A_757 : i32 to index
      %get3A_759 = arith.index_cast %mul3A_455 : i32 to index
      %get3A_760 = tpu.vector_load %arg14[%get3A_758, %get3A_759] {strides = array<i32>} : memref<16x1024xf32, #tpu.memory_space<vmem>>, vector<1x16xf32>,
      %get3A_761 = vector.shape_cast %get3A_760 : vector<1x16xf32> to vector<16xf32>
      %mul3A_762 = vector.broadcast %squeeze3A_186 : f32 to vector<16xf32>
      %mul3A_763 = arith.mulf %mul3A_762, %get3A_761 : vector<16xf32>
      %add3A_764 = arith.addf %get3A_756, %mul3A_763 : vector<16xf32>
      %get3A_765 = arith.constant 11 : i32
      %get3A_766 = arith.index_cast %get3A_765 : i32 to index
      %get3A_767 = arith.index_cast %mul3A_455 : i32 to index
      %get3A_768 = tpu.vector_load %arg16[%get3A_766, %get3A_767] {strides = array<i32>} : memref<16x1024xf32, #tpu.memory_space<vmem>>, vector<1x16xf32>,
      %get3A_769 = vector.shape_cast %get3A_768 : vector<1x16xf32> to vector<16xf32>
      %mul3A_770 = vector.broadcast %squeeze3A_218 : f32 to vector<16xf32>
      %mul3A_771 = arith.mulf %mul3A_770, %get3A_769 : vector<16xf32>
      %add3A_772 = arith.addf %add3A_764, %mul3A_771 : vector<16xf32>
      %swap3A_773 = arith.constant 11 : i32
      %swap3A_774 = arith.index_cast %swap3A_773 : i32 to index
      %swap3A_775 = arith.index_cast %mul3A_455 : i32 to index
      %swap3A_776 = tpu.vector_load %arg18[%swap3A_774, %swap3A_775] {strides = array<i32>} : memref<16x1024xf32, #tpu.memory_space<vmem>>, vector<1x16xf32>,
      %swap3A_777 = vector.shape_cast %swap3A_776 : vector<1x16xf32> to vector<16xf32>
      %swap3A_778 = vector.shape_cast %add3A_772 : vector<16xf32> to vector<1x16xf32>
      tpu.vector_store %arg18[%swap3A_774, %swap3A_775], %swap3A_778 {strides = array<i32>} : memref<16x1024xf32, #tpu.memory_space<vmem>>, vector<1x16xf32>,
      %get3A_779 = arith.constant 12 : i32
      %get3A_780 = arith.index_cast %get3A_779 : i32 to index
      %get3A_781 = arith.index_cast %mul3A_455 : i32 to index
      %get3A_782 = tpu.vector_load %arg18[%get3A_780, %get3A_781] {strides = array<i32>} : memref<16x1024xf32, #tpu.memory_space<vmem>>, vector<1x16xf32>,
      %get3A_783 = vector.shape_cast %get3A_782 : vector<1x16xf32> to vector<16xf32>
      %get3A_784 = arith.constant 12 : i32
      %get3A_785 = arith.index_cast %get3A_784 : i32 to index
      %get3A_786 = arith.index_cast %mul3A_455 : i32 to index
      %get3A_787 = tpu.vector_load %arg14[%get3A_785, %get3A_786] {strides = array<i32>} : memref<16x1024xf32, #tpu.memory_space<vmem>>, vector<1x16xf32>,
      %get3A_788 = vector.shape_cast %get3A_787 : vector<1x16xf32> to vector<16xf32>
      %mul3A_789 = vector.broadcast %squeeze3A_188 : f32 to vector<16xf32>
      %mul3A_790 = arith.mulf %mul3A_789, %get3A_788 : vector<16xf32>
      %add3A_791 = arith.addf %get3A_783, %mul3A_790 : vector<16xf32>
      %get3A_792 = arith.constant 12 : i32
      %get3A_793 = arith.index_cast %get3A_792 : i32 to index
      %get3A_794 = arith.index_cast %mul3A_455 : i32 to index
      %get3A_795 = tpu.vector_load %arg16[%get3A_793, %get3A_794] {strides = array<i32>} : memref<16x1024xf32, #tpu.memory_space<vmem>>, vector<1x16xf32>,
      %get3A_796 = vector.shape_cast %get3A_795 : vector<1x16xf32> to vector<16xf32>
      %mul3A_797 = vector.broadcast %squeeze3A_220 : f32 to vector<16xf32>
      %mul3A_798 = arith.mulf %mul3A_797, %get3A_796 : vector<16xf32>
      %add3A_799 = arith.addf %add3A_791, %mul3A_798 : vector<16xf32>
      %swap3A_800 = arith.constant 12 : i32
      %swap3A_801 = arith.index_cast %swap3A_800 : i32 to index
      %swap3A_802 = arith.index_cast %mul3A_455 : i32 to index
      %swap3A_803 = tpu.vector_load %arg18[%swap3A_801, %swap3A_802] {strides = array<i32>} : memref<16x1024xf32, #tpu.memory_space<vmem>>, vector<1x16xf32>,
      %swap3A_804 = vector.shape_cast %swap3A_803 : vector<1x16xf32> to vector<16xf32>
      %swap3A_805 = vector.shape_cast %add3A_799 : vector<16xf32> to vector<1x16xf32>
      tpu.vector_store %arg18[%swap3A_801, %swap3A_802], %swap3A_805 {strides = array<i32>} : memref<16x1024xf32, #tpu.memory_space<vmem>>, vector<1x16xf32>,
      %get3A_806 = arith.constant 13 : i32
      %get3A_807 = arith.index_cast %get3A_806 : i32 to index
      %get3A_808 = arith.index_cast %mul3A_455 : i32 to index
      %get3A_809 = tpu.vector_load %arg18[%get3A_807, %get3A_808] {strides = array<i32>} : memref<16x1024xf32, #tpu.memory_space<vmem>>, vector<1x16xf32>,
      %get3A_810 = vector.shape_cast %get3A_809 : vector<1x16xf32> to vector<16xf32>
      %get3A_811 = arith.constant 13 : i32
      %get3A_812 = arith.index_cast %get3A_811 : i32 to index
      %get3A_813 = arith.index_cast %mul3A_455 : i32 to index
      %get3A_814 = tpu.vector_load %arg14[%get3A_812, %get3A_813] {strides = array<i32>} : memref<16x1024xf32, #tpu.memory_space<vmem>>, vector<1x16xf32>,
      %get3A_815 = vector.shape_cast %get3A_814 : vector<1x16xf32> to vector<16xf32>
      %mul3A_816 = vector.broadcast %squeeze3A_190 : f32 to vector<16xf32>
      %mul3A_817 = arith.mulf %mul3A_816, %get3A_815 : vector<16xf32>
      %add3A_818 = arith.addf %get3A_810, %mul3A_817 : vector<16xf32>
      %get3A_819 = arith.constant 13 : i32
      %get3A_820 = arith.index_cast %get3A_819 : i32 to index
      %get3A_821 = arith.index_cast %mul3A_455 : i32 to index
      %get3A_822 = tpu.vector_load %arg16[%get3A_820, %get3A_821] {strides = array<i32>} : memref<16x1024xf32, #tpu.memory_space<vmem>>, vector<1x16xf32>,
      %get3A_823 = vector.shape_cast %get3A_822 : vector<1x16xf32> to vector<16xf32>
      %mul3A_824 = vector.broadcast %squeeze3A_222 : f32 to vector<16xf32>
      %mul3A_825 = arith.mulf %mul3A_824, %get3A_823 : vector<16xf32>
      %add3A_826 = arith.addf %add3A_818, %mul3A_825 : vector<16xf32>
      %swap3A_827 = arith.constant 13 : i32
      %swap3A_828 = arith.index_cast %swap3A_827 : i32 to index
      %swap3A_829 = arith.index_cast %mul3A_455 : i32 to index
      %swap3A_830 = tpu.vector_load %arg18[%swap3A_828, %swap3A_829] {strides = array<i32>} : memref<16x1024xf32, #tpu.memory_space<vmem>>, vector<1x16xf32>,
      %swap3A_831 = vector.shape_cast %swap3A_830 : vector<1x16xf32> to vector<16xf32>
      %swap3A_832 = vector.shape_cast %add3A_826 : vector<16xf32> to vector<1x16xf32>
      tpu.vector_store %arg18[%swap3A_828, %swap3A_829], %swap3A_832 {strides = array<i32>} : memref<16x1024xf32, #tpu.memory_space<vmem>>, vector<1x16xf32>,
      %get3A_833 = arith.constant 14 : i32
      %get3A_834 = arith.index_cast %get3A_833 : i32 to index
      %get3A_835 = arith.index_cast %mul3A_455 : i32 to index
      %get3A_836 = tpu.vector_load %arg18[%get3A_834, %get3A_835] {strides = array<i32>} : memref<16x1024xf32, #tpu.memory_space<vmem>>, vector<1x16xf32>,
      %get3A_837 = vector.shape_cast %get3A_836 : vector<1x16xf32> to vector<16xf32>
      %get3A_838 = arith.constant 14 : i32
      %get3A_839 = arith.index_cast %get3A_838 : i32 to index
      %get3A_840 = arith.index_cast %mul3A_455 : i32 to index
      %get3A_841 = tpu.vector_load %arg14[%get3A_839, %get3A_840] {strides = array<i32>} : memref<16x1024xf32, #tpu.memory_space<vmem>>, vector<1x16xf32>,
      %get3A_842 = vector.shape_cast %get3A_841 : vector<1x16xf32> to vector<16xf32>
      %mul3A_843 = vector.broadcast %squeeze3A_192 : f32 to vector<16xf32>
      %mul3A_844 = arith.mulf %mul3A_843, %get3A_842 : vector<16xf32>
      %add3A_845 = arith.addf %get3A_837, %mul3A_844 : vector<16xf32>
      %get3A_846 = arith.constant 14 : i32
      %get3A_847 = arith.index_cast %get3A_846 : i32 to index
      %get3A_848 = arith.index_cast %mul3A_455 : i32 to index
      %get3A_849 = tpu.vector_load %arg16[%get3A_847, %get3A_848] {strides = array<i32>} : memref<16x1024xf32, #tpu.memory_space<vmem>>, vector<1x16xf32>,
      %get3A_850 = vector.shape_cast %get3A_849 : vector<1x16xf32> to vector<16xf32>
      %mul3A_851 = vector.broadcast %squeeze3A_224 : f32 to vector<16xf32>
      %mul3A_852 = arith.mulf %mul3A_851, %get3A_850 : vector<16xf32>
      %add3A_853 = arith.addf %add3A_845, %mul3A_852 : vector<16xf32>
      %swap3A_854 = arith.constant 14 : i32
      %swap3A_855 = arith.index_cast %swap3A_854 : i32 to index
      %swap3A_856 = arith.index_cast %mul3A_455 : i32 to index
      %swap3A_857 = tpu.vector_load %arg18[%swap3A_855, %swap3A_856] {strides = array<i32>} : memref<16x1024xf32, #tpu.memory_space<vmem>>, vector<1x16xf32>,
      %swap3A_858 = vector.shape_cast %swap3A_857 : vector<1x16xf32> to vector<16xf32>
      %swap3A_859 = vector.shape_cast %add3A_853 : vector<16xf32> to vector<1x16xf32>
      tpu.vector_store %arg18[%swap3A_855, %swap3A_856], %swap3A_859 {strides = array<i32>} : memref<16x1024xf32, #tpu.memory_space<vmem>>, vector<1x16xf32>,
      %get3A_860 = arith.constant 15 : i32
      %get3A_861 = arith.index_cast %get3A_860 : i32 to index
      %get3A_862 = arith.index_cast %mul3A_455 : i32 to index
      %get3A_863 = tpu.vector_load %arg18[%get3A_861, %get3A_862] {strides = array<i32>} : memref<16x1024xf32, #tpu.memory_space<vmem>>, vector<1x16xf32>,
      %get3A_864 = vector.shape_cast %get3A_863 : vector<1x16xf32> to vector<16xf32>
      %get3A_865 = arith.constant 15 : i32
      %get3A_866 = arith.index_cast %get3A_865 : i32 to index
      %get3A_867 = arith.index_cast %mul3A_455 : i32 to index
      %get3A_868 = tpu.vector_load %arg14[%get3A_866, %get3A_867] {strides = array<i32>} : memref<16x1024xf32, #tpu.memory_space<vmem>>, vector<1x16xf32>,
      %get3A_869 = vector.shape_cast %get3A_868 : vector<1x16xf32> to vector<16xf32>
      %mul3A_870 = vector.broadcast %squeeze3A_194 : f32 to vector<16xf32>
      %mul3A_871 = arith.mulf %mul3A_870, %get3A_869 : vector<16xf32>
      %add3A_872 = arith.addf %get3A_864, %mul3A_871 : vector<16xf32>
      %get3A_873 = arith.constant 15 : i32
      %get3A_874 = arith.index_cast %get3A_873 : i32 to index
      %get3A_875 = arith.index_cast %mul3A_455 : i32 to index
      %get3A_876 = tpu.vector_load %arg16[%get3A_874, %get3A_875] {strides = array<i32>} : memref<16x1024xf32, #tpu.memory_space<vmem>>, vector<1x16xf32>,
      %get3A_877 = vector.shape_cast %get3A_876 : vector<1x16xf32> to vector<16xf32>
      %mul3A_878 = vector.broadcast %squeeze3A_226 : f32 to vector<16xf32>
      %mul3A_879 = arith.mulf %mul3A_878, %get3A_877 : vector<16xf32>
      %add3A_880 = arith.addf %add3A_872, %mul3A_879 : vector<16xf32>
      %swap3A_881 = arith.constant 15 : i32
      %swap3A_882 = arith.index_cast %swap3A_881 : i32 to index
      %swap3A_883 = arith.index_cast %mul3A_455 : i32 to index
      %swap3A_884 = tpu.vector_load %arg18[%swap3A_882, %swap3A_883] {strides = array<i32>} : memref<16x1024xf32, #tpu.memory_space<vmem>>, vector<1x16xf32>,
      %swap3A_885 = vector.shape_cast %swap3A_884 : vector<1x16xf32> to vector<16xf32>
      %swap3A_886 = vector.shape_cast %add3A_880 : vector<16xf32> to vector<1x16xf32>
      tpu.vector_store %arg18[%swap3A_882, %swap3A_883], %swap3A_886 {strides = array<i32>} : memref<16x1024xf32, #tpu.memory_space<vmem>>, vector<1x16xf32>,
    }
    %scan3A_232 = arith.constant 64 : i32
    %add3A_233 = arith.constant 16 : i32
    %add3A_234 = arith.addi %mul3A_2, %add3A_233 : i32
    %dma_start3A_235 = arith.constant 0 : i32
    %dma_start3A_236 = tpu.memref_slice %arg8[%add3A_234, %dma_start3A_235] : memref<2048x1024xf32, #tpu.memory_space<hbm>> -> memref<16x1024xf32, #tpu.memory_space<hbm>>
    %dma_start3A_237 = arith.constant 0 : i32
    %dma_start3A_238 = tpu.memref_slice %arg8[%add3A_234, %dma_start3A_237] : memref<2048x1024xf32, #tpu.memory_space<hbm>> -> memref<16x1024xf32, #tpu.memory_space<hbm>>
    tpu.enqueue_dma source(%arg18 : memref<16x1024xf32, #tpu.memory_space<vmem>>) target(%dma_start3A_238 : memref<16x1024xf32, #tpu.memory_space<hbm>>) target_semaphore(%arg26 : memref<!tpu.dma_semaphore, #tpu.memory_space<semaphore_mem>>)
    %dma_wait3A_239 = arith.constant 0 : i32
    %dma_wait3A_240 = arith.constant 0 : i32
    %dma_wait3A_241 = tpu.memref_slice %arg2[%dma_wait3A_239, %dma_wait3A_240] : memref<4096x1024xf32, #tpu.memory_space<hbm>> -> memref<4096x1024xf32, #tpu.memory_space<hbm>>
    tpu.wait_indirect_dma semaphore(%arg19 : memref<!tpu.dma_semaphore, #tpu.memory_space<semaphore_mem>>) src(%dma_wait3A_241 : memref<4096x1024xf32, #tpu.memory_space<hbm>>) dst(%arg13 : memref<16x1024xf32, #tpu.memory_space<vmem>>)
    %dma_wait3A_242 = arith.constant 0 : i32
    %dma_wait3A_243 = arith.constant 0 : i32
    %dma_wait3A_244 = tpu.memref_slice %arg2[%dma_wait3A_242, %dma_wait3A_243] : memref<4096x1024xf32, #tpu.memory_space<hbm>> -> memref<4096x1024xf32, #tpu.memory_space<hbm>>
    tpu.wait_indirect_dma semaphore(%arg21 : memref<!tpu.dma_semaphore, #tpu.memory_space<semaphore_mem>>) src(%dma_wait3A_244 : memref<4096x1024xf32, #tpu.memory_space<hbm>>) dst(%arg15 : memref<16x1024xf32, #tpu.memory_space<vmem>>)
    %dma_wait3A_245 = arith.constant 0 : i32
    %dma_wait3A_246 = tpu.memref_slice %arg7[%add3A_152, %dma_wait3A_245] : memref<2048x1024xf32, #tpu.memory_space<hbm>> -> memref<16x1024xf32, #tpu.memory_space<hbm>>
    %dma_wait3A_247 = arith.constant 0 : i32
    %dma_wait3A_248 = tpu.memref_slice %arg7[%add3A_152, %dma_wait3A_247] : memref<2048x1024xf32, #tpu.memory_space<hbm>> -> memref<16x1024xf32, #tpu.memory_space<hbm>>
    tpu.wait_dma2 semaphore(%arg23 : memref<!tpu.dma_semaphore, #tpu.memory_space<semaphore_mem>>) src(%dma_wait3A_248 : memref<16x1024xf32, #tpu.memory_space<hbm>>) dst(%arg17 : memref<16x1024xf32, #tpu.memory_space<vmem>>)
    %dma_wait3A_249 = arith.constant 0 : i32
    %dma_wait3A_250 = tpu.memref_slice %arg8[%add3A_234, %dma_wait3A_249] : memref<2048x1024xf32, #tpu.memory_space<hbm>> -> memref<16x1024xf32, #tpu.memory_space<hbm>>
    %dma_wait3A_251 = arith.constant 0 : i32
    %dma_wait3A_252 = tpu.memref_slice %arg8[%add3A_234, %dma_wait3A_251] : memref<2048x1024xf32, #tpu.memory_space<hbm>> -> memref<16x1024xf32, #tpu.memory_space<hbm>>
    tpu.wait_dma2 semaphore(%arg26 : memref<!tpu.dma_semaphore, #tpu.memory_space<semaphore_mem>>) src(%arg18 : memref<16x1024xf32, #tpu.memory_space<vmem>>) dst(%dma_wait3A_252 : memref<16x1024xf32, #tpu.memory_space<hbm>>)
    %get3A_253 = arith.constant 48 : index
    %get3A_254 = tpu.vector_load %arg9[%get3A_253] {strides = array<i32>} : memref<64xi32, #tpu.memory_space<vmem>>, vector<16xi32>,
    %get3A_255 = vector.shape_cast %get3A_254 : vector<16xi32> to vector<16xi32>
    %dma_start3A_256 = arith.constant 0 : i32
    %dma_start3A_257 = arith.constant 0 : i32
    %dma_start3A_258 = tpu.memref_slice %arg2[%dma_start3A_256, %dma_start3A_257] : memref<4096x1024xf32, #tpu.memory_space<hbm>> -> memref<4096x1024xf32, #tpu.memory_space<hbm>>
    tpu.enqueue_indirect_dma source(%dma_start3A_258 : memref<4096x1024xf32, #tpu.memory_space<hbm>>) target(%arg14 : memref<16x1024xf32, #tpu.memory_space<vmem>>) offsets(%get3A_255 : vector<16xi32>) semaphore(%arg20 : memref<!tpu.dma_semaphore, #tpu.memory_space<semaphore_mem>>)
    %get3A_259 = arith.constant 48 : index
    %get3A_260 = tpu.vector_load %arg10[%get3A_259] {strides = array<i32>} : memref<64xi32, #tpu.memory_space<vmem>>, vector<16xi32>,
    %get3A_261 = vector.shape_cast %get3A_260 : vector<16xi32> to vector<16xi32>
    %dma_start3A_262 = arith.constant 0 : i32
    %dma_start3A_263 = arith.constant 0 : i32
    %dma_start3A_264 = tpu.memref_slice %arg2[%dma_start3A_262, %dma_start3A_263] : memref<4096x1024xf32, #tpu.memory_space<hbm>> -> memref<4096x1024xf32, #tpu.memory_space<hbm>>
    tpu.enqueue_indirect_dma source(%dma_start3A_264 : memref<4096x1024xf32, #tpu.memory_space<hbm>>) target(%arg16 : memref<16x1024xf32, #tpu.memory_space<vmem>>) offsets(%get3A_261 : vector<16xi32>) semaphore(%arg22 : memref<!tpu.dma_semaphore, #tpu.memory_space<semaphore_mem>>)
    %add3A_265 = arith.constant 48 : i32
    %add3A_266 = arith.addi %mul3A_2, %add3A_265 : i32
    %dma_start3A_267 = arith.constant 0 : i32
    %dma_start3A_268 = tpu.memref_slice %arg7[%add3A_266, %dma_start3A_267] : memref<2048x1024xf32, #tpu.memory_space<hbm>> -> memref<16x1024xf32, #tpu.memory_space<hbm>>
    %dma_start3A_269 = arith.constant 0 : i32
    %dma_start3A_270 = tpu.memref_slice %arg7[%add3A_266, %dma_start3A_269] : memref<2048x1024xf32, #tpu.memory_space<hbm>> -> memref<16x1024xf32, #tpu.memory_space<hbm>>
    tpu.enqueue_dma source(%dma_start3A_270 : memref<16x1024xf32, #tpu.memory_space<hbm>>) target(%arg18 : memref<16x1024xf32, #tpu.memory_space<vmem>>) target_semaphore(%arg24 : memref<!tpu.dma_semaphore, #tpu.memory_space<semaphore_mem>>)
    %get3A_271 = arith.constant 32 : index
    %get3A_272 = tpu.vector_load %arg11[%get3A_271] {strides = array<i32>} : memref<64xf32, #tpu.memory_space<vmem>>, vector<16xf32>,
    %get3A_273 = vector.shape_cast %get3A_272 : vector<16xf32> to vector<16xf32>
    %get3A_274 = arith.constant 32 : index
    %get3A_275 = tpu.vector_load %arg12[%get3A_274] {strides = array<i32>} : memref<64xf32, #tpu.memory_space<vmem>>, vector<16xf32>,
    %get3A_276 = vector.shape_cast %get3A_275 : vector<16xf32> to vector<16xf32>
    %slice3A_277 = vector.extract_strided_slice %get3A_273 {offsets = [0], sizes = [1], strides = [1]} : vector<16xf32> to vector<1xf32>
    %squeeze3A_278 = vector.extract %slice3A_277[0] : f32 from vector<1xf32>
    %slice3A_279 = vector.extract_strided_slice %get3A_273 {offsets = [1], sizes = [1], strides = [1]} : vector<16xf32> to vector<1xf32>
    %squeeze3A_280 = vector.extract %slice3A_279[0] : f32 from vector<1xf32>
    %slice3A_281 = vector.extract_strided_slice %get3A_273 {offsets = [2], sizes = [1], strides = [1]} : vector<16xf32> to vector<1xf32>
    %squeeze3A_282 = vector.extract %slice3A_281[0] : f32 from vector<1xf32>
    %slice3A_283 = vector.extract_strided_slice %get3A_273 {offsets = [3], sizes = [1], strides = [1]} : vector<16xf32> to vector<1xf32>
    %squeeze3A_284 = vector.extract %slice3A_283[0] : f32 from vector<1xf32>
    %slice3A_285 = vector.extract_strided_slice %get3A_273 {offsets = [4], sizes = [1], strides = [1]} : vector<16xf32> to vector<1xf32>
    %squeeze3A_286 = vector.extract %slice3A_285[0] : f32 from vector<1xf32>
    %slice3A_287 = vector.extract_strided_slice %get3A_273 {offsets = [5], sizes = [1], strides = [1]} : vector<16xf32> to vector<1xf32>
    %squeeze3A_288 = vector.extract %slice3A_287[0] : f32 from vector<1xf32>
    %slice3A_289 = vector.extract_strided_slice %get3A_273 {offsets = [6], sizes = [1], strides = [1]} : vector<16xf32> to vector<1xf32>
    %squeeze3A_290 = vector.extract %slice3A_289[0] : f32 from vector<1xf32>
    %slice3A_291 = vector.extract_strided_slice %get3A_273 {offsets = [7], sizes = [1], strides = [1]} : vector<16xf32> to vector<1xf32>
    %squeeze3A_292 = vector.extract %slice3A_291[0] : f32 from vector<1xf32>
    %slice3A_293 = vector.extract_strided_slice %get3A_273 {offsets = [8], sizes = [1], strides = [1]} : vector<16xf32> to vector<1xf32>
    %squeeze3A_294 = vector.extract %slice3A_293[0] : f32 from vector<1xf32>
    %slice3A_295 = vector.extract_strided_slice %get3A_273 {offsets = [9], sizes = [1], strides = [1]} : vector<16xf32> to vector<1xf32>
    %squeeze3A_296 = vector.extract %slice3A_295[0] : f32 from vector<1xf32>
    %slice3A_297 = vector.extract_strided_slice %get3A_273 {offsets = [10], sizes = [1], strides = [1]} : vector<16xf32> to vector<1xf32>
    %squeeze3A_298 = vector.extract %slice3A_297[0] : f32 from vector<1xf32>
    %slice3A_299 = vector.extract_strided_slice %get3A_273 {offsets = [11], sizes = [1], strides = [1]} : vector<16xf32> to vector<1xf32>
    %squeeze3A_300 = vector.extract %slice3A_299[0] : f32 from vector<1xf32>
    %slice3A_301 = vector.extract_strided_slice %get3A_273 {offsets = [12], sizes = [1], strides = [1]} : vector<16xf32> to vector<1xf32>
    %squeeze3A_302 = vector.extract %slice3A_301[0] : f32 from vector<1xf32>
    %slice3A_303 = vector.extract_strided_slice %get3A_273 {offsets = [13], sizes = [1], strides = [1]} : vector<16xf32> to vector<1xf32>
    %squeeze3A_304 = vector.extract %slice3A_303[0] : f32 from vector<1xf32>
    %slice3A_305 = vector.extract_strided_slice %get3A_273 {offsets = [14], sizes = [1], strides = [1]} : vector<16xf32> to vector<1xf32>
    %squeeze3A_306 = vector.extract %slice3A_305[0] : f32 from vector<1xf32>
    %slice3A_307 = vector.extract_strided_slice %get3A_273 {offsets = [15], sizes = [1], strides = [1]} : vector<16xf32> to vector<1xf32>
    %squeeze3A_308 = vector.extract %slice3A_307[0] : f32 from vector<1xf32>
    %slice3A_309 = vector.extract_strided_slice %get3A_276 {offsets = [0], sizes = [1], strides = [1]} : vector<16xf32> to vector<1xf32>
    %squeeze3A_310 = vector.extract %slice3A_309[0] : f32 from vector<1xf32>
    %slice3A_311 = vector.extract_strided_slice %get3A_276 {offsets = [1], sizes = [1], strides = [1]} : vector<16xf32> to vector<1xf32>
    %squeeze3A_312 = vector.extract %slice3A_311[0] : f32 from vector<1xf32>
    %slice3A_313 = vector.extract_strided_slice %get3A_276 {offsets = [2], sizes = [1], strides = [1]} : vector<16xf32> to vector<1xf32>
    %squeeze3A_314 = vector.extract %slice3A_313[0] : f32 from vector<1xf32>
    %slice3A_315 = vector.extract_strided_slice %get3A_276 {offsets = [3], sizes = [1], strides = [1]} : vector<16xf32> to vector<1xf32>
    %squeeze3A_316 = vector.extract %slice3A_315[0] : f32 from vector<1xf32>
    %slice3A_317 = vector.extract_strided_slice %get3A_276 {offsets = [4], sizes = [1], strides = [1]} : vector<16xf32> to vector<1xf32>
    %squeeze3A_318 = vector.extract %slice3A_317[0] : f32 from vector<1xf32>
    %slice3A_319 = vector.extract_strided_slice %get3A_276 {offsets = [5], sizes = [1], strides = [1]} : vector<16xf32> to vector<1xf32>
    %squeeze3A_320 = vector.extract %slice3A_319[0] : f32 from vector<1xf32>
    %slice3A_321 = vector.extract_strided_slice %get3A_276 {offsets = [6], sizes = [1], strides = [1]} : vector<16xf32> to vector<1xf32>
    %squeeze3A_322 = vector.extract %slice3A_321[0] : f32 from vector<1xf32>
    %slice3A_323 = vector.extract_strided_slice %get3A_276 {offsets = [7], sizes = [1], strides = [1]} : vector<16xf32> to vector<1xf32>
    %squeeze3A_324 = vector.extract %slice3A_323[0] : f32 from vector<1xf32>
    %slice3A_325 = vector.extract_strided_slice %get3A_276 {offsets = [8], sizes = [1], strides = [1]} : vector<16xf32> to vector<1xf32>
    %squeeze3A_326 = vector.extract %slice3A_325[0] : f32 from vector<1xf32>
    %slice3A_327 = vector.extract_strided_slice %get3A_276 {offsets = [9], sizes = [1], strides = [1]} : vector<16xf32> to vector<1xf32>
    %squeeze3A_328 = vector.extract %slice3A_327[0] : f32 from vector<1xf32>
    %slice3A_329 = vector.extract_strided_slice %get3A_276 {offsets = [10], sizes = [1], strides = [1]} : vector<16xf32> to vector<1xf32>
    %squeeze3A_330 = vector.extract %slice3A_329[0] : f32 from vector<1xf32>
    %slice3A_331 = vector.extract_strided_slice %get3A_276 {offsets = [11], sizes = [1], strides = [1]} : vector<16xf32> to vector<1xf32>
    %squeeze3A_332 = vector.extract %slice3A_331[0] : f32 from vector<1xf32>
    %slice3A_333 = vector.extract_strided_slice %get3A_276 {offsets = [12], sizes = [1], strides = [1]} : vector<16xf32> to vector<1xf32>
    %squeeze3A_334 = vector.extract %slice3A_333[0] : f32 from vector<1xf32>
    %slice3A_335 = vector.extract_strided_slice %get3A_276 {offsets = [13], sizes = [1], strides = [1]} : vector<16xf32> to vector<1xf32>
    %squeeze3A_336 = vector.extract %slice3A_335[0] : f32 from vector<1xf32>
    %slice3A_337 = vector.extract_strided_slice %get3A_276 {offsets = [14], sizes = [1], strides = [1]} : vector<16xf32> to vector<1xf32>
    %squeeze3A_338 = vector.extract %slice3A_337[0] : f32 from vector<1xf32>
    %slice3A_339 = vector.extract_strided_slice %get3A_276 {offsets = [15], sizes = [1], strides = [1]} : vector<16xf32> to vector<1xf32>
    %squeeze3A_340 = vector.extract %slice3A_339[0] : f32 from vector<1xf32>
    %scan3A_341 = arith.constant 0 : i32
    %scan3A_342 = arith.constant 0 : i32
    %scan3A_343 = arith.constant 64 : i32
    %scan3A_344 = arith.addi %scan3A_342, %scan3A_343 : i32
    %scan3A_345 = arith.constant 1 : i32
    scf.for %scan3A_453 = %scan3A_342 to %scan3A_344 step %scan3A_345  : i32 {
      %mul3A_454 = arith.constant 16 : i32
      %mul3A_455 = arith.muli %scan3A_453, %mul3A_454 : i32
      %get3A_456 = arith.constant 0 : i32
      %get3A_457 = arith.index_cast %get3A_456 : i32 to index
      %get3A_458 = arith.index_cast %mul3A_455 : i32 to index
      %get3A_459 = tpu.vector_load %arg17[%get3A_457, %get3A_458] {strides = array<i32>} : memref<16x1024xf32, #tpu.memory_space<vmem>>, vector<1x16xf32>,
      %get3A_460 = vector.shape_cast %get3A_459 : vector<1x16xf32> to vector<16xf32>
      %get3A_461 = arith.constant 0 : i32
      %get3A_462 = arith.index_cast %get3A_461 : i32 to index
      %get3A_463 = arith.index_cast %mul3A_455 : i32 to index
      %get3A_464 = tpu.vector_load %arg13[%get3A_462, %get3A_463] {strides = array<i32>} : memref<16x1024xf32, #tpu.memory_space<vmem>>, vector<1x16xf32>,
      %get3A_465 = vector.shape_cast %get3A_464 : vector<1x16xf32> to vector<16xf32>
      %mul3A_466 = vector.broadcast %squeeze3A_278 : f32 to vector<16xf32>
      %mul3A_467 = arith.mulf %mul3A_466, %get3A_465 : vector<16xf32>
      %add3A_468 = arith.addf %get3A_460, %mul3A_467 : vector<16xf32>
      %get3A_469 = arith.constant 0 : i32
      %get3A_470 = arith.index_cast %get3A_469 : i32 to index
      %get3A_471 = arith.index_cast %mul3A_455 : i32 to index
      %get3A_472 = tpu.vector_load %arg15[%get3A_470, %get3A_471] {strides = array<i32>} : memref<16x1024xf32, #tpu.memory_space<vmem>>, vector<1x16xf32>,
      %get3A_473 = vector.shape_cast %get3A_472 : vector<1x16xf32> to vector<16xf32>
      %mul3A_474 = vector.broadcast %squeeze3A_310 : f32 to vector<16xf32>
      %mul3A_475 = arith.mulf %mul3A_474, %get3A_473 : vector<16xf32>
      %add3A_476 = arith.addf %add3A_468, %mul3A_475 : vector<16xf32>
      %swap3A = arith.constant 0 : i32
      %swap3A_477 = arith.index_cast %swap3A : i32 to index
      %swap3A_478 = arith.index_cast %mul3A_455 : i32 to index
      %swap3A_479 = tpu.vector_load %arg17[%swap3A_477, %swap3A_478] {strides = array<i32>} : memref<16x1024xf32, #tpu.memory_space<vmem>>, vector<1x16xf32>,
      %swap3A_480 = vector.shape_cast %swap3A_479 : vector<1x16xf32> to vector<16xf32>
      %swap3A_481 = vector.shape_cast %add3A_476 : vector<16xf32> to vector<1x16xf32>
      tpu.vector_store %arg17[%swap3A_477, %swap3A_478], %swap3A_481 {strides = array<i32>} : memref<16x1024xf32, #tpu.memory_space<vmem>>, vector<1x16xf32>,
      %get3A_482 = arith.constant 1 : i32
      %get3A_483 = arith.index_cast %get3A_482 : i32 to index
      %get3A_484 = arith.index_cast %mul3A_455 : i32 to index
      %get3A_485 = tpu.vector_load %arg17[%get3A_483, %get3A_484] {strides = array<i32>} : memref<16x1024xf32, #tpu.memory_space<vmem>>, vector<1x16xf32>,
      %get3A_486 = vector.shape_cast %get3A_485 : vector<1x16xf32> to vector<16xf32>
      %get3A_487 = arith.constant 1 : i32
      %get3A_488 = arith.index_cast %get3A_487 : i32 to index
      %get3A_489 = arith.index_cast %mul3A_455 : i32 to index
      %get3A_490 = tpu.vector_load %arg13[%get3A_488, %get3A_489] {strides = array<i32>} : memref<16x1024xf32, #tpu.memory_space<vmem>>, vector<1x16xf32>,
      %get3A_491 = vector.shape_cast %get3A_490 : vector<1x16xf32> to vector<16xf32>
      %mul3A_492 = vector.broadcast %squeeze3A_280 : f32 to vector<16xf32>
      %mul3A_493 = arith.mulf %mul3A_492, %get3A_491 : vector<16xf32>
      %add3A_494 = arith.addf %get3A_486, %mul3A_493 : vector<16xf32>
      %get3A_495 = arith.constant 1 : i32
      %get3A_496 = arith.index_cast %get3A_495 : i32 to index
      %get3A_497 = arith.index_cast %mul3A_455 : i32 to index
      %get3A_498 = tpu.vector_load %arg15[%get3A_496, %get3A_497] {strides = array<i32>} : memref<16x1024xf32, #tpu.memory_space<vmem>>, vector<1x16xf32>,
      %get3A_499 = vector.shape_cast %get3A_498 : vector<1x16xf32> to vector<16xf32>
      %mul3A_500 = vector.broadcast %squeeze3A_312 : f32 to vector<16xf32>
      %mul3A_501 = arith.mulf %mul3A_500, %get3A_499 : vector<16xf32>
      %add3A_502 = arith.addf %add3A_494, %mul3A_501 : vector<16xf32>
      %swap3A_503 = arith.constant 1 : i32
      %swap3A_504 = arith.index_cast %swap3A_503 : i32 to index
      %swap3A_505 = arith.index_cast %mul3A_455 : i32 to index
      %swap3A_506 = tpu.vector_load %arg17[%swap3A_504, %swap3A_505] {strides = array<i32>} : memref<16x1024xf32, #tpu.memory_space<vmem>>, vector<1x16xf32>,
      %swap3A_507 = vector.shape_cast %swap3A_506 : vector<1x16xf32> to vector<16xf32>
      %swap3A_508 = vector.shape_cast %add3A_502 : vector<16xf32> to vector<1x16xf32>
      tpu.vector_store %arg17[%swap3A_504, %swap3A_505], %swap3A_508 {strides = array<i32>} : memref<16x1024xf32, #tpu.memory_space<vmem>>, vector<1x16xf32>,
      %get3A_509 = arith.constant 2 : i32
      %get3A_510 = arith.index_cast %get3A_509 : i32 to index
      %get3A_511 = arith.index_cast %mul3A_455 : i32 to index
      %get3A_512 = tpu.vector_load %arg17[%get3A_510, %get3A_511] {strides = array<i32>} : memref<16x1024xf32, #tpu.memory_space<vmem>>, vector<1x16xf32>,
      %get3A_513 = vector.shape_cast %get3A_512 : vector<1x16xf32> to vector<16xf32>
      %get3A_514 = arith.constant 2 : i32
      %get3A_515 = arith.index_cast %get3A_514 : i32 to index
      %get3A_516 = arith.index_cast %mul3A_455 : i32 to index
      %get3A_517 = tpu.vector_load %arg13[%get3A_515, %get3A_516] {strides = array<i32>} : memref<16x1024xf32, #tpu.memory_space<vmem>>, vector<1x16xf32>,
      %get3A_518 = vector.shape_cast %get3A_517 : vector<1x16xf32> to vector<16xf32>
      %mul3A_519 = vector.broadcast %squeeze3A_282 : f32 to vector<16xf32>
      %mul3A_520 = arith.mulf %mul3A_519, %get3A_518 : vector<16xf32>
      %add3A_521 = arith.addf %get3A_513, %mul3A_520 : vector<16xf32>
      %get3A_522 = arith.constant 2 : i32
      %get3A_523 = arith.index_cast %get3A_522 : i32 to index
      %get3A_524 = arith.index_cast %mul3A_455 : i32 to index
      %get3A_525 = tpu.vector_load %arg15[%get3A_523, %get3A_524] {strides = array<i32>} : memref<16x1024xf32, #tpu.memory_space<vmem>>, vector<1x16xf32>,
      %get3A_526 = vector.shape_cast %get3A_525 : vector<1x16xf32> to vector<16xf32>
      %mul3A_527 = vector.broadcast %squeeze3A_314 : f32 to vector<16xf32>
      %mul3A_528 = arith.mulf %mul3A_527, %get3A_526 : vector<16xf32>
      %add3A_529 = arith.addf %add3A_521, %mul3A_528 : vector<16xf32>
      %swap3A_530 = arith.constant 2 : i32
      %swap3A_531 = arith.index_cast %swap3A_530 : i32 to index
      %swap3A_532 = arith.index_cast %mul3A_455 : i32 to index
      %swap3A_533 = tpu.vector_load %arg17[%swap3A_531, %swap3A_532] {strides = array<i32>} : memref<16x1024xf32, #tpu.memory_space<vmem>>, vector<1x16xf32>,
      %swap3A_534 = vector.shape_cast %swap3A_533 : vector<1x16xf32> to vector<16xf32>
      %swap3A_535 = vector.shape_cast %add3A_529 : vector<16xf32> to vector<1x16xf32>
      tpu.vector_store %arg17[%swap3A_531, %swap3A_532], %swap3A_535 {strides = array<i32>} : memref<16x1024xf32, #tpu.memory_space<vmem>>, vector<1x16xf32>,
      %get3A_536 = arith.constant 3 : i32
      %get3A_537 = arith.index_cast %get3A_536 : i32 to index
      %get3A_538 = arith.index_cast %mul3A_455 : i32 to index
      %get3A_539 = tpu.vector_load %arg17[%get3A_537, %get3A_538] {strides = array<i32>} : memref<16x1024xf32, #tpu.memory_space<vmem>>, vector<1x16xf32>,
      %get3A_540 = vector.shape_cast %get3A_539 : vector<1x16xf32> to vector<16xf32>
      %get3A_541 = arith.constant 3 : i32
      %get3A_542 = arith.index_cast %get3A_541 : i32 to index
      %get3A_543 = arith.index_cast %mul3A_455 : i32 to index
      %get3A_544 = tpu.vector_load %arg13[%get3A_542, %get3A_543] {strides = array<i32>} : memref<16x1024xf32, #tpu.memory_space<vmem>>, vector<1x16xf32>,
      %get3A_545 = vector.shape_cast %get3A_544 : vector<1x16xf32> to vector<16xf32>
      %mul3A_546 = vector.broadcast %squeeze3A_284 : f32 to vector<16xf32>
      %mul3A_547 = arith.mulf %mul3A_546, %get3A_545 : vector<16xf32>
      %add3A_548 = arith.addf %get3A_540, %mul3A_547 : vector<16xf32>
      %get3A_549 = arith.constant 3 : i32
      %get3A_550 = arith.index_cast %get3A_549 : i32 to index
      %get3A_551 = arith.index_cast %mul3A_455 : i32 to index
      %get3A_552 = tpu.vector_load %arg15[%get3A_550, %get3A_551] {strides = array<i32>} : memref<16x1024xf32, #tpu.memory_space<vmem>>, vector<1x16xf32>,
      %get3A_553 = vector.shape_cast %get3A_552 : vector<1x16xf32> to vector<16xf32>
      %mul3A_554 = vector.broadcast %squeeze3A_316 : f32 to vector<16xf32>
      %mul3A_555 = arith.mulf %mul3A_554, %get3A_553 : vector<16xf32>
      %add3A_556 = arith.addf %add3A_548, %mul3A_555 : vector<16xf32>
      %swap3A_557 = arith.constant 3 : i32
      %swap3A_558 = arith.index_cast %swap3A_557 : i32 to index
      %swap3A_559 = arith.index_cast %mul3A_455 : i32 to index
      %swap3A_560 = tpu.vector_load %arg17[%swap3A_558, %swap3A_559] {strides = array<i32>} : memref<16x1024xf32, #tpu.memory_space<vmem>>, vector<1x16xf32>,
      %swap3A_561 = vector.shape_cast %swap3A_560 : vector<1x16xf32> to vector<16xf32>
      %swap3A_562 = vector.shape_cast %add3A_556 : vector<16xf32> to vector<1x16xf32>
      tpu.vector_store %arg17[%swap3A_558, %swap3A_559], %swap3A_562 {strides = array<i32>} : memref<16x1024xf32, #tpu.memory_space<vmem>>, vector<1x16xf32>,
      %get3A_563 = arith.constant 4 : i32
      %get3A_564 = arith.index_cast %get3A_563 : i32 to index
      %get3A_565 = arith.index_cast %mul3A_455 : i32 to index
      %get3A_566 = tpu.vector_load %arg17[%get3A_564, %get3A_565] {strides = array<i32>} : memref<16x1024xf32, #tpu.memory_space<vmem>>, vector<1x16xf32>,
      %get3A_567 = vector.shape_cast %get3A_566 : vector<1x16xf32> to vector<16xf32>
      %get3A_568 = arith.constant 4 : i32
      %get3A_569 = arith.index_cast %get3A_568 : i32 to index
      %get3A_570 = arith.index_cast %mul3A_455 : i32 to index
      %get3A_571 = tpu.vector_load %arg13[%get3A_569, %get3A_570] {strides = array<i32>} : memref<16x1024xf32, #tpu.memory_space<vmem>>, vector<1x16xf32>,
      %get3A_572 = vector.shape_cast %get3A_571 : vector<1x16xf32> to vector<16xf32>
      %mul3A_573 = vector.broadcast %squeeze3A_286 : f32 to vector<16xf32>
      %mul3A_574 = arith.mulf %mul3A_573, %get3A_572 : vector<16xf32>
      %add3A_575 = arith.addf %get3A_567, %mul3A_574 : vector<16xf32>
      %get3A_576 = arith.constant 4 : i32
      %get3A_577 = arith.index_cast %get3A_576 : i32 to index
      %get3A_578 = arith.index_cast %mul3A_455 : i32 to index
      %get3A_579 = tpu.vector_load %arg15[%get3A_577, %get3A_578] {strides = array<i32>} : memref<16x1024xf32, #tpu.memory_space<vmem>>, vector<1x16xf32>,
      %get3A_580 = vector.shape_cast %get3A_579 : vector<1x16xf32> to vector<16xf32>
      %mul3A_581 = vector.broadcast %squeeze3A_318 : f32 to vector<16xf32>
      %mul3A_582 = arith.mulf %mul3A_581, %get3A_580 : vector<16xf32>
      %add3A_583 = arith.addf %add3A_575, %mul3A_582 : vector<16xf32>
      %swap3A_584 = arith.constant 4 : i32
      %swap3A_585 = arith.index_cast %swap3A_584 : i32 to index
      %swap3A_586 = arith.index_cast %mul3A_455 : i32 to index
      %swap3A_587 = tpu.vector_load %arg17[%swap3A_585, %swap3A_586] {strides = array<i32>} : memref<16x1024xf32, #tpu.memory_space<vmem>>, vector<1x16xf32>,
      %swap3A_588 = vector.shape_cast %swap3A_587 : vector<1x16xf32> to vector<16xf32>
      %swap3A_589 = vector.shape_cast %add3A_583 : vector<16xf32> to vector<1x16xf32>
      tpu.vector_store %arg17[%swap3A_585, %swap3A_586], %swap3A_589 {strides = array<i32>} : memref<16x1024xf32, #tpu.memory_space<vmem>>, vector<1x16xf32>,
      %get3A_590 = arith.constant 5 : i32
      %get3A_591 = arith.index_cast %get3A_590 : i32 to index
      %get3A_592 = arith.index_cast %mul3A_455 : i32 to index
      %get3A_593 = tpu.vector_load %arg17[%get3A_591, %get3A_592] {strides = array<i32>} : memref<16x1024xf32, #tpu.memory_space<vmem>>, vector<1x16xf32>,
      %get3A_594 = vector.shape_cast %get3A_593 : vector<1x16xf32> to vector<16xf32>
      %get3A_595 = arith.constant 5 : i32
      %get3A_596 = arith.index_cast %get3A_595 : i32 to index
      %get3A_597 = arith.index_cast %mul3A_455 : i32 to index
      %get3A_598 = tpu.vector_load %arg13[%get3A_596, %get3A_597] {strides = array<i32>} : memref<16x1024xf32, #tpu.memory_space<vmem>>, vector<1x16xf32>,
      %get3A_599 = vector.shape_cast %get3A_598 : vector<1x16xf32> to vector<16xf32>
      %mul3A_600 = vector.broadcast %squeeze3A_288 : f32 to vector<16xf32>
      %mul3A_601 = arith.mulf %mul3A_600, %get3A_599 : vector<16xf32>
      %add3A_602 = arith.addf %get3A_594, %mul3A_601 : vector<16xf32>
      %get3A_603 = arith.constant 5 : i32
      %get3A_604 = arith.index_cast %get3A_603 : i32 to index
      %get3A_605 = arith.index_cast %mul3A_455 : i32 to index
      %get3A_606 = tpu.vector_load %arg15[%get3A_604, %get3A_605] {strides = array<i32>} : memref<16x1024xf32, #tpu.memory_space<vmem>>, vector<1x16xf32>,
      %get3A_607 = vector.shape_cast %get3A_606 : vector<1x16xf32> to vector<16xf32>
      %mul3A_608 = vector.broadcast %squeeze3A_320 : f32 to vector<16xf32>
      %mul3A_609 = arith.mulf %mul3A_608, %get3A_607 : vector<16xf32>
      %add3A_610 = arith.addf %add3A_602, %mul3A_609 : vector<16xf32>
      %swap3A_611 = arith.constant 5 : i32
      %swap3A_612 = arith.index_cast %swap3A_611 : i32 to index
      %swap3A_613 = arith.index_cast %mul3A_455 : i32 to index
      %swap3A_614 = tpu.vector_load %arg17[%swap3A_612, %swap3A_613] {strides = array<i32>} : memref<16x1024xf32, #tpu.memory_space<vmem>>, vector<1x16xf32>,
      %swap3A_615 = vector.shape_cast %swap3A_614 : vector<1x16xf32> to vector<16xf32>
      %swap3A_616 = vector.shape_cast %add3A_610 : vector<16xf32> to vector<1x16xf32>
      tpu.vector_store %arg17[%swap3A_612, %swap3A_613], %swap3A_616 {strides = array<i32>} : memref<16x1024xf32, #tpu.memory_space<vmem>>, vector<1x16xf32>,
      %get3A_617 = arith.constant 6 : i32
      %get3A_618 = arith.index_cast %get3A_617 : i32 to index
      %get3A_619 = arith.index_cast %mul3A_455 : i32 to index
      %get3A_620 = tpu.vector_load %arg17[%get3A_618, %get3A_619] {strides = array<i32>} : memref<16x1024xf32, #tpu.memory_space<vmem>>, vector<1x16xf32>,
      %get3A_621 = vector.shape_cast %get3A_620 : vector<1x16xf32> to vector<16xf32>
      %get3A_622 = arith.constant 6 : i32
      %get3A_623 = arith.index_cast %get3A_622 : i32 to index
      %get3A_624 = arith.index_cast %mul3A_455 : i32 to index
      %get3A_625 = tpu.vector_load %arg13[%get3A_623, %get3A_624] {strides = array<i32>} : memref<16x1024xf32, #tpu.memory_space<vmem>>, vector<1x16xf32>,
      %get3A_626 = vector.shape_cast %get3A_625 : vector<1x16xf32> to vector<16xf32>
      %mul3A_627 = vector.broadcast %squeeze3A_290 : f32 to vector<16xf32>
      %mul3A_628 = arith.mulf %mul3A_627, %get3A_626 : vector<16xf32>
      %add3A_629 = arith.addf %get3A_621, %mul3A_628 : vector<16xf32>
      %get3A_630 = arith.constant 6 : i32
      %get3A_631 = arith.index_cast %get3A_630 : i32 to index
      %get3A_632 = arith.index_cast %mul3A_455 : i32 to index
      %get3A_633 = tpu.vector_load %arg15[%get3A_631, %get3A_632] {strides = array<i32>} : memref<16x1024xf32, #tpu.memory_space<vmem>>, vector<1x16xf32>,
      %get3A_634 = vector.shape_cast %get3A_633 : vector<1x16xf32> to vector<16xf32>
      %mul3A_635 = vector.broadcast %squeeze3A_322 : f32 to vector<16xf32>
      %mul3A_636 = arith.mulf %mul3A_635, %get3A_634 : vector<16xf32>
      %add3A_637 = arith.addf %add3A_629, %mul3A_636 : vector<16xf32>
      %swap3A_638 = arith.constant 6 : i32
      %swap3A_639 = arith.index_cast %swap3A_638 : i32 to index
      %swap3A_640 = arith.index_cast %mul3A_455 : i32 to index
      %swap3A_641 = tpu.vector_load %arg17[%swap3A_639, %swap3A_640] {strides = array<i32>} : memref<16x1024xf32, #tpu.memory_space<vmem>>, vector<1x16xf32>,
      %swap3A_642 = vector.shape_cast %swap3A_641 : vector<1x16xf32> to vector<16xf32>
      %swap3A_643 = vector.shape_cast %add3A_637 : vector<16xf32> to vector<1x16xf32>
      tpu.vector_store %arg17[%swap3A_639, %swap3A_640], %swap3A_643 {strides = array<i32>} : memref<16x1024xf32, #tpu.memory_space<vmem>>, vector<1x16xf32>,
      %get3A_644 = arith.constant 7 : i32
      %get3A_645 = arith.index_cast %get3A_644 : i32 to index
      %get3A_646 = arith.index_cast %mul3A_455 : i32 to index
      %get3A_647 = tpu.vector_load %arg17[%get3A_645, %get3A_646] {strides = array<i32>} : memref<16x1024xf32, #tpu.memory_space<vmem>>, vector<1x16xf32>,
      %get3A_648 = vector.shape_cast %get3A_647 : vector<1x16xf32> to vector<16xf32>
      %get3A_649 = arith.constant 7 : i32
      %get3A_650 = arith.index_cast %get3A_649 : i32 to index
      %get3A_651 = arith.index_cast %mul3A_455 : i32 to index
      %get3A_652 = tpu.vector_load %arg13[%get3A_650, %get3A_651] {strides = array<i32>} : memref<16x1024xf32, #tpu.memory_space<vmem>>, vector<1x16xf32>,
      %get3A_653 = vector.shape_cast %get3A_652 : vector<1x16xf32> to vector<16xf32>
      %mul3A_654 = vector.broadcast %squeeze3A_292 : f32 to vector<16xf32>
      %mul3A_655 = arith.mulf %mul3A_654, %get3A_653 : vector<16xf32>
      %add3A_656 = arith.addf %get3A_648, %mul3A_655 : vector<16xf32>
      %get3A_657 = arith.constant 7 : i32
      %get3A_658 = arith.index_cast %get3A_657 : i32 to index
      %get3A_659 = arith.index_cast %mul3A_455 : i32 to index
      %get3A_660 = tpu.vector_load %arg15[%get3A_658, %get3A_659] {strides = array<i32>} : memref<16x1024xf32, #tpu.memory_space<vmem>>, vector<1x16xf32>,
      %get3A_661 = vector.shape_cast %get3A_660 : vector<1x16xf32> to vector<16xf32>
      %mul3A_662 = vector.broadcast %squeeze3A_324 : f32 to vector<16xf32>
      %mul3A_663 = arith.mulf %mul3A_662, %get3A_661 : vector<16xf32>
      %add3A_664 = arith.addf %add3A_656, %mul3A_663 : vector<16xf32>
      %swap3A_665 = arith.constant 7 : i32
      %swap3A_666 = arith.index_cast %swap3A_665 : i32 to index
      %swap3A_667 = arith.index_cast %mul3A_455 : i32 to index
      %swap3A_668 = tpu.vector_load %arg17[%swap3A_666, %swap3A_667] {strides = array<i32>} : memref<16x1024xf32, #tpu.memory_space<vmem>>, vector<1x16xf32>,
      %swap3A_669 = vector.shape_cast %swap3A_668 : vector<1x16xf32> to vector<16xf32>
      %swap3A_670 = vector.shape_cast %add3A_664 : vector<16xf32> to vector<1x16xf32>
      tpu.vector_store %arg17[%swap3A_666, %swap3A_667], %swap3A_670 {strides = array<i32>} : memref<16x1024xf32, #tpu.memory_space<vmem>>, vector<1x16xf32>,
      %get3A_671 = arith.constant 8 : i32
      %get3A_672 = arith.index_cast %get3A_671 : i32 to index
      %get3A_673 = arith.index_cast %mul3A_455 : i32 to index
      %get3A_674 = tpu.vector_load %arg17[%get3A_672, %get3A_673] {strides = array<i32>} : memref<16x1024xf32, #tpu.memory_space<vmem>>, vector<1x16xf32>,
      %get3A_675 = vector.shape_cast %get3A_674 : vector<1x16xf32> to vector<16xf32>
      %get3A_676 = arith.constant 8 : i32
      %get3A_677 = arith.index_cast %get3A_676 : i32 to index
      %get3A_678 = arith.index_cast %mul3A_455 : i32 to index
      %get3A_679 = tpu.vector_load %arg13[%get3A_677, %get3A_678] {strides = array<i32>} : memref<16x1024xf32, #tpu.memory_space<vmem>>, vector<1x16xf32>,
      %get3A_680 = vector.shape_cast %get3A_679 : vector<1x16xf32> to vector<16xf32>
      %mul3A_681 = vector.broadcast %squeeze3A_294 : f32 to vector<16xf32>
      %mul3A_682 = arith.mulf %mul3A_681, %get3A_680 : vector<16xf32>
      %add3A_683 = arith.addf %get3A_675, %mul3A_682 : vector<16xf32>
      %get3A_684 = arith.constant 8 : i32
      %get3A_685 = arith.index_cast %get3A_684 : i32 to index
      %get3A_686 = arith.index_cast %mul3A_455 : i32 to index
      %get3A_687 = tpu.vector_load %arg15[%get3A_685, %get3A_686] {strides = array<i32>} : memref<16x1024xf32, #tpu.memory_space<vmem>>, vector<1x16xf32>,
      %get3A_688 = vector.shape_cast %get3A_687 : vector<1x16xf32> to vector<16xf32>
      %mul3A_689 = vector.broadcast %squeeze3A_326 : f32 to vector<16xf32>
      %mul3A_690 = arith.mulf %mul3A_689, %get3A_688 : vector<16xf32>
      %add3A_691 = arith.addf %add3A_683, %mul3A_690 : vector<16xf32>
      %swap3A_692 = arith.constant 8 : i32
      %swap3A_693 = arith.index_cast %swap3A_692 : i32 to index
      %swap3A_694 = arith.index_cast %mul3A_455 : i32 to index
      %swap3A_695 = tpu.vector_load %arg17[%swap3A_693, %swap3A_694] {strides = array<i32>} : memref<16x1024xf32, #tpu.memory_space<vmem>>, vector<1x16xf32>,
      %swap3A_696 = vector.shape_cast %swap3A_695 : vector<1x16xf32> to vector<16xf32>
      %swap3A_697 = vector.shape_cast %add3A_691 : vector<16xf32> to vector<1x16xf32>
      tpu.vector_store %arg17[%swap3A_693, %swap3A_694], %swap3A_697 {strides = array<i32>} : memref<16x1024xf32, #tpu.memory_space<vmem>>, vector<1x16xf32>,
      %get3A_698 = arith.constant 9 : i32
      %get3A_699 = arith.index_cast %get3A_698 : i32 to index
      %get3A_700 = arith.index_cast %mul3A_455 : i32 to index
      %get3A_701 = tpu.vector_load %arg17[%get3A_699, %get3A_700] {strides = array<i32>} : memref<16x1024xf32, #tpu.memory_space<vmem>>, vector<1x16xf32>,
      %get3A_702 = vector.shape_cast %get3A_701 : vector<1x16xf32> to vector<16xf32>
      %get3A_703 = arith.constant 9 : i32
      %get3A_704 = arith.index_cast %get3A_703 : i32 to index
      %get3A_705 = arith.index_cast %mul3A_455 : i32 to index
      %get3A_706 = tpu.vector_load %arg13[%get3A_704, %get3A_705] {strides = array<i32>} : memref<16x1024xf32, #tpu.memory_space<vmem>>, vector<1x16xf32>,
      %get3A_707 = vector.shape_cast %get3A_706 : vector<1x16xf32> to vector<16xf32>
      %mul3A_708 = vector.broadcast %squeeze3A_296 : f32 to vector<16xf32>
      %mul3A_709 = arith.mulf %mul3A_708, %get3A_707 : vector<16xf32>
      %add3A_710 = arith.addf %get3A_702, %mul3A_709 : vector<16xf32>
      %get3A_711 = arith.constant 9 : i32
      %get3A_712 = arith.index_cast %get3A_711 : i32 to index
      %get3A_713 = arith.index_cast %mul3A_455 : i32 to index
      %get3A_714 = tpu.vector_load %arg15[%get3A_712, %get3A_713] {strides = array<i32>} : memref<16x1024xf32, #tpu.memory_space<vmem>>, vector<1x16xf32>,
      %get3A_715 = vector.shape_cast %get3A_714 : vector<1x16xf32> to vector<16xf32>
      %mul3A_716 = vector.broadcast %squeeze3A_328 : f32 to vector<16xf32>
      %mul3A_717 = arith.mulf %mul3A_716, %get3A_715 : vector<16xf32>
      %add3A_718 = arith.addf %add3A_710, %mul3A_717 : vector<16xf32>
      %swap3A_719 = arith.constant 9 : i32
      %swap3A_720 = arith.index_cast %swap3A_719 : i32 to index
      %swap3A_721 = arith.index_cast %mul3A_455 : i32 to index
      %swap3A_722 = tpu.vector_load %arg17[%swap3A_720, %swap3A_721] {strides = array<i32>} : memref<16x1024xf32, #tpu.memory_space<vmem>>, vector<1x16xf32>,
      %swap3A_723 = vector.shape_cast %swap3A_722 : vector<1x16xf32> to vector<16xf32>
      %swap3A_724 = vector.shape_cast %add3A_718 : vector<16xf32> to vector<1x16xf32>
      tpu.vector_store %arg17[%swap3A_720, %swap3A_721], %swap3A_724 {strides = array<i32>} : memref<16x1024xf32, #tpu.memory_space<vmem>>, vector<1x16xf32>,
      %get3A_725 = arith.constant 10 : i32
      %get3A_726 = arith.index_cast %get3A_725 : i32 to index
      %get3A_727 = arith.index_cast %mul3A_455 : i32 to index
      %get3A_728 = tpu.vector_load %arg17[%get3A_726, %get3A_727] {strides = array<i32>} : memref<16x1024xf32, #tpu.memory_space<vmem>>, vector<1x16xf32>,
      %get3A_729 = vector.shape_cast %get3A_728 : vector<1x16xf32> to vector<16xf32>
      %get3A_730 = arith.constant 10 : i32
      %get3A_731 = arith.index_cast %get3A_730 : i32 to index
      %get3A_732 = arith.index_cast %mul3A_455 : i32 to index
      %get3A_733 = tpu.vector_load %arg13[%get3A_731, %get3A_732] {strides = array<i32>} : memref<16x1024xf32, #tpu.memory_space<vmem>>, vector<1x16xf32>,
      %get3A_734 = vector.shape_cast %get3A_733 : vector<1x16xf32> to vector<16xf32>
      %mul3A_735 = vector.broadcast %squeeze3A_298 : f32 to vector<16xf32>
      %mul3A_736 = arith.mulf %mul3A_735, %get3A_734 : vector<16xf32>
      %add3A_737 = arith.addf %get3A_729, %mul3A_736 : vector<16xf32>
      %get3A_738 = arith.constant 10 : i32
      %get3A_739 = arith.index_cast %get3A_738 : i32 to index
      %get3A_740 = arith.index_cast %mul3A_455 : i32 to index
      %get3A_741 = tpu.vector_load %arg15[%get3A_739, %get3A_740] {strides = array<i32>} : memref<16x1024xf32, #tpu.memory_space<vmem>>, vector<1x16xf32>,
      %get3A_742 = vector.shape_cast %get3A_741 : vector<1x16xf32> to vector<16xf32>
      %mul3A_743 = vector.broadcast %squeeze3A_330 : f32 to vector<16xf32>
      %mul3A_744 = arith.mulf %mul3A_743, %get3A_742 : vector<16xf32>
      %add3A_745 = arith.addf %add3A_737, %mul3A_744 : vector<16xf32>
      %swap3A_746 = arith.constant 10 : i32
      %swap3A_747 = arith.index_cast %swap3A_746 : i32 to index
      %swap3A_748 = arith.index_cast %mul3A_455 : i32 to index
      %swap3A_749 = tpu.vector_load %arg17[%swap3A_747, %swap3A_748] {strides = array<i32>} : memref<16x1024xf32, #tpu.memory_space<vmem>>, vector<1x16xf32>,
      %swap3A_750 = vector.shape_cast %swap3A_749 : vector<1x16xf32> to vector<16xf32>
      %swap3A_751 = vector.shape_cast %add3A_745 : vector<16xf32> to vector<1x16xf32>
      tpu.vector_store %arg17[%swap3A_747, %swap3A_748], %swap3A_751 {strides = array<i32>} : memref<16x1024xf32, #tpu.memory_space<vmem>>, vector<1x16xf32>,
      %get3A_752 = arith.constant 11 : i32
      %get3A_753 = arith.index_cast %get3A_752 : i32 to index
      %get3A_754 = arith.index_cast %mul3A_455 : i32 to index
      %get3A_755 = tpu.vector_load %arg17[%get3A_753, %get3A_754] {strides = array<i32>} : memref<16x1024xf32, #tpu.memory_space<vmem>>, vector<1x16xf32>,
      %get3A_756 = vector.shape_cast %get3A_755 : vector<1x16xf32> to vector<16xf32>
      %get3A_757 = arith.constant 11 : i32
      %get3A_758 = arith.index_cast %get3A_757 : i32 to index
      %get3A_759 = arith.index_cast %mul3A_455 : i32 to index
      %get3A_760 = tpu.vector_load %arg13[%get3A_758, %get3A_759] {strides = array<i32>} : memref<16x1024xf32, #tpu.memory_space<vmem>>, vector<1x16xf32>,
      %get3A_761 = vector.shape_cast %get3A_760 : vector<1x16xf32> to vector<16xf32>
      %mul3A_762 = vector.broadcast %squeeze3A_300 : f32 to vector<16xf32>
      %mul3A_763 = arith.mulf %mul3A_762, %get3A_761 : vector<16xf32>
      %add3A_764 = arith.addf %get3A_756, %mul3A_763 : vector<16xf32>
      %get3A_765 = arith.constant 11 : i32
      %get3A_766 = arith.index_cast %get3A_765 : i32 to index
      %get3A_767 = arith.index_cast %mul3A_455 : i32 to index
      %get3A_768 = tpu.vector_load %arg15[%get3A_766, %get3A_767] {strides = array<i32>} : memref<16x1024xf32, #tpu.memory_space<vmem>>, vector<1x16xf32>,
      %get3A_769 = vector.shape_cast %get3A_768 : vector<1x16xf32> to vector<16xf32>
      %mul3A_770 = vector.broadcast %squeeze3A_332 : f32 to vector<16xf32>
      %mul3A_771 = arith.mulf %mul3A_770, %get3A_769 : vector<16xf32>
      %add3A_772 = arith.addf %add3A_764, %mul3A_771 : vector<16xf32>
      %swap3A_773 = arith.constant 11 : i32
      %swap3A_774 = arith.index_cast %swap3A_773 : i32 to index
      %swap3A_775 = arith.index_cast %mul3A_455 : i32 to index
      %swap3A_776 = tpu.vector_load %arg17[%swap3A_774, %swap3A_775] {strides = array<i32>} : memref<16x1024xf32, #tpu.memory_space<vmem>>, vector<1x16xf32>,
      %swap3A_777 = vector.shape_cast %swap3A_776 : vector<1x16xf32> to vector<16xf32>
      %swap3A_778 = vector.shape_cast %add3A_772 : vector<16xf32> to vector<1x16xf32>
      tpu.vector_store %arg17[%swap3A_774, %swap3A_775], %swap3A_778 {strides = array<i32>} : memref<16x1024xf32, #tpu.memory_space<vmem>>, vector<1x16xf32>,
      %get3A_779 = arith.constant 12 : i32
      %get3A_780 = arith.index_cast %get3A_779 : i32 to index
      %get3A_781 = arith.index_cast %mul3A_455 : i32 to index
      %get3A_782 = tpu.vector_load %arg17[%get3A_780, %get3A_781] {strides = array<i32>} : memref<16x1024xf32, #tpu.memory_space<vmem>>, vector<1x16xf32>,
      %get3A_783 = vector.shape_cast %get3A_782 : vector<1x16xf32> to vector<16xf32>
      %get3A_784 = arith.constant 12 : i32
      %get3A_785 = arith.index_cast %get3A_784 : i32 to index
      %get3A_786 = arith.index_cast %mul3A_455 : i32 to index
      %get3A_787 = tpu.vector_load %arg13[%get3A_785, %get3A_786] {strides = array<i32>} : memref<16x1024xf32, #tpu.memory_space<vmem>>, vector<1x16xf32>,
      %get3A_788 = vector.shape_cast %get3A_787 : vector<1x16xf32> to vector<16xf32>
      %mul3A_789 = vector.broadcast %squeeze3A_302 : f32 to vector<16xf32>
      %mul3A_790 = arith.mulf %mul3A_789, %get3A_788 : vector<16xf32>
      %add3A_791 = arith.addf %get3A_783, %mul3A_790 : vector<16xf32>
      %get3A_792 = arith.constant 12 : i32
      %get3A_793 = arith.index_cast %get3A_792 : i32 to index
      %get3A_794 = arith.index_cast %mul3A_455 : i32 to index
      %get3A_795 = tpu.vector_load %arg15[%get3A_793, %get3A_794] {strides = array<i32>} : memref<16x1024xf32, #tpu.memory_space<vmem>>, vector<1x16xf32>,
      %get3A_796 = vector.shape_cast %get3A_795 : vector<1x16xf32> to vector<16xf32>
      %mul3A_797 = vector.broadcast %squeeze3A_334 : f32 to vector<16xf32>
      %mul3A_798 = arith.mulf %mul3A_797, %get3A_796 : vector<16xf32>
      %add3A_799 = arith.addf %add3A_791, %mul3A_798 : vector<16xf32>
      %swap3A_800 = arith.constant 12 : i32
      %swap3A_801 = arith.index_cast %swap3A_800 : i32 to index
      %swap3A_802 = arith.index_cast %mul3A_455 : i32 to index
      %swap3A_803 = tpu.vector_load %arg17[%swap3A_801, %swap3A_802] {strides = array<i32>} : memref<16x1024xf32, #tpu.memory_space<vmem>>, vector<1x16xf32>,
      %swap3A_804 = vector.shape_cast %swap3A_803 : vector<1x16xf32> to vector<16xf32>
      %swap3A_805 = vector.shape_cast %add3A_799 : vector<16xf32> to vector<1x16xf32>
      tpu.vector_store %arg17[%swap3A_801, %swap3A_802], %swap3A_805 {strides = array<i32>} : memref<16x1024xf32, #tpu.memory_space<vmem>>, vector<1x16xf32>,
      %get3A_806 = arith.constant 13 : i32
      %get3A_807 = arith.index_cast %get3A_806 : i32 to index
      %get3A_808 = arith.index_cast %mul3A_455 : i32 to index
      %get3A_809 = tpu.vector_load %arg17[%get3A_807, %get3A_808] {strides = array<i32>} : memref<16x1024xf32, #tpu.memory_space<vmem>>, vector<1x16xf32>,
      %get3A_810 = vector.shape_cast %get3A_809 : vector<1x16xf32> to vector<16xf32>
      %get3A_811 = arith.constant 13 : i32
      %get3A_812 = arith.index_cast %get3A_811 : i32 to index
      %get3A_813 = arith.index_cast %mul3A_455 : i32 to index
      %get3A_814 = tpu.vector_load %arg13[%get3A_812, %get3A_813] {strides = array<i32>} : memref<16x1024xf32, #tpu.memory_space<vmem>>, vector<1x16xf32>,
      %get3A_815 = vector.shape_cast %get3A_814 : vector<1x16xf32> to vector<16xf32>
      %mul3A_816 = vector.broadcast %squeeze3A_304 : f32 to vector<16xf32>
      %mul3A_817 = arith.mulf %mul3A_816, %get3A_815 : vector<16xf32>
      %add3A_818 = arith.addf %get3A_810, %mul3A_817 : vector<16xf32>
      %get3A_819 = arith.constant 13 : i32
      %get3A_820 = arith.index_cast %get3A_819 : i32 to index
      %get3A_821 = arith.index_cast %mul3A_455 : i32 to index
      %get3A_822 = tpu.vector_load %arg15[%get3A_820, %get3A_821] {strides = array<i32>} : memref<16x1024xf32, #tpu.memory_space<vmem>>, vector<1x16xf32>,
      %get3A_823 = vector.shape_cast %get3A_822 : vector<1x16xf32> to vector<16xf32>
      %mul3A_824 = vector.broadcast %squeeze3A_336 : f32 to vector<16xf32>
      %mul3A_825 = arith.mulf %mul3A_824, %get3A_823 : vector<16xf32>
      %add3A_826 = arith.addf %add3A_818, %mul3A_825 : vector<16xf32>
      %swap3A_827 = arith.constant 13 : i32
      %swap3A_828 = arith.index_cast %swap3A_827 : i32 to index
      %swap3A_829 = arith.index_cast %mul3A_455 : i32 to index
      %swap3A_830 = tpu.vector_load %arg17[%swap3A_828, %swap3A_829] {strides = array<i32>} : memref<16x1024xf32, #tpu.memory_space<vmem>>, vector<1x16xf32>,
      %swap3A_831 = vector.shape_cast %swap3A_830 : vector<1x16xf32> to vector<16xf32>
      %swap3A_832 = vector.shape_cast %add3A_826 : vector<16xf32> to vector<1x16xf32>
      tpu.vector_store %arg17[%swap3A_828, %swap3A_829], %swap3A_832 {strides = array<i32>} : memref<16x1024xf32, #tpu.memory_space<vmem>>, vector<1x16xf32>,
      %get3A_833 = arith.constant 14 : i32
      %get3A_834 = arith.index_cast %get3A_833 : i32 to index
      %get3A_835 = arith.index_cast %mul3A_455 : i32 to index
      %get3A_836 = tpu.vector_load %arg17[%get3A_834, %get3A_835] {strides = array<i32>} : memref<16x1024xf32, #tpu.memory_space<vmem>>, vector<1x16xf32>,
      %get3A_837 = vector.shape_cast %get3A_836 : vector<1x16xf32> to vector<16xf32>
      %get3A_838 = arith.constant 14 : i32
      %get3A_839 = arith.index_cast %get3A_838 : i32 to index
      %get3A_840 = arith.index_cast %mul3A_455 : i32 to index
      %get3A_841 = tpu.vector_load %arg13[%get3A_839, %get3A_840] {strides = array<i32>} : memref<16x1024xf32, #tpu.memory_space<vmem>>, vector<1x16xf32>,
      %get3A_842 = vector.shape_cast %get3A_841 : vector<1x16xf32> to vector<16xf32>
      %mul3A_843 = vector.broadcast %squeeze3A_306 : f32 to vector<16xf32>
      %mul3A_844 = arith.mulf %mul3A_843, %get3A_842 : vector<16xf32>
      %add3A_845 = arith.addf %get3A_837, %mul3A_844 : vector<16xf32>
      %get3A_846 = arith.constant 14 : i32
      %get3A_847 = arith.index_cast %get3A_846 : i32 to index
      %get3A_848 = arith.index_cast %mul3A_455 : i32 to index
      %get3A_849 = tpu.vector_load %arg15[%get3A_847, %get3A_848] {strides = array<i32>} : memref<16x1024xf32, #tpu.memory_space<vmem>>, vector<1x16xf32>,
      %get3A_850 = vector.shape_cast %get3A_849 : vector<1x16xf32> to vector<16xf32>
      %mul3A_851 = vector.broadcast %squeeze3A_338 : f32 to vector<16xf32>
      %mul3A_852 = arith.mulf %mul3A_851, %get3A_850 : vector<16xf32>
      %add3A_853 = arith.addf %add3A_845, %mul3A_852 : vector<16xf32>
      %swap3A_854 = arith.constant 14 : i32
      %swap3A_855 = arith.index_cast %swap3A_854 : i32 to index
      %swap3A_856 = arith.index_cast %mul3A_455 : i32 to index
      %swap3A_857 = tpu.vector_load %arg17[%swap3A_855, %swap3A_856] {strides = array<i32>} : memref<16x1024xf32, #tpu.memory_space<vmem>>, vector<1x16xf32>,
      %swap3A_858 = vector.shape_cast %swap3A_857 : vector<1x16xf32> to vector<16xf32>
      %swap3A_859 = vector.shape_cast %add3A_853 : vector<16xf32> to vector<1x16xf32>
      tpu.vector_store %arg17[%swap3A_855, %swap3A_856], %swap3A_859 {strides = array<i32>} : memref<16x1024xf32, #tpu.memory_space<vmem>>, vector<1x16xf32>,
      %get3A_860 = arith.constant 15 : i32
      %get3A_861 = arith.index_cast %get3A_860 : i32 to index
      %get3A_862 = arith.index_cast %mul3A_455 : i32 to index
      %get3A_863 = tpu.vector_load %arg17[%get3A_861, %get3A_862] {strides = array<i32>} : memref<16x1024xf32, #tpu.memory_space<vmem>>, vector<1x16xf32>,
      %get3A_864 = vector.shape_cast %get3A_863 : vector<1x16xf32> to vector<16xf32>
      %get3A_865 = arith.constant 15 : i32
      %get3A_866 = arith.index_cast %get3A_865 : i32 to index
      %get3A_867 = arith.index_cast %mul3A_455 : i32 to index
      %get3A_868 = tpu.vector_load %arg13[%get3A_866, %get3A_867] {strides = array<i32>} : memref<16x1024xf32, #tpu.memory_space<vmem>>, vector<1x16xf32>,
      %get3A_869 = vector.shape_cast %get3A_868 : vector<1x16xf32> to vector<16xf32>
      %mul3A_870 = vector.broadcast %squeeze3A_308 : f32 to vector<16xf32>
      %mul3A_871 = arith.mulf %mul3A_870, %get3A_869 : vector<16xf32>
      %add3A_872 = arith.addf %get3A_864, %mul3A_871 : vector<16xf32>
      %get3A_873 = arith.constant 15 : i32
      %get3A_874 = arith.index_cast %get3A_873 : i32 to index
      %get3A_875 = arith.index_cast %mul3A_455 : i32 to index
      %get3A_876 = tpu.vector_load %arg15[%get3A_874, %get3A_875] {strides = array<i32>} : memref<16x1024xf32, #tpu.memory_space<vmem>>, vector<1x16xf32>,
      %get3A_877 = vector.shape_cast %get3A_876 : vector<1x16xf32> to vector<16xf32>
      %mul3A_878 = vector.broadcast %squeeze3A_340 : f32 to vector<16xf32>
      %mul3A_879 = arith.mulf %mul3A_878, %get3A_877 : vector<16xf32>
      %add3A_880 = arith.addf %add3A_872, %mul3A_879 : vector<16xf32>
      %swap3A_881 = arith.constant 15 : i32
      %swap3A_882 = arith.index_cast %swap3A_881 : i32 to index
      %swap3A_883 = arith.index_cast %mul3A_455 : i32 to index
      %swap3A_884 = tpu.vector_load %arg17[%swap3A_882, %swap3A_883] {strides = array<i32>} : memref<16x1024xf32, #tpu.memory_space<vmem>>, vector<1x16xf32>,
      %swap3A_885 = vector.shape_cast %swap3A_884 : vector<1x16xf32> to vector<16xf32>
      %swap3A_886 = vector.shape_cast %add3A_880 : vector<16xf32> to vector<1x16xf32>
      tpu.vector_store %arg17[%swap3A_882, %swap3A_883], %swap3A_886 {strides = array<i32>} : memref<16x1024xf32, #tpu.memory_space<vmem>>, vector<1x16xf32>,
    }
    %scan3A_346 = arith.constant 64 : i32
    %add3A_347 = arith.constant 32 : i32
    %add3A_348 = arith.addi %mul3A_2, %add3A_347 : i32
    %dma_start3A_349 = arith.constant 0 : i32
    %dma_start3A_350 = tpu.memref_slice %arg8[%add3A_348, %dma_start3A_349] : memref<2048x1024xf32, #tpu.memory_space<hbm>> -> memref<16x1024xf32, #tpu.memory_space<hbm>>
    %dma_start3A_351 = arith.constant 0 : i32
    %dma_start3A_352 = tpu.memref_slice %arg8[%add3A_348, %dma_start3A_351] : memref<2048x1024xf32, #tpu.memory_space<hbm>> -> memref<16x1024xf32, #tpu.memory_space<hbm>>
    tpu.enqueue_dma source(%arg17 : memref<16x1024xf32, #tpu.memory_space<vmem>>) target(%dma_start3A_352 : memref<16x1024xf32, #tpu.memory_space<hbm>>) target_semaphore(%arg25 : memref<!tpu.dma_semaphore, #tpu.memory_space<semaphore_mem>>)
    %dma_wait3A_353 = arith.constant 0 : i32
    %dma_wait3A_354 = arith.constant 0 : i32
    %dma_wait3A_355 = tpu.memref_slice %arg2[%dma_wait3A_353, %dma_wait3A_354] : memref<4096x1024xf32, #tpu.memory_space<hbm>> -> memref<4096x1024xf32, #tpu.memory_space<hbm>>
    tpu.wait_indirect_dma semaphore(%arg20 : memref<!tpu.dma_semaphore, #tpu.memory_space<semaphore_mem>>) src(%dma_wait3A_355 : memref<4096x1024xf32, #tpu.memory_space<hbm>>) dst(%arg14 : memref<16x1024xf32, #tpu.memory_space<vmem>>)
    %dma_wait3A_356 = arith.constant 0 : i32
    %dma_wait3A_357 = arith.constant 0 : i32
    %dma_wait3A_358 = tpu.memref_slice %arg2[%dma_wait3A_356, %dma_wait3A_357] : memref<4096x1024xf32, #tpu.memory_space<hbm>> -> memref<4096x1024xf32, #tpu.memory_space<hbm>>
    tpu.wait_indirect_dma semaphore(%arg22 : memref<!tpu.dma_semaphore, #tpu.memory_space<semaphore_mem>>) src(%dma_wait3A_358 : memref<4096x1024xf32, #tpu.memory_space<hbm>>) dst(%arg16 : memref<16x1024xf32, #tpu.memory_space<vmem>>)
    %dma_wait3A_359 = arith.constant 0 : i32
    %dma_wait3A_360 = tpu.memref_slice %arg7[%add3A_266, %dma_wait3A_359] : memref<2048x1024xf32, #tpu.memory_space<hbm>> -> memref<16x1024xf32, #tpu.memory_space<hbm>>
    %dma_wait3A_361 = arith.constant 0 : i32
    %dma_wait3A_362 = tpu.memref_slice %arg7[%add3A_266, %dma_wait3A_361] : memref<2048x1024xf32, #tpu.memory_space<hbm>> -> memref<16x1024xf32, #tpu.memory_space<hbm>>
    tpu.wait_dma2 semaphore(%arg24 : memref<!tpu.dma_semaphore, #tpu.memory_space<semaphore_mem>>) src(%dma_wait3A_362 : memref<16x1024xf32, #tpu.memory_space<hbm>>) dst(%arg18 : memref<16x1024xf32, #tpu.memory_space<vmem>>)
    %get3A_363 = arith.constant 48 : index
    %get3A_364 = tpu.vector_load %arg11[%get3A_363] {strides = array<i32>} : memref<64xf32, #tpu.memory_space<vmem>>, vector<16xf32>,
    %get3A_365 = vector.shape_cast %get3A_364 : vector<16xf32> to vector<16xf32>
    %get3A_366 = arith.constant 48 : index
    %get3A_367 = tpu.vector_load %arg12[%get3A_366] {strides = array<i32>} : memref<64xf32, #tpu.memory_space<vmem>>, vector<16xf32>,
    %get3A_368 = vector.shape_cast %get3A_367 : vector<16xf32> to vector<16xf32>
    %slice3A_369 = vector.extract_strided_slice %get3A_365 {offsets = [0], sizes = [1], strides = [1]} : vector<16xf32> to vector<1xf32>
    %squeeze3A_370 = vector.extract %slice3A_369[0] : f32 from vector<1xf32>
    %slice3A_371 = vector.extract_strided_slice %get3A_365 {offsets = [1], sizes = [1], strides = [1]} : vector<16xf32> to vector<1xf32>
    %squeeze3A_372 = vector.extract %slice3A_371[0] : f32 from vector<1xf32>
    %slice3A_373 = vector.extract_strided_slice %get3A_365 {offsets = [2], sizes = [1], strides = [1]} : vector<16xf32> to vector<1xf32>
    %squeeze3A_374 = vector.extract %slice3A_373[0] : f32 from vector<1xf32>
    %slice3A_375 = vector.extract_strided_slice %get3A_365 {offsets = [3], sizes = [1], strides = [1]} : vector<16xf32> to vector<1xf32>
    %squeeze3A_376 = vector.extract %slice3A_375[0] : f32 from vector<1xf32>
    %slice3A_377 = vector.extract_strided_slice %get3A_365 {offsets = [4], sizes = [1], strides = [1]} : vector<16xf32> to vector<1xf32>
    %squeeze3A_378 = vector.extract %slice3A_377[0] : f32 from vector<1xf32>
    %slice3A_379 = vector.extract_strided_slice %get3A_365 {offsets = [5], sizes = [1], strides = [1]} : vector<16xf32> to vector<1xf32>
    %squeeze3A_380 = vector.extract %slice3A_379[0] : f32 from vector<1xf32>
    %slice3A_381 = vector.extract_strided_slice %get3A_365 {offsets = [6], sizes = [1], strides = [1]} : vector<16xf32> to vector<1xf32>
    %squeeze3A_382 = vector.extract %slice3A_381[0] : f32 from vector<1xf32>
    %slice3A_383 = vector.extract_strided_slice %get3A_365 {offsets = [7], sizes = [1], strides = [1]} : vector<16xf32> to vector<1xf32>
    %squeeze3A_384 = vector.extract %slice3A_383[0] : f32 from vector<1xf32>
    %slice3A_385 = vector.extract_strided_slice %get3A_365 {offsets = [8], sizes = [1], strides = [1]} : vector<16xf32> to vector<1xf32>
    %squeeze3A_386 = vector.extract %slice3A_385[0] : f32 from vector<1xf32>
    %slice3A_387 = vector.extract_strided_slice %get3A_365 {offsets = [9], sizes = [1], strides = [1]} : vector<16xf32> to vector<1xf32>
    %squeeze3A_388 = vector.extract %slice3A_387[0] : f32 from vector<1xf32>
    %slice3A_389 = vector.extract_strided_slice %get3A_365 {offsets = [10], sizes = [1], strides = [1]} : vector<16xf32> to vector<1xf32>
    %squeeze3A_390 = vector.extract %slice3A_389[0] : f32 from vector<1xf32>
    %slice3A_391 = vector.extract_strided_slice %get3A_365 {offsets = [11], sizes = [1], strides = [1]} : vector<16xf32> to vector<1xf32>
    %squeeze3A_392 = vector.extract %slice3A_391[0] : f32 from vector<1xf32>
    %slice3A_393 = vector.extract_strided_slice %get3A_365 {offsets = [12], sizes = [1], strides = [1]} : vector<16xf32> to vector<1xf32>
    %squeeze3A_394 = vector.extract %slice3A_393[0] : f32 from vector<1xf32>
    %slice3A_395 = vector.extract_strided_slice %get3A_365 {offsets = [13], sizes = [1], strides = [1]} : vector<16xf32> to vector<1xf32>
    %squeeze3A_396 = vector.extract %slice3A_395[0] : f32 from vector<1xf32>
    %slice3A_397 = vector.extract_strided_slice %get3A_365 {offsets = [14], sizes = [1], strides = [1]} : vector<16xf32> to vector<1xf32>
    %squeeze3A_398 = vector.extract %slice3A_397[0] : f32 from vector<1xf32>
    %slice3A_399 = vector.extract_strided_slice %get3A_365 {offsets = [15], sizes = [1], strides = [1]} : vector<16xf32> to vector<1xf32>
    %squeeze3A_400 = vector.extract %slice3A_399[0] : f32 from vector<1xf32>
    %slice3A_401 = vector.extract_strided_slice %get3A_368 {offsets = [0], sizes = [1], strides = [1]} : vector<16xf32> to vector<1xf32>
    %squeeze3A_402 = vector.extract %slice3A_401[0] : f32 from vector<1xf32>
    %slice3A_403 = vector.extract_strided_slice %get3A_368 {offsets = [1], sizes = [1], strides = [1]} : vector<16xf32> to vector<1xf32>
    %squeeze3A_404 = vector.extract %slice3A_403[0] : f32 from vector<1xf32>
    %slice3A_405 = vector.extract_strided_slice %get3A_368 {offsets = [2], sizes = [1], strides = [1]} : vector<16xf32> to vector<1xf32>
    %squeeze3A_406 = vector.extract %slice3A_405[0] : f32 from vector<1xf32>
    %slice3A_407 = vector.extract_strided_slice %get3A_368 {offsets = [3], sizes = [1], strides = [1]} : vector<16xf32> to vector<1xf32>
    %squeeze3A_408 = vector.extract %slice3A_407[0] : f32 from vector<1xf32>
    %slice3A_409 = vector.extract_strided_slice %get3A_368 {offsets = [4], sizes = [1], strides = [1]} : vector<16xf32> to vector<1xf32>
    %squeeze3A_410 = vector.extract %slice3A_409[0] : f32 from vector<1xf32>
    %slice3A_411 = vector.extract_strided_slice %get3A_368 {offsets = [5], sizes = [1], strides = [1]} : vector<16xf32> to vector<1xf32>
    %squeeze3A_412 = vector.extract %slice3A_411[0] : f32 from vector<1xf32>
    %slice3A_413 = vector.extract_strided_slice %get3A_368 {offsets = [6], sizes = [1], strides = [1]} : vector<16xf32> to vector<1xf32>
    %squeeze3A_414 = vector.extract %slice3A_413[0] : f32 from vector<1xf32>
    %slice3A_415 = vector.extract_strided_slice %get3A_368 {offsets = [7], sizes = [1], strides = [1]} : vector<16xf32> to vector<1xf32>
    %squeeze3A_416 = vector.extract %slice3A_415[0] : f32 from vector<1xf32>
    %slice3A_417 = vector.extract_strided_slice %get3A_368 {offsets = [8], sizes = [1], strides = [1]} : vector<16xf32> to vector<1xf32>
    %squeeze3A_418 = vector.extract %slice3A_417[0] : f32 from vector<1xf32>
    %slice3A_419 = vector.extract_strided_slice %get3A_368 {offsets = [9], sizes = [1], strides = [1]} : vector<16xf32> to vector<1xf32>
    %squeeze3A_420 = vector.extract %slice3A_419[0] : f32 from vector<1xf32>
    %slice3A_421 = vector.extract_strided_slice %get3A_368 {offsets = [10], sizes = [1], strides = [1]} : vector<16xf32> to vector<1xf32>
    %squeeze3A_422 = vector.extract %slice3A_421[0] : f32 from vector<1xf32>
    %slice3A_423 = vector.extract_strided_slice %get3A_368 {offsets = [11], sizes = [1], strides = [1]} : vector<16xf32> to vector<1xf32>
    %squeeze3A_424 = vector.extract %slice3A_423[0] : f32 from vector<1xf32>
    %slice3A_425 = vector.extract_strided_slice %get3A_368 {offsets = [12], sizes = [1], strides = [1]} : vector<16xf32> to vector<1xf32>
    %squeeze3A_426 = vector.extract %slice3A_425[0] : f32 from vector<1xf32>
    %slice3A_427 = vector.extract_strided_slice %get3A_368 {offsets = [13], sizes = [1], strides = [1]} : vector<16xf32> to vector<1xf32>
    %squeeze3A_428 = vector.extract %slice3A_427[0] : f32 from vector<1xf32>
    %slice3A_429 = vector.extract_strided_slice %get3A_368 {offsets = [14], sizes = [1], strides = [1]} : vector<16xf32> to vector<1xf32>
    %squeeze3A_430 = vector.extract %slice3A_429[0] : f32 from vector<1xf32>
    %slice3A_431 = vector.extract_strided_slice %get3A_368 {offsets = [15], sizes = [1], strides = [1]} : vector<16xf32> to vector<1xf32>
    %squeeze3A_432 = vector.extract %slice3A_431[0] : f32 from vector<1xf32>
    %scan3A_433 = arith.constant 0 : i32
    %scan3A_434 = arith.constant 0 : i32
    %scan3A_435 = arith.constant 64 : i32
    %scan3A_436 = arith.addi %scan3A_434, %scan3A_435 : i32
    %scan3A_437 = arith.constant 1 : i32
    scf.for %scan3A_453 = %scan3A_434 to %scan3A_436 step %scan3A_437  : i32 {
      %mul3A_454 = arith.constant 16 : i32
      %mul3A_455 = arith.muli %scan3A_453, %mul3A_454 : i32
      %get3A_456 = arith.constant 0 : i32
      %get3A_457 = arith.index_cast %get3A_456 : i32 to index
      %get3A_458 = arith.index_cast %mul3A_455 : i32 to index
      %get3A_459 = tpu.vector_load %arg18[%get3A_457, %get3A_458] {strides = array<i32>} : memref<16x1024xf32, #tpu.memory_space<vmem>>, vector<1x16xf32>,
      %get3A_460 = vector.shape_cast %get3A_459 : vector<1x16xf32> to vector<16xf32>
      %get3A_461 = arith.constant 0 : i32
      %get3A_462 = arith.index_cast %get3A_461 : i32 to index
      %get3A_463 = arith.index_cast %mul3A_455 : i32 to index
      %get3A_464 = tpu.vector_load %arg14[%get3A_462, %get3A_463] {strides = array<i32>} : memref<16x1024xf32, #tpu.memory_space<vmem>>, vector<1x16xf32>,
      %get3A_465 = vector.shape_cast %get3A_464 : vector<1x16xf32> to vector<16xf32>
      %mul3A_466 = vector.broadcast %squeeze3A_370 : f32 to vector<16xf32>
      %mul3A_467 = arith.mulf %mul3A_466, %get3A_465 : vector<16xf32>
      %add3A_468 = arith.addf %get3A_460, %mul3A_467 : vector<16xf32>
      %get3A_469 = arith.constant 0 : i32
      %get3A_470 = arith.index_cast %get3A_469 : i32 to index
      %get3A_471 = arith.index_cast %mul3A_455 : i32 to index
      %get3A_472 = tpu.vector_load %arg16[%get3A_470, %get3A_471] {strides = array<i32>} : memref<16x1024xf32, #tpu.memory_space<vmem>>, vector<1x16xf32>,
      %get3A_473 = vector.shape_cast %get3A_472 : vector<1x16xf32> to vector<16xf32>
      %mul3A_474 = vector.broadcast %squeeze3A_402 : f32 to vector<16xf32>
      %mul3A_475 = arith.mulf %mul3A_474, %get3A_473 : vector<16xf32>
      %add3A_476 = arith.addf %add3A_468, %mul3A_475 : vector<16xf32>
      %swap3A = arith.constant 0 : i32
      %swap3A_477 = arith.index_cast %swap3A : i32 to index
      %swap3A_478 = arith.index_cast %mul3A_455 : i32 to index
      %swap3A_479 = tpu.vector_load %arg18[%swap3A_477, %swap3A_478] {strides = array<i32>} : memref<16x1024xf32, #tpu.memory_space<vmem>>, vector<1x16xf32>,
      %swap3A_480 = vector.shape_cast %swap3A_479 : vector<1x16xf32> to vector<16xf32>
      %swap3A_481 = vector.shape_cast %add3A_476 : vector<16xf32> to vector<1x16xf32>
      tpu.vector_store %arg18[%swap3A_477, %swap3A_478], %swap3A_481 {strides = array<i32>} : memref<16x1024xf32, #tpu.memory_space<vmem>>, vector<1x16xf32>,
      %get3A_482 = arith.constant 1 : i32
      %get3A_483 = arith.index_cast %get3A_482 : i32 to index
      %get3A_484 = arith.index_cast %mul3A_455 : i32 to index
      %get3A_485 = tpu.vector_load %arg18[%get3A_483, %get3A_484] {strides = array<i32>} : memref<16x1024xf32, #tpu.memory_space<vmem>>, vector<1x16xf32>,
      %get3A_486 = vector.shape_cast %get3A_485 : vector<1x16xf32> to vector<16xf32>
      %get3A_487 = arith.constant 1 : i32
      %get3A_488 = arith.index_cast %get3A_487 : i32 to index
      %get3A_489 = arith.index_cast %mul3A_455 : i32 to index
      %get3A_490 = tpu.vector_load %arg14[%get3A_488, %get3A_489] {strides = array<i32>} : memref<16x1024xf32, #tpu.memory_space<vmem>>, vector<1x16xf32>,
      %get3A_491 = vector.shape_cast %get3A_490 : vector<1x16xf32> to vector<16xf32>
      %mul3A_492 = vector.broadcast %squeeze3A_372 : f32 to vector<16xf32>
      %mul3A_493 = arith.mulf %mul3A_492, %get3A_491 : vector<16xf32>
      %add3A_494 = arith.addf %get3A_486, %mul3A_493 : vector<16xf32>
      %get3A_495 = arith.constant 1 : i32
      %get3A_496 = arith.index_cast %get3A_495 : i32 to index
      %get3A_497 = arith.index_cast %mul3A_455 : i32 to index
      %get3A_498 = tpu.vector_load %arg16[%get3A_496, %get3A_497] {strides = array<i32>} : memref<16x1024xf32, #tpu.memory_space<vmem>>, vector<1x16xf32>,
      %get3A_499 = vector.shape_cast %get3A_498 : vector<1x16xf32> to vector<16xf32>
      %mul3A_500 = vector.broadcast %squeeze3A_404 : f32 to vector<16xf32>
      %mul3A_501 = arith.mulf %mul3A_500, %get3A_499 : vector<16xf32>
      %add3A_502 = arith.addf %add3A_494, %mul3A_501 : vector<16xf32>
      %swap3A_503 = arith.constant 1 : i32
      %swap3A_504 = arith.index_cast %swap3A_503 : i32 to index
      %swap3A_505 = arith.index_cast %mul3A_455 : i32 to index
      %swap3A_506 = tpu.vector_load %arg18[%swap3A_504, %swap3A_505] {strides = array<i32>} : memref<16x1024xf32, #tpu.memory_space<vmem>>, vector<1x16xf32>,
      %swap3A_507 = vector.shape_cast %swap3A_506 : vector<1x16xf32> to vector<16xf32>
      %swap3A_508 = vector.shape_cast %add3A_502 : vector<16xf32> to vector<1x16xf32>
      tpu.vector_store %arg18[%swap3A_504, %swap3A_505], %swap3A_508 {strides = array<i32>} : memref<16x1024xf32, #tpu.memory_space<vmem>>, vector<1x16xf32>,
      %get3A_509 = arith.constant 2 : i32
      %get3A_510 = arith.index_cast %get3A_509 : i32 to index
      %get3A_511 = arith.index_cast %mul3A_455 : i32 to index
      %get3A_512 = tpu.vector_load %arg18[%get3A_510, %get3A_511] {strides = array<i32>} : memref<16x1024xf32, #tpu.memory_space<vmem>>, vector<1x16xf32>,
      %get3A_513 = vector.shape_cast %get3A_512 : vector<1x16xf32> to vector<16xf32>
      %get3A_514 = arith.constant 2 : i32
      %get3A_515 = arith.index_cast %get3A_514 : i32 to index
      %get3A_516 = arith.index_cast %mul3A_455 : i32 to index
      %get3A_517 = tpu.vector_load %arg14[%get3A_515, %get3A_516] {strides = array<i32>} : memref<16x1024xf32, #tpu.memory_space<vmem>>, vector<1x16xf32>,
      %get3A_518 = vector.shape_cast %get3A_517 : vector<1x16xf32> to vector<16xf32>
      %mul3A_519 = vector.broadcast %squeeze3A_374 : f32 to vector<16xf32>
      %mul3A_520 = arith.mulf %mul3A_519, %get3A_518 : vector<16xf32>
      %add3A_521 = arith.addf %get3A_513, %mul3A_520 : vector<16xf32>
      %get3A_522 = arith.constant 2 : i32
      %get3A_523 = arith.index_cast %get3A_522 : i32 to index
      %get3A_524 = arith.index_cast %mul3A_455 : i32 to index
      %get3A_525 = tpu.vector_load %arg16[%get3A_523, %get3A_524] {strides = array<i32>} : memref<16x1024xf32, #tpu.memory_space<vmem>>, vector<1x16xf32>,
      %get3A_526 = vector.shape_cast %get3A_525 : vector<1x16xf32> to vector<16xf32>
      %mul3A_527 = vector.broadcast %squeeze3A_406 : f32 to vector<16xf32>
      %mul3A_528 = arith.mulf %mul3A_527, %get3A_526 : vector<16xf32>
      %add3A_529 = arith.addf %add3A_521, %mul3A_528 : vector<16xf32>
      %swap3A_530 = arith.constant 2 : i32
      %swap3A_531 = arith.index_cast %swap3A_530 : i32 to index
      %swap3A_532 = arith.index_cast %mul3A_455 : i32 to index
      %swap3A_533 = tpu.vector_load %arg18[%swap3A_531, %swap3A_532] {strides = array<i32>} : memref<16x1024xf32, #tpu.memory_space<vmem>>, vector<1x16xf32>,
      %swap3A_534 = vector.shape_cast %swap3A_533 : vector<1x16xf32> to vector<16xf32>
      %swap3A_535 = vector.shape_cast %add3A_529 : vector<16xf32> to vector<1x16xf32>
      tpu.vector_store %arg18[%swap3A_531, %swap3A_532], %swap3A_535 {strides = array<i32>} : memref<16x1024xf32, #tpu.memory_space<vmem>>, vector<1x16xf32>,
      %get3A_536 = arith.constant 3 : i32
      %get3A_537 = arith.index_cast %get3A_536 : i32 to index
      %get3A_538 = arith.index_cast %mul3A_455 : i32 to index
      %get3A_539 = tpu.vector_load %arg18[%get3A_537, %get3A_538] {strides = array<i32>} : memref<16x1024xf32, #tpu.memory_space<vmem>>, vector<1x16xf32>,
      %get3A_540 = vector.shape_cast %get3A_539 : vector<1x16xf32> to vector<16xf32>
      %get3A_541 = arith.constant 3 : i32
      %get3A_542 = arith.index_cast %get3A_541 : i32 to index
      %get3A_543 = arith.index_cast %mul3A_455 : i32 to index
      %get3A_544 = tpu.vector_load %arg14[%get3A_542, %get3A_543] {strides = array<i32>} : memref<16x1024xf32, #tpu.memory_space<vmem>>, vector<1x16xf32>,
      %get3A_545 = vector.shape_cast %get3A_544 : vector<1x16xf32> to vector<16xf32>
      %mul3A_546 = vector.broadcast %squeeze3A_376 : f32 to vector<16xf32>
      %mul3A_547 = arith.mulf %mul3A_546, %get3A_545 : vector<16xf32>
      %add3A_548 = arith.addf %get3A_540, %mul3A_547 : vector<16xf32>
      %get3A_549 = arith.constant 3 : i32
      %get3A_550 = arith.index_cast %get3A_549 : i32 to index
      %get3A_551 = arith.index_cast %mul3A_455 : i32 to index
      %get3A_552 = tpu.vector_load %arg16[%get3A_550, %get3A_551] {strides = array<i32>} : memref<16x1024xf32, #tpu.memory_space<vmem>>, vector<1x16xf32>,
      %get3A_553 = vector.shape_cast %get3A_552 : vector<1x16xf32> to vector<16xf32>
      %mul3A_554 = vector.broadcast %squeeze3A_408 : f32 to vector<16xf32>
      %mul3A_555 = arith.mulf %mul3A_554, %get3A_553 : vector<16xf32>
      %add3A_556 = arith.addf %add3A_548, %mul3A_555 : vector<16xf32>
      %swap3A_557 = arith.constant 3 : i32
      %swap3A_558 = arith.index_cast %swap3A_557 : i32 to index
      %swap3A_559 = arith.index_cast %mul3A_455 : i32 to index
      %swap3A_560 = tpu.vector_load %arg18[%swap3A_558, %swap3A_559] {strides = array<i32>} : memref<16x1024xf32, #tpu.memory_space<vmem>>, vector<1x16xf32>,
      %swap3A_561 = vector.shape_cast %swap3A_560 : vector<1x16xf32> to vector<16xf32>
      %swap3A_562 = vector.shape_cast %add3A_556 : vector<16xf32> to vector<1x16xf32>
      tpu.vector_store %arg18[%swap3A_558, %swap3A_559], %swap3A_562 {strides = array<i32>} : memref<16x1024xf32, #tpu.memory_space<vmem>>, vector<1x16xf32>,
      %get3A_563 = arith.constant 4 : i32
      %get3A_564 = arith.index_cast %get3A_563 : i32 to index
      %get3A_565 = arith.index_cast %mul3A_455 : i32 to index
      %get3A_566 = tpu.vector_load %arg18[%get3A_564, %get3A_565] {strides = array<i32>} : memref<16x1024xf32, #tpu.memory_space<vmem>>, vector<1x16xf32>,
      %get3A_567 = vector.shape_cast %get3A_566 : vector<1x16xf32> to vector<16xf32>
      %get3A_568 = arith.constant 4 : i32
      %get3A_569 = arith.index_cast %get3A_568 : i32 to index
      %get3A_570 = arith.index_cast %mul3A_455 : i32 to index
      %get3A_571 = tpu.vector_load %arg14[%get3A_569, %get3A_570] {strides = array<i32>} : memref<16x1024xf32, #tpu.memory_space<vmem>>, vector<1x16xf32>,
      %get3A_572 = vector.shape_cast %get3A_571 : vector<1x16xf32> to vector<16xf32>
      %mul3A_573 = vector.broadcast %squeeze3A_378 : f32 to vector<16xf32>
      %mul3A_574 = arith.mulf %mul3A_573, %get3A_572 : vector<16xf32>
      %add3A_575 = arith.addf %get3A_567, %mul3A_574 : vector<16xf32>
      %get3A_576 = arith.constant 4 : i32
      %get3A_577 = arith.index_cast %get3A_576 : i32 to index
      %get3A_578 = arith.index_cast %mul3A_455 : i32 to index
      %get3A_579 = tpu.vector_load %arg16[%get3A_577, %get3A_578] {strides = array<i32>} : memref<16x1024xf32, #tpu.memory_space<vmem>>, vector<1x16xf32>,
      %get3A_580 = vector.shape_cast %get3A_579 : vector<1x16xf32> to vector<16xf32>
      %mul3A_581 = vector.broadcast %squeeze3A_410 : f32 to vector<16xf32>
      %mul3A_582 = arith.mulf %mul3A_581, %get3A_580 : vector<16xf32>
      %add3A_583 = arith.addf %add3A_575, %mul3A_582 : vector<16xf32>
      %swap3A_584 = arith.constant 4 : i32
      %swap3A_585 = arith.index_cast %swap3A_584 : i32 to index
      %swap3A_586 = arith.index_cast %mul3A_455 : i32 to index
      %swap3A_587 = tpu.vector_load %arg18[%swap3A_585, %swap3A_586] {strides = array<i32>} : memref<16x1024xf32, #tpu.memory_space<vmem>>, vector<1x16xf32>,
      %swap3A_588 = vector.shape_cast %swap3A_587 : vector<1x16xf32> to vector<16xf32>
      %swap3A_589 = vector.shape_cast %add3A_583 : vector<16xf32> to vector<1x16xf32>
      tpu.vector_store %arg18[%swap3A_585, %swap3A_586], %swap3A_589 {strides = array<i32>} : memref<16x1024xf32, #tpu.memory_space<vmem>>, vector<1x16xf32>,
      %get3A_590 = arith.constant 5 : i32
      %get3A_591 = arith.index_cast %get3A_590 : i32 to index
      %get3A_592 = arith.index_cast %mul3A_455 : i32 to index
      %get3A_593 = tpu.vector_load %arg18[%get3A_591, %get3A_592] {strides = array<i32>} : memref<16x1024xf32, #tpu.memory_space<vmem>>, vector<1x16xf32>,
      %get3A_594 = vector.shape_cast %get3A_593 : vector<1x16xf32> to vector<16xf32>
      %get3A_595 = arith.constant 5 : i32
      %get3A_596 = arith.index_cast %get3A_595 : i32 to index
      %get3A_597 = arith.index_cast %mul3A_455 : i32 to index
      %get3A_598 = tpu.vector_load %arg14[%get3A_596, %get3A_597] {strides = array<i32>} : memref<16x1024xf32, #tpu.memory_space<vmem>>, vector<1x16xf32>,
      %get3A_599 = vector.shape_cast %get3A_598 : vector<1x16xf32> to vector<16xf32>
      %mul3A_600 = vector.broadcast %squeeze3A_380 : f32 to vector<16xf32>
      %mul3A_601 = arith.mulf %mul3A_600, %get3A_599 : vector<16xf32>
      %add3A_602 = arith.addf %get3A_594, %mul3A_601 : vector<16xf32>
      %get3A_603 = arith.constant 5 : i32
      %get3A_604 = arith.index_cast %get3A_603 : i32 to index
      %get3A_605 = arith.index_cast %mul3A_455 : i32 to index
      %get3A_606 = tpu.vector_load %arg16[%get3A_604, %get3A_605] {strides = array<i32>} : memref<16x1024xf32, #tpu.memory_space<vmem>>, vector<1x16xf32>,
      %get3A_607 = vector.shape_cast %get3A_606 : vector<1x16xf32> to vector<16xf32>
      %mul3A_608 = vector.broadcast %squeeze3A_412 : f32 to vector<16xf32>
      %mul3A_609 = arith.mulf %mul3A_608, %get3A_607 : vector<16xf32>
      %add3A_610 = arith.addf %add3A_602, %mul3A_609 : vector<16xf32>
      %swap3A_611 = arith.constant 5 : i32
      %swap3A_612 = arith.index_cast %swap3A_611 : i32 to index
      %swap3A_613 = arith.index_cast %mul3A_455 : i32 to index
      %swap3A_614 = tpu.vector_load %arg18[%swap3A_612, %swap3A_613] {strides = array<i32>} : memref<16x1024xf32, #tpu.memory_space<vmem>>, vector<1x16xf32>,
      %swap3A_615 = vector.shape_cast %swap3A_614 : vector<1x16xf32> to vector<16xf32>
      %swap3A_616 = vector.shape_cast %add3A_610 : vector<16xf32> to vector<1x16xf32>
      tpu.vector_store %arg18[%swap3A_612, %swap3A_613], %swap3A_616 {strides = array<i32>} : memref<16x1024xf32, #tpu.memory_space<vmem>>, vector<1x16xf32>,
      %get3A_617 = arith.constant 6 : i32
      %get3A_618 = arith.index_cast %get3A_617 : i32 to index
      %get3A_619 = arith.index_cast %mul3A_455 : i32 to index
      %get3A_620 = tpu.vector_load %arg18[%get3A_618, %get3A_619] {strides = array<i32>} : memref<16x1024xf32, #tpu.memory_space<vmem>>, vector<1x16xf32>,
      %get3A_621 = vector.shape_cast %get3A_620 : vector<1x16xf32> to vector<16xf32>
      %get3A_622 = arith.constant 6 : i32
      %get3A_623 = arith.index_cast %get3A_622 : i32 to index
      %get3A_624 = arith.index_cast %mul3A_455 : i32 to index
      %get3A_625 = tpu.vector_load %arg14[%get3A_623, %get3A_624] {strides = array<i32>} : memref<16x1024xf32, #tpu.memory_space<vmem>>, vector<1x16xf32>,
      %get3A_626 = vector.shape_cast %get3A_625 : vector<1x16xf32> to vector<16xf32>
      %mul3A_627 = vector.broadcast %squeeze3A_382 : f32 to vector<16xf32>
      %mul3A_628 = arith.mulf %mul3A_627, %get3A_626 : vector<16xf32>
      %add3A_629 = arith.addf %get3A_621, %mul3A_628 : vector<16xf32>
      %get3A_630 = arith.constant 6 : i32
      %get3A_631 = arith.index_cast %get3A_630 : i32 to index
      %get3A_632 = arith.index_cast %mul3A_455 : i32 to index
      %get3A_633 = tpu.vector_load %arg16[%get3A_631, %get3A_632] {strides = array<i32>} : memref<16x1024xf32, #tpu.memory_space<vmem>>, vector<1x16xf32>,
      %get3A_634 = vector.shape_cast %get3A_633 : vector<1x16xf32> to vector<16xf32>
      %mul3A_635 = vector.broadcast %squeeze3A_414 : f32 to vector<16xf32>
      %mul3A_636 = arith.mulf %mul3A_635, %get3A_634 : vector<16xf32>
      %add3A_637 = arith.addf %add3A_629, %mul3A_636 : vector<16xf32>
      %swap3A_638 = arith.constant 6 : i32
      %swap3A_639 = arith.index_cast %swap3A_638 : i32 to index
      %swap3A_640 = arith.index_cast %mul3A_455 : i32 to index
      %swap3A_641 = tpu.vector_load %arg18[%swap3A_639, %swap3A_640] {strides = array<i32>} : memref<16x1024xf32, #tpu.memory_space<vmem>>, vector<1x16xf32>,
      %swap3A_642 = vector.shape_cast %swap3A_641 : vector<1x16xf32> to vector<16xf32>
      %swap3A_643 = vector.shape_cast %add3A_637 : vector<16xf32> to vector<1x16xf32>
      tpu.vector_store %arg18[%swap3A_639, %swap3A_640], %swap3A_643 {strides = array<i32>} : memref<16x1024xf32, #tpu.memory_space<vmem>>, vector<1x16xf32>,
      %get3A_644 = arith.constant 7 : i32
      %get3A_645 = arith.index_cast %get3A_644 : i32 to index
      %get3A_646 = arith.index_cast %mul3A_455 : i32 to index
      %get3A_647 = tpu.vector_load %arg18[%get3A_645, %get3A_646] {strides = array<i32>} : memref<16x1024xf32, #tpu.memory_space<vmem>>, vector<1x16xf32>,
      %get3A_648 = vector.shape_cast %get3A_647 : vector<1x16xf32> to vector<16xf32>
      %get3A_649 = arith.constant 7 : i32
      %get3A_650 = arith.index_cast %get3A_649 : i32 to index
      %get3A_651 = arith.index_cast %mul3A_455 : i32 to index
      %get3A_652 = tpu.vector_load %arg14[%get3A_650, %get3A_651] {strides = array<i32>} : memref<16x1024xf32, #tpu.memory_space<vmem>>, vector<1x16xf32>,
      %get3A_653 = vector.shape_cast %get3A_652 : vector<1x16xf32> to vector<16xf32>
      %mul3A_654 = vector.broadcast %squeeze3A_384 : f32 to vector<16xf32>
      %mul3A_655 = arith.mulf %mul3A_654, %get3A_653 : vector<16xf32>
      %add3A_656 = arith.addf %get3A_648, %mul3A_655 : vector<16xf32>
      %get3A_657 = arith.constant 7 : i32
      %get3A_658 = arith.index_cast %get3A_657 : i32 to index
      %get3A_659 = arith.index_cast %mul3A_455 : i32 to index
      %get3A_660 = tpu.vector_load %arg16[%get3A_658, %get3A_659] {strides = array<i32>} : memref<16x1024xf32, #tpu.memory_space<vmem>>, vector<1x16xf32>,
      %get3A_661 = vector.shape_cast %get3A_660 : vector<1x16xf32> to vector<16xf32>
      %mul3A_662 = vector.broadcast %squeeze3A_416 : f32 to vector<16xf32>
      %mul3A_663 = arith.mulf %mul3A_662, %get3A_661 : vector<16xf32>
      %add3A_664 = arith.addf %add3A_656, %mul3A_663 : vector<16xf32>
      %swap3A_665 = arith.constant 7 : i32
      %swap3A_666 = arith.index_cast %swap3A_665 : i32 to index
      %swap3A_667 = arith.index_cast %mul3A_455 : i32 to index
      %swap3A_668 = tpu.vector_load %arg18[%swap3A_666, %swap3A_667] {strides = array<i32>} : memref<16x1024xf32, #tpu.memory_space<vmem>>, vector<1x16xf32>,
      %swap3A_669 = vector.shape_cast %swap3A_668 : vector<1x16xf32> to vector<16xf32>
      %swap3A_670 = vector.shape_cast %add3A_664 : vector<16xf32> to vector<1x16xf32>
      tpu.vector_store %arg18[%swap3A_666, %swap3A_667], %swap3A_670 {strides = array<i32>} : memref<16x1024xf32, #tpu.memory_space<vmem>>, vector<1x16xf32>,
      %get3A_671 = arith.constant 8 : i32
      %get3A_672 = arith.index_cast %get3A_671 : i32 to index
      %get3A_673 = arith.index_cast %mul3A_455 : i32 to index
      %get3A_674 = tpu.vector_load %arg18[%get3A_672, %get3A_673] {strides = array<i32>} : memref<16x1024xf32, #tpu.memory_space<vmem>>, vector<1x16xf32>,
      %get3A_675 = vector.shape_cast %get3A_674 : vector<1x16xf32> to vector<16xf32>
      %get3A_676 = arith.constant 8 : i32
      %get3A_677 = arith.index_cast %get3A_676 : i32 to index
      %get3A_678 = arith.index_cast %mul3A_455 : i32 to index
      %get3A_679 = tpu.vector_load %arg14[%get3A_677, %get3A_678] {strides = array<i32>} : memref<16x1024xf32, #tpu.memory_space<vmem>>, vector<1x16xf32>,
      %get3A_680 = vector.shape_cast %get3A_679 : vector<1x16xf32> to vector<16xf32>
      %mul3A_681 = vector.broadcast %squeeze3A_386 : f32 to vector<16xf32>
      %mul3A_682 = arith.mulf %mul3A_681, %get3A_680 : vector<16xf32>
      %add3A_683 = arith.addf %get3A_675, %mul3A_682 : vector<16xf32>
      %get3A_684 = arith.constant 8 : i32
      %get3A_685 = arith.index_cast %get3A_684 : i32 to index
      %get3A_686 = arith.index_cast %mul3A_455 : i32 to index
      %get3A_687 = tpu.vector_load %arg16[%get3A_685, %get3A_686] {strides = array<i32>} : memref<16x1024xf32, #tpu.memory_space<vmem>>, vector<1x16xf32>,
      %get3A_688 = vector.shape_cast %get3A_687 : vector<1x16xf32> to vector<16xf32>
      %mul3A_689 = vector.broadcast %squeeze3A_418 : f32 to vector<16xf32>
      %mul3A_690 = arith.mulf %mul3A_689, %get3A_688 : vector<16xf32>
      %add3A_691 = arith.addf %add3A_683, %mul3A_690 : vector<16xf32>
      %swap3A_692 = arith.constant 8 : i32
      %swap3A_693 = arith.index_cast %swap3A_692 : i32 to index
      %swap3A_694 = arith.index_cast %mul3A_455 : i32 to index
      %swap3A_695 = tpu.vector_load %arg18[%swap3A_693, %swap3A_694] {strides = array<i32>} : memref<16x1024xf32, #tpu.memory_space<vmem>>, vector<1x16xf32>,
      %swap3A_696 = vector.shape_cast %swap3A_695 : vector<1x16xf32> to vector<16xf32>
      %swap3A_697 = vector.shape_cast %add3A_691 : vector<16xf32> to vector<1x16xf32>
      tpu.vector_store %arg18[%swap3A_693, %swap3A_694], %swap3A_697 {strides = array<i32>} : memref<16x1024xf32, #tpu.memory_space<vmem>>, vector<1x16xf32>,
      %get3A_698 = arith.constant 9 : i32
      %get3A_699 = arith.index_cast %get3A_698 : i32 to index
      %get3A_700 = arith.index_cast %mul3A_455 : i32 to index
      %get3A_701 = tpu.vector_load %arg18[%get3A_699, %get3A_700] {strides = array<i32>} : memref<16x1024xf32, #tpu.memory_space<vmem>>, vector<1x16xf32>,
      %get3A_702 = vector.shape_cast %get3A_701 : vector<1x16xf32> to vector<16xf32>
      %get3A_703 = arith.constant 9 : i32
      %get3A_704 = arith.index_cast %get3A_703 : i32 to index
      %get3A_705 = arith.index_cast %mul3A_455 : i32 to index
      %get3A_706 = tpu.vector_load %arg14[%get3A_704, %get3A_705] {strides = array<i32>} : memref<16x1024xf32, #tpu.memory_space<vmem>>, vector<1x16xf32>,
      %get3A_707 = vector.shape_cast %get3A_706 : vector<1x16xf32> to vector<16xf32>
      %mul3A_708 = vector.broadcast %squeeze3A_388 : f32 to vector<16xf32>
      %mul3A_709 = arith.mulf %mul3A_708, %get3A_707 : vector<16xf32>
      %add3A_710 = arith.addf %get3A_702, %mul3A_709 : vector<16xf32>
      %get3A_711 = arith.constant 9 : i32
      %get3A_712 = arith.index_cast %get3A_711 : i32 to index
      %get3A_713 = arith.index_cast %mul3A_455 : i32 to index
      %get3A_714 = tpu.vector_load %arg16[%get3A_712, %get3A_713] {strides = array<i32>} : memref<16x1024xf32, #tpu.memory_space<vmem>>, vector<1x16xf32>,
      %get3A_715 = vector.shape_cast %get3A_714 : vector<1x16xf32> to vector<16xf32>
      %mul3A_716 = vector.broadcast %squeeze3A_420 : f32 to vector<16xf32>
      %mul3A_717 = arith.mulf %mul3A_716, %get3A_715 : vector<16xf32>
      %add3A_718 = arith.addf %add3A_710, %mul3A_717 : vector<16xf32>
      %swap3A_719 = arith.constant 9 : i32
      %swap3A_720 = arith.index_cast %swap3A_719 : i32 to index
      %swap3A_721 = arith.index_cast %mul3A_455 : i32 to index
      %swap3A_722 = tpu.vector_load %arg18[%swap3A_720, %swap3A_721] {strides = array<i32>} : memref<16x1024xf32, #tpu.memory_space<vmem>>, vector<1x16xf32>,
      %swap3A_723 = vector.shape_cast %swap3A_722 : vector<1x16xf32> to vector<16xf32>
      %swap3A_724 = vector.shape_cast %add3A_718 : vector<16xf32> to vector<1x16xf32>
      tpu.vector_store %arg18[%swap3A_720, %swap3A_721], %swap3A_724 {strides = array<i32>} : memref<16x1024xf32, #tpu.memory_space<vmem>>, vector<1x16xf32>,
      %get3A_725 = arith.constant 10 : i32
      %get3A_726 = arith.index_cast %get3A_725 : i32 to index
      %get3A_727 = arith.index_cast %mul3A_455 : i32 to index
      %get3A_728 = tpu.vector_load %arg18[%get3A_726, %get3A_727] {strides = array<i32>} : memref<16x1024xf32, #tpu.memory_space<vmem>>, vector<1x16xf32>,
      %get3A_729 = vector.shape_cast %get3A_728 : vector<1x16xf32> to vector<16xf32>
      %get3A_730 = arith.constant 10 : i32
      %get3A_731 = arith.index_cast %get3A_730 : i32 to index
      %get3A_732 = arith.index_cast %mul3A_455 : i32 to index
      %get3A_733 = tpu.vector_load %arg14[%get3A_731, %get3A_732] {strides = array<i32>} : memref<16x1024xf32, #tpu.memory_space<vmem>>, vector<1x16xf32>,
      %get3A_734 = vector.shape_cast %get3A_733 : vector<1x16xf32> to vector<16xf32>
      %mul3A_735 = vector.broadcast %squeeze3A_390 : f32 to vector<16xf32>
      %mul3A_736 = arith.mulf %mul3A_735, %get3A_734 : vector<16xf32>
      %add3A_737 = arith.addf %get3A_729, %mul3A_736 : vector<16xf32>
      %get3A_738 = arith.constant 10 : i32
      %get3A_739 = arith.index_cast %get3A_738 : i32 to index
      %get3A_740 = arith.index_cast %mul3A_455 : i32 to index
      %get3A_741 = tpu.vector_load %arg16[%get3A_739, %get3A_740] {strides = array<i32>} : memref<16x1024xf32, #tpu.memory_space<vmem>>, vector<1x16xf32>,
      %get3A_742 = vector.shape_cast %get3A_741 : vector<1x16xf32> to vector<16xf32>
      %mul3A_743 = vector.broadcast %squeeze3A_422 : f32 to vector<16xf32>
      %mul3A_744 = arith.mulf %mul3A_743, %get3A_742 : vector<16xf32>
      %add3A_745 = arith.addf %add3A_737, %mul3A_744 : vector<16xf32>
      %swap3A_746 = arith.constant 10 : i32
      %swap3A_747 = arith.index_cast %swap3A_746 : i32 to index
      %swap3A_748 = arith.index_cast %mul3A_455 : i32 to index
      %swap3A_749 = tpu.vector_load %arg18[%swap3A_747, %swap3A_748] {strides = array<i32>} : memref<16x1024xf32, #tpu.memory_space<vmem>>, vector<1x16xf32>,
      %swap3A_750 = vector.shape_cast %swap3A_749 : vector<1x16xf32> to vector<16xf32>
      %swap3A_751 = vector.shape_cast %add3A_745 : vector<16xf32> to vector<1x16xf32>
      tpu.vector_store %arg18[%swap3A_747, %swap3A_748], %swap3A_751 {strides = array<i32>} : memref<16x1024xf32, #tpu.memory_space<vmem>>, vector<1x16xf32>,
      %get3A_752 = arith.constant 11 : i32
      %get3A_753 = arith.index_cast %get3A_752 : i32 to index
      %get3A_754 = arith.index_cast %mul3A_455 : i32 to index
      %get3A_755 = tpu.vector_load %arg18[%get3A_753, %get3A_754] {strides = array<i32>} : memref<16x1024xf32, #tpu.memory_space<vmem>>, vector<1x16xf32>,
      %get3A_756 = vector.shape_cast %get3A_755 : vector<1x16xf32> to vector<16xf32>
      %get3A_757 = arith.constant 11 : i32
      %get3A_758 = arith.index_cast %get3A_757 : i32 to index
      %get3A_759 = arith.index_cast %mul3A_455 : i32 to index
      %get3A_760 = tpu.vector_load %arg14[%get3A_758, %get3A_759] {strides = array<i32>} : memref<16x1024xf32, #tpu.memory_space<vmem>>, vector<1x16xf32>,
      %get3A_761 = vector.shape_cast %get3A_760 : vector<1x16xf32> to vector<16xf32>
      %mul3A_762 = vector.broadcast %squeeze3A_392 : f32 to vector<16xf32>
      %mul3A_763 = arith.mulf %mul3A_762, %get3A_761 : vector<16xf32>
      %add3A_764 = arith.addf %get3A_756, %mul3A_763 : vector<16xf32>
      %get3A_765 = arith.constant 11 : i32
      %get3A_766 = arith.index_cast %get3A_765 : i32 to index
      %get3A_767 = arith.index_cast %mul3A_455 : i32 to index
      %get3A_768 = tpu.vector_load %arg16[%get3A_766, %get3A_767] {strides = array<i32>} : memref<16x1024xf32, #tpu.memory_space<vmem>>, vector<1x16xf32>,
      %get3A_769 = vector.shape_cast %get3A_768 : vector<1x16xf32> to vector<16xf32>
      %mul3A_770 = vector.broadcast %squeeze3A_424 : f32 to vector<16xf32>
      %mul3A_771 = arith.mulf %mul3A_770, %get3A_769 : vector<16xf32>
      %add3A_772 = arith.addf %add3A_764, %mul3A_771 : vector<16xf32>
      %swap3A_773 = arith.constant 11 : i32
      %swap3A_774 = arith.index_cast %swap3A_773 : i32 to index
      %swap3A_775 = arith.index_cast %mul3A_455 : i32 to index
      %swap3A_776 = tpu.vector_load %arg18[%swap3A_774, %swap3A_775] {strides = array<i32>} : memref<16x1024xf32, #tpu.memory_space<vmem>>, vector<1x16xf32>,
      %swap3A_777 = vector.shape_cast %swap3A_776 : vector<1x16xf32> to vector<16xf32>
      %swap3A_778 = vector.shape_cast %add3A_772 : vector<16xf32> to vector<1x16xf32>
      tpu.vector_store %arg18[%swap3A_774, %swap3A_775], %swap3A_778 {strides = array<i32>} : memref<16x1024xf32, #tpu.memory_space<vmem>>, vector<1x16xf32>,
      %get3A_779 = arith.constant 12 : i32
      %get3A_780 = arith.index_cast %get3A_779 : i32 to index
      %get3A_781 = arith.index_cast %mul3A_455 : i32 to index
      %get3A_782 = tpu.vector_load %arg18[%get3A_780, %get3A_781] {strides = array<i32>} : memref<16x1024xf32, #tpu.memory_space<vmem>>, vector<1x16xf32>,
      %get3A_783 = vector.shape_cast %get3A_782 : vector<1x16xf32> to vector<16xf32>
      %get3A_784 = arith.constant 12 : i32
      %get3A_785 = arith.index_cast %get3A_784 : i32 to index
      %get3A_786 = arith.index_cast %mul3A_455 : i32 to index
      %get3A_787 = tpu.vector_load %arg14[%get3A_785, %get3A_786] {strides = array<i32>} : memref<16x1024xf32, #tpu.memory_space<vmem>>, vector<1x16xf32>,
      %get3A_788 = vector.shape_cast %get3A_787 : vector<1x16xf32> to vector<16xf32>
      %mul3A_789 = vector.broadcast %squeeze3A_394 : f32 to vector<16xf32>
      %mul3A_790 = arith.mulf %mul3A_789, %get3A_788 : vector<16xf32>
      %add3A_791 = arith.addf %get3A_783, %mul3A_790 : vector<16xf32>
      %get3A_792 = arith.constant 12 : i32
      %get3A_793 = arith.index_cast %get3A_792 : i32 to index
      %get3A_794 = arith.index_cast %mul3A_455 : i32 to index
      %get3A_795 = tpu.vector_load %arg16[%get3A_793, %get3A_794] {strides = array<i32>} : memref<16x1024xf32, #tpu.memory_space<vmem>>, vector<1x16xf32>,
      %get3A_796 = vector.shape_cast %get3A_795 : vector<1x16xf32> to vector<16xf32>
      %mul3A_797 = vector.broadcast %squeeze3A_426 : f32 to vector<16xf32>
      %mul3A_798 = arith.mulf %mul3A_797, %get3A_796 : vector<16xf32>
      %add3A_799 = arith.addf %add3A_791, %mul3A_798 : vector<16xf32>
      %swap3A_800 = arith.constant 12 : i32
      %swap3A_801 = arith.index_cast %swap3A_800 : i32 to index
      %swap3A_802 = arith.index_cast %mul3A_455 : i32 to index
      %swap3A_803 = tpu.vector_load %arg18[%swap3A_801, %swap3A_802] {strides = array<i32>} : memref<16x1024xf32, #tpu.memory_space<vmem>>, vector<1x16xf32>,
      %swap3A_804 = vector.shape_cast %swap3A_803 : vector<1x16xf32> to vector<16xf32>
      %swap3A_805 = vector.shape_cast %add3A_799 : vector<16xf32> to vector<1x16xf32>
      tpu.vector_store %arg18[%swap3A_801, %swap3A_802], %swap3A_805 {strides = array<i32>} : memref<16x1024xf32, #tpu.memory_space<vmem>>, vector<1x16xf32>,
      %get3A_806 = arith.constant 13 : i32
      %get3A_807 = arith.index_cast %get3A_806 : i32 to index
      %get3A_808 = arith.index_cast %mul3A_455 : i32 to index
      %get3A_809 = tpu.vector_load %arg18[%get3A_807, %get3A_808] {strides = array<i32>} : memref<16x1024xf32, #tpu.memory_space<vmem>>, vector<1x16xf32>,
      %get3A_810 = vector.shape_cast %get3A_809 : vector<1x16xf32> to vector<16xf32>
      %get3A_811 = arith.constant 13 : i32
      %get3A_812 = arith.index_cast %get3A_811 : i32 to index
      %get3A_813 = arith.index_cast %mul3A_455 : i32 to index
      %get3A_814 = tpu.vector_load %arg14[%get3A_812, %get3A_813] {strides = array<i32>} : memref<16x1024xf32, #tpu.memory_space<vmem>>, vector<1x16xf32>,
      %get3A_815 = vector.shape_cast %get3A_814 : vector<1x16xf32> to vector<16xf32>
      %mul3A_816 = vector.broadcast %squeeze3A_396 : f32 to vector<16xf32>
      %mul3A_817 = arith.mulf %mul3A_816, %get3A_815 : vector<16xf32>
      %add3A_818 = arith.addf %get3A_810, %mul3A_817 : vector<16xf32>
      %get3A_819 = arith.constant 13 : i32
      %get3A_820 = arith.index_cast %get3A_819 : i32 to index
      %get3A_821 = arith.index_cast %mul3A_455 : i32 to index
      %get3A_822 = tpu.vector_load %arg16[%get3A_820, %get3A_821] {strides = array<i32>} : memref<16x1024xf32, #tpu.memory_space<vmem>>, vector<1x16xf32>,
      %get3A_823 = vector.shape_cast %get3A_822 : vector<1x16xf32> to vector<16xf32>
      %mul3A_824 = vector.broadcast %squeeze3A_428 : f32 to vector<16xf32>
      %mul3A_825 = arith.mulf %mul3A_824, %get3A_823 : vector<16xf32>
      %add3A_826 = arith.addf %add3A_818, %mul3A_825 : vector<16xf32>
      %swap3A_827 = arith.constant 13 : i32
      %swap3A_828 = arith.index_cast %swap3A_827 : i32 to index
      %swap3A_829 = arith.index_cast %mul3A_455 : i32 to index
      %swap3A_830 = tpu.vector_load %arg18[%swap3A_828, %swap3A_829] {strides = array<i32>} : memref<16x1024xf32, #tpu.memory_space<vmem>>, vector<1x16xf32>,
      %swap3A_831 = vector.shape_cast %swap3A_830 : vector<1x16xf32> to vector<16xf32>
      %swap3A_832 = vector.shape_cast %add3A_826 : vector<16xf32> to vector<1x16xf32>
      tpu.vector_store %arg18[%swap3A_828, %swap3A_829], %swap3A_832 {strides = array<i32>} : memref<16x1024xf32, #tpu.memory_space<vmem>>, vector<1x16xf32>,
      %get3A_833 = arith.constant 14 : i32
      %get3A_834 = arith.index_cast %get3A_833 : i32 to index
      %get3A_835 = arith.index_cast %mul3A_455 : i32 to index
      %get3A_836 = tpu.vector_load %arg18[%get3A_834, %get3A_835] {strides = array<i32>} : memref<16x1024xf32, #tpu.memory_space<vmem>>, vector<1x16xf32>,
      %get3A_837 = vector.shape_cast %get3A_836 : vector<1x16xf32> to vector<16xf32>
      %get3A_838 = arith.constant 14 : i32
      %get3A_839 = arith.index_cast %get3A_838 : i32 to index
      %get3A_840 = arith.index_cast %mul3A_455 : i32 to index
      %get3A_841 = tpu.vector_load %arg14[%get3A_839, %get3A_840] {strides = array<i32>} : memref<16x1024xf32, #tpu.memory_space<vmem>>, vector<1x16xf32>,
      %get3A_842 = vector.shape_cast %get3A_841 : vector<1x16xf32> to vector<16xf32>
      %mul3A_843 = vector.broadcast %squeeze3A_398 : f32 to vector<16xf32>
      %mul3A_844 = arith.mulf %mul3A_843, %get3A_842 : vector<16xf32>
      %add3A_845 = arith.addf %get3A_837, %mul3A_844 : vector<16xf32>
      %get3A_846 = arith.constant 14 : i32
      %get3A_847 = arith.index_cast %get3A_846 : i32 to index
      %get3A_848 = arith.index_cast %mul3A_455 : i32 to index
      %get3A_849 = tpu.vector_load %arg16[%get3A_847, %get3A_848] {strides = array<i32>} : memref<16x1024xf32, #tpu.memory_space<vmem>>, vector<1x16xf32>,
      %get3A_850 = vector.shape_cast %get3A_849 : vector<1x16xf32> to vector<16xf32>
      %mul3A_851 = vector.broadcast %squeeze3A_430 : f32 to vector<16xf32>
      %mul3A_852 = arith.mulf %mul3A_851, %get3A_850 : vector<16xf32>
      %add3A_853 = arith.addf %add3A_845, %mul3A_852 : vector<16xf32>
      %swap3A_854 = arith.constant 14 : i32
      %swap3A_855 = arith.index_cast %swap3A_854 : i32 to index
      %swap3A_856 = arith.index_cast %mul3A_455 : i32 to index
      %swap3A_857 = tpu.vector_load %arg18[%swap3A_855, %swap3A_856] {strides = array<i32>} : memref<16x1024xf32, #tpu.memory_space<vmem>>, vector<1x16xf32>,
      %swap3A_858 = vector.shape_cast %swap3A_857 : vector<1x16xf32> to vector<16xf32>
      %swap3A_859 = vector.shape_cast %add3A_853 : vector<16xf32> to vector<1x16xf32>
      tpu.vector_store %arg18[%swap3A_855, %swap3A_856], %swap3A_859 {strides = array<i32>} : memref<16x1024xf32, #tpu.memory_space<vmem>>, vector<1x16xf32>,
      %get3A_860 = arith.constant 15 : i32
      %get3A_861 = arith.index_cast %get3A_860 : i32 to index
      %get3A_862 = arith.index_cast %mul3A_455 : i32 to index
      %get3A_863 = tpu.vector_load %arg18[%get3A_861, %get3A_862] {strides = array<i32>} : memref<16x1024xf32, #tpu.memory_space<vmem>>, vector<1x16xf32>,
      %get3A_864 = vector.shape_cast %get3A_863 : vector<1x16xf32> to vector<16xf32>
      %get3A_865 = arith.constant 15 : i32
      %get3A_866 = arith.index_cast %get3A_865 : i32 to index
      %get3A_867 = arith.index_cast %mul3A_455 : i32 to index
      %get3A_868 = tpu.vector_load %arg14[%get3A_866, %get3A_867] {strides = array<i32>} : memref<16x1024xf32, #tpu.memory_space<vmem>>, vector<1x16xf32>,
      %get3A_869 = vector.shape_cast %get3A_868 : vector<1x16xf32> to vector<16xf32>
      %mul3A_870 = vector.broadcast %squeeze3A_400 : f32 to vector<16xf32>
      %mul3A_871 = arith.mulf %mul3A_870, %get3A_869 : vector<16xf32>
      %add3A_872 = arith.addf %get3A_864, %mul3A_871 : vector<16xf32>
      %get3A_873 = arith.constant 15 : i32
      %get3A_874 = arith.index_cast %get3A_873 : i32 to index
      %get3A_875 = arith.index_cast %mul3A_455 : i32 to index
      %get3A_876 = tpu.vector_load %arg16[%get3A_874, %get3A_875] {strides = array<i32>} : memref<16x1024xf32, #tpu.memory_space<vmem>>, vector<1x16xf32>,
      %get3A_877 = vector.shape_cast %get3A_876 : vector<1x16xf32> to vector<16xf32>
      %mul3A_878 = vector.broadcast %squeeze3A_432 : f32 to vector<16xf32>
      %mul3A_879 = arith.mulf %mul3A_878, %get3A_877 : vector<16xf32>
      %add3A_880 = arith.addf %add3A_872, %mul3A_879 : vector<16xf32>
      %swap3A_881 = arith.constant 15 : i32
      %swap3A_882 = arith.index_cast %swap3A_881 : i32 to index
      %swap3A_883 = arith.index_cast %mul3A_455 : i32 to index
      %swap3A_884 = tpu.vector_load %arg18[%swap3A_882, %swap3A_883] {strides = array<i32>} : memref<16x1024xf32, #tpu.memory_space<vmem>>, vector<1x16xf32>,
      %swap3A_885 = vector.shape_cast %swap3A_884 : vector<1x16xf32> to vector<16xf32>
      %swap3A_886 = vector.shape_cast %add3A_880 : vector<16xf32> to vector<1x16xf32>
      tpu.vector_store %arg18[%swap3A_882, %swap3A_883], %swap3A_886 {strides = array<i32>} : memref<16x1024xf32, #tpu.memory_space<vmem>>, vector<1x16xf32>,
    }
    %scan3A_438 = arith.constant 64 : i32
    %add3A_439 = arith.constant 48 : i32
    %add3A_440 = arith.addi %mul3A_2, %add3A_439 : i32
    %dma_start3A_441 = arith.constant 0 : i32
    %dma_start3A_442 = tpu.memref_slice %arg8[%add3A_440, %dma_start3A_441] : memref<2048x1024xf32, #tpu.memory_space<hbm>> -> memref<16x1024xf32, #tpu.memory_space<hbm>>
    %dma_start3A_443 = arith.constant 0 : i32
    %dma_start3A_444 = tpu.memref_slice %arg8[%add3A_440, %dma_start3A_443] : memref<2048x1024xf32, #tpu.memory_space<hbm>> -> memref<16x1024xf32, #tpu.memory_space<hbm>>
    tpu.enqueue_dma source(%arg18 : memref<16x1024xf32, #tpu.memory_space<vmem>>) target(%dma_start3A_444 : memref<16x1024xf32, #tpu.memory_space<hbm>>) target_semaphore(%arg26 : memref<!tpu.dma_semaphore, #tpu.memory_space<semaphore_mem>>)
    %dma_wait3A_445 = arith.constant 0 : i32
    %dma_wait3A_446 = tpu.memref_slice %arg8[%add3A_348, %dma_wait3A_445] : memref<2048x1024xf32, #tpu.memory_space<hbm>> -> memref<16x1024xf32, #tpu.memory_space<hbm>>
    %dma_wait3A_447 = arith.constant 0 : i32
    %dma_wait3A_448 = tpu.memref_slice %arg8[%add3A_348, %dma_wait3A_447] : memref<2048x1024xf32, #tpu.memory_space<hbm>> -> memref<16x1024xf32, #tpu.memory_space<hbm>>
    tpu.wait_dma2 semaphore(%arg25 : memref<!tpu.dma_semaphore, #tpu.memory_space<semaphore_mem>>) src(%arg17 : memref<16x1024xf32, #tpu.memory_space<vmem>>) dst(%dma_wait3A_448 : memref<16x1024xf32, #tpu.memory_space<hbm>>)
    %dma_wait3A_449 = arith.constant 0 : i32
    %dma_wait3A_450 = tpu.memref_slice %arg8[%add3A_440, %dma_wait3A_449] : memref<2048x1024xf32, #tpu.memory_space<hbm>> -> memref<16x1024xf32, #tpu.memory_space<hbm>>
    %dma_wait3A_451 = arith.constant 0 : i32
    %dma_wait3A_452 = tpu.memref_slice %arg8[%add3A_440, %dma_wait3A_451] : memref<2048x1024xf32, #tpu.memory_space<hbm>> -> memref<16x1024xf32, #tpu.memory_space<hbm>>
    tpu.wait_dma2 semaphore(%arg26 : memref<!tpu.dma_semaphore, #tpu.memory_space<semaphore_mem>>) src(%arg18 : memref<16x1024xf32, #tpu.memory_space<vmem>>) dst(%dma_wait3A_452 : memref<16x1024xf32, #tpu.memory_space<hbm>>)
    return
  }
}

module attributes {stable_mosaic.version = 14 : i64} {
  func.func @_gmm_body(%arg0: i32, %arg1: memref<16xi32, #tpu.memory_space<smem>>, %arg2: memref<16xi32, #tpu.memory_space<smem>>, %arg3: memref<16xi32, #tpu.memory_space<smem>>, %arg4: memref<16xi32, #tpu.memory_space<smem>>, %arg5: memref<512x1024xf32, #tpu.memory_space<vmem>>, %arg6: memref<1x1024x512xf32, #tpu.memory_space<vmem>>, %arg7: memref<1x1024x512xf32, #tpu.memory_space<vmem>>, %arg8: memref<1x512x1024xf32, #tpu.memory_space<vmem>>, %arg9: memref<512x1024xf32, #tpu.memory_space<vmem>>) attributes {dimension_semantics = [#tpu.dimension_semantics<arbitrary>], iteration_bounds = array<i64: 16>, scalar_prefetch = 4 : i64, scratch_operands = 0 : i64, tpu.core_type = #tpu.core_type<tc>, window_params = [{transform_indices = @transform_0, window_bounds = array<i64: 512, 1024>}, {transform_indices = @transform_1, window_bounds = array<i64: 1, 1024, 512>}, {transform_indices = @transform_2, window_bounds = array<i64: 1, 1024, 512>}, {transform_indices = @transform_3, window_bounds = array<i64: 1, 512, 1024>}, {transform_indices = @transform_4, window_bounds = array<i64: 512, 1024>}]} {
    %get3A = arith.index_cast %arg0 : i32 to index
    %get3A_0 = memref.load %arg4[%get3A] : memref<16xi32, #tpu.memory_space<smem>>
    %get3A_1 = arith.index_cast %arg0 : i32 to index
    %get3A_2 = memref.load %arg3[%get3A_1] : memref<16xi32, #tpu.memory_space<smem>>
    %gt3A = arith.cmpi sgt, %get3A_0, %get3A_2 : i32
    %convert_element_type3A = arith.extui %gt3A : i1 to i32
    %cond3A = arith.constant 0 : i32
    %cond3A_3 = arith.cmpi ne, %convert_element_type3A, %cond3A : i32
    scf.if %cond3A_3 {
      %get3A_4 = arith.constant 0 : index
      %get3A_5 = arith.constant 0 : index
      %get3A_6 = vector.load %arg5[%get3A_4, %get3A_5] : memref<512x1024xf32, #tpu.memory_space<vmem>>, vector<512x1024xf32>
      %get3A_7 = arith.constant 0 : index
      %get3A_8 = arith.constant 0 : index
      %get3A_9 = arith.constant 0 : index
      %get3A_10 = vector.load %arg6[%get3A_7, %get3A_8, %get3A_9] : memref<1x1024x512xf32, #tpu.memory_space<vmem>>, vector<1x1024x512xf32>
      %get3A_11 = vector.shape_cast %get3A_10 : vector<1x1024x512xf32> to vector<1024x512xf32>
      %dot_general3A = arith.constant dense<0.000000e+00> : vector<512x512xf32>
      %dot_general3A_12 = tpu.matmul %get3A_6, %get3A_11, %dot_general3A {dimension_numbers = #tpu.dot_dimension_numbers<[1], [0], [0], [1], [0, 0, 1, 1], [], []>, transpose_lhs_hint = false} : vector<512x1024xf32>, vector<1024x512xf32>, vector<512x512xf32> -> vector<512x512xf32>
      %get3A_13 = arith.constant 0 : index
      %get3A_14 = arith.constant 0 : index
      %get3A_15 = arith.constant 0 : index
      %get3A_16 = vector.load %arg7[%get3A_13, %get3A_14, %get3A_15] : memref<1x1024x512xf32, #tpu.memory_space<vmem>>, vector<1x1024x512xf32>
      %get3A_17 = vector.shape_cast %get3A_16 : vector<1x1024x512xf32> to vector<1024x512xf32>
      %dot_general3A_18 = arith.constant dense<0.000000e+00> : vector<512x512xf32>
      %dot_general3A_19 = tpu.matmul %get3A_6, %get3A_17, %dot_general3A_18 {dimension_numbers = #tpu.dot_dimension_numbers<[1], [0], [0], [1], [0, 0, 1, 1], [], []>, transpose_lhs_hint = false} : vector<512x1024xf32>, vector<1024x512xf32>, vector<512x512xf32> -> vector<512x512xf32>
      %logistic3A = arith.negf %dot_general3A_12 : vector<512x512xf32>
      %logistic3A_20 = math.exp %logistic3A : vector<512x512xf32>
      %logistic3A_21 = arith.constant 1.000000e+00 : f32
      %logistic3A_22 = vector.broadcast %logistic3A_21 : f32 to vector<512x512xf32>
      %logistic3A_23 = arith.addf %logistic3A_22, %logistic3A_20 : vector<512x512xf32>
      %logistic3A_24 = arith.divf %logistic3A_22, %logistic3A_23 : vector<512x512xf32>
      %mul3A = arith.mulf %dot_general3A_12, %logistic3A_24 : vector<512x512xf32>
      %mul3A_25 = arith.mulf %mul3A, %dot_general3A_19 : vector<512x512xf32>
      %get3A_26 = arith.constant 0 : index
      %get3A_27 = arith.constant 0 : index
      %get3A_28 = arith.constant 0 : index
      %get3A_29 = vector.load %arg8[%get3A_26, %get3A_27, %get3A_28] : memref<1x512x1024xf32, #tpu.memory_space<vmem>>, vector<1x512x1024xf32>
      %get3A_30 = vector.shape_cast %get3A_29 : vector<1x512x1024xf32> to vector<512x1024xf32>
      %dot_general3A_31 = arith.constant dense<0.000000e+00> : vector<512x1024xf32>
      %dot_general3A_32 = tpu.matmul %mul3A_25, %get3A_30, %dot_general3A_31 {dimension_numbers = #tpu.dot_dimension_numbers<[1], [0], [0], [1], [0, 0, 1, 1], [], []>, transpose_lhs_hint = false} : vector<512x512xf32>, vector<512x1024xf32>, vector<512x1024xf32> -> vector<512x1024xf32>
      %get3A_33 = arith.index_cast %arg0 : i32 to index
      %get3A_34 = memref.load %arg2[%get3A_33] : memref<16xi32, #tpu.memory_space<smem>>
      %mul3A_35 = arith.constant 512 : i32
      %mul3A_36 = arith.muli %get3A_34, %mul3A_35 : i32
      %iota3A = tpu.iota {dimensions = array<i32: 0>} : vector<512x1xi32>
      %add3A = vector.broadcast %mul3A_36 : i32 to vector<512x1xi32>
      %add3A_37 = arith.addi %add3A, %iota3A : vector<512x1xi32>
      %get3A_38 = arith.index_cast %arg0 : i32 to index
      %get3A_39 = memref.load %arg3[%get3A_38] : memref<16xi32, #tpu.memory_space<smem>>
      %ge3A = vector.broadcast %get3A_39 : i32 to vector<512x1xi32>
      %ge3A_40 = arith.cmpi sge, %add3A_37, %ge3A : vector<512x1xi32>
      %get3A_41 = arith.index_cast %arg0 : i32 to index
      %get3A_42 = memref.load %arg4[%get3A_41] : memref<16xi32, #tpu.memory_space<smem>>
      %lt3A = vector.broadcast %get3A_42 : i32 to vector<512x1xi32>
      %lt3A_43 = arith.cmpi slt, %add3A_37, %lt3A : vector<512x1xi32>
      %and3A = arith.andi %ge3A_40, %lt3A_43 : vector<512x1xi1>
      %get3A_44 = arith.constant 0 : index
      %get3A_45 = arith.constant 0 : index
      %get3A_46 = vector.load %arg9[%get3A_44, %get3A_45] : memref<512x1024xf32, #tpu.memory_space<vmem>>, vector<512x1024xf32>
      %broadcast_in_dim3A = vector.shape_cast %and3A : vector<512x1xi1> to vector<512x1xi1>
      %broadcast_in_dim3A_47 = vector.broadcast %broadcast_in_dim3A : vector<512x1xi1> to vector<512x1024xi1>
      %select_n3A = arith.select %broadcast_in_dim3A_47, %dot_general3A_32, %get3A_46 : vector<512x1024xi1>, vector<512x1024xf32>
      %swap3A = arith.constant 0 : index
      %swap3A_48 = arith.constant 0 : index
      %swap3A_49 = vector.load %arg9[%swap3A, %swap3A_48] : memref<512x1024xf32, #tpu.memory_space<vmem>>, vector<512x1024xf32>
      tpu.vector_store %arg9[%swap3A, %swap3A_48], %select_n3A {strides = array<i32>} : memref<512x1024xf32, #tpu.memory_space<vmem>>, vector<512x1024xf32>,
    } else {
    }
    return
  }
  func.func @transform_0(%arg0: i32, %arg1: memref<16xi32, #tpu.memory_space<smem>>, %arg2: memref<16xi32, #tpu.memory_space<smem>>, %arg3: memref<16xi32, #tpu.memory_space<smem>>, %arg4: memref<16xi32, #tpu.memory_space<smem>>) -> (i32, i32) {
    %get3A = arith.index_cast %arg0 : i32 to index
    %get3A_0 = memref.load %arg2[%get3A] : memref<16xi32, #tpu.memory_space<smem>>
    %c0_i32 = arith.constant 0 : i32
    %c0_i32_1 = arith.constant 0 : i32
    return %get3A_0, %c0_i32 : i32, i32
  }
  func.func @transform_1(%arg0: i32, %arg1: memref<16xi32, #tpu.memory_space<smem>>, %arg2: memref<16xi32, #tpu.memory_space<smem>>, %arg3: memref<16xi32, #tpu.memory_space<smem>>, %arg4: memref<16xi32, #tpu.memory_space<smem>>) -> (i32, i32, i32) {
    %get3A = arith.index_cast %arg0 : i32 to index
    %get3A_0 = memref.load %arg1[%get3A] : memref<16xi32, #tpu.memory_space<smem>>
    %c0_i32 = arith.constant 0 : i32
    %c0_i32_1 = arith.constant 0 : i32
    %c0_i32_2 = arith.constant 0 : i32
    return %get3A_0, %c0_i32, %c0_i32_1 : i32, i32, i32
  }
  func.func @transform_2(%arg0: i32, %arg1: memref<16xi32, #tpu.memory_space<smem>>, %arg2: memref<16xi32, #tpu.memory_space<smem>>, %arg3: memref<16xi32, #tpu.memory_space<smem>>, %arg4: memref<16xi32, #tpu.memory_space<smem>>) -> (i32, i32, i32) {
    %get3A = arith.index_cast %arg0 : i32 to index
    %get3A_0 = memref.load %arg1[%get3A] : memref<16xi32, #tpu.memory_space<smem>>
    %c0_i32 = arith.constant 0 : i32
    %c0_i32_1 = arith.constant 0 : i32
    %c0_i32_2 = arith.constant 0 : i32
    return %get3A_0, %c0_i32, %c0_i32_1 : i32, i32, i32
  }
  func.func @transform_3(%arg0: i32, %arg1: memref<16xi32, #tpu.memory_space<smem>>, %arg2: memref<16xi32, #tpu.memory_space<smem>>, %arg3: memref<16xi32, #tpu.memory_space<smem>>, %arg4: memref<16xi32, #tpu.memory_space<smem>>) -> (i32, i32, i32) {
    %get3A = arith.index_cast %arg0 : i32 to index
    %get3A_0 = memref.load %arg1[%get3A] : memref<16xi32, #tpu.memory_space<smem>>
    %c0_i32 = arith.constant 0 : i32
    %c0_i32_1 = arith.constant 0 : i32
    %c0_i32_2 = arith.constant 0 : i32
    return %get3A_0, %c0_i32, %c0_i32_1 : i32, i32, i32
  }
  func.func @transform_4(%arg0: i32, %arg1: memref<16xi32, #tpu.memory_space<smem>>, %arg2: memref<16xi32, #tpu.memory_space<smem>>, %arg3: memref<16xi32, #tpu.memory_space<smem>>, %arg4: memref<16xi32, #tpu.memory_space<smem>>) -> (i32, i32) {
    %get3A = arith.index_cast %arg0 : i32 to index
    %get3A_0 = memref.load %arg2[%get3A] : memref<16xi32, #tpu.memory_space<smem>>
    %c0_i32 = arith.constant 0 : i32
    %c0_i32_1 = arith.constant 0 : i32
    return %get3A_0, %c0_i32 : i32, i32
  }
}

module attributes {stable_mosaic.version = 14 : i64} {
  func.func @_router_body(%arg0: memref<2048x1024xf32, #tpu.memory_space<vmem>>, %arg1: memref<8x1024xf32, #tpu.memory_space<vmem>>, %arg2: memref<1x8xf32, #tpu.memory_space<vmem>>, %arg3: memref<2048xi32, #tpu.memory_space<vmem>>, %arg4: memref<2048xi32, #tpu.memory_space<vmem>>, %arg5: memref<2048xf32, #tpu.memory_space<vmem>>, %arg6: memref<2048xf32, #tpu.memory_space<vmem>>, %arg7: memref<16xi32, #tpu.memory_space<vmem>>, %arg8: memref<16xi32, #tpu.memory_space<vmem>>, %arg9: memref<16xi32, #tpu.memory_space<vmem>>, %arg10: memref<16xi32, #tpu.memory_space<vmem>>) attributes {dimension_semantics = [], scalar_prefetch = 0 : i64, scratch_operands = 0 : i64, tpu.core_type = #tpu.core_type<tc>} {
    %get3A = arith.constant 0 : index
    %get3A_0 = arith.constant 0 : index
    %get3A_1 = vector.load %arg0[%get3A, %get3A_0] : memref<2048x1024xf32, #tpu.memory_space<vmem>>, vector<2048x1024xf32>
    %get3A_2 = arith.constant 0 : index
    %get3A_3 = arith.constant 0 : index
    %get3A_4 = vector.load %arg1[%get3A_2, %get3A_3] : memref<8x1024xf32, #tpu.memory_space<vmem>>, vector<8x1024xf32>
    %dot_general3A = arith.constant dense<0.000000e+00> : vector<2048x8xf32>
    %dot_general3A_5 = tpu.matmul %get3A_1, %get3A_4, %dot_general3A {dimension_numbers = #tpu.dot_dimension_numbers<[1], [1], [0], [0], [0, 0, 1, 0], [], []>, transpose_lhs_hint = false} : vector<2048x1024xf32>, vector<8x1024xf32>, vector<2048x8xf32> -> vector<2048x8xf32>
    %logistic3A = arith.negf %dot_general3A_5 : vector<2048x8xf32>
    %logistic3A_6 = math.exp %logistic3A : vector<2048x8xf32>
    %logistic3A_7 = arith.constant 1.000000e+00 : f32
    %logistic3A_8 = vector.broadcast %logistic3A_7 : f32 to vector<2048x8xf32>
    %logistic3A_9 = arith.addf %logistic3A_8, %logistic3A_6 : vector<2048x8xf32>
    %logistic3A_10 = arith.divf %logistic3A_8, %logistic3A_9 : vector<2048x8xf32>
    %get3A_11 = arith.constant 0 : index
    %get3A_12 = arith.constant 0 : index
    %get3A_13 = vector.load %arg2[%get3A_11, %get3A_12] : memref<1x8xf32, #tpu.memory_space<vmem>>, vector<1x8xf32>
    %add3A = vector.broadcast %get3A_13 : vector<1x8xf32> to vector<2048x8xf32>
    %add3A_14 = arith.addf %logistic3A_10, %add3A : vector<2048x8xf32>
    %slice3A = vector.extract_strided_slice %add3A_14 {offsets = [0, 0], sizes = [2048, 1], strides = [1, 1]} : vector<2048x8xf32> to vector<2048x1xf32>
    %slice3A_15 = vector.extract_strided_slice %add3A_14 {offsets = [0, 1], sizes = [2048, 1], strides = [1, 1]} : vector<2048x8xf32> to vector<2048x1xf32>
    %add3A_16 = arith.addf %slice3A, %slice3A_15 : vector<2048x1xf32>
    %slice3A_17 = vector.extract_strided_slice %add3A_14 {offsets = [0, 2], sizes = [2048, 1], strides = [1, 1]} : vector<2048x8xf32> to vector<2048x1xf32>
    %slice3A_18 = vector.extract_strided_slice %add3A_14 {offsets = [0, 3], sizes = [2048, 1], strides = [1, 1]} : vector<2048x8xf32> to vector<2048x1xf32>
    %add3A_19 = arith.addf %slice3A_17, %slice3A_18 : vector<2048x1xf32>
    %slice3A_20 = vector.extract_strided_slice %add3A_14 {offsets = [0, 4], sizes = [2048, 1], strides = [1, 1]} : vector<2048x8xf32> to vector<2048x1xf32>
    %slice3A_21 = vector.extract_strided_slice %add3A_14 {offsets = [0, 5], sizes = [2048, 1], strides = [1, 1]} : vector<2048x8xf32> to vector<2048x1xf32>
    %add3A_22 = arith.addf %slice3A_20, %slice3A_21 : vector<2048x1xf32>
    %slice3A_23 = vector.extract_strided_slice %add3A_14 {offsets = [0, 6], sizes = [2048, 1], strides = [1, 1]} : vector<2048x8xf32> to vector<2048x1xf32>
    %slice3A_24 = vector.extract_strided_slice %add3A_14 {offsets = [0, 7], sizes = [2048, 1], strides = [1, 1]} : vector<2048x8xf32> to vector<2048x1xf32>
    %add3A_25 = arith.addf %slice3A_23, %slice3A_24 : vector<2048x1xf32>
    %concatenate3A = tpu.concatenate %add3A_16, %add3A_19, %add3A_22, %add3A_25 in 1 : vector<2048x1xf32>, vector<2048x1xf32>, vector<2048x1xf32>, vector<2048x1xf32> -> vector<2048x4xf32>
    %iota3A = tpu.iota {dimensions = array<i32: 1>} : vector<2048x4xi32>
    %reduce_max3A = arith.constant dense<0xFF800000> : vector<2048xf32>
    %reduce_max3A_26 = vector.multi_reduction <maximumf>, %concatenate3A, %reduce_max3A [1] : vector<2048x4xf32> to vector<2048xf32>
    %broadcast_in_dim3A = vector.shape_cast %reduce_max3A_26 : vector<2048xf32> to vector<2048x1xf32>
    %eq3A = vector.broadcast %broadcast_in_dim3A : vector<2048x1xf32> to vector<2048x4xf32>
    %eq3A_27 = arith.cmpf oeq, %concatenate3A, %eq3A : vector<2048x4xf32>
    %jit3A = arith.constant 4 : i32
    %broadcast_in_dim3A_28 = vector.broadcast %jit3A : i32 to vector<2048x4xi32>
    %select_n3A = arith.select %eq3A_27, %iota3A, %broadcast_in_dim3A_28 : vector<2048x4xi1>, vector<2048x4xi32>
    %reduce_min3A = arith.constant dense<2147483647> : vector<2048xi32>
    %reduce_min3A_29 = vector.multi_reduction <minsi>, %select_n3A, %reduce_min3A [1] : vector<2048x4xi32> to vector<2048xi32>
    %broadcast_in_dim3A_30 = vector.shape_cast %reduce_min3A_29 : vector<2048xi32> to vector<2048x1xi32>
    %eq3A_31 = vector.broadcast %broadcast_in_dim3A_30 : vector<2048x1xi32> to vector<2048x4xi32>
    %eq3A_32 = arith.cmpi eq, %iota3A, %eq3A_31 : vector<2048x4xi32>
    %jit3A_33 = arith.constant 0xFF800000 : f32
    %broadcast_in_dim3A_34 = vector.broadcast %jit3A_33 : f32 to vector<2048x4xf32>
    %select_n3A_35 = arith.select %eq3A_32, %broadcast_in_dim3A_34, %concatenate3A : vector<2048x4xi1>, vector<2048x4xf32>
    %reduce_max3A_36 = arith.constant dense<0xFF800000> : vector<2048xf32>
    %reduce_max3A_37 = vector.multi_reduction <maximumf>, %select_n3A_35, %reduce_max3A_36 [1] : vector<2048x4xf32> to vector<2048xf32>
    %broadcast_in_dim3A_38 = vector.shape_cast %reduce_max3A_37 : vector<2048xf32> to vector<2048x1xf32>
    %eq3A_39 = vector.broadcast %broadcast_in_dim3A_38 : vector<2048x1xf32> to vector<2048x4xf32>
    %eq3A_40 = arith.cmpf oeq, %select_n3A_35, %eq3A_39 : vector<2048x4xf32>
    %jit3A_41 = arith.constant 4 : i32
    %broadcast_in_dim3A_42 = vector.broadcast %jit3A_41 : i32 to vector<2048x4xi32>
    %select_n3A_43 = arith.select %eq3A_40, %iota3A, %broadcast_in_dim3A_42 : vector<2048x4xi1>, vector<2048x4xi32>
    %reduce_min3A_44 = arith.constant dense<2147483647> : vector<2048xi32>
    %reduce_min3A_45 = vector.multi_reduction <minsi>, %select_n3A_43, %reduce_min3A_44 [1] : vector<2048x4xi32> to vector<2048xi32>
    %broadcast_in_dim3A_46 = vector.shape_cast %reduce_min3A_45 : vector<2048xi32> to vector<2048x1xi32>
    %eq3A_47 = vector.broadcast %broadcast_in_dim3A_30 : vector<2048x1xi32> to vector<2048x4xi32>
    %eq3A_48 = arith.cmpi eq, %iota3A, %eq3A_47 : vector<2048x4xi32>
    %eq3A_49 = vector.broadcast %broadcast_in_dim3A_46 : vector<2048x1xi32> to vector<2048x4xi32>
    %eq3A_50 = arith.cmpi eq, %iota3A, %eq3A_49 : vector<2048x4xi32>
    %or3A = arith.ori %eq3A_48, %eq3A_50 : vector<2048x4xi1>
    %convert_element_type3A = arith.extui %or3A : vector<2048x4xi1> to vector<2048x4xi32>
    %convert_element_type3A_51 = arith.sitofp %convert_element_type3A : vector<2048x4xi32> to vector<2048x4xf32>
    %slice3A_52 = vector.extract_strided_slice %convert_element_type3A_51 {offsets = [0, 0], sizes = [2048, 1], strides = [1, 1]} : vector<2048x4xf32> to vector<2048x1xf32>
    %slice3A_53 = vector.extract_strided_slice %convert_element_type3A_51 {offsets = [0, 0], sizes = [2048, 1], strides = [1, 1]} : vector<2048x4xf32> to vector<2048x1xf32>
    %slice3A_54 = vector.extract_strided_slice %convert_element_type3A_51 {offsets = [0, 1], sizes = [2048, 1], strides = [1, 1]} : vector<2048x4xf32> to vector<2048x1xf32>
    %slice3A_55 = vector.extract_strided_slice %convert_element_type3A_51 {offsets = [0, 1], sizes = [2048, 1], strides = [1, 1]} : vector<2048x4xf32> to vector<2048x1xf32>
    %slice3A_56 = vector.extract_strided_slice %convert_element_type3A_51 {offsets = [0, 2], sizes = [2048, 1], strides = [1, 1]} : vector<2048x4xf32> to vector<2048x1xf32>
    %slice3A_57 = vector.extract_strided_slice %convert_element_type3A_51 {offsets = [0, 2], sizes = [2048, 1], strides = [1, 1]} : vector<2048x4xf32> to vector<2048x1xf32>
    %slice3A_58 = vector.extract_strided_slice %convert_element_type3A_51 {offsets = [0, 3], sizes = [2048, 1], strides = [1, 1]} : vector<2048x4xf32> to vector<2048x1xf32>
    %slice3A_59 = vector.extract_strided_slice %convert_element_type3A_51 {offsets = [0, 3], sizes = [2048, 1], strides = [1, 1]} : vector<2048x4xf32> to vector<2048x1xf32>
    %concatenate3A_60 = tpu.concatenate %slice3A_52, %slice3A_53, %slice3A_54, %slice3A_55, %slice3A_56, %slice3A_57, %slice3A_58, %slice3A_59 in 1 : vector<2048x1xf32>, vector<2048x1xf32>, vector<2048x1xf32>, vector<2048x1xf32>, vector<2048x1xf32>, vector<2048x1xf32>, vector<2048x1xf32>, vector<2048x1xf32> -> vector<2048x8xf32>
    %gt3A = arith.constant 5.000000e-01 : f32
    %gt3A_61 = vector.broadcast %gt3A : f32 to vector<2048x8xf32>
    %gt3A_62 = arith.cmpf ogt, %concatenate3A_60, %gt3A_61 : vector<2048x8xf32>
    %jit3A_63 = arith.constant 0.000000e+00 : f32
    %broadcast_in_dim3A_64 = vector.broadcast %jit3A_63 : f32 to vector<2048x8xf32>
    %select_n3A_65 = arith.select %gt3A_62, %add3A_14, %broadcast_in_dim3A_64 : vector<2048x8xi1>, vector<2048x8xf32>
    %iota3A_66 = tpu.iota {dimensions = array<i32: 1>} : vector<2048x8xi32>
    %reduce_max3A_67 = arith.constant dense<0xFF800000> : vector<2048xf32>
    %reduce_max3A_68 = vector.multi_reduction <maximumf>, %select_n3A_65, %reduce_max3A_67 [1] : vector<2048x8xf32> to vector<2048xf32>
    %broadcast_in_dim3A_69 = vector.shape_cast %reduce_max3A_68 : vector<2048xf32> to vector<2048x1xf32>
    %eq3A_70 = vector.broadcast %broadcast_in_dim3A_69 : vector<2048x1xf32> to vector<2048x8xf32>
    %eq3A_71 = arith.cmpf oeq, %select_n3A_65, %eq3A_70 : vector<2048x8xf32>
    %jit3A_72 = arith.constant 8 : i32
    %broadcast_in_dim3A_73 = vector.broadcast %jit3A_72 : i32 to vector<2048x8xi32>
    %select_n3A_74 = arith.select %eq3A_71, %iota3A_66, %broadcast_in_dim3A_73 : vector<2048x8xi1>, vector<2048x8xi32>
    %reduce_min3A_75 = arith.constant dense<2147483647> : vector<2048xi32>
    %reduce_min3A_76 = vector.multi_reduction <minsi>, %select_n3A_74, %reduce_min3A_75 [1] : vector<2048x8xi32> to vector<2048xi32>
    %broadcast_in_dim3A_77 = vector.shape_cast %reduce_min3A_76 : vector<2048xi32> to vector<2048x1xi32>
    %eq3A_78 = vector.broadcast %broadcast_in_dim3A_77 : vector<2048x1xi32> to vector<2048x8xi32>
    %eq3A_79 = arith.cmpi eq, %iota3A_66, %eq3A_78 : vector<2048x8xi32>
    %jit3A_80 = arith.constant 0xFF800000 : f32
    %broadcast_in_dim3A_81 = vector.broadcast %jit3A_80 : f32 to vector<2048x8xf32>
    %select_n3A_82 = arith.select %eq3A_79, %broadcast_in_dim3A_81, %select_n3A_65 : vector<2048x8xi1>, vector<2048x8xf32>
    %reduce_max3A_83 = arith.constant dense<0xFF800000> : vector<2048xf32>
    %reduce_max3A_84 = vector.multi_reduction <maximumf>, %select_n3A_82, %reduce_max3A_83 [1] : vector<2048x8xf32> to vector<2048xf32>
    %broadcast_in_dim3A_85 = vector.shape_cast %reduce_max3A_84 : vector<2048xf32> to vector<2048x1xf32>
    %eq3A_86 = vector.broadcast %broadcast_in_dim3A_85 : vector<2048x1xf32> to vector<2048x8xf32>
    %eq3A_87 = arith.cmpf oeq, %select_n3A_82, %eq3A_86 : vector<2048x8xf32>
    %jit3A_88 = arith.constant 8 : i32
    %broadcast_in_dim3A_89 = vector.broadcast %jit3A_88 : i32 to vector<2048x8xi32>
    %select_n3A_90 = arith.select %eq3A_87, %iota3A_66, %broadcast_in_dim3A_89 : vector<2048x8xi1>, vector<2048x8xi32>
    %reduce_min3A_91 = arith.constant dense<2147483647> : vector<2048xi32>
    %reduce_min3A_92 = vector.multi_reduction <minsi>, %select_n3A_90, %reduce_min3A_91 [1] : vector<2048x8xi32> to vector<2048xi32>
    %broadcast_in_dim3A_93 = vector.shape_cast %reduce_min3A_92 : vector<2048xi32> to vector<2048x1xi32>
    %eq3A_94 = vector.broadcast %broadcast_in_dim3A_77 : vector<2048x1xi32> to vector<2048x8xi32>
    %eq3A_95 = arith.cmpi eq, %iota3A_66, %eq3A_94 : vector<2048x8xi32>
    %convert_element_type3A_96 = arith.extui %eq3A_95 : vector<2048x8xi1> to vector<2048x8xi32>
    %convert_element_type3A_97 = arith.sitofp %convert_element_type3A_96 : vector<2048x8xi32> to vector<2048x8xf32>
    %eq3A_98 = vector.broadcast %broadcast_in_dim3A_93 : vector<2048x1xi32> to vector<2048x8xi32>
    %eq3A_99 = arith.cmpi eq, %iota3A_66, %eq3A_98 : vector<2048x8xi32>
    %convert_element_type3A_100 = arith.extui %eq3A_99 : vector<2048x8xi1> to vector<2048x8xi32>
    %convert_element_type3A_101 = arith.sitofp %convert_element_type3A_100 : vector<2048x8xi32> to vector<2048x8xf32>
    %mul3A = arith.mulf %convert_element_type3A_97, %logistic3A_10 : vector<2048x8xf32>
    %reduce_sum3A = arith.constant dense<0.000000e+00> : vector<2048xf32>
    %reduce_sum3A_102 = vector.multi_reduction <add>, %mul3A, %reduce_sum3A [1] : vector<2048x8xf32> to vector<2048xf32>
    %broadcast_in_dim3A_103 = vector.shape_cast %reduce_sum3A_102 : vector<2048xf32> to vector<2048x1xf32>
    %mul3A_104 = arith.mulf %convert_element_type3A_101, %logistic3A_10 : vector<2048x8xf32>
    %reduce_sum3A_105 = arith.constant dense<0.000000e+00> : vector<2048xf32>
    %reduce_sum3A_106 = vector.multi_reduction <add>, %mul3A_104, %reduce_sum3A_105 [1] : vector<2048x8xf32> to vector<2048xf32>
    %broadcast_in_dim3A_107 = vector.shape_cast %reduce_sum3A_106 : vector<2048xf32> to vector<2048x1xf32>
    %add3A_108 = arith.addf %broadcast_in_dim3A_103, %broadcast_in_dim3A_107 : vector<2048x1xf32>
    %add3A_109 = arith.constant 9.99999968E-21 : f32
    %add3A_110 = vector.broadcast %add3A_109 : f32 to vector<2048x1xf32>
    %add3A_111 = arith.addf %add3A_108, %add3A_110 : vector<2048x1xf32>
    %div3A = arith.divf %broadcast_in_dim3A_103, %add3A_111 : vector<2048x1xf32>
    %mul3A_112 = arith.constant 2.446000e+00 : f32
    %mul3A_113 = vector.broadcast %mul3A_112 : f32 to vector<2048x1xf32>
    %mul3A_114 = arith.mulf %div3A, %mul3A_113 : vector<2048x1xf32>
    %reshape3A = vector.shape_cast %mul3A_114 : vector<2048x1xf32> to vector<2048xf32>
    %swap3A = arith.constant 0 : index
    %swap3A_115 = vector.load %arg5[%swap3A] : memref<2048xf32, #tpu.memory_space<vmem>>, vector<2048xf32>
    tpu.vector_store %arg5[%swap3A], %reshape3A {strides = array<i32>} : memref<2048xf32, #tpu.memory_space<vmem>>, vector<2048xf32>,
    %div3A_116 = arith.divf %broadcast_in_dim3A_107, %add3A_111 : vector<2048x1xf32>
    %mul3A_117 = arith.constant 2.446000e+00 : f32
    %mul3A_118 = vector.broadcast %mul3A_117 : f32 to vector<2048x1xf32>
    %mul3A_119 = arith.mulf %div3A_116, %mul3A_118 : vector<2048x1xf32>
    %reshape3A_120 = vector.shape_cast %mul3A_119 : vector<2048x1xf32> to vector<2048xf32>
    %swap3A_121 = arith.constant 0 : index
    %swap3A_122 = vector.load %arg6[%swap3A_121] : memref<2048xf32, #tpu.memory_space<vmem>>, vector<2048xf32>
    tpu.vector_store %arg6[%swap3A_121], %reshape3A_120 {strides = array<i32>} : memref<2048xf32, #tpu.memory_space<vmem>>, vector<2048xf32>,
    %add3A_123 = arith.addf %convert_element_type3A_97, %convert_element_type3A_101 : vector<2048x8xf32>
    %broadcast_in_dim3A_124 = arith.constant 0.000000e+00 : f32
    %broadcast_in_dim3A_125 = vector.broadcast %broadcast_in_dim3A_124 : f32 to vector<1x8xf32>
    %slice3A_126 = vector.extract_strided_slice %add3A_123 {offsets = [0, 0], sizes = [2047, 8], strides = [1, 1]} : vector<2048x8xf32> to vector<2047x8xf32>
    %concatenate3A_127 = tpu.concatenate %broadcast_in_dim3A_125, %slice3A_126 in 0 : vector<1x8xf32>, vector<2047x8xf32> -> vector<2048x8xf32>
    %add3A_128 = arith.addf %add3A_123, %concatenate3A_127 : vector<2048x8xf32>
    %broadcast_in_dim3A_129 = arith.constant 0.000000e+00 : f32
    %broadcast_in_dim3A_130 = vector.broadcast %broadcast_in_dim3A_129 : f32 to vector<2x8xf32>
    %slice3A_131 = vector.extract_strided_slice %add3A_128 {offsets = [0, 0], sizes = [2046, 8], strides = [1, 1]} : vector<2048x8xf32> to vector<2046x8xf32>
    %concatenate3A_132 = tpu.concatenate %broadcast_in_dim3A_130, %slice3A_131 in 0 : vector<2x8xf32>, vector<2046x8xf32> -> vector<2048x8xf32>
    %add3A_133 = arith.addf %add3A_128, %concatenate3A_132 : vector<2048x8xf32>
    %broadcast_in_dim3A_134 = arith.constant 0.000000e+00 : f32
    %broadcast_in_dim3A_135 = vector.broadcast %broadcast_in_dim3A_134 : f32 to vector<4x8xf32>
    %slice3A_136 = vector.extract_strided_slice %add3A_133 {offsets = [0, 0], sizes = [2044, 8], strides = [1, 1]} : vector<2048x8xf32> to vector<2044x8xf32>
    %concatenate3A_137 = tpu.concatenate %broadcast_in_dim3A_135, %slice3A_136 in 0 : vector<4x8xf32>, vector<2044x8xf32> -> vector<2048x8xf32>
    %add3A_138 = arith.addf %add3A_133, %concatenate3A_137 : vector<2048x8xf32>
    %broadcast_in_dim3A_139 = arith.constant 0.000000e+00 : f32
    %broadcast_in_dim3A_140 = vector.broadcast %broadcast_in_dim3A_139 : f32 to vector<8x8xf32>
    %slice3A_141 = vector.extract_strided_slice %add3A_138 {offsets = [0, 0], sizes = [2040, 8], strides = [1, 1]} : vector<2048x8xf32> to vector<2040x8xf32>
    %concatenate3A_142 = tpu.concatenate %broadcast_in_dim3A_140, %slice3A_141 in 0 : vector<8x8xf32>, vector<2040x8xf32> -> vector<2048x8xf32>
    %add3A_143 = arith.addf %add3A_138, %concatenate3A_142 : vector<2048x8xf32>
    %broadcast_in_dim3A_144 = arith.constant 0.000000e+00 : f32
    %broadcast_in_dim3A_145 = vector.broadcast %broadcast_in_dim3A_144 : f32 to vector<16x8xf32>
    %slice3A_146 = vector.extract_strided_slice %add3A_143 {offsets = [0, 0], sizes = [2032, 8], strides = [1, 1]} : vector<2048x8xf32> to vector<2032x8xf32>
    %concatenate3A_147 = tpu.concatenate %broadcast_in_dim3A_145, %slice3A_146 in 0 : vector<16x8xf32>, vector<2032x8xf32> -> vector<2048x8xf32>
    %add3A_148 = arith.addf %add3A_143, %concatenate3A_147 : vector<2048x8xf32>
    %broadcast_in_dim3A_149 = arith.constant 0.000000e+00 : f32
    %broadcast_in_dim3A_150 = vector.broadcast %broadcast_in_dim3A_149 : f32 to vector<32x8xf32>
    %slice3A_151 = vector.extract_strided_slice %add3A_148 {offsets = [0, 0], sizes = [2016, 8], strides = [1, 1]} : vector<2048x8xf32> to vector<2016x8xf32>
    %concatenate3A_152 = tpu.concatenate %broadcast_in_dim3A_150, %slice3A_151 in 0 : vector<32x8xf32>, vector<2016x8xf32> -> vector<2048x8xf32>
    %add3A_153 = arith.addf %add3A_148, %concatenate3A_152 : vector<2048x8xf32>
    %broadcast_in_dim3A_154 = arith.constant 0.000000e+00 : f32
    %broadcast_in_dim3A_155 = vector.broadcast %broadcast_in_dim3A_154 : f32 to vector<64x8xf32>
    %slice3A_156 = vector.extract_strided_slice %add3A_153 {offsets = [0, 0], sizes = [1984, 8], strides = [1, 1]} : vector<2048x8xf32> to vector<1984x8xf32>
    %concatenate3A_157 = tpu.concatenate %broadcast_in_dim3A_155, %slice3A_156 in 0 : vector<64x8xf32>, vector<1984x8xf32> -> vector<2048x8xf32>
    %add3A_158 = arith.addf %add3A_153, %concatenate3A_157 : vector<2048x8xf32>
    %broadcast_in_dim3A_159 = arith.constant 0.000000e+00 : f32
    %broadcast_in_dim3A_160 = vector.broadcast %broadcast_in_dim3A_159 : f32 to vector<128x8xf32>
    %slice3A_161 = vector.extract_strided_slice %add3A_158 {offsets = [0, 0], sizes = [1920, 8], strides = [1, 1]} : vector<2048x8xf32> to vector<1920x8xf32>
    %concatenate3A_162 = tpu.concatenate %broadcast_in_dim3A_160, %slice3A_161 in 0 : vector<128x8xf32>, vector<1920x8xf32> -> vector<2048x8xf32>
    %add3A_163 = arith.addf %add3A_158, %concatenate3A_162 : vector<2048x8xf32>
    %broadcast_in_dim3A_164 = arith.constant 0.000000e+00 : f32
    %broadcast_in_dim3A_165 = vector.broadcast %broadcast_in_dim3A_164 : f32 to vector<256x8xf32>
    %slice3A_166 = vector.extract_strided_slice %add3A_163 {offsets = [0, 0], sizes = [1792, 8], strides = [1, 1]} : vector<2048x8xf32> to vector<1792x8xf32>
    %concatenate3A_167 = tpu.concatenate %broadcast_in_dim3A_165, %slice3A_166 in 0 : vector<256x8xf32>, vector<1792x8xf32> -> vector<2048x8xf32>
    %add3A_168 = arith.addf %add3A_163, %concatenate3A_167 : vector<2048x8xf32>
    %broadcast_in_dim3A_169 = arith.constant 0.000000e+00 : f32
    %broadcast_in_dim3A_170 = vector.broadcast %broadcast_in_dim3A_169 : f32 to vector<512x8xf32>
    %slice3A_171 = vector.extract_strided_slice %add3A_168 {offsets = [0, 0], sizes = [1536, 8], strides = [1, 1]} : vector<2048x8xf32> to vector<1536x8xf32>
    %concatenate3A_172 = tpu.concatenate %broadcast_in_dim3A_170, %slice3A_171 in 0 : vector<512x8xf32>, vector<1536x8xf32> -> vector<2048x8xf32>
    %add3A_173 = arith.addf %add3A_168, %concatenate3A_172 : vector<2048x8xf32>
    %broadcast_in_dim3A_174 = arith.constant 0.000000e+00 : f32
    %broadcast_in_dim3A_175 = vector.broadcast %broadcast_in_dim3A_174 : f32 to vector<1024x8xf32>
    %slice3A_176 = vector.extract_strided_slice %add3A_173 {offsets = [0, 0], sizes = [1024, 8], strides = [1, 1]} : vector<2048x8xf32> to vector<1024x8xf32>
    %concatenate3A_177 = tpu.concatenate %broadcast_in_dim3A_175, %slice3A_176 in 0 : vector<1024x8xf32>, vector<1024x8xf32> -> vector<2048x8xf32>
    %add3A_178 = arith.addf %add3A_173, %concatenate3A_177 : vector<2048x8xf32>
    %slice3A_179 = vector.extract_strided_slice %add3A_178 {offsets = [2047, 0], sizes = [1, 8], strides = [1, 1]} : vector<2048x8xf32> to vector<1x8xf32>
    %broadcast_in_dim3A_180 = arith.constant 0.000000e+00 : f32
    %broadcast_in_dim3A_181 = vector.broadcast %broadcast_in_dim3A_180 : f32 to vector<1x1xf32>
    %broadcast_in_dim3A_182 = arith.constant 0.000000e+00 : f32
    %broadcast_in_dim3A_183 = vector.broadcast %broadcast_in_dim3A_182 : f32 to vector<1x1xf32>
    %slice3A_184 = vector.extract_strided_slice %slice3A_179 {offsets = [0, 0], sizes = [1, 1], strides = [1, 1]} : vector<1x8xf32> to vector<1x1xf32>
    %add3A_185 = arith.addf %broadcast_in_dim3A_183, %slice3A_184 : vector<1x1xf32>
    %slice3A_186 = vector.extract_strided_slice %slice3A_179 {offsets = [0, 1], sizes = [1, 1], strides = [1, 1]} : vector<1x8xf32> to vector<1x1xf32>
    %add3A_187 = arith.addf %add3A_185, %slice3A_186 : vector<1x1xf32>
    %slice3A_188 = vector.extract_strided_slice %slice3A_179 {offsets = [0, 2], sizes = [1, 1], strides = [1, 1]} : vector<1x8xf32> to vector<1x1xf32>
    %add3A_189 = arith.addf %add3A_187, %slice3A_188 : vector<1x1xf32>
    %slice3A_190 = vector.extract_strided_slice %slice3A_179 {offsets = [0, 3], sizes = [1, 1], strides = [1, 1]} : vector<1x8xf32> to vector<1x1xf32>
    %add3A_191 = arith.addf %add3A_189, %slice3A_190 : vector<1x1xf32>
    %slice3A_192 = vector.extract_strided_slice %slice3A_179 {offsets = [0, 4], sizes = [1, 1], strides = [1, 1]} : vector<1x8xf32> to vector<1x1xf32>
    %add3A_193 = arith.addf %add3A_191, %slice3A_192 : vector<1x1xf32>
    %slice3A_194 = vector.extract_strided_slice %slice3A_179 {offsets = [0, 5], sizes = [1, 1], strides = [1, 1]} : vector<1x8xf32> to vector<1x1xf32>
    %add3A_195 = arith.addf %add3A_193, %slice3A_194 : vector<1x1xf32>
    %slice3A_196 = vector.extract_strided_slice %slice3A_179 {offsets = [0, 6], sizes = [1, 1], strides = [1, 1]} : vector<1x8xf32> to vector<1x1xf32>
    %add3A_197 = arith.addf %add3A_195, %slice3A_196 : vector<1x1xf32>
    %concatenate3A_198 = tpu.concatenate %broadcast_in_dim3A_181, %add3A_185, %add3A_187, %add3A_189, %add3A_191, %add3A_193, %add3A_195, %add3A_197 in 1 : vector<1x1xf32>, vector<1x1xf32>, vector<1x1xf32>, vector<1x1xf32>, vector<1x1xf32>, vector<1x1xf32>, vector<1x1xf32>, vector<1x1xf32> -> vector<1x8xf32>
    %sub3A = arith.subf %add3A_178, %add3A_123 : vector<2048x8xf32>
    %sub3A_199 = arith.subf %add3A_178, %convert_element_type3A_101 : vector<2048x8xf32>
    %add3A_200 = vector.broadcast %concatenate3A_198 : vector<1x8xf32> to vector<2048x8xf32>
    %add3A_201 = arith.addf %add3A_200, %sub3A : vector<2048x8xf32>
    %mul3A_202 = arith.mulf %convert_element_type3A_97, %add3A_201 : vector<2048x8xf32>
    %reduce_sum3A_203 = arith.constant dense<0.000000e+00> : vector<2048xf32>
    %reduce_sum3A_204 = vector.multi_reduction <add>, %mul3A_202, %reduce_sum3A_203 [1] : vector<2048x8xf32> to vector<2048xf32>
    %convert_element_type3A_205 = arith.fptosi %reduce_sum3A_204 : vector<2048xf32> to vector<2048xi32>
    %swap3A_206 = arith.constant 0 : index
    %swap3A_207 = vector.load %arg3[%swap3A_206] : memref<2048xi32, #tpu.memory_space<vmem>>, vector<2048xi32>
    tpu.vector_store %arg3[%swap3A_206], %convert_element_type3A_205 {strides = array<i32>} : memref<2048xi32, #tpu.memory_space<vmem>>, vector<2048xi32>,
    %add3A_208 = vector.broadcast %concatenate3A_198 : vector<1x8xf32> to vector<2048x8xf32>
    %add3A_209 = arith.addf %add3A_208, %sub3A_199 : vector<2048x8xf32>
    %mul3A_210 = arith.mulf %convert_element_type3A_101, %add3A_209 : vector<2048x8xf32>
    %reduce_sum3A_211 = arith.constant dense<0.000000e+00> : vector<2048xf32>
    %reduce_sum3A_212 = vector.multi_reduction <add>, %mul3A_210, %reduce_sum3A_211 [1] : vector<2048x8xf32> to vector<2048xf32>
    %convert_element_type3A_213 = arith.fptosi %reduce_sum3A_212 : vector<2048xf32> to vector<2048xi32>
    %swap3A_214 = arith.constant 0 : index
    %swap3A_215 = vector.load %arg4[%swap3A_214] : memref<2048xi32, #tpu.memory_space<vmem>>, vector<2048xi32>
    tpu.vector_store %arg4[%swap3A_214], %convert_element_type3A_213 {strides = array<i32>} : memref<2048xi32, #tpu.memory_space<vmem>>, vector<2048xi32>,
    %convert_element_type3A_216 = arith.fptosi %slice3A_179 : vector<1x8xf32> to vector<1x8xi32>
    %convert_element_type3A_217 = arith.fptosi %concatenate3A_198 : vector<1x8xf32> to vector<1x8xi32>
    %add3A_218 = arith.addi %convert_element_type3A_217, %convert_element_type3A_216 : vector<1x8xi32>
    %jit3A_219 = arith.constant 512 : i32
    %div3A_220 = vector.broadcast %jit3A_219 : i32 to vector<1x8xi32>
    %div3A_221 = arith.divsi %convert_element_type3A_217, %div3A_220 : vector<1x8xi32>
    %sign3A = arith.constant 0 : i32
    %sign3A_222 = vector.broadcast %sign3A : i32 to vector<1x8xi32>
    %sign3A_223 = arith.cmpi sgt, %convert_element_type3A_217, %sign3A_222 : vector<1x8xi32>
    %sign3A_224 = arith.extui %sign3A_223 : vector<1x8xi1> to vector<1x8xi32>
    %sign3A_225 = arith.constant 0 : i32
    %sign3A_226 = vector.broadcast %sign3A_225 : i32 to vector<1x8xi32>
    %sign3A_227 = arith.cmpi slt, %convert_element_type3A_217, %sign3A_226 : vector<1x8xi32>
    %sign3A_228 = arith.extui %sign3A_227 : vector<1x8xi1> to vector<1x8xi32>
    %sign3A_229 = arith.subi %sign3A_224, %sign3A_228 : vector<1x8xi32>
    %sign3A_230 = arith.constant 0 : i32
    %sign3A_231 = arith.cmpi sgt, %jit3A_219, %sign3A_230 : i32
    %sign3A_232 = arith.extui %sign3A_231 : i1 to i32
    %sign3A_233 = arith.constant 0 : i32
    %sign3A_234 = arith.cmpi slt, %jit3A_219, %sign3A_233 : i32
    %sign3A_235 = arith.extui %sign3A_234 : i1 to i32
    %sign3A_236 = arith.subi %sign3A_232, %sign3A_235 : i32
    %ne3A = vector.broadcast %sign3A_236 : i32 to vector<1x8xi32>
    %ne3A_237 = arith.cmpi ne, %sign3A_229, %ne3A : vector<1x8xi32>
    %rem3A = vector.broadcast %jit3A_219 : i32 to vector<1x8xi32>
    %rem3A_238 = arith.remsi %convert_element_type3A_217, %rem3A : vector<1x8xi32>
    %ne3A_239 = arith.constant 0 : i32
    %ne3A_240 = vector.broadcast %ne3A_239 : i32 to vector<1x8xi32>
    %ne3A_241 = arith.cmpi ne, %rem3A_238, %ne3A_240 : vector<1x8xi32>
    %and3A = arith.andi %ne3A_237, %ne3A_241 : vector<1x8xi1>
    %sub3A_242 = arith.constant 1 : i32
    %sub3A_243 = vector.broadcast %sub3A_242 : i32 to vector<1x8xi32>
    %sub3A_244 = arith.subi %div3A_221, %sub3A_243 : vector<1x8xi32>
    %select_n3A_245 = arith.select %and3A, %sub3A_244, %div3A_221 : vector<1x8xi1>, vector<1x8xi32>
    %gt3A_246 = arith.constant 0 : i32
    %gt3A_247 = vector.broadcast %gt3A_246 : i32 to vector<1x8xi32>
    %gt3A_248 = arith.cmpi sgt, %convert_element_type3A_216, %gt3A_247 : vector<1x8xi32>
    %sub3A_249 = arith.constant 1 : i32
    %sub3A_250 = vector.broadcast %sub3A_249 : i32 to vector<1x8xi32>
    %sub3A_251 = arith.subi %add3A_218, %sub3A_250 : vector<1x8xi32>
    %jit3A_252 = arith.constant 512 : i32
    %div3A_253 = vector.broadcast %jit3A_252 : i32 to vector<1x8xi32>
    %div3A_254 = arith.divsi %sub3A_251, %div3A_253 : vector<1x8xi32>
    %sign3A_255 = arith.constant 0 : i32
    %sign3A_256 = vector.broadcast %sign3A_255 : i32 to vector<1x8xi32>
    %sign3A_257 = arith.cmpi sgt, %sub3A_251, %sign3A_256 : vector<1x8xi32>
    %sign3A_258 = arith.extui %sign3A_257 : vector<1x8xi1> to vector<1x8xi32>
    %sign3A_259 = arith.constant 0 : i32
    %sign3A_260 = vector.broadcast %sign3A_259 : i32 to vector<1x8xi32>
    %sign3A_261 = arith.cmpi slt, %sub3A_251, %sign3A_260 : vector<1x8xi32>
    %sign3A_262 = arith.extui %sign3A_261 : vector<1x8xi1> to vector<1x8xi32>
    %sign3A_263 = arith.subi %sign3A_258, %sign3A_262 : vector<1x8xi32>
    %sign3A_264 = arith.constant 0 : i32
    %sign3A_265 = arith.cmpi sgt, %jit3A_252, %sign3A_264 : i32
    %sign3A_266 = arith.extui %sign3A_265 : i1 to i32
    %sign3A_267 = arith.constant 0 : i32
    %sign3A_268 = arith.cmpi slt, %jit3A_252, %sign3A_267 : i32
    %sign3A_269 = arith.extui %sign3A_268 : i1 to i32
    %sign3A_270 = arith.subi %sign3A_266, %sign3A_269 : i32
    %ne3A_271 = vector.broadcast %sign3A_270 : i32 to vector<1x8xi32>
    %ne3A_272 = arith.cmpi ne, %sign3A_263, %ne3A_271 : vector<1x8xi32>
    %rem3A_273 = vector.broadcast %jit3A_252 : i32 to vector<1x8xi32>
    %rem3A_274 = arith.remsi %sub3A_251, %rem3A_273 : vector<1x8xi32>
    %ne3A_275 = arith.constant 0 : i32
    %ne3A_276 = vector.broadcast %ne3A_275 : i32 to vector<1x8xi32>
    %ne3A_277 = arith.cmpi ne, %rem3A_274, %ne3A_276 : vector<1x8xi32>
    %and3A_278 = arith.andi %ne3A_272, %ne3A_277 : vector<1x8xi1>
    %sub3A_279 = arith.constant 1 : i32
    %sub3A_280 = vector.broadcast %sub3A_279 : i32 to vector<1x8xi32>
    %sub3A_281 = arith.subi %div3A_254, %sub3A_280 : vector<1x8xi32>
    %select_n3A_282 = arith.select %and3A_278, %sub3A_281, %div3A_254 : vector<1x8xi1>, vector<1x8xi32>
    %sub3A_283 = arith.subi %select_n3A_282, %select_n3A_245 : vector<1x8xi32>
    %add3A_284 = arith.constant 1 : i32
    %add3A_285 = vector.broadcast %add3A_284 : i32 to vector<1x8xi32>
    %add3A_286 = arith.addi %sub3A_283, %add3A_285 : vector<1x8xi32>
    %jit3A_287 = arith.constant 0 : i32
    %broadcast_in_dim3A_288 = vector.broadcast %jit3A_287 : i32 to vector<1x8xi32>
    %select_n3A_289 = arith.select %gt3A_248, %add3A_286, %broadcast_in_dim3A_288 : vector<1x8xi1>, vector<1x8xi32>
    %broadcast_in_dim3A_290 = arith.constant 0 : i32
    %broadcast_in_dim3A_291 = vector.broadcast %broadcast_in_dim3A_290 : i32 to vector<1x1xi32>
    %broadcast_in_dim3A_292 = arith.constant 0 : i32
    %broadcast_in_dim3A_293 = vector.broadcast %broadcast_in_dim3A_292 : i32 to vector<1x1xi32>
    %slice3A_294 = vector.extract_strided_slice %select_n3A_289 {offsets = [0, 0], sizes = [1, 1], strides = [1, 1]} : vector<1x8xi32> to vector<1x1xi32>
    %add3A_295 = arith.addi %broadcast_in_dim3A_293, %slice3A_294 : vector<1x1xi32>
    %slice3A_296 = vector.extract_strided_slice %select_n3A_289 {offsets = [0, 1], sizes = [1, 1], strides = [1, 1]} : vector<1x8xi32> to vector<1x1xi32>
    %add3A_297 = arith.addi %add3A_295, %slice3A_296 : vector<1x1xi32>
    %slice3A_298 = vector.extract_strided_slice %select_n3A_289 {offsets = [0, 2], sizes = [1, 1], strides = [1, 1]} : vector<1x8xi32> to vector<1x1xi32>
    %add3A_299 = arith.addi %add3A_297, %slice3A_298 : vector<1x1xi32>
    %slice3A_300 = vector.extract_strided_slice %select_n3A_289 {offsets = [0, 3], sizes = [1, 1], strides = [1, 1]} : vector<1x8xi32> to vector<1x1xi32>
    %add3A_301 = arith.addi %add3A_299, %slice3A_300 : vector<1x1xi32>
    %slice3A_302 = vector.extract_strided_slice %select_n3A_289 {offsets = [0, 4], sizes = [1, 1], strides = [1, 1]} : vector<1x8xi32> to vector<1x1xi32>
    %add3A_303 = arith.addi %add3A_301, %slice3A_302 : vector<1x1xi32>
    %slice3A_304 = vector.extract_strided_slice %select_n3A_289 {offsets = [0, 5], sizes = [1, 1], strides = [1, 1]} : vector<1x8xi32> to vector<1x1xi32>
    %add3A_305 = arith.addi %add3A_303, %slice3A_304 : vector<1x1xi32>
    %slice3A_306 = vector.extract_strided_slice %select_n3A_289 {offsets = [0, 6], sizes = [1, 1], strides = [1, 1]} : vector<1x8xi32> to vector<1x1xi32>
    %add3A_307 = arith.addi %add3A_305, %slice3A_306 : vector<1x1xi32>
    %concatenate3A_308 = tpu.concatenate %broadcast_in_dim3A_291, %add3A_295, %add3A_297, %add3A_299, %add3A_301, %add3A_303, %add3A_305, %add3A_307 in 1 : vector<1x1xi32>, vector<1x1xi32>, vector<1x1xi32>, vector<1x1xi32>, vector<1x1xi32>, vector<1x1xi32>, vector<1x1xi32>, vector<1x1xi32> -> vector<1x8xi32>
    %add3A_309 = arith.addi %concatenate3A_308, %select_n3A_289 : vector<1x8xi32>
    %slice3A_310 = vector.extract_strided_slice %add3A_309 {offsets = [0, 7], sizes = [1, 1], strides = [1, 1]} : vector<1x8xi32> to vector<1x1xi32>
    %iota3A_311 = tpu.iota {dimensions = array<i32: 0>} : vector<16x1xi32>
    %broadcast_in_dim3A_312 = vector.shape_cast %add3A_309 : vector<1x8xi32> to vector<1x8xi32>
    %broadcast_in_dim3A_313 = vector.broadcast %broadcast_in_dim3A_312 : vector<1x8xi32> to vector<16x8xi32>
    %le3A = vector.broadcast %iota3A_311 : vector<16x1xi32> to vector<16x8xi32>
    %le3A_314 = arith.cmpi sle, %broadcast_in_dim3A_313, %le3A : vector<16x8xi32>
    %convert_element_type3A_315 = arith.extui %le3A_314 : vector<16x8xi1> to vector<16x8xi32>
    %reduce_sum3A_316 = arith.constant dense<0> : vector<16xi32>
    %reduce_sum3A_317 = vector.multi_reduction <add>, %convert_element_type3A_315, %reduce_sum3A_316 [1] : vector<16x8xi32> to vector<16xi32>
    %broadcast_in_dim3A_318 = vector.shape_cast %reduce_sum3A_317 : vector<16xi32> to vector<16x1xi32>
    %jit3A_319 = arith.constant 0 : i32
    %jit3A_320 = arith.constant 7 : i32
    %max3A = vector.broadcast %jit3A_319 : i32 to vector<16x1xi32>
    %max3A_321 = arith.maxsi %max3A, %broadcast_in_dim3A_318 : vector<16x1xi32>
    %min3A = vector.broadcast %jit3A_320 : i32 to vector<16x1xi32>
    %min3A_322 = arith.minsi %min3A, %max3A_321 : vector<16x1xi32>
    %iota3A_323 = tpu.iota {dimensions = array<i32: 1>} : vector<16x8xi32>
    %eq3A_324 = vector.broadcast %min3A_322 : vector<16x1xi32> to vector<16x8xi32>
    %eq3A_325 = arith.cmpi eq, %iota3A_323, %eq3A_324 : vector<16x8xi32>
    %convert_element_type3A_326 = arith.extui %eq3A_325 : vector<16x8xi1> to vector<16x8xi32>
    %lt3A = vector.broadcast %slice3A_310 : vector<1x1xi32> to vector<16x1xi32>
    %lt3A_327 = arith.cmpi slt, %iota3A_311, %lt3A : vector<16x1xi32>
    %sub3A_328 = arith.constant 1 : i32
    %sub3A_329 = vector.broadcast %sub3A_328 : i32 to vector<1x1xi32>
    %sub3A_330 = arith.subi %slice3A_310, %sub3A_329 : vector<1x1xi32>
    %le3A_331 = vector.broadcast %sub3A_330 : vector<1x1xi32> to vector<1x8xi32>
    %le3A_332 = arith.cmpi sle, %add3A_309, %le3A_331 : vector<1x8xi32>
    %convert_element_type3A_333 = arith.extui %le3A_332 : vector<1x8xi1> to vector<1x8xi32>
    %reduce_sum3A_334 = arith.constant dense<0> : vector<1xi32>
    %reduce_sum3A_335 = vector.multi_reduction <add>, %convert_element_type3A_333, %reduce_sum3A_334 [1] : vector<1x8xi32> to vector<1xi32>
    %broadcast_in_dim3A_336 = vector.shape_cast %reduce_sum3A_335 : vector<1xi32> to vector<1x1xi32>
    %jit3A_337 = arith.constant 0 : i32
    %jit3A_338 = arith.constant 7 : i32
    %max3A_339 = vector.broadcast %jit3A_337 : i32 to vector<1x1xi32>
    %max3A_340 = arith.maxsi %max3A_339, %broadcast_in_dim3A_336 : vector<1x1xi32>
    %min3A_341 = vector.broadcast %jit3A_338 : i32 to vector<1x1xi32>
    %min3A_342 = arith.minsi %min3A_341, %max3A_340 : vector<1x1xi32>
    %broadcast_in_dim3A_343 = vector.shape_cast %min3A_342 : vector<1x1xi32> to vector<1x1xi32>
    %broadcast_in_dim3A_344 = vector.broadcast %broadcast_in_dim3A_343 : vector<1x1xi32> to vector<16x1xi32>
    %select_n3A_345 = arith.select %lt3A_327, %min3A_322, %broadcast_in_dim3A_344 : vector<16x1xi1>, vector<16x1xi32>
    %reshape3A_346 = vector.shape_cast %select_n3A_345 : vector<16x1xi32> to vector<16xi32>
    %swap3A_347 = arith.constant 0 : index
    %swap3A_348 = vector.load %arg7[%swap3A_347] : memref<16xi32, #tpu.memory_space<vmem>>, vector<16xi32>
    tpu.vector_store %arg7[%swap3A_347], %reshape3A_346 {strides = array<i32>} : memref<16xi32, #tpu.memory_space<vmem>>, vector<16xi32>,
    %broadcast_in_dim3A_349 = vector.shape_cast %select_n3A_245 : vector<1x8xi32> to vector<1x8xi32>
    %broadcast_in_dim3A_350 = vector.broadcast %broadcast_in_dim3A_349 : vector<1x8xi32> to vector<16x8xi32>
    %mul3A_351 = arith.muli %convert_element_type3A_326, %broadcast_in_dim3A_350 : vector<16x8xi32>
    %reduce_sum3A_352 = arith.constant dense<0> : vector<16xi32>
    %reduce_sum3A_353 = vector.multi_reduction <add>, %mul3A_351, %reduce_sum3A_352 [1] : vector<16x8xi32> to vector<16xi32>
    %broadcast_in_dim3A_354 = vector.shape_cast %reduce_sum3A_353 : vector<16xi32> to vector<16x1xi32>
    %broadcast_in_dim3A_355 = vector.shape_cast %concatenate3A_308 : vector<1x8xi32> to vector<1x8xi32>
    %broadcast_in_dim3A_356 = vector.broadcast %broadcast_in_dim3A_355 : vector<1x8xi32> to vector<16x8xi32>
    %mul3A_357 = arith.muli %convert_element_type3A_326, %broadcast_in_dim3A_356 : vector<16x8xi32>
    %reduce_sum3A_358 = arith.constant dense<0> : vector<16xi32>
    %reduce_sum3A_359 = vector.multi_reduction <add>, %mul3A_357, %reduce_sum3A_358 [1] : vector<16x8xi32> to vector<16xi32>
    %broadcast_in_dim3A_360 = vector.shape_cast %reduce_sum3A_359 : vector<16xi32> to vector<16x1xi32>
    %sub3A_361 = arith.subi %iota3A_311, %broadcast_in_dim3A_360 : vector<16x1xi32>
    %add3A_362 = arith.addi %broadcast_in_dim3A_354, %sub3A_361 : vector<16x1xi32>
    %jit3A_363 = arith.constant 7 : i32
    %broadcast_in_dim3A_364 = vector.broadcast %jit3A_363 : i32 to vector<16x1xi32>
    %select_n3A_365 = arith.select %lt3A_327, %add3A_362, %broadcast_in_dim3A_364 : vector<16x1xi1>, vector<16x1xi32>
    %reshape3A_366 = vector.shape_cast %select_n3A_365 : vector<16x1xi32> to vector<16xi32>
    %swap3A_367 = arith.constant 0 : index
    %swap3A_368 = vector.load %arg8[%swap3A_367] : memref<16xi32, #tpu.memory_space<vmem>>, vector<16xi32>
    tpu.vector_store %arg8[%swap3A_367], %reshape3A_366 {strides = array<i32>} : memref<16xi32, #tpu.memory_space<vmem>>, vector<16xi32>,
    %broadcast_in_dim3A_369 = vector.shape_cast %convert_element_type3A_217 : vector<1x8xi32> to vector<1x8xi32>
    %broadcast_in_dim3A_370 = vector.broadcast %broadcast_in_dim3A_369 : vector<1x8xi32> to vector<16x8xi32>
    %mul3A_371 = arith.muli %convert_element_type3A_326, %broadcast_in_dim3A_370 : vector<16x8xi32>
    %reduce_sum3A_372 = arith.constant dense<0> : vector<16xi32>
    %reduce_sum3A_373 = vector.multi_reduction <add>, %mul3A_371, %reduce_sum3A_372 [1] : vector<16x8xi32> to vector<16xi32>
    %broadcast_in_dim3A_374 = vector.shape_cast %reduce_sum3A_373 : vector<16xi32> to vector<16x1xi32>
    %jit3A_375 = arith.constant 0 : i32
    %broadcast_in_dim3A_376 = vector.broadcast %jit3A_375 : i32 to vector<16x1xi32>
    %select_n3A_377 = arith.select %lt3A_327, %broadcast_in_dim3A_374, %broadcast_in_dim3A_376 : vector<16x1xi1>, vector<16x1xi32>
    %reshape3A_378 = vector.shape_cast %select_n3A_377 : vector<16x1xi32> to vector<16xi32>
    %swap3A_379 = arith.constant 0 : index
    %swap3A_380 = vector.load %arg9[%swap3A_379] : memref<16xi32, #tpu.memory_space<vmem>>, vector<16xi32>
    tpu.vector_store %arg9[%swap3A_379], %reshape3A_378 {strides = array<i32>} : memref<16xi32, #tpu.memory_space<vmem>>, vector<16xi32>,
    %broadcast_in_dim3A_381 = vector.shape_cast %add3A_218 : vector<1x8xi32> to vector<1x8xi32>
    %broadcast_in_dim3A_382 = vector.broadcast %broadcast_in_dim3A_381 : vector<1x8xi32> to vector<16x8xi32>
    %mul3A_383 = arith.muli %convert_element_type3A_326, %broadcast_in_dim3A_382 : vector<16x8xi32>
    %reduce_sum3A_384 = arith.constant dense<0> : vector<16xi32>
    %reduce_sum3A_385 = vector.multi_reduction <add>, %mul3A_383, %reduce_sum3A_384 [1] : vector<16x8xi32> to vector<16xi32>
    %broadcast_in_dim3A_386 = vector.shape_cast %reduce_sum3A_385 : vector<16xi32> to vector<16x1xi32>
    %jit3A_387 = arith.constant 0 : i32
    %broadcast_in_dim3A_388 = vector.broadcast %jit3A_387 : i32 to vector<16x1xi32>
    %select_n3A_389 = arith.select %lt3A_327, %broadcast_in_dim3A_386, %broadcast_in_dim3A_388 : vector<16x1xi1>, vector<16x1xi32>
    %reshape3A_390 = vector.shape_cast %select_n3A_389 : vector<16x1xi32> to vector<16xi32>
    %swap3A_391 = arith.constant 0 : index
    %swap3A_392 = vector.load %arg10[%swap3A_391] : memref<16xi32, #tpu.memory_space<vmem>>, vector<16xi32>
    tpu.vector_store %arg10[%swap3A_391], %reshape3A_390 {strides = array<i32>} : memref<16xi32, #tpu.memory_space<vmem>>, vector<16xi32>,
    return
  }
}

module attributes {stable_mosaic.version = 14 : i64} {
  func.func @_shared_body(%arg0: i32, %arg1: memref<512x1024xf32, #tpu.memory_space<vmem>>, %arg2: memref<1024x512xf32, #tpu.memory_space<vmem>>, %arg3: memref<1024x512xf32, #tpu.memory_space<vmem>>, %arg4: memref<512x1024xf32, #tpu.memory_space<vmem>>, %arg5: memref<512x1024xf32, #tpu.memory_space<vmem>>) attributes {dimension_semantics = [#tpu.dimension_semantics<arbitrary>], iteration_bounds = array<i64: 4>, scalar_prefetch = 0 : i64, scratch_operands = 0 : i64, tpu.core_type = #tpu.core_type<tc>, window_params = [{transform_indices = @transform_0, window_bounds = array<i64: 512, 1024>}, {pipeline_mode = #tpu.pipeline_mode<synchronous>, transform_indices = @transform_1, window_bounds = array<i64: 1024, 512>}, {pipeline_mode = #tpu.pipeline_mode<synchronous>, transform_indices = @transform_2, window_bounds = array<i64: 1024, 512>}, {pipeline_mode = #tpu.pipeline_mode<synchronous>, transform_indices = @transform_3, window_bounds = array<i64: 512, 1024>}, {transform_indices = @transform_4, window_bounds = array<i64: 512, 1024>}]} {
    %get3A = arith.constant 0 : index
    %get3A_0 = arith.constant 0 : index
    %get3A_1 = vector.load %arg1[%get3A, %get3A_0] : memref<512x1024xf32, #tpu.memory_space<vmem>>, vector<512x1024xf32>
    %get3A_2 = arith.constant 0 : index
    %get3A_3 = arith.constant 0 : index
    %get3A_4 = vector.load %arg2[%get3A_2, %get3A_3] : memref<1024x512xf32, #tpu.memory_space<vmem>>, vector<1024x512xf32>
    %dot_general3A = arith.constant dense<0.000000e+00> : vector<512x512xf32>
    %dot_general3A_5 = tpu.matmul %get3A_1, %get3A_4, %dot_general3A {dimension_numbers = #tpu.dot_dimension_numbers<[1], [0], [0], [1], [0, 0, 1, 1], [], []>, transpose_lhs_hint = false} : vector<512x1024xf32>, vector<1024x512xf32>, vector<512x512xf32> -> vector<512x512xf32>
    %get3A_6 = arith.constant 0 : index
    %get3A_7 = arith.constant 0 : index
    %get3A_8 = vector.load %arg3[%get3A_6, %get3A_7] : memref<1024x512xf32, #tpu.memory_space<vmem>>, vector<1024x512xf32>
    %dot_general3A_9 = arith.constant dense<0.000000e+00> : vector<512x512xf32>
    %dot_general3A_10 = tpu.matmul %get3A_1, %get3A_8, %dot_general3A_9 {dimension_numbers = #tpu.dot_dimension_numbers<[1], [0], [0], [1], [0, 0, 1, 1], [], []>, transpose_lhs_hint = false} : vector<512x1024xf32>, vector<1024x512xf32>, vector<512x512xf32> -> vector<512x512xf32>
    %logistic3A = arith.negf %dot_general3A_5 : vector<512x512xf32>
    %logistic3A_11 = math.exp %logistic3A : vector<512x512xf32>
    %logistic3A_12 = arith.constant 1.000000e+00 : f32
    %logistic3A_13 = vector.broadcast %logistic3A_12 : f32 to vector<512x512xf32>
    %logistic3A_14 = arith.addf %logistic3A_13, %logistic3A_11 : vector<512x512xf32>
    %logistic3A_15 = arith.divf %logistic3A_13, %logistic3A_14 : vector<512x512xf32>
    %mul3A = arith.mulf %dot_general3A_5, %logistic3A_15 : vector<512x512xf32>
    %mul3A_16 = arith.mulf %mul3A, %dot_general3A_10 : vector<512x512xf32>
    %get3A_17 = arith.constant 0 : index
    %get3A_18 = arith.constant 0 : index
    %get3A_19 = vector.load %arg4[%get3A_17, %get3A_18] : memref<512x1024xf32, #tpu.memory_space<vmem>>, vector<512x1024xf32>
    %dot_general3A_20 = arith.constant dense<0.000000e+00> : vector<512x1024xf32>
    %dot_general3A_21 = tpu.matmul %mul3A_16, %get3A_19, %dot_general3A_20 {dimension_numbers = #tpu.dot_dimension_numbers<[1], [0], [0], [1], [0, 0, 1, 1], [], []>, transpose_lhs_hint = false} : vector<512x512xf32>, vector<512x1024xf32>, vector<512x1024xf32> -> vector<512x1024xf32>
    %swap3A = arith.constant 0 : index
    %swap3A_22 = arith.constant 0 : index
    %swap3A_23 = vector.load %arg5[%swap3A, %swap3A_22] : memref<512x1024xf32, #tpu.memory_space<vmem>>, vector<512x1024xf32>
    tpu.vector_store %arg5[%swap3A, %swap3A_22], %dot_general3A_21 {strides = array<i32>} : memref<512x1024xf32, #tpu.memory_space<vmem>>, vector<512x1024xf32>,
    return
  }
  func.func @transform_0(%arg0: i32) -> (i32, i32) {
    %c0_i32 = arith.constant 0 : i32
    %c0_i32_0 = arith.constant 0 : i32
    return %arg0, %c0_i32 : i32, i32
  }
  func.func @transform_1(%arg0: i32) -> (i32, i32) {
    %c0_i32 = arith.constant 0 : i32
    %c0_i32_0 = arith.constant 0 : i32
    %c0_i32_1 = arith.constant 0 : i32
    return %c0_i32, %c0_i32_0 : i32, i32
  }
  func.func @transform_2(%arg0: i32) -> (i32, i32) {
    %c0_i32 = arith.constant 0 : i32
    %c0_i32_0 = arith.constant 0 : i32
    %c0_i32_1 = arith.constant 0 : i32
    return %c0_i32, %c0_i32_0 : i32, i32
  }
  func.func @transform_3(%arg0: i32) -> (i32, i32) {
    %c0_i32 = arith.constant 0 : i32
    %c0_i32_0 = arith.constant 0 : i32
    %c0_i32_1 = arith.constant 0 : i32
    return %c0_i32, %c0_i32_0 : i32, i32
  }
  func.func @transform_4(%arg0: i32) -> (i32, i32) {
    %c0_i32 = arith.constant 0 : i32
    %c0_i32_0 = arith.constant 0 : i32
    return %arg0, %c0_i32 : i32, i32
  }
}

</mosaic_0001>

<sc_bundles>
// kernel: kernel.10.cloned.1.call-start
scs
__scs_entry_jumppad:
0x0: {  	(pc) =	sbr.rel $0x88, $3  }
0x1: {  	(tag) =	ssettag $0x0;
	lr =	simm.s32 $0x1  }
0x2: {  	[smem:$0x3F98] =	sst lr;
	_ =	strace $0xD0000000  }
0x3: {  	_ = 	snop  }
0x4: {  	_ = 	snop  }
0x5: {  	_ = 	snop  }
0x6: {  	_ = 	snop  }
0x7: {  	_ = 	snop  }
__scs_overlays_trampoline_lowered:
0x8: {  	[smem:$0x3FA7] =	sst s0  }
0x9: {  	[smem:$0x3FA8] =	sst s1  }
0xa: {  	[smem:$0x3FA9] =	sst s2  }
0xb: {  	[smem:$0x3FAA] =	sst s3  }
0xc: {  	[smem:$0x3FAB] =	sst s4  }
0xd: {  	[smem:$0x3FAC] =	sst s5  }
0xe: {  	[smem:$0x3FAD] =	sst s6  }
0xf: {  	[smem:$0x3FAE] =	sst s7  }
0x10: {  	[smem:$0x3FAF] =	sst s8  }
0x11: {  	[smem:$0x3FB0] =	sst s9;
	s0 =	simm.s32 @!p0 $0x0  }
0x12: {  	s1 =	sld [smem:$0x3F96];
	s0 =	simm.s32 @p0 $0x1  }
0x13: {  	[smem:$0x3FB1] =	sst s0;
	s0 =	simm.s32 @!p1 $0x0  }
0x14: {  	s2 =	sld [smem:$0x3F95];
	s0 =	simm.s32 @p1 $0x1  }
0x15: {  	[smem:$0x3FB2] =	sst s0;
	s0 =	simm.s32 @!p2 $0x0  }
0x16: {  	s3 =	sld [smem:$0x3FDB];
	s0 =	simm.s32 @p2 $0x1  }
0x17: {  	s4 =	simm.s32 $0x1BF5;
	[smem:$0x3FB4] =	sst s0  }
0x18: {  	s0 =	sld [smem:$0x3F97];
	_ =	swait.ge [sflag:s4], $0x0  }
0x19: {  	s7 =	sld [smem:$0x3F98]  }
0x1a: {  	s8 =	sadd.s32 $0xFFFFE003, lr  }
0x1b: {  	s9 =	sadd.s32 $0xFFFFFEF7, lr;
	s5 =	simm.s32 $0xFFFFFFFF;
	p2 =	slt.u32 s8, $0xFFFFF086  }
0x1c: {  	p1 =	slt.u32 s9, $0xF7A;
	s5 =	simm.s32 @!p2 $0x0  }
0x1d: {  	s5 =	simm.s32 @p1 $0x1;
	p0 =	seq.s32 s7, s2  }
0x1e: {  	s7 =	smul.u32 @!p0 $0xF7A, s2;
	p2 =	seq.s32 @!p0 s5, $0x0  }
0x1f: {  	s9 =	smul.u32 $0xF7A, s1;
	s8 =	simm.s32 @!p0 $0x1BF5;
	p2 =	por !p2, p0  }
0x20: {  	[sflag:s8] =	ssyncset.s32 @!p0 $0xFFFFF086;
	s6 =	sadd.s32 @!p0 s3, s7;
	s7 =	simm.s32 @!p0 $0x108  }
0x21: {  	s3 =	sadd.s32 s3, s9;
	s6 =	sadd.s32 @!p0 $0x88, s6;
	s7 =	simm.s32 @p2 $0x1082  }
0x22: {  	[simem:s7], [sflag:s8] =	dma.local @!p0 [hbm:s6], $0xF7A  }
0x23: {  	s9 =	sor.u32 $0xD0000000, s2;
	s6 =	simm.s32 $0x108;
	_ =	swait.ge @!p0 [sflag:s8], $0x0  }
0x24: {  	s3 =	sadd.s32 $0x88, s3;
	s6 =	simm.s32 @!p1 $0x1082;
	[sflag:s4] =	ssyncset.s32 $0xFFFFF086  }
0x25: {  	[simem:s6], [sflag:s4] =	dma.local [hbm:s3], $0xF7A  }
0x26: {  	[smem:$0x3F98] =	sst s1;
	(tag) =	ssettag s2;
	_ =	strace s9  }
0x27: {  	s1 =	sld [smem:$0x3FA8]  }
0x28: {  	s2 =	sld [smem:$0x3FA9]  }
0x29: {  	s4 =	sld [smem:$0x3FAB]  }
0x2a: {  	p0 =	seq.s32 s5, $0x0;
	s5 =	sld [smem:$0x3FAC]  }
0x2b: {  	s6 =	sld [smem:$0x3FAD]  }
0x2c: {  	s7 =	sld [smem:$0x3FAE]  }
0x2d: {  	s3 =	simm.s32 $0x108;
	s8 =	sld [smem:$0x3FAF]  }
0x2e: {  	s3 =	simm.s32 @!p0 $0x1082;
	s9 =	sld [smem:$0x3FB0]  }
0x2f: {  	lr =	sadd.s32 s0, s3;
	s0 =	sld [smem:$0x3FA7]  }
0x30: {  	s3 =	sld [smem:$0x3FAA]  }
0x31: {  	[smem:$0x3FB3] =	sst s10  }
0x32: {  	s10 =	sld [smem:$0x3FB1];
	_ =	sdelay $0x3  }
0x33: {  	p0 =	seq.s32 s10, $0x1;
	s10 =	sld [smem:$0x3FB3];
	_ =	sdelay $0x3  }
0x34: {  	[smem:$0x3FB3] =	sst s10  }
0x35: {  	s10 =	sld [smem:$0x3FB2];
	_ =	sdelay $0x3  }
0x36: {  	p1 =	seq.s32 s10, $0x1;
	s10 =	sld [smem:$0x3FB3];
	_ =	sdelay $0x3  }
0x37: {  	[smem:$0x3FB3] =	sst s10  }
0x38: {  	s10 =	sld [smem:$0x3FB4]  }
0x39: {  	_ = 	snop;
	(pc) =	sbr.ind lr, $3  }
0x3a: {  	_ = 	snop  }
0x3b: {  	_ = 	snop  }
0x3c: {  	p2 =	seq.s32 s10, $0x1;
	s10 =	sld [smem:$0x3FB3]  }
0x3d: {  	_ =	shalt  }
0x3e: {  	_ =	shalt  }
0x3f: {  	_ =	shalt  }
0x40: {  	_ =	shalt  }
0x41: {  	_ =	shalt  }
0x42: {  	_ =	shalt  }
0x43: {  	_ =	shalt  }
0x44: {  	_ =	shalt  }
0x45: {  	_ =	shalt  }
0x46: {  	_ =	shalt  }
0x47: {  	_ =	shalt  }
0x48: {  	_ =	shalt  }
0x49: {  	_ =	shalt  }
0x4a: {  	_ =	shalt  }
0x4b: {  	_ =	shalt  }
0x4c: {  	_ =	shalt  }
0x4d: {  	_ =	shalt  }
0x4e: {  	_ =	shalt  }
0x4f: {  	_ =	shalt  }
0x50: {  	_ =	shalt  }
0x51: {  	_ =	shalt  }
0x52: {  	_ =	shalt  }
0x53: {  	_ =	shalt  }
0x54: {  	_ =	shalt  }
0x55: {  	_ =	shalt  }
0x56: {  	_ =	shalt  }
0x57: {  	_ =	shalt  }
0x58: {  	_ =	shalt  }
0x59: {  	_ =	shalt  }
0x5a: {  	_ =	shalt  }
0x5b: {  	_ =	shalt  }
0x5c: {  	_ =	shalt  }
0x5d: {  	_ =	shalt  }
0x5e: {  	_ =	shalt  }
0x5f: {  	_ =	shalt  }
0x60: {  	_ =	shalt  }
0x61: {  	_ =	shalt  }
0x62: {  	_ =	shalt  }
0x63: {  	_ =	shalt  }
0x64: {  	_ =	shalt  }
0x65: {  	_ =	shalt  }
0x66: {  	_ =	shalt  }
0x67: {  	_ =	shalt  }
0x68: {  	_ =	shalt  }
0x69: {  	_ =	shalt  }
0x6a: {  	_ =	shalt  }
0x6b: {  	_ =	shalt  }
0x6c: {  	_ =	shalt  }
0x6d: {  	_ =	shalt  }
0x6e: {  	_ =	shalt  }
0x6f: {  	_ =	shalt  }
0x70: {  	_ =	shalt  }
0x71: {  	_ =	shalt  }
0x72: {  	_ =	shalt  }
0x73: {  	_ =	shalt  }
0x74: {  	_ =	shalt  }
0x75: {  	_ =	shalt  }
0x76: {  	_ =	shalt  }
0x77: {  	_ =	shalt  }
0x78: {  	_ =	shalt  }
0x79: {  	_ =	shalt  }
0x7a: {  	_ =	shalt  }
0x7b: {  	_ =	shalt  }
0x7c: {  	_ =	shalt  }
0x7d: {  	_ =	shalt  }
0x7e: {  	_ =	shalt  }
0x7f: {  	_ =	shalt  }
0x80: {  	_ =	shalt  }
0x81: {  	_ =	shalt  }
0x82: {  	_ =	shalt  }
0x83: {  	_ =	shalt  }
0x84: {  	_ =	shalt  }
0x85: {  	_ =	shalt  }
0x86: {  	_ =	shalt  }
0x87: {  	_ =	shalt  }
.Lfunc_end0:
.L_simem_size_0:
called_computation.1_lowered:
.L_overlay_start_0:
0x88: {  	s2 =	sld [smem:$0x3FD9]  }
0x89: {  	s3 =	sld [smem:$0x3FFE];
	_ =	sdelay $0x1  }
0x8a: {  	s1 =	srdreg.scid  }
0x8b: {  	s0 =	sand.u32 $0x1, s1  }
0x8c: {  	s17 =	sshll.u32 s0, $0xA;
	s2 =	sadd.s32 s3, s2  }
0x8d: {  	s2 =	sadd.s32 s2, s17  }
0x8e: {  	[smem:$0x3FBF] =	sst s2  }
0x8f: {  	_ = 	snop  }
0x90: {  	s2 =	sld [smem:$0x3FD0];
	(tm) =	ssettm $0x1  }
0x91: {  	s18 =	sld [smem:$0x3FFB];
	_ =	sdelay $0x3  }
0x92: {  	_ =	strace s18  }
0x93: {  	s3 =	sld [smem:$0x3FFC];
	_ =	sdelay $0x3  }
0x94: {  	_ =	strace s3  }
0x95: {  	s3 =	sld [smem:$0x3FFD];
	_ =	sdelay $0x3  }
0x96: {  	_ =	strace s3  }
0x97: {  	_ =	strace $0x8FFFFFFF  }
0x98: {  	s19 =	sld [smem:$0x3FDB];
	_ =	sdelay $0x1  }
0x99: {  	s4 =	simm.s32 $_scs_section_size  }
0x9a: {  	s5 =	simm.s32 $_size__tile_overlayer_lowered;
	s6 =	simm.s32 $_tile_overlayer_lowered  }
0x9b: {  	s22 =	simm.s32 $0x1BFF;
	s21 =	sshll.u32 s6, $0x1;
	s3 =	sadd.s32 s4, s19  }
0x9c: {  	s7 =	simm.s32 $0x0;
	s20 =	sshll.u32 s5, $0x1;
	s5 =	sadd.s32 s21, s3  }
0x9d: {  	[timem:s7], [sflag:s22] =	dma.local [hbm:s5], s20  }
0x9e: {  	_ =	swait.ge [sflag:s22], s20  }
0x9f: {  	s4 =	ssub.s32 $0x0, s20;
	[sflag:s22] =	ssyncset.done $0x0  }
0xa0: {  	[sflag:s22] =	ssyncadd.s32 s4;
	_ =	sdelay $0x1  }
0xa1: {  	s23 =	simm.s32 $0x1B8B  }
0xa2: {  	_ =	swait.ge [sflag:s23], $0x1  }
0xa3: {  	[sflag:s23] =	ssyncset.done $0x0  }
0xa4: {  	s25 =	simm.s32 $0x1B8E;
	s24 =	sld [smem:$0x3FFE];
	[sflag:s23] =	ssyncadd.s32 $0xFFFFFFFF  }
0xa5: {  	s26 =	simm.s32 $execute0_lowered;
	[smem:$0x3FD2] =	sst s25  }
0xa6: {  	s5 =	sshll.u32 s26, $0x1;
	_ =	strace $0x80000049;
	[dreg:$0x1] =	wrdreg $0xFFFFFFFF  }
0xa7: {  	s28 =	simm.s32 $_size_execute0_lowered;
	s3 =	sadd.s32 s3, s5;
	[dreg:$0x0] =	wrdreg $0x0  }
0xa8: {  	s5 =	sshll.u32 s28, $0x1;
	[dreg:$0x2] =	wrdreg s3  }
0xa9: {  	[dreg:$0x3] =	wrdreg s5  }
0xaa: {  	[dreg:$0x4] =	wrdreg $0xC0  }
0xab: {  	_ =	task [dreg:s7], $0x5FFFF  }
0xac: {  	[dreg:$0x1] =	wrdreg $0xFFFFFFFF  }
0xad: {  	[dreg:$0x0] =	wrdreg $0x60  }
0xae: {  	[dreg:$0x2] =	wrdreg s24  }
0xaf: {  	[dreg:$0x3] =	wrdreg s2  }
0xb0: {  	[dreg:$0x4] =	wrdreg $0x9  }
0xb1: {  	_ =	task.clear_ibuf [dreg:s7], $0x5FFFF;
	_ =	strace $0x90000049  }
0xb2: {  	s29 =	simm.s32 $0x9;
	_ =	strace $0x8000004B  }
0xb3: {  	_ =	swait.ge [sflag:s29], $0x1  }
0xb4: {  	[sflag:s29] =	ssyncadd.s32 $0xFFFFFFFF  }
0xb5: {  	_ =	strace $0x9000004B  }
0xb6: {  	_ =	sfence  }
0xb7: {  	s30 =	sld [smem:$0x0];
	_ =	sdelay $0x2  }
0xb8: {  	s31 =	sshll.u32 s1, $0xD;
	s1 =	sshrl.u32 s1, $0x2  }
0xb9: {  	s3 =	sand.u32 $0x4000, s31;
	s1 =	sadd.s32 s1, s30  }
0xba: {  	s0 =	sor.u32 s3, s0;
	s1 =	sshll.u32 s1, $0x11  }
0xbb: {  	s0 =	sor.u32 s1, s0  }
0xbc: {  	s0 =	sadd.s32 $0x8F2B, s0  }
0xbd: {  	[sflag:s0] =	ssyncadd.remote.s32 $0x1  }
0xbe: {  	_ =	sfence.sel $0xFFFF  }
0xbf: {  	[dreg:$0x0] =	wrdreg $0xFFFFFFFF;
	(pc) =	sbr.abs _section_cstart, $3  }
0xc0: {  	[dreg:$0x1] =	wrdreg $0xFFFFFFFF  }
0xc1: {  	_ =	task.clear_ibuf [dreg:s7], $0x2FFFF;
	_ =	strace $0x9FFFFFFF  }
0xc2: {  	(tm) =	ssettm $0x7FFFFFFF  }
0xc3: {  	_ =	shalt  }
tec
execute0_lowered:
.L_overlay_start_1:
0x0: {  	(tag) =	ssettag $0x1  }
0x1: {  	s0 =	rddreg [dreg:$0x0]  }
0x2: {  	s1 =	rddreg [dreg:$0x1]  }
0x3: {  	s2 =	srdreg.scid;
	s4 =	stileid.u32;
	s29 =	simm.s32 $0x10200  }
0x4: {  	s30 =	simm.s32 $0x3;
	s12 =	simm.s32 $0xE200;
	s28 =	simm.s32 $0xEA00  }
0x5: {  	s13 =	simm.s32 $0xF200;
	s14 =	simm.s32 $0xFA00;
	s31 =	simm.s32 $0x2  }
0x6: {  	s3 =	sand.u32 $0x1, s2;
	s2 =	simm.s32 $0x0;
	s4 =	sshll.u32 s4, $0x7  }
0x7: {  	s11 =	sadd.s32 $0x82A00, s0;
	s8 =	sadd.s32 $0x2B00, s0;
	s5 =	sshll.u32 s3, $0x6  }
0x8: {  	s9 =	sadd.s32 $0x2C00, s0;
	[smem:$0x7FF] =	sst s2;
	s4 =	sor.u32 s5, s4  }
0x9: {  	s6 =	ssub.s32 $0x2, s3;
	s5 =	sshrl.u32 s4, $0x3;
	s4 =	sshll.u32 s4, $0x7  }
0xa: {  	_ =	strace $0x8000004A;
	s7 =	sshrl.u32 s6, $0x1;
	s18 =	sadd.s32 s11, s4  }
0xb: {  	s6 =	ssub.s32 s6, s7;
	s21 =	sadd.s32 s1, s4;
	[dreg:$0x7] =	wrdreg s18  }
0xc: {  	s5 =	sadd.s32 s5, s0;
	s26 =	smax.u32 s6, $0x1;
	[dreg:$0x9] =	wrdreg s21  }
0xd: {  	s10 =	sadd.s32 $0x2D00, s0;
	s15 =	sadd.s32 $0x2200, s5;
	[dreg:$0xf] =	wrdreg s26  }
0xe: {  	s3 =	sadd.s32 $0x2A00, s0;
	s16 =	sadd.s32 $0x2400, s5;
	[dreg:$0x3] =	wrdreg s15  }
0xf: {  	s19 =	sor.u32 $0x800, s4;
	s17 =	sadd.s32 $0x2600, s5;
	[dreg:$0x4] =	wrdreg s16  }
0x10: {  	s22 =	sor.u32 $0x1000, s4;
	s5 =	sadd.s32 $0x2800, s5;
	[dreg:$0x5] =	wrdreg s17  }
0x11: {  	s24 =	sor.u32 $0x1800, s4;
	s20 =	sadd.s32 s11, s19;
	[dreg:$0x6] =	wrdreg s5  }
0x12: {  	s6 =	simm.s32 $0x6;
	s23 =	sadd.s32 s11, s22;
	[dreg:$0x8] =	wrdreg s20  }
0x13: {  	s0 =	sadd.s32 s1, s19;
	s4 =	sadd.s32 s11, s24;
	[dreg:$0xa] =	wrdreg s23  }
0x14: {  	s25 =	sadd.s32 s1, s22;
	s11 =	simm.s32 $0xCA00;
	[dreg:$0xb] =	wrdreg s0  }
0x15: {  	s26 =	simm.s32 $0xDA00;
	s18 =	simm.s32 $0x0;
	[dreg:$0xc] =	wrdreg s4  }
0x16: {  	[dreg:$0xd] =	wrdreg s25;
	s0 =	sadd.s32 s1, s24;
	s20 =	simm.s32 $0x9  }
0x17: {  	v2 =	vlaneseq.u32;
	s4 =	simm.s32 $0x1;
	s5 =	simm.s32 $0x5;
	s24 =	simm.s32 $0xC200  }
0x18: {  	vm0 =	vmmov $0xffff;
	v1 =	vshrl.u32 v2, $0x3;
	s25 =	simm.s32 $0xD200;
	s15 =	simm.s32 $0x14200;
	s16 =	simm.s32 $0x4  }
0x19: {  	v0 =	vand.u32 $0x7, v2;
	v2 =	vor.u32 $0x8, v2;
	v1 =	vmul.u32 $0x8, v1;
	s17 =	simm.s32 $0x7;
	[dreg:$0xe] =	wrdreg s0;
	s0 =	simm.s32 $0x8  }
.LBB2_1:
0x1a: {  	s1 =	rddreg [dreg:$0x3]  }
0x1b: {  	[tilespmem:s2], [sflag:$0x9] =	stream.linear.gather [hbm4b:s1+s2], $0x40, $0x38;
	[tilespmem:$0x18200] =	vst v63  }
0x1c: {  	_ =	swait.ge [sflag:s20], $0x40  }
0x1d: {  	[sflag:s20] =	ssyncset.done $0x0  }
0x1e: {  	s7 =	simm.s32 $0x80;
	s23 =	rddreg [dreg:$0x4];
	[sflag:s20] =	ssyncadd.s32 $0xFFFFFFC0  }
0x1f: {  	[tilespmem:s7], [sflag:$0x9] =	stream.linear.gather [hbm4b:s23+s2], $0x40, $0x38;
	[tilespmem:$0x18200] =	vst v63  }
0x20: {  	_ =	swait.ge [sflag:s20], $0x40  }
0x21: {  	[sflag:s20] =	ssyncset.done $0x0  }
0x22: {  	s21 =	simm.s32 $0x100;
	s19 =	rddreg [dreg:$0x5];
	[sflag:s20] =	ssyncadd.s32 $0xFFFFFFC0  }
0x23: {  	[tilespmem:s21], [sflag:$0x9] =	stream.linear.gather [hbm4b:s19+s2], $0x40, $0x38;
	[tilespmem:$0x18200] =	vst v63  }
0x24: {  	_ =	swait.ge [sflag:s20], $0x40  }
0x25: {  	[sflag:s20] =	ssyncset.done $0x0  }
0x26: {  	s23 =	simm.s32 $0x180;
	s22 =	rddreg [dreg:$0x6];
	[sflag:s20] =	ssyncadd.s32 $0xFFFFFFC0  }
0x27: {  	[tilespmem:s23], [sflag:$0x9] =	stream.linear.gather [hbm4b:s22+s2], $0x40, $0x38;
	[tilespmem:$0x18200] =	vst v63  }
0x28: {  	_ =	swait.ge [sflag:s20], $0x40  }
0x29: {  	[sflag:s20] =	ssyncset.done $0x0  }
0x2a: {  	[sflag:s20] =	ssyncadd.s32 $0xFFFFFFC0  }
0x2b: {  	v3 =	vld [tilespmem:$0x0];
	_ =	sdelay $0x4  }
0x2c: {  	v4 =	vshll.u32 v3, $0x3  }
0x2d: {  	v3 =	vand.u32 $0x7, v3;
	v4 =	vand.u32 $0xFFFFFFC0, v4  }
0x2e: {  	v3 =	vor.u32 v3, v4  }
0x2f: {  	v4 =	vperm.xlane v3, v0;
	_ =	sdelay $0x1  }
0x30: {  	v4 =	vadd.s32 v1, v4;
	_ =	sdelay $0x3  }
0x31: {  	s19 =	simm.s32 $0x200  }
0x32: {  	[tilespmem:s19], [sflag:$0x1] =	stream.indirect_vreg.gather [hbm4b:s3+s2], $0x80, v4, vm0, $0xb8;
	[tilespmem:$0x18200] =	vst v63  }
0x33: {  	s21 =	simm.s32 $0xA00;
	v3 =	vperm.xlane v3, v2  }
0x34: {  	[tilespmem:s21], [sflag:$0x1] =	stream.indirect_vreg.gather [hbm4b:s8+s2], $0x80, v4, vm0, $0xb8;
	[tilespmem:$0x18200] =	vst v63  }
0x35: {  	s22 =	simm.s32 $0x1200;
	v3 =	vadd.s32 v1, v3  }
0x36: {  	[tilespmem:s22], [sflag:$0x1] =	stream.indirect_vreg.gather [hbm4b:s9+s2], $0x80, v4, vm0, $0xb8;
	[tilespmem:$0x18200] =	vst v63  }
0x37: {  	s23 =	simm.s32 $0x1A00  }
0x38: {  	[tilespmem:s23], [sflag:$0x1] =	stream.indirect_vreg.gather [hbm4b:s10+s2], $0x80, v4, vm0, $0xb8;
	[tilespmem:$0x18200] =	vst v63  }
0x39: {  	s7 =	simm.s32 $0x2200  }
0x3a: {  	[tilespmem:s7], [sflag:$0x1] =	stream.indirect_vreg.gather [hbm4b:s3+s2], $0x80, v3, vm0, $0xb8;
	[tilespmem:$0x18200] =	vst v63  }
0x3b: {  	s19 =	simm.s32 $0x2A00  }
0x3c: {  	[tilespmem:s19], [sflag:$0x1] =	stream.indirect_vreg.gather [hbm4b:s8+s2], $0x80, v3, vm0, $0xb8;
	[tilespmem:$0x18200] =	vst v63  }
0x3d: {  	s21 =	simm.s32 $0x3200  }
0x3e: {  	[tilespmem:s21], [sflag:$0x1] =	stream.indirect_vreg.gather [hbm4b:s9+s2], $0x80, v3, vm0, $0xb8;
	[tilespmem:$0x18200] =	vst v63  }
0x3f: {  	s22 =	simm.s32 $0x3A00  }
0x40: {  	[tilespmem:s22], [sflag:$0x1] =	stream.indirect_vreg.gather [hbm4b:s10+s2], $0x80, v3, vm0, $0xb8;
	[tilespmem:$0x18200] =	vst v63  }
0x41: {  	v3 =	vld [tilespmem:$0x80];
	_ =	sdelay $0x4  }
0x42: {  	v4 =	vshll.u32 v3, $0x3  }
0x43: {  	v3 =	vand.u32 $0x7, v3;
	v4 =	vand.u32 $0xFFFFFFC0, v4  }
0x44: {  	v3 =	vor.u32 v3, v4  }
0x45: {  	v4 =	vperm.xlane v3, v0;
	_ =	sdelay $0x1  }
0x46: {  	v4 =	vadd.s32 v1, v4;
	_ =	sdelay $0x3  }
0x47: {  	s23 =	simm.s32 $0x8200  }
0x48: {  	[tilespmem:s23], [sflag:$0x3] =	stream.indirect_vreg.gather [hbm4b:s3+s2], $0x80, v4, vm0, $0xb8;
	[tilespmem:$0x18200] =	vst v63  }
0x49: {  	s7 =	simm.s32 $0x8A00;
	v3 =	vperm.xlane v3, v2  }
0x4a: {  	[tilespmem:s7], [sflag:$0x3] =	stream.indirect_vreg.gather [hbm4b:s8+s2], $0x80, v4, vm0, $0xb8;
	[tilespmem:$0x18200] =	vst v63  }
0x4b: {  	s19 =	simm.s32 $0x9200;
	v3 =	vadd.s32 v1, v3  }
0x4c: {  	[tilespmem:s19], [sflag:$0x3] =	stream.indirect_vreg.gather [hbm4b:s9+s2], $0x80, v4, vm0, $0xb8;
	[tilespmem:$0x18200] =	vst v63  }
0x4d: {  	s21 =	simm.s32 $0x9A00  }
0x4e: {  	[tilespmem:s21], [sflag:$0x3] =	stream.indirect_vreg.gather [hbm4b:s10+s2], $0x80, v4, vm0, $0xb8;
	[tilespmem:$0x18200] =	vst v63  }
0x4f: {  	s22 =	simm.s32 $0xA200  }
0x50: {  	[tilespmem:s22], [sflag:$0x3] =	stream.indirect_vreg.gather [hbm4b:s3+s2], $0x80, v3, vm0, $0xb8;
	[tilespmem:$0x18200] =	vst v63  }
0x51: {  	s23 =	simm.s32 $0xAA00  }
0x52: {  	[tilespmem:s23], [sflag:$0x3] =	stream.indirect_vreg.gather [hbm4b:s8+s2], $0x80, v3, vm0, $0xb8;
	[tilespmem:$0x18200] =	vst v63  }
0x53: {  	s7 =	simm.s32 $0xB200  }
0x54: {  	[tilespmem:s7], [sflag:$0x3] =	stream.indirect_vreg.gather [hbm4b:s9+s2], $0x80, v3, vm0, $0xb8;
	[tilespmem:$0x18200] =	vst v63  }
0x55: {  	s19 =	simm.s32 $0xBA00  }
0x56: {  	[tilespmem:s19], [sflag:$0x3] =	stream.indirect_vreg.gather [hbm4b:s10+s2], $0x80, v3, vm0, $0xb8;
	[tilespmem:$0x18200] =	vst v63  }
0x57: {  	s21 =	rddreg [dreg:$0x7]  }
0x58: {  	[tilespmem:s29], [sflag:$0x5] =	stream.linear.gather [hbm4b:s21+s2], $0x4000, $0x38;
	[tilespmem:$0x18200] =	vst v63  }
0x59: {  	_ =	swait.ge [sflag:s4], $0x4000  }
0x5a: {  	[sflag:s4] =	ssyncset.done $0x0  }
0x5b: {  	[sflag:s4] =	ssyncadd.s32 $0xFFFFC000  }
0x5c: {  	_ =	swait.ge [sflag:s30], $0x4000  }
0x5d: {  	[sflag:s30] =	ssyncset.done $0x0  }
0x5e: {  	[sflag:s30] =	ssyncadd.s32 $0xFFFFC000  }
0x5f: {  	_ =	swait.ge [sflag:s5], $0x4000  }
0x60: {  	[sflag:s5] =	ssyncset.done $0x0  }
0x61: {  	[sflag:s5] =	ssyncadd.s32 $0xFFFFC000  }
0x62: {  	v3 =	vld [tilespmem:$0x10];
	_ =	sdelay $0x4  }
0x63: {  	v4 =	vshll.u32 v3, $0x3  }
0x64: {  	v3 =	vand.u32 $0x7, v3;
	v4 =	vand.u32 $0xFFFFFFC0, v4  }
0x65: {  	v3 =	vor.u32 v3, v4  }
0x66: {  	v4 =	vperm.xlane v3, v0;
	_ =	sdelay $0x1  }
0x67: {  	v4 =	vadd.s32 v1, v4;
	_ =	sdelay $0x3  }
0x68: {  	s22 =	simm.s32 $0x4200  }
0x69: {  	[tilespmem:s22], [sflag:$0x2] =	stream.indirect_vreg.gather [hbm4b:s3+s2], $0x80, v4, vm0, $0xb8;
	[tilespmem:$0x18200] =	vst v63  }
0x6a: {  	s23 =	simm.s32 $0x4A00;
	v3 =	vperm.xlane v3, v2  }
0x6b: {  	[tilespmem:s23], [sflag:$0x2] =	stream.indirect_vreg.gather [hbm4b:s8+s2], $0x80, v4, vm0, $0xb8;
	[tilespmem:$0x18200] =	vst v63  }
0x6c: {  	s7 =	simm.s32 $0x5200;
	v3 =	vadd.s32 v1, v3  }
0x6d: {  	[tilespmem:s7], [sflag:$0x2] =	stream.indirect_vreg.gather [hbm4b:s9+s2], $0x80, v4, vm0, $0xb8;
	[tilespmem:$0x18200] =	vst v63  }
0x6e: {  	s19 =	simm.s32 $0x5A00  }
0x6f: {  	[tilespmem:s19], [sflag:$0x2] =	stream.indirect_vreg.gather [hbm4b:s10+s2], $0x80, v4, vm0, $0xb8;
	[tilespmem:$0x18200] =	vst v63  }
0x70: {  	s21 =	simm.s32 $0x6200  }
0x71: {  	[tilespmem:s21], [sflag:$0x2] =	stream.indirect_vreg.gather [hbm4b:s3+s2], $0x80, v3, vm0, $0xb8;
	[tilespmem:$0x18200] =	vst v63  }
0x72: {  	s22 =	simm.s32 $0x6A00  }
0x73: {  	[tilespmem:s22], [sflag:$0x2] =	stream.indirect_vreg.gather [hbm4b:s8+s2], $0x80, v3, vm0, $0xb8;
	[tilespmem:$0x18200] =	vst v63  }
0x74: {  	s23 =	simm.s32 $0x7200  }
0x75: {  	[tilespmem:s23], [sflag:$0x2] =	stream.indirect_vreg.gather [hbm4b:s9+s2], $0x80, v3, vm0, $0xb8;
	[tilespmem:$0x18200] =	vst v63  }
0x76: {  	s7 =	simm.s32 $0x7A00  }
0x77: {  	[tilespmem:s7], [sflag:$0x2] =	stream.indirect_vreg.gather [hbm4b:s10+s2], $0x80, v3, vm0, $0xb8;
	[tilespmem:$0x18200] =	vst v63  }
0x78: {  	v3 =	vld [tilespmem:$0x90];
	_ =	sdelay $0x4  }
0x79: {  	v4 =	vshll.u32 v3, $0x3  }
0x7a: {  	v3 =	vand.u32 $0x7, v3;
	v4 =	vand.u32 $0xFFFFFFC0, v4  }
0x7b: {  	v3 =	vor.u32 v3, v4  }
0x7c: {  	v4 =	vperm.xlane v3, v0;
	_ =	sdelay $0x1  }
0x7d: {  	v4 =	vadd.s32 v1, v4;
	_ =	sdelay $0x4  }
0x7e: {  	[tilespmem:s24], [sflag:$0x4] =	stream.indirect_vreg.gather [hbm4b:s3+s2], $0x80, v4, vm0, $0xb8;
	[tilespmem:$0x18200] =	vst v63  }
0x7f: {  	v3 =	vperm.xlane v3, v2  }
0x80: {  	[tilespmem:s11], [sflag:$0x4] =	stream.indirect_vreg.gather [hbm4b:s8+s2], $0x80, v4, vm0, $0xb8;
	[tilespmem:$0x18200] =	vst v63  }
0x81: {  	v3 =	vadd.s32 v1, v3  }
0x82: {  	[tilespmem:s25], [sflag:$0x4] =	stream.indirect_vreg.gather [hbm4b:s9+s2], $0x80, v4, vm0, $0xb8;
	[tilespmem:$0x18200] =	vst v63  }
0x83: {  	_ = 	snop  }
0x84: {  	[tilespmem:s26], [sflag:$0x4] =	stream.indirect_vreg.gather [hbm4b:s10+s2], $0x80, v4, vm0, $0xb8;
	[tilespmem:$0x18200] =	vst v63  }
0x85: {  	_ = 	snop  }
0x86: {  	[tilespmem:s12], [sflag:$0x4] =	stream.indirect_vreg.gather [hbm4b:s3+s2], $0x80, v3, vm0, $0xb8;
	[tilespmem:$0x18200] =	vst v63  }
0x87: {  	_ = 	snop  }
0x88: {  	[tilespmem:s28], [sflag:$0x4] =	stream.indirect_vreg.gather [hbm4b:s8+s2], $0x80, v3, vm0, $0xb8;
	[tilespmem:$0x18200] =	vst v63  }
0x89: {  	_ = 	snop  }
0x8a: {  	[tilespmem:s13], [sflag:$0x4] =	stream.indirect_vreg.gather [hbm4b:s9+s2], $0x80, v3, vm0, $0xb8;
	[tilespmem:$0x18200] =	vst v63  }
0x8b: {  	_ = 	snop  }
0x8c: {  	[tilespmem:s14], [sflag:$0x4] =	stream.indirect_vreg.gather [hbm4b:s10+s2], $0x80, v3, vm0, $0xb8;
	[tilespmem:$0x18200] =	vst v63  }
0x8d: {  	s19 =	rddreg [dreg:$0x8]  }
0x8e: {  	[tilespmem:s15], [sflag:$0x6] =	stream.linear.gather [hbm4b:s19+s2], $0x4000, $0x38;
	[tilespmem:$0x18200] =	vst v63  }
0x8f: {  	s21 =	sand.u32 $0x70, s2;
	s22 =	sand.u32 $0x1C00, s2;
	v17 =	vld [tilespmem:$0x100]  }
0x90: {  	s7 =	sor.u32 s21, s22;
	v37 =	vld [tilespmem:$0x180]  }
0x91: {  	v18 =	vld [tilespmem:s7+$0x10380]  }
0x92: {  	v19 =	vld [tilespmem:s7+$0x10500]  }
0x93: {  	v20 =	vld [tilespmem:s7+$0x10480]  }
0x94: {  	v21 =	vld [tilespmem:s7+$0x10200]  }
0x95: {  	v22 =	vld [tilespmem:s7+$0x10300]  }
0x96: {  	v23 =	vld [tilespmem:s7+$0x8380]  }
0x97: {  	v24 =	vld [tilespmem:s7+$0x8480]  }
0x98: {  	v25 =	vld [tilespmem:s7+$0x8500]  }
0x99: {  	v26 =	vld [tilespmem:s7+$0x8400]  }
0x9a: {  	v27 =	vld [tilespmem:s7+$0x8200];
	v3 =	vbroadcast v17, $0x0;
	v4 =	vbroadcast v37, $0x0  }
0x9b: {  	v28 =	vld [tilespmem:s7+$0x500];
	v5 =	vbroadcast v17, $0x1;
	v6 =	vbroadcast v37, $0x1  }
0x9c: {  	v29 =	vld [tilespmem:s7+$0x8300];
	v7 =	vbroadcast v17, $0x2;
	v8 =	vbroadcast v37, $0x2  }
0x9d: {  	v30 =	vld [tilespmem:s7+$0x200];
	v9 =	vbroadcast v17, $0x3;
	v10 =	vbroadcast v37, $0x3  }
0x9e: {  	v33 =	vld [tilespmem:s7+$0x480];
	v11 =	vbroadcast v17, $0x4;
	v12 =	vbroadcast v37, $0x4  }
0x9f: {  	v31 =	vld [tilespmem:s7+$0x380];
	v13 =	vbroadcast v37, $0x6;
	v15 =	vbroadcast v17, $0x6  }
0xa0: {  	v32 =	vld [tilespmem:s7+$0x300];
	v14 =	vbroadcast v17, $0x5;
	v16 =	vbroadcast v37, $0x5  }
0xa1: {  	v34 =	vld [tilespmem:s7+$0x8280];
	v25 =	vmul.f32 v25, v13;
	v28 =	vmul.f32 v28, v15  }
0xa2: {  	v35 =	vld [tilespmem:s7+$0x280];
	v30 =	vmul.f32 v30, v3;
	v27 =	vmul.f32 v27, v4  }
0xa3: {  	v36 =	vld [tilespmem:s7+$0x400];
	v23 =	vmul.f32 v23, v10;
	v33 =	vmul.f32 v33, v14  }
0xa4: {  	v19 =	vadd.f32 v28, v19;
	v28 =	vmul.f32 v29, v8;
	v29 =	vmul.f32 v31, v9;
	v31 =	vld [tilespmem:s7+$0x10280]  }
0xa5: {  	v32 =	vmul.f32 v32, v7;
	v21 =	vadd.f32 v30, v21;
	v30 =	vld [tilespmem:s7+$0x10400];
	v20 =	vadd.f32 v33, v20  }
0xa6: {  	v24 =	vmul.f32 v24, v16;
	v19 =	vadd.f32 v25, v19;
	v18 =	vadd.f32 v29, v18  }
0xa7: {  	v22 =	vadd.f32 v32, v22;
	v21 =	vadd.f32 v27, v21;
	v25 =	vmul.f32 v35, v5  }
0xa8: {  	v20 =	vadd.f32 v24, v20;
	v18 =	vadd.f32 v23, v18;
	v23 =	vmul.f32 v36, v11;
	[tilespmem:s7+$0x10500] =	vst v19  }
0xa9: {  	v19 =	vmul.f32 v34, v6;
	[tilespmem:s7+$0x10200] =	vst v21;
	v25 =	vadd.f32 v25, v31  }
0xaa: {  	v22 =	vadd.f32 v28, v22;
	v21 =	vmul.f32 v26, v12;
	[tilespmem:s7+$0x10480] =	vst v20;
	v23 =	vadd.f32 v23, v30  }
0xab: {  	[tilespmem:s7+$0x10380] =	vst v18;
	v18 =	vadd.f32 v19, v25  }
0xac: {  	[tilespmem:s7+$0x10300] =	vst v22;
	v19 =	vadd.f32 v21, v23  }
0xad: {  	s21 =	sor.u32 s2, s2;
	[tilespmem:s7+$0x10280] =	vst v18  }
0xae: {  	s23 =	sor.u32 $0x380, s21;
	[tilespmem:s7+$0x10400] =	vst v19  }
0xaf: {  	v18 =	vld [tilespmem:s23+$0x200]  }
0xb0: {  	v19 =	vld [tilespmem:s23+$0x8200]  }
0xb1: {  	v21 =	vld [tilespmem:s23+$0x10200]  }
0xb2: {  	v32 =	vbroadcast v17, $0x7;
	_ =	sdelay $0x1  }
0xb3: {  	v33 =	vbroadcast v37, $0x7;
	v18 =	vmul.f32 v18, v32  }
0xb4: {  	v28 =	vbroadcast v37, $0xA  }
0xb5: {  	v24 =	vbroadcast v37, $0xC;
	v19 =	vmul.f32 v19, v33;
	v18 =	vadd.f32 v18, v21  }
0xb6: {  	v29 =	vbroadcast v17, $0xE;
	v27 =	vbroadcast v37, $0xE  }
0xb7: {  	v22 =	vbroadcast v17, $0x8;
	v20 =	vbroadcast v37, $0x8;
	v18 =	vadd.f32 v19, v18  }
0xb8: {  	v34 =	vbroadcast v17, $0x9;
	v26 =	vbroadcast v17, $0xD  }
0xb9: {  	v31 =	vbroadcast v37, $0x9;
	v30 =	vbroadcast v17, $0xA;
	[tilespmem:s23+$0x10200] =	vst v18  }
0xba: {  	v25 =	vbroadcast v17, $0xC;
	v23 =	vbroadcast v37, $0xD;
	v36 =	vld [tilespmem:s7+$0x2280]  }
0xbb: {  	v21 =	vbroadcast v17, $0xB;
	v19 =	vbroadcast v37, $0xB;
	v35 =	vld [tilespmem:s7+$0x12500]  }
0xbc: {  	s1 =	simm.s32 $0x0;
	s19 =	simm.s32 $0x10;
	v18 =	vbroadcast v17, $0xF;
	v17 =	vbroadcast v37, $0xF;
	v37 =	vld [tilespmem:s7+$0x12280]  }
.LBB2_2:
0xbd: {  	p0 =	sne.s32 s19, $0x3F0  }
0xbe: {  	v38 =	vld [tilespmem:s7+$0xA200];
	s1 =	sadd.s32 $0x80, s1;
	s22 =	smov.u32 s19;
	s19 =	sadd.s32 $0x10, s19  }
0xbf: {  	v39 =	vld [tilespmem:s7+$0xA280]  }
0xc0: {  	v36 =	vmul.f32 v36, v34;
	v40 =	vld [tilespmem:s7+$0x12300]  }
0xc1: {  	v41 =	vld [tilespmem:s7+$0x2300]  }
0xc2: {  	v36 =	vadd.f32 v36, v37;
	v37 =	vld [tilespmem:s7+$0xA300]  }
0xc3: {  	v42 =	vld [tilespmem:s7+$0x2500]  }
0xc4: {  	v39 =	vmul.f32 v39, v31;
	v43 =	vld [tilespmem:s7+$0xA500]  }
0xc5: {  	v44 =	vld [tilespmem:s7+$0x2200]  }
0xc6: {  	v45 =	vld [tilespmem:s7+$0x12200];
	v36 =	vadd.f32 v39, v36;
	v39 =	vmul.f32 v41, v30  }
0xc7: {  	v41 =	vld [tilespmem:s7+$0x2480]  }
0xc8: {  	v37 =	vmul.f32 v37, v28;
	[tilespmem:s7+$0x12280] =	vst v36;
	v36 =	vadd.f32 v39, v40;
	v39 =	vld [tilespmem:s7+$0xA380];
	v40 =	vmul.f32 v42, v29  }
0xc9: {  	v42 =	vld [tilespmem:s7+$0x12480];
	v43 =	vmul.f32 v43, v27  }
0xca: {  	v44 =	vmul.f32 v44, v22;
	v36 =	vadd.f32 v37, v36;
	v37 =	vld [tilespmem:s7+$0x2400];
	v35 =	vadd.f32 v40, v35  }
0xcb: {  	v40 =	vld [tilespmem:s7+$0xA400]  }
0xcc: {  	v38 =	vmul.f32 v38, v20;
	v44 =	vadd.f32 v44, v45;
	[tilespmem:s7+$0x12300] =	vst v36;
	v36 =	vld [tilespmem:s7+$0x12400];
	v35 =	vadd.f32 v43, v35  }
0xcd: {  	v41 =	vmul.f32 v41, v26;
	v43 =	vld [tilespmem:s7+$0xA480]  }
0xce: {  	v38 =	vadd.f32 v38, v44;
	v44 =	vld [tilespmem:s7+$0x2380];
	[tilespmem:s7+$0x12500] =	vst v35  }
0xcf: {  	v35 =	vmul.f32 v37, v25;
	v37 =	vadd.f32 v41, v42  }
0xd0: {  	[tilespmem:s7+$0x12200] =	vst v38;
	v38 =	vld [tilespmem:s7+$0x12380]  }
0xd1: {  	v35 =	vadd.f32 v35, v36;
	v36 =	vmul.f32 v40, v24  }
0xd2: {  	v40 =	vmul.f32 v43, v23  }
0xd3: {  	v41 =	vmul.f32 v44, v21;
	v35 =	vadd.f32 v36, v35  }
0xd4: {  	v36 =	vadd.f32 v40, v37  }
0xd5: {  	v37 =	vadd.f32 v41, v38;
	v38 =	vmul.f32 v39, v19;
	[tilespmem:s7+$0x12400] =	vst v35  }
0xd6: {  	[tilespmem:s7+$0x12480] =	vst v36  }
0xd7: {  	v35 =	vadd.f32 v38, v37;
	_ =	sdelay $0x1  }
0xd8: {  	s21 =	sor.u32 $0x2380, s21;
	[tilespmem:s7+$0x12380] =	vst v35  }
0xd9: {  	v35 =	vld [tilespmem:s21+$0x200]  }
0xda: {  	v36 =	vld [tilespmem:s21+$0x10200]  }
0xdb: {  	v37 =	vld [tilespmem:s21+$0x8200];
	_ =	sdelay $0x2  }
0xdc: {  	s23 =	sand.u32 $0x1C00, s1;
	s7 =	sand.u32 $0x70, s22;
	v35 =	vmul.f32 v35, v18  }
0xdd: {  	s7 =	sor.u32 s7, s23  }
0xde: {  	v38 =	vld [tilespmem:s7+$0x10380];
	v35 =	vadd.f32 v35, v36;
	v36 =	vmul.f32 v37, v17  }
0xdf: {  	v37 =	vld [tilespmem:s7+$0x10500]  }
0xe0: {  	v39 =	vld [tilespmem:s7+$0x10480];
	v35 =	vadd.f32 v36, v35  }
0xe1: {  	v36 =	vld [tilespmem:s7+$0x10200]  }
0xe2: {  	v40 =	vld [tilespmem:s7+$0x10300];
	[tilespmem:s21+$0x10200] =	vst v35  }
0xe3: {  	v35 =	vld [tilespmem:s7+$0x8380]  }
0xe4: {  	v41 =	vld [tilespmem:s7+$0x8480]  }
0xe5: {  	v42 =	vld [tilespmem:s7+$0x8500]  }
0xe6: {  	v43 =	vld [tilespmem:s7+$0x8400]  }
0xe7: {  	v44 =	vld [tilespmem:s7+$0x8200]  }
0xe8: {  	v45 =	vld [tilespmem:s7+$0x500]  }
0xe9: {  	v46 =	vld [tilespmem:s7+$0x8300]  }
0xea: {  	v47 =	vld [tilespmem:s7+$0x200]  }
0xeb: {  	v48 =	vld [tilespmem:s7+$0x8280]  }
0xec: {  	v42 =	vmul.f32 v42, v13;
	v49 =	vld [tilespmem:s7+$0x380]  }
0xed: {  	v50 =	vld [tilespmem:s7+$0x300]  }
0xee: {  	v43 =	vmul.f32 v43, v12;
	v45 =	vmul.f32 v45, v15;
	v51 =	vld [tilespmem:s7+$0x480]  }
0xef: {  	v44 =	vmul.f32 v44, v4;
	v47 =	vmul.f32 v47, v3;
	v52 =	vld [tilespmem:s7+$0x280]  }
0xf0: {  	v35 =	vmul.f32 v35, v10;
	v37 =	vadd.f32 v45, v37;
	v53 =	vld [tilespmem:s7+$0x400]  }
0xf1: {  	v45 =	vmul.f32 v46, v8;
	v36 =	vadd.f32 v47, v36;
	v46 =	vmul.f32 v49, v9;
	v47 =	vld [tilespmem:s7+$0x10400]  }
0xf2: {  	v41 =	vmul.f32 v41, v16;
	v37 =	vadd.f32 v42, v37;
	v49 =	vld [tilespmem:s7+$0x10280];
	v50 =	vmul.f32 v50, v7  }
0xf3: {  	v42 =	vmul.f32 v48, v6;
	v38 =	vadd.f32 v46, v38;
	v46 =	vmul.f32 v51, v14  }
0xf4: {  	v36 =	vadd.f32 v44, v36;
	v44 =	vmul.f32 v52, v5;
	v40 =	vadd.f32 v50, v40  }
0xf5: {  	v35 =	vadd.f32 v35, v38;
	v38 =	vmul.f32 v53, v11;
	v39 =	vadd.f32 v46, v39;
	_ =	sdelay $0x1  }
0xf6: {  	v44 =	vadd.f32 v44, v49;
	v38 =	vadd.f32 v38, v47;
	[tilespmem:s7+$0x10500] =	vst v37  }
0xf7: {  	v37 =	vadd.f32 v41, v39;
	[tilespmem:s7+$0x10200] =	vst v36;
	v36 =	vadd.f32 v45, v40  }
0xf8: {  	v39 =	vadd.f32 v42, v44;
	[tilespmem:s7+$0x10380] =	vst v35;
	v35 =	vadd.f32 v43, v38  }
0xf9: {  	[tilespmem:s7+$0x10480] =	vst v37  }
0xfa: {  	[tilespmem:s7+$0x10300] =	vst v36  }
0xfb: {  	s21 =	sor.u32 s22, s1;
	[tilespmem:s7+$0x10280] =	vst v39  }
0xfc: {  	s22 =	sor.u32 $0x380, s21;
	[tilespmem:s7+$0x10400] =	vst v35  }
0xfd: {  	v35 =	vld [tilespmem:s22+$0x200]  }
0xfe: {  	v36 =	vld [tilespmem:s22+$0x8200]  }
0xff: {  	v37 =	vld [tilespmem:s22+$0x10200];
	_ =	sdelay $0x2  }
0x100: {  	v35 =	vmul.f32 v35, v32;
	_ =	sdelay $0x1  }
0x101: {  	v36 =	vmul.f32 v36, v33;
	v35 =	vadd.f32 v35, v37;
	_ =	sdelay $0x1  }
0x102: {  	v35 =	vadd.f32 v36, v35  }
.Ltmp0:
0x103: {  	(pc) =	sbr.rel @p0 .LBB2_2-.Ltmp0, $4  }
0x104: {  	[tilespmem:s22+$0x10200] =	vst v35  }
0x105: {  	v36 =	vld [tilespmem:s7+$0x2280]  }
0x106: {  	v35 =	vld [tilespmem:s7+$0x12500]  }
0x107: {  	v37 =	vld [tilespmem:s7+$0x12280]  }
0x108: {  	v3 =	vld [tilespmem:s7+$0xA280]  }
0x109: {  	v4 =	vld [tilespmem:s7+$0xA200]  }
0x10a: {  	v5 =	vld [tilespmem:s7+$0x12300]  }
0x10b: {  	v7 =	vld [tilespmem:s7+$0x2300]  }
0x10c: {  	v8 =	vld [tilespmem:s7+$0xA300]  }
0x10d: {  	v9 =	vld [tilespmem:s7+$0x2500];
	v6 =	vmul.f32 v36, v34  }
0x10e: {  	v10 =	vld [tilespmem:s7+$0xA500]  }
0x10f: {  	v11 =	vld [tilespmem:s7+$0x2200];
	v6 =	vadd.f32 v6, v37;
	v3 =	vmul.f32 v3, v31  }
0x110: {  	v12 =	vld [tilespmem:s7+$0x12200]  }
0x111: {  	v13 =	vld [tilespmem:s7+$0xA400];
	v3 =	vadd.f32 v3, v6;
	v6 =	vmul.f32 v7, v30  }
0x112: {  	v14 =	vld [tilespmem:s7+$0x2380]  }
0x113: {  	v15 =	vld [tilespmem:s7+$0xA480];
	[tilespmem:s7+$0x12280] =	vst v3;
	v3 =	vadd.f32 v6, v5;
	v5 =	vmul.f32 v8, v28  }
0x114: {  	v16 =	vld [tilespmem:s7+$0x12380]  }
0x115: {  	v3 =	vadd.f32 v5, v3;
	v5 =	vld [tilespmem:s7+$0x2400]  }
0x116: {  	v7 =	vld [tilespmem:s7+$0x2480]  }
0x117: {  	v9 =	vmul.f32 v9, v29;
	[tilespmem:s7+$0x12300] =	vst v3;
	v3 =	vld [tilespmem:s7+$0x12400]  }
0x118: {  	v8 =	vld [tilespmem:s7+$0x12480]  }
0x119: {  	v11 =	vmul.f32 v11, v22;
	v10 =	vmul.f32 v10, v27;
	v9 =	vadd.f32 v9, v35;
	v6 =	vld [tilespmem:s7+$0xA380]  }
0x11a: {  	v4 =	vmul.f32 v4, v20;
	v5 =	vmul.f32 v5, v25  }
0x11b: {  	v11 =	vadd.f32 v11, v12;
	v9 =	vadd.f32 v10, v9;
	v7 =	vmul.f32 v7, v26  }
0x11c: {  	v10 =	vmul.f32 v14, v21;
	v3 =	vadd.f32 v5, v3;
	v5 =	vmul.f32 v13, v24  }
0x11d: {  	v4 =	vadd.f32 v4, v11;
	v7 =	vadd.f32 v7, v8;
	v8 =	vmul.f32 v15, v23  }
0x11e: {  	[tilespmem:s7+$0x12500] =	vst v9;
	v6 =	vmul.f32 v6, v19;
	v3 =	vadd.f32 v5, v3;
	v5 =	vadd.f32 v10, v16  }
0x11f: {  	[tilespmem:s7+$0x12200] =	vst v4;
	v4 =	vadd.f32 v8, v7  }
0x120: {  	[tilespmem:s7+$0x12400] =	vst v3;
	v3 =	vadd.f32 v6, v5  }
0x121: {  	[tilespmem:s7+$0x12480] =	vst v4  }
0x122: {  	s1 =	sor.u32 $0x2380, s21;
	[tilespmem:s7+$0x12380] =	vst v3  }
0x123: {  	v3 =	vld [tilespmem:s1+$0x200]  }
0x124: {  	v4 =	vld [tilespmem:s1+$0x10200]  }
0x125: {  	v5 =	vld [tilespmem:s1+$0x8200];
	_ =	sdelay $0x2  }
0x126: {  	v3 =	vmul.f32 v3, v18;
	_ =	sdelay $0x1  }
0x127: {  	v3 =	vadd.f32 v3, v4;
	v4 =	vmul.f32 v5, v17;
	_ =	sdelay $0x1  }
0x128: {  	v3 =	vadd.f32 v4, v3;
	_ =	sdelay $0x1  }
0x129: {  	s19 =	rddreg [dreg:$0x9];
	s7 =	simm.s32 $0x0;
	[tilespmem:s1+$0x10200] =	vst v3  }
0x12a: {  	[hbm4b:s19+s7] =	stream.linear.scatter [tilespmem:s29], [sflag:$0x7], $0x4000, $0x38;
	[tilespmem:$0x18200] =	vst v63  }
0x12b: {  	_ =	swait.ge [sflag:s31], $0x4000  }
0x12c: {  	[sflag:s31] =	ssyncset.done $0x0  }
0x12d: {  	[sflag:s31] =	ssyncadd.s32 $0xFFFFC000  }
0x12e: {  	_ =	swait.ge [sflag:s16], $0x4000  }
0x12f: {  	[sflag:s16] =	ssyncset.done $0x0  }
0x130: {  	[sflag:s16] =	ssyncadd.s32 $0xFFFFC000  }
0x131: {  	_ =	swait.ge [sflag:s6], $0x4000  }
0x132: {  	[sflag:s6] =	ssyncset.done $0x0  }
0x133: {  	[sflag:s6] =	ssyncadd.s32 $0xFFFFC000  }
0x134: {  	_ =	swait.ge [sflag:s17], $0x4000  }
0x135: {  	[sflag:s17] =	ssyncset.done $0x0  }
0x136: {  	[sflag:s17] =	ssyncadd.s32 $0xFFFFC000  }
0x137: {  	v3 =	vld [tilespmem:$0x20];
	_ =	sdelay $0x4  }
0x138: {  	v4 =	vshll.u32 v3, $0x3  }
0x139: {  	v3 =	vand.u32 $0x7, v3;
	v4 =	vand.u32 $0xFFFFFFC0, v4  }
0x13a: {  	v3 =	vor.u32 v3, v4  }
0x13b: {  	v4 =	vperm.xlane v3, v0;
	_ =	sdelay $0x1  }
0x13c: {  	v4 =	vadd.s32 v1, v4;
	_ =	sdelay $0x3  }
0x13d: {  	s21 =	simm.s32 $0x200  }
0x13e: {  	[tilespmem:s21], [sflag:$0x1] =	stream.indirect_vreg.gather [hbm4b:s3+s7], $0x80, v4, vm0, $0xb8;
	[tilespmem:$0x18200] =	vst v63  }
0x13f: {  	s22 =	simm.s32 $0xA00;
	v3 =	vperm.xlane v3, v2  }
0x140: {  	[tilespmem:s22], [sflag:$0x1] =	stream.indirect_vreg.gather [hbm4b:s8+s7], $0x80, v4, vm0, $0xb8;
	[tilespmem:$0x18200] =	vst v63  }
0x141: {  	s23 =	simm.s32 $0x1200;
	v3 =	vadd.s32 v1, v3  }
0x142: {  	[tilespmem:s23], [sflag:$0x1] =	stream.indirect_vreg.gather [hbm4b:s9+s7], $0x80, v4, vm0, $0xb8;
	[tilespmem:$0x18200] =	vst v63  }
0x143: {  	s19 =	simm.s32 $0x1A00  }
0x144: {  	[tilespmem:s19], [sflag:$0x1] =	stream.indirect_vreg.gather [hbm4b:s10+s7], $0x80, v4, vm0, $0xb8;
	[tilespmem:$0x18200] =	vst v63  }
0x145: {  	s21 =	simm.s32 $0x2200  }
0x146: {  	[tilespmem:s21], [sflag:$0x1] =	stream.indirect_vreg.gather [hbm4b:s3+s7], $0x80, v3, vm0, $0xb8;
	[tilespmem:$0x18200] =	vst v63  }
0x147: {  	s22 =	simm.s32 $0x2A00  }
0x148: {  	[tilespmem:s22], [sflag:$0x1] =	stream.indirect_vreg.gather [hbm4b:s8+s7], $0x80, v3, vm0, $0xb8;
	[tilespmem:$0x18200] =	vst v63  }
0x149: {  	s23 =	simm.s32 $0x3200  }
0x14a: {  	[tilespmem:s23], [sflag:$0x1] =	stream.indirect_vreg.gather [hbm4b:s9+s7], $0x80, v3, vm0, $0xb8;
	[tilespmem:$0x18200] =	vst v63  }
0x14b: {  	s19 =	simm.s32 $0x3A00  }
0x14c: {  	[tilespmem:s19], [sflag:$0x1] =	stream.indirect_vreg.gather [hbm4b:s10+s7], $0x80, v3, vm0, $0xb8;
	[tilespmem:$0x18200] =	vst v63  }
0x14d: {  	v3 =	vld [tilespmem:$0xA0];
	_ =	sdelay $0x4  }
0x14e: {  	v4 =	vshll.u32 v3, $0x3  }
0x14f: {  	v3 =	vand.u32 $0x7, v3;
	v4 =	vand.u32 $0xFFFFFFC0, v4  }
0x150: {  	v3 =	vor.u32 v3, v4  }
0x151: {  	v4 =	vperm.xlane v3, v0;
	_ =	sdelay $0x1  }
0x152: {  	v4 =	vadd.s32 v1, v4;
	_ =	sdelay $0x3  }
0x153: {  	s21 =	simm.s32 $0x8200  }
0x154: {  	[tilespmem:s21], [sflag:$0x3] =	stream.indirect_vreg.gather [hbm4b:s3+s7], $0x80, v4, vm0, $0xb8;
	[tilespmem:$0x18200] =	vst v63  }
0x155: {  	s22 =	simm.s32 $0x8A00;
	v3 =	vperm.xlane v3, v2  }
0x156: {  	[tilespmem:s22], [sflag:$0x3] =	stream.indirect_vreg.gather [hbm4b:s8+s7], $0x80, v4, vm0, $0xb8;
	[tilespmem:$0x18200] =	vst v63  }
0x157: {  	s23 =	simm.s32 $0x9200;
	v3 =	vadd.s32 v1, v3  }
0x158: {  	[tilespmem:s23], [sflag:$0x3] =	stream.indirect_vreg.gather [hbm4b:s9+s7], $0x80, v4, vm0, $0xb8;
	[tilespmem:$0x18200] =	vst v63  }
0x159: {  	s19 =	simm.s32 $0x9A00  }
0x15a: {  	[tilespmem:s19], [sflag:$0x3] =	stream.indirect_vreg.gather [hbm4b:s10+s7], $0x80, v4, vm0, $0xb8;
	[tilespmem:$0x18200] =	vst v63  }
0x15b: {  	s21 =	simm.s32 $0xA200  }
0x15c: {  	[tilespmem:s21], [sflag:$0x3] =	stream.indirect_vreg.gather [hbm4b:s3+s7], $0x80, v3, vm0, $0xb8;
	[tilespmem:$0x18200] =	vst v63  }
0x15d: {  	s22 =	simm.s32 $0xAA00  }
0x15e: {  	[tilespmem:s22], [sflag:$0x3] =	stream.indirect_vreg.gather [hbm4b:s8+s7], $0x80, v3, vm0, $0xb8;
	[tilespmem:$0x18200] =	vst v63  }
0x15f: {  	s23 =	simm.s32 $0xB200  }
0x160: {  	[tilespmem:s23], [sflag:$0x3] =	stream.indirect_vreg.gather [hbm4b:s9+s7], $0x80, v3, vm0, $0xb8;
	[tilespmem:$0x18200] =	vst v63  }
0x161: {  	s19 =	simm.s32 $0xBA00  }
0x162: {  	[tilespmem:s19], [sflag:$0x3] =	stream.indirect_vreg.gather [hbm4b:s10+s7], $0x80, v3, vm0, $0xb8;
	[tilespmem:$0x18200] =	vst v63  }
0x163: {  	s21 =	rddreg [dreg:$0xa]  }
0x164: {  	[tilespmem:s29], [sflag:$0x5] =	stream.linear.gather [hbm4b:s21+s7], $0x4000, $0x38;
	[tilespmem:$0x18200] =	vst v63  }
0x165: {  	s22 =	sand.u32 $0x70, s7;
	s19 =	sand.u32 $0x1C00, s7;
	v17 =	vld [tilespmem:$0x110]  }
0x166: {  	s19 =	sor.u32 s22, s19;
	v60 =	vld [tilespmem:$0x190]  }
0x167: {  	v18 =	vld [tilespmem:s19+$0x14380]  }
0x168: {  	v19 =	vld [tilespmem:s19+$0x14500]  }
0x169: {  	v20 =	vld [tilespmem:s19+$0x14480]  }
0x16a: {  	v21 =	vld [tilespmem:s19+$0x14200]  }
0x16b: {  	v22 =	vld [tilespmem:s19+$0x14300]  }
0x16c: {  	v23 =	vld [tilespmem:s19+$0xC380]  }
0x16d: {  	v24 =	vld [tilespmem:s19+$0xC480]  }
0x16e: {  	v25 =	vld [tilespmem:s19+$0xC500]  }
0x16f: {  	v26 =	vld [tilespmem:s19+$0xC400]  }
0x170: {  	v27 =	vld [tilespmem:s19+$0xC200];
	v3 =	vbroadcast v17, $0x0;
	v4 =	vbroadcast v60, $0x0  }
0x171: {  	v28 =	vld [tilespmem:s19+$0x4500];
	v5 =	vbroadcast v17, $0x1;
	v6 =	vbroadcast v60, $0x1  }
0x172: {  	v29 =	vld [tilespmem:s19+$0xC300];
	v7 =	vbroadcast v17, $0x2;
	v8 =	vbroadcast v60, $0x2  }
0x173: {  	v30 =	vld [tilespmem:s19+$0x4200];
	v9 =	vbroadcast v17, $0x3;
	v10 =	vbroadcast v60, $0x3  }
0x174: {  	v33 =	vld [tilespmem:s19+$0x4480];
	v11 =	vbroadcast v17, $0x4;
	v12 =	vbroadcast v60, $0x4  }
0x175: {  	v31 =	vld [tilespmem:s19+$0x4380];
	v13 =	vbroadcast v60, $0x6;
	v15 =	vbroadcast v17, $0x6  }
0x176: {  	v32 =	vld [tilespmem:s19+$0x4300];
	v14 =	vbroadcast v17, $0x5;
	v16 =	vbroadcast v60, $0x5  }
0x177: {  	v61 =	vld [tilespmem:s19+$0xC280];
	v25 =	vmul.f32 v25, v13;
	v28 =	vmul.f32 v28, v15  }
0x178: {  	v62 =	vld [tilespmem:s19+$0x4280];
	v30 =	vmul.f32 v30, v3;
	v27 =	vmul.f32 v27, v4  }
0x179: {  	v63 =	vld [tilespmem:s19+$0x4400];
	v23 =	vmul.f32 v23, v10;
	v33 =	vmul.f32 v33, v14  }
0x17a: {  	v19 =	vadd.f32 v28, v19;
	v28 =	vmul.f32 v29, v8;
	v29 =	vmul.f32 v31, v9;
	v31 =	vld [tilespmem:s19+$0x14280]  }
0x17b: {  	v32 =	vmul.f32 v32, v7;
	v21 =	vadd.f32 v30, v21;
	v30 =	vld [tilespmem:s19+$0x14400];
	v20 =	vadd.f32 v33, v20  }
0x17c: {  	v24 =	vmul.f32 v24, v16;
	v19 =	vadd.f32 v25, v19;
	v18 =	vadd.f32 v29, v18  }
0x17d: {  	v22 =	vadd.f32 v32, v22;
	v21 =	vadd.f32 v27, v21;
	v25 =	vmul.f32 v62, v5  }
0x17e: {  	v20 =	vadd.f32 v24, v20;
	v18 =	vadd.f32 v23, v18;
	v23 =	vmul.f32 v63, v11;
	[tilespmem:s19+$0x14500] =	vst v19  }
0x17f: {  	v19 =	vmul.f32 v61, v6;
	[tilespmem:s19+$0x14200] =	vst v21;
	v25 =	vadd.f32 v25, v31  }
0x180: {  	v22 =	vadd.f32 v28, v22;
	v21 =	vmul.f32 v26, v12;
	[tilespmem:s19+$0x14480] =	vst v20;
	v23 =	vadd.f32 v23, v30  }
0x181: {  	[tilespmem:s19+$0x14380] =	vst v18;
	v18 =	vadd.f32 v19, v25  }
0x182: {  	[tilespmem:s19+$0x14300] =	vst v22;
	v19 =	vadd.f32 v21, v23  }
0x183: {  	s21 =	sor.u32 s7, s7;
	[tilespmem:s19+$0x14280] =	vst v18  }
0x184: {  	s23 =	sor.u32 $0x380, s21;
	[tilespmem:s19+$0x14400] =	vst v19  }
0x185: {  	v18 =	vld [tilespmem:s23+$0x4200]  }
0x186: {  	v19 =	vld [tilespmem:s23+$0xC200]  }
0x187: {  	v21 =	vld [tilespmem:s23+$0x14200]  }
0x188: {  	v32 =	vbroadcast v17, $0x7;
	_ =	sdelay $0x1  }
0x189: {  	v33 =	vbroadcast v60, $0x7;
	v18 =	vmul.f32 v18, v32  }
0x18a: {  	v34 =	vbroadcast v17, $0x9  }
0x18b: {  	v28 =	vbroadcast v60, $0xA;
	v19 =	vmul.f32 v19, v33;
	v18 =	vadd.f32 v18, v21  }
0x18c: {  	v24 =	vbroadcast v60, $0xC;
	v29 =	vbroadcast v17, $0xE  }
0x18d: {  	v27 =	vbroadcast v60, $0xE;
	v22 =	vbroadcast v17, $0x8;
	v18 =	vadd.f32 v19, v18  }
0x18e: {  	v20 =	vbroadcast v60, $0x8;
	v26 =	vbroadcast v17, $0xD  }
0x18f: {  	v31 =	vbroadcast v60, $0x9;
	v30 =	vbroadcast v17, $0xA;
	[tilespmem:s23+$0x14200] =	vst v18  }
0x190: {  	v25 =	vbroadcast v17, $0xC;
	v23 =	vbroadcast v60, $0xD;
	v36 =	vld [tilespmem:s19+$0x6280]  }
0x191: {  	v21 =	vbroadcast v17, $0xB;
	v19 =	vbroadcast v60, $0xB;
	v35 =	vld [tilespmem:s19+$0x16500]  }
0x192: {  	s1 =	simm.s32 $0x10;
	v18 =	vbroadcast v17, $0xF;
	v17 =	vbroadcast v60, $0xF;
	v37 =	vld [tilespmem:s19+$0x16280]  }
.LBB2_4:
0x193: {  	p0 =	sne.s32 s1, $0x3F0  }
0x194: {  	v38 =	vld [tilespmem:s19+$0xE200];
	s7 =	sadd.s32 $0x80, s7;
	s22 =	smov.u32 s1;
	s1 =	sadd.s32 $0x10, s1  }
0x195: {  	v39 =	vld [tilespmem:s19+$0xE280]  }
0x196: {  	v36 =	vmul.f32 v36, v34;
	v40 =	vld [tilespmem:s19+$0x16300]  }
0x197: {  	v41 =	vld [tilespmem:s19+$0x6300]  }
0x198: {  	v36 =	vadd.f32 v36, v37;
	v37 =	vld [tilespmem:s19+$0xE300]  }
0x199: {  	v42 =	vld [tilespmem:s19+$0x6500]  }
0x19a: {  	v39 =	vmul.f32 v39, v31;
	v43 =	vld [tilespmem:s19+$0xE500]  }
0x19b: {  	v44 =	vld [tilespmem:s19+$0x6200]  }
0x19c: {  	v45 =	vld [tilespmem:s19+$0x16200];
	v36 =	vadd.f32 v39, v36;
	v39 =	vmul.f32 v41, v30  }
0x19d: {  	v41 =	vld [tilespmem:s19+$0x6480]  }
0x19e: {  	v37 =	vmul.f32 v37, v28;
	[tilespmem:s19+$0x16280] =	vst v36;
	v36 =	vadd.f32 v39, v40;
	v39 =	vld [tilespmem:s19+$0xE380];
	v40 =	vmul.f32 v42, v29  }
0x19f: {  	v42 =	vld [tilespmem:s19+$0x16480];
	v43 =	vmul.f32 v43, v27  }
0x1a0: {  	v44 =	vmul.f32 v44, v22;
	v36 =	vadd.f32 v37, v36;
	v37 =	vld [tilespmem:s19+$0x6400];
	v35 =	vadd.f32 v40, v35  }
0x1a1: {  	v40 =	vld [tilespmem:s19+$0xE400]  }
0x1a2: {  	v38 =	vmul.f32 v38, v20;
	v44 =	vadd.f32 v44, v45;
	[tilespmem:s19+$0x16300] =	vst v36;
	v36 =	vld [tilespmem:s19+$0x16400];
	v35 =	vadd.f32 v43, v35  }
0x1a3: {  	v41 =	vmul.f32 v41, v26;
	v43 =	vld [tilespmem:s19+$0xE480]  }
0x1a4: {  	v38 =	vadd.f32 v38, v44;
	v44 =	vld [tilespmem:s19+$0x6380];
	[tilespmem:s19+$0x16500] =	vst v35  }
0x1a5: {  	v35 =	vmul.f32 v37, v25;
	v37 =	vadd.f32 v41, v42  }
0x1a6: {  	[tilespmem:s19+$0x16200] =	vst v38;
	v38 =	vld [tilespmem:s19+$0x16380]  }
0x1a7: {  	v35 =	vadd.f32 v35, v36;
	v36 =	vmul.f32 v40, v24  }
0x1a8: {  	v40 =	vmul.f32 v43, v23  }
0x1a9: {  	v41 =	vmul.f32 v44, v21;
	v35 =	vadd.f32 v36, v35  }
0x1aa: {  	v36 =	vadd.f32 v40, v37  }
0x1ab: {  	v37 =	vadd.f32 v41, v38;
	v38 =	vmul.f32 v39, v19;
	[tilespmem:s19+$0x16400] =	vst v35  }
0x1ac: {  	[tilespmem:s19+$0x16480] =	vst v36  }
0x1ad: {  	v35 =	vadd.f32 v38, v37;
	_ =	sdelay $0x1  }
0x1ae: {  	s21 =	sor.u32 $0x2380, s21;
	[tilespmem:s19+$0x16380] =	vst v35  }
0x1af: {  	v35 =	vld [tilespmem:s21+$0x4200]  }
0x1b0: {  	v36 =	vld [tilespmem:s21+$0x14200]  }
0x1b1: {  	v37 =	vld [tilespmem:s21+$0xC200];
	_ =	sdelay $0x2  }
0x1b2: {  	s23 =	sand.u32 $0x1C00, s7;
	s19 =	sand.u32 $0x70, s22;
	v35 =	vmul.f32 v35, v18  }
0x1b3: {  	s19 =	sor.u32 s19, s23  }
0x1b4: {  	v38 =	vld [tilespmem:s19+$0x14380];
	v35 =	vadd.f32 v35, v36;
	v36 =	vmul.f32 v37, v17  }
0x1b5: {  	v37 =	vld [tilespmem:s19+$0x14500]  }
0x1b6: {  	v39 =	vld [tilespmem:s19+$0x14480];
	v35 =	vadd.f32 v36, v35  }
0x1b7: {  	v36 =	vld [tilespmem:s19+$0x14200]  }
0x1b8: {  	v40 =	vld [tilespmem:s19+$0x14300];
	[tilespmem:s21+$0x14200] =	vst v35  }
0x1b9: {  	v35 =	vld [tilespmem:s19+$0xC380]  }
0x1ba: {  	v41 =	vld [tilespmem:s19+$0xC480]  }
0x1bb: {  	v42 =	vld [tilespmem:s19+$0xC500]  }
0x1bc: {  	v43 =	vld [tilespmem:s19+$0xC400]  }
0x1bd: {  	v44 =	vld [tilespmem:s19+$0xC200]  }
0x1be: {  	v45 =	vld [tilespmem:s19+$0x4500]  }
0x1bf: {  	v46 =	vld [tilespmem:s19+$0xC300]  }
0x1c0: {  	v47 =	vld [tilespmem:s19+$0x4200]  }
0x1c1: {  	v48 =	vld [tilespmem:s19+$0xC280]  }
0x1c2: {  	v42 =	vmul.f32 v42, v13;
	v49 =	vld [tilespmem:s19+$0x4380]  }
0x1c3: {  	v50 =	vld [tilespmem:s19+$0x4300]  }
0x1c4: {  	v43 =	vmul.f32 v43, v12;
	v45 =	vmul.f32 v45, v15;
	v51 =	vld [tilespmem:s19+$0x4480]  }
0x1c5: {  	v44 =	vmul.f32 v44, v4;
	v47 =	vmul.f32 v47, v3;
	v52 =	vld [tilespmem:s19+$0x4280]  }
0x1c6: {  	v35 =	vmul.f32 v35, v10;
	v37 =	vadd.f32 v45, v37;
	v53 =	vld [tilespmem:s19+$0x4400]  }
0x1c7: {  	v45 =	vmul.f32 v46, v8;
	v36 =	vadd.f32 v47, v36;
	v46 =	vmul.f32 v49, v9;
	v47 =	vld [tilespmem:s19+$0x14400]  }
0x1c8: {  	v41 =	vmul.f32 v41, v16;
	v37 =	vadd.f32 v42, v37;
	v49 =	vld [tilespmem:s19+$0x14280];
	v50 =	vmul.f32 v50, v7  }
0x1c9: {  	v42 =	vmul.f32 v48, v6;
	v38 =	vadd.f32 v46, v38;
	v46 =	vmul.f32 v51, v14  }
0x1ca: {  	v36 =	vadd.f32 v44, v36;
	v44 =	vmul.f32 v52, v5;
	v40 =	vadd.f32 v50, v40  }
0x1cb: {  	v35 =	vadd.f32 v35, v38;
	v38 =	vmul.f32 v53, v11;
	v39 =	vadd.f32 v46, v39;
	_ =	sdelay $0x1  }
0x1cc: {  	v44 =	vadd.f32 v44, v49;
	v38 =	vadd.f32 v38, v47;
	[tilespmem:s19+$0x14500] =	vst v37  }
0x1cd: {  	v37 =	vadd.f32 v41, v39;
	[tilespmem:s19+$0x14200] =	vst v36;
	v36 =	vadd.f32 v45, v40  }
0x1ce: {  	v39 =	vadd.f32 v42, v44;
	[tilespmem:s19+$0x14380] =	vst v35;
	v35 =	vadd.f32 v43, v38  }
0x1cf: {  	[tilespmem:s19+$0x14480] =	vst v37  }
0x1d0: {  	[tilespmem:s19+$0x14300] =	vst v36  }
0x1d1: {  	s21 =	sor.u32 s22, s7;
	[tilespmem:s19+$0x14280] =	vst v39  }
0x1d2: {  	s22 =	sor.u32 $0x380, s21;
	[tilespmem:s19+$0x14400] =	vst v35  }
0x1d3: {  	v35 =	vld [tilespmem:s22+$0x4200]  }
0x1d4: {  	v36 =	vld [tilespmem:s22+$0xC200]  }
0x1d5: {  	v37 =	vld [tilespmem:s22+$0x14200];
	_ =	sdelay $0x2  }
0x1d6: {  	v35 =	vmul.f32 v35, v32;
	_ =	sdelay $0x1  }
0x1d7: {  	v36 =	vmul.f32 v36, v33;
	v35 =	vadd.f32 v35, v37;
	_ =	sdelay $0x1  }
0x1d8: {  	v35 =	vadd.f32 v36, v35  }
.Ltmp1:
0x1d9: {  	(pc) =	sbr.rel @p0 .LBB2_4-.Ltmp1, $4  }
0x1da: {  	[tilespmem:s22+$0x14200] =	vst v35  }
0x1db: {  	v36 =	vld [tilespmem:s19+$0x6280]  }
0x1dc: {  	v35 =	vld [tilespmem:s19+$0x16500]  }
0x1dd: {  	v37 =	vld [tilespmem:s19+$0x16280]  }
0x1de: {  	v3 =	vld [tilespmem:s19+$0xE280]  }
0x1df: {  	v4 =	vld [tilespmem:s19+$0xE200]  }
0x1e0: {  	v5 =	vld [tilespmem:s19+$0x16300]  }
0x1e1: {  	v7 =	vld [tilespmem:s19+$0x6300]  }
0x1e2: {  	v8 =	vld [tilespmem:s19+$0xE300]  }
0x1e3: {  	v9 =	vld [tilespmem:s19+$0x6500];
	v6 =	vmul.f32 v36, v34  }
0x1e4: {  	v10 =	vld [tilespmem:s19+$0xE500]  }
0x1e5: {  	v11 =	vld [tilespmem:s19+$0x6200];
	v6 =	vadd.f32 v6, v37;
	v3 =	vmul.f32 v3, v31  }
0x1e6: {  	v12 =	vld [tilespmem:s19+$0x16200]  }
0x1e7: {  	v13 =	vld [tilespmem:s19+$0xE400];
	v3 =	vadd.f32 v3, v6;
	v6 =	vmul.f32 v7, v30  }
0x1e8: {  	v14 =	vld [tilespmem:s19+$0x6380]  }
0x1e9: {  	v15 =	vld [tilespmem:s19+$0xE480];
	[tilespmem:s19+$0x16280] =	vst v3;
	v3 =	vadd.f32 v6, v5;
	v5 =	vmul.f32 v8, v28  }
0x1ea: {  	v16 =	vld [tilespmem:s19+$0x16380]  }
0x1eb: {  	v3 =	vadd.f32 v5, v3;
	v5 =	vld [tilespmem:s19+$0x6400]  }
0x1ec: {  	v7 =	vld [tilespmem:s19+$0x6480]  }
0x1ed: {  	v9 =	vmul.f32 v9, v29;
	[tilespmem:s19+$0x16300] =	vst v3;
	v3 =	vld [tilespmem:s19+$0x16400]  }
0x1ee: {  	v8 =	vld [tilespmem:s19+$0x16480]  }
0x1ef: {  	v11 =	vmul.f32 v11, v22;
	v10 =	vmul.f32 v10, v27;
	v9 =	vadd.f32 v9, v35;
	v6 =	vld [tilespmem:s19+$0xE380]  }
0x1f0: {  	v4 =	vmul.f32 v4, v20;
	v5 =	vmul.f32 v5, v25  }
0x1f1: {  	v11 =	vadd.f32 v11, v12;
	v9 =	vadd.f32 v10, v9;
	v7 =	vmul.f32 v7, v26  }
0x1f2: {  	v10 =	vmul.f32 v14, v21;
	v3 =	vadd.f32 v5, v3;
	v5 =	vmul.f32 v13, v24  }
0x1f3: {  	v4 =	vadd.f32 v4, v11;
	v7 =	vadd.f32 v7, v8;
	v8 =	vmul.f32 v15, v23  }
0x1f4: {  	[tilespmem:s19+$0x16500] =	vst v9;
	v6 =	vmul.f32 v6, v19;
	v3 =	vadd.f32 v5, v3;
	v5 =	vadd.f32 v10, v16  }
0x1f5: {  	[tilespmem:s19+$0x16200] =	vst v4;
	v4 =	vadd.f32 v8, v7  }
0x1f6: {  	[tilespmem:s19+$0x16400] =	vst v3;
	v3 =	vadd.f32 v6, v5  }
0x1f7: {  	[tilespmem:s19+$0x16480] =	vst v4  }
0x1f8: {  	s1 =	sor.u32 $0x2380, s21;
	[tilespmem:s19+$0x16380] =	vst v3  }
0x1f9: {  	v3 =	vld [tilespmem:s1+$0x4200]  }
0x1fa: {  	v4 =	vld [tilespmem:s1+$0x14200]  }
0x1fb: {  	v5 =	vld [tilespmem:s1+$0xC200];
	_ =	sdelay $0x2  }
0x1fc: {  	v3 =	vmul.f32 v3, v18;
	_ =	sdelay $0x1  }
0x1fd: {  	v3 =	vadd.f32 v3, v4;
	v4 =	vmul.f32 v5, v17;
	_ =	sdelay $0x1  }
0x1fe: {  	v3 =	vadd.f32 v4, v3;
	_ =	sdelay $0x1  }
0x1ff: {  	s7 =	simm.s32 $0x0;
	s23 =	rddreg [dreg:$0xb];
	[tilespmem:s1+$0x14200] =	vst v3  }
0x200: {  	[hbm4b:s23+s7] =	stream.linear.scatter [tilespmem:s15], [sflag:$0x8], $0x4000, $0x38;
	[tilespmem:$0x18200] =	vst v63  }
0x201: {  	_ =	swait.ge [sflag:s4], $0x4000  }
0x202: {  	[sflag:s4] =	ssyncset.done $0x0  }
0x203: {  	[sflag:s4] =	ssyncadd.s32 $0xFFFFC000  }
0x204: {  	_ =	swait.ge [sflag:s30], $0x4000  }
0x205: {  	[sflag:s30] =	ssyncset.done $0x0  }
0x206: {  	[sflag:s30] =	ssyncadd.s32 $0xFFFFC000  }
0x207: {  	_ =	swait.ge [sflag:s5], $0x4000  }
0x208: {  	[sflag:s5] =	ssyncset.done $0x0  }
0x209: {  	[sflag:s5] =	ssyncadd.s32 $0xFFFFC000  }
0x20a: {  	_ =	swait.ge [sflag:s0], $0x4000  }
0x20b: {  	[sflag:s0] =	ssyncset.done $0x0  }
0x20c: {  	[sflag:s0] =	ssyncadd.s32 $0xFFFFC000  }
0x20d: {  	v3 =	vld [tilespmem:$0x30];
	_ =	sdelay $0x4  }
0x20e: {  	v4 =	vshll.u32 v3, $0x3  }
0x20f: {  	v3 =	vand.u32 $0x7, v3;
	v4 =	vand.u32 $0xFFFFFFC0, v4  }
0x210: {  	v3 =	vor.u32 v3, v4  }
0x211: {  	v4 =	vperm.xlane v3, v0;
	_ =	sdelay $0x1  }
0x212: {  	v4 =	vadd.s32 v1, v4;
	_ =	sdelay $0x3  }
0x213: {  	s19 =	simm.s32 $0x4200  }
0x214: {  	[tilespmem:s19], [sflag:$0x2] =	stream.indirect_vreg.gather [hbm4b:s3+s7], $0x80, v4, vm0, $0xb8;
	[tilespmem:$0x18200] =	vst v63  }
0x215: {  	s21 =	simm.s32 $0x4A00;
	v3 =	vperm.xlane v3, v2  }
0x216: {  	[tilespmem:s21], [sflag:$0x2] =	stream.indirect_vreg.gather [hbm4b:s8+s7], $0x80, v4, vm0, $0xb8;
	[tilespmem:$0x18200] =	vst v63  }
0x217: {  	s22 =	simm.s32 $0x5200;
	v3 =	vadd.s32 v1, v3  }
0x218: {  	[tilespmem:s22], [sflag:$0x2] =	stream.indirect_vreg.gather [hbm4b:s9+s7], $0x80, v4, vm0, $0xb8;
	[tilespmem:$0x18200] =	vst v63  }
0x219: {  	s23 =	simm.s32 $0x5A00  }
0x21a: {  	[tilespmem:s23], [sflag:$0x2] =	stream.indirect_vreg.gather [hbm4b:s10+s7], $0x80, v4, vm0, $0xb8;
	[tilespmem:$0x18200] =	vst v63  }
0x21b: {  	s19 =	simm.s32 $0x6200  }
0x21c: {  	[tilespmem:s19], [sflag:$0x2] =	stream.indirect_vreg.gather [hbm4b:s3+s7], $0x80, v3, vm0, $0xb8;
	[tilespmem:$0x18200] =	vst v63  }
0x21d: {  	s21 =	simm.s32 $0x6A00  }
0x21e: {  	[tilespmem:s21], [sflag:$0x2] =	stream.indirect_vreg.gather [hbm4b:s8+s7], $0x80, v3, vm0, $0xb8;
	[tilespmem:$0x18200] =	vst v63  }
0x21f: {  	s22 =	simm.s32 $0x7200  }
0x220: {  	[tilespmem:s22], [sflag:$0x2] =	stream.indirect_vreg.gather [hbm4b:s9+s7], $0x80, v3, vm0, $0xb8;
	[tilespmem:$0x18200] =	vst v63  }
0x221: {  	s23 =	simm.s32 $0x7A00  }
0x222: {  	[tilespmem:s23], [sflag:$0x2] =	stream.indirect_vreg.gather [hbm4b:s10+s7], $0x80, v3, vm0, $0xb8;
	[tilespmem:$0x18200] =	vst v63  }
0x223: {  	v3 =	vld [tilespmem:$0xB0];
	_ =	sdelay $0x4  }
0x224: {  	v4 =	vshll.u32 v3, $0x3  }
0x225: {  	v3 =	vand.u32 $0x7, v3;
	v4 =	vand.u32 $0xFFFFFFC0, v4  }
0x226: {  	v3 =	vor.u32 v3, v4  }
0x227: {  	v4 =	vperm.xlane v3, v0;
	_ =	sdelay $0x1  }
0x228: {  	v4 =	vadd.s32 v1, v4;
	_ =	sdelay $0x4  }
0x229: {  	[tilespmem:s24], [sflag:$0x4] =	stream.indirect_vreg.gather [hbm4b:s3+s7], $0x80, v4, vm0, $0xb8;
	[tilespmem:$0x18200] =	vst v63  }
0x22a: {  	v3 =	vperm.xlane v3, v2  }
0x22b: {  	[tilespmem:s11], [sflag:$0x4] =	stream.indirect_vreg.gather [hbm4b:s8+s7], $0x80, v4, vm0, $0xb8;
	[tilespmem:$0x18200] =	vst v63  }
0x22c: {  	v3 =	vadd.s32 v1, v3  }
0x22d: {  	[tilespmem:s25], [sflag:$0x4] =	stream.indirect_vreg.gather [hbm4b:s9+s7], $0x80, v4, vm0, $0xb8;
	[tilespmem:$0x18200] =	vst v63  }
0x22e: {  	_ = 	snop  }
0x22f: {  	[tilespmem:s26], [sflag:$0x4] =	stream.indirect_vreg.gather [hbm4b:s10+s7], $0x80, v4, vm0, $0xb8;
	[tilespmem:$0x18200] =	vst v63  }
0x230: {  	_ = 	snop  }
0x231: {  	[tilespmem:s12], [sflag:$0x4] =	stream.indirect_vreg.gather [hbm4b:s3+s7], $0x80, v3, vm0, $0xb8;
	[tilespmem:$0x18200] =	vst v63  }
0x232: {  	_ = 	snop  }
0x233: {  	[tilespmem:s28], [sflag:$0x4] =	stream.indirect_vreg.gather [hbm4b:s8+s7], $0x80, v3, vm0, $0xb8;
	[tilespmem:$0x18200] =	vst v63  }
0x234: {  	_ = 	snop  }
0x235: {  	[tilespmem:s13], [sflag:$0x4] =	stream.indirect_vreg.gather [hbm4b:s9+s7], $0x80, v3, vm0, $0xb8;
	[tilespmem:$0x18200] =	vst v63  }
0x236: {  	_ = 	snop  }
0x237: {  	[tilespmem:s14], [sflag:$0x4] =	stream.indirect_vreg.gather [hbm4b:s10+s7], $0x80, v3, vm0, $0xb8;
	[tilespmem:$0x18200] =	vst v63  }
0x238: {  	s19 =	rddreg [dreg:$0xc]  }
0x239: {  	[tilespmem:s15], [sflag:$0x6] =	stream.linear.gather [hbm4b:s19+s7], $0x4000, $0x38;
	[tilespmem:$0x18200] =	vst v63  }
0x23a: {  	s21 =	sand.u32 $0x70, s7;
	s22 =	sand.u32 $0x1C00, s7;
	v17 =	vld [tilespmem:$0x120]  }
0x23b: {  	s19 =	sor.u32 s21, s22;
	v60 =	vld [tilespmem:$0x1A0]  }
0x23c: {  	v18 =	vld [tilespmem:s19+$0x10380]  }
0x23d: {  	v19 =	vld [tilespmem:s19+$0x10500]  }
0x23e: {  	v20 =	vld [tilespmem:s19+$0x10480]  }
0x23f: {  	v21 =	vld [tilespmem:s19+$0x10200]  }
0x240: {  	v22 =	vld [tilespmem:s19+$0x10300]  }
0x241: {  	v23 =	vld [tilespmem:s19+$0x8380]  }
0x242: {  	v24 =	vld [tilespmem:s19+$0x8480]  }
0x243: {  	v25 =	vld [tilespmem:s19+$0x8500]  }
0x244: {  	v26 =	vld [tilespmem:s19+$0x8400]  }
0x245: {  	v27 =	vld [tilespmem:s19+$0x8200];
	v3 =	vbroadcast v17, $0x0;
	v4 =	vbroadcast v60, $0x0  }
0x246: {  	v28 =	vld [tilespmem:s19+$0x500];
	v5 =	vbroadcast v17, $0x1;
	v6 =	vbroadcast v60, $0x1  }
0x247: {  	v29 =	vld [tilespmem:s19+$0x8300];
	v7 =	vbroadcast v17, $0x2;
	v8 =	vbroadcast v60, $0x2  }
0x248: {  	v30 =	vld [tilespmem:s19+$0x200];
	v9 =	vbroadcast v17, $0x3;
	v10 =	vbroadcast v60, $0x3  }
0x249: {  	v33 =	vld [tilespmem:s19+$0x480];
	v11 =	vbroadcast v17, $0x4;
	v12 =	vbroadcast v60, $0x4  }
0x24a: {  	v31 =	vld [tilespmem:s19+$0x380];
	v13 =	vbroadcast v60, $0x6;
	v15 =	vbroadcast v17, $0x6  }
0x24b: {  	v32 =	vld [tilespmem:s19+$0x300];
	v14 =	vbroadcast v17, $0x5;
	v16 =	vbroadcast v60, $0x5  }
0x24c: {  	v61 =	vld [tilespmem:s19+$0x8280];
	v25 =	vmul.f32 v25, v13;
	v28 =	vmul.f32 v28, v15  }
0x24d: {  	v62 =	vld [tilespmem:s19+$0x280];
	v30 =	vmul.f32 v30, v3;
	v27 =	vmul.f32 v27, v4  }
0x24e: {  	v63 =	vld [tilespmem:s19+$0x400];
	v23 =	vmul.f32 v23, v10;
	v33 =	vmul.f32 v33, v14  }
0x24f: {  	v19 =	vadd.f32 v28, v19;
	v28 =	vmul.f32 v29, v8;
	v29 =	vmul.f32 v31, v9;
	v31 =	vld [tilespmem:s19+$0x10280]  }
0x250: {  	v32 =	vmul.f32 v32, v7;
	v21 =	vadd.f32 v30, v21;
	v30 =	vld [tilespmem:s19+$0x10400];
	v20 =	vadd.f32 v33, v20  }
0x251: {  	v24 =	vmul.f32 v24, v16;
	v19 =	vadd.f32 v25, v19;
	v18 =	vadd.f32 v29, v18  }
0x252: {  	v22 =	vadd.f32 v32, v22;
	v21 =	vadd.f32 v27, v21;
	v25 =	vmul.f32 v62, v5  }
0x253: {  	v20 =	vadd.f32 v24, v20;
	v18 =	vadd.f32 v23, v18;
	v23 =	vmul.f32 v63, v11;
	[tilespmem:s19+$0x10500] =	vst v19  }
0x254: {  	v19 =	vmul.f32 v61, v6;
	[tilespmem:s19+$0x10200] =	vst v21;
	v25 =	vadd.f32 v25, v31  }
0x255: {  	v22 =	vadd.f32 v28, v22;
	v21 =	vmul.f32 v26, v12;
	[tilespmem:s19+$0x10480] =	vst v20;
	v23 =	vadd.f32 v23, v30  }
0x256: {  	[tilespmem:s19+$0x10380] =	vst v18;
	v18 =	vadd.f32 v19, v25  }
0x257: {  	[tilespmem:s19+$0x10300] =	vst v22;
	v19 =	vadd.f32 v21, v23  }
0x258: {  	s21 =	sor.u32 s7, s7;
	[tilespmem:s19+$0x10280] =	vst v18  }
0x259: {  	s23 =	sor.u32 $0x380, s21;
	[tilespmem:s19+$0x10400] =	vst v19  }
0x25a: {  	v18 =	vld [tilespmem:s23+$0x200]  }
0x25b: {  	v19 =	vld [tilespmem:s23+$0x8200]  }
0x25c: {  	v21 =	vld [tilespmem:s23+$0x10200]  }
0x25d: {  	v32 =	vbroadcast v17, $0x7;
	_ =	sdelay $0x1  }
0x25e: {  	v33 =	vbroadcast v60, $0x7;
	v18 =	vmul.f32 v18, v32  }
0x25f: {  	v34 =	vbroadcast v17, $0x9  }
0x260: {  	v28 =	vbroadcast v60, $0xA;
	v19 =	vmul.f32 v19, v33;
	v18 =	vadd.f32 v18, v21  }
0x261: {  	v24 =	vbroadcast v60, $0xC;
	v29 =	vbroadcast v17, $0xE  }
0x262: {  	v27 =	vbroadcast v60, $0xE;
	v22 =	vbroadcast v17, $0x8;
	v18 =	vadd.f32 v19, v18  }
0x263: {  	v20 =	vbroadcast v60, $0x8;
	v26 =	vbroadcast v17, $0xD  }
0x264: {  	v31 =	vbroadcast v60, $0x9;
	v30 =	vbroadcast v17, $0xA;
	[tilespmem:s23+$0x10200] =	vst v18  }
0x265: {  	v25 =	vbroadcast v17, $0xC;
	v23 =	vbroadcast v60, $0xD;
	v36 =	vld [tilespmem:s19+$0x2280]  }
0x266: {  	v21 =	vbroadcast v17, $0xB;
	v19 =	vbroadcast v60, $0xB;
	v35 =	vld [tilespmem:s19+$0x12500]  }
0x267: {  	s1 =	simm.s32 $0x10;
	v18 =	vbroadcast v17, $0xF;
	v17 =	vbroadcast v60, $0xF;
	v37 =	vld [tilespmem:s19+$0x12280]  }
.LBB2_6:
0x268: {  	p0 =	sne.s32 s1, $0x3F0  }
0x269: {  	v38 =	vld [tilespmem:s19+$0xA200];
	s7 =	sadd.s32 $0x80, s7;
	s22 =	smov.u32 s1;
	s1 =	sadd.s32 $0x10, s1  }
0x26a: {  	v39 =	vld [tilespmem:s19+$0xA280]  }
0x26b: {  	v36 =	vmul.f32 v36, v34;
	v40 =	vld [tilespmem:s19+$0x12300]  }
0x26c: {  	v41 =	vld [tilespmem:s19+$0x2300]  }
0x26d: {  	v36 =	vadd.f32 v36, v37;
	v37 =	vld [tilespmem:s19+$0xA300]  }
0x26e: {  	v42 =	vld [tilespmem:s19+$0x2500]  }
0x26f: {  	v39 =	vmul.f32 v39, v31;
	v43 =	vld [tilespmem:s19+$0xA500]  }
0x270: {  	v44 =	vld [tilespmem:s19+$0x2200]  }
0x271: {  	v45 =	vld [tilespmem:s19+$0x12200];
	v36 =	vadd.f32 v39, v36;
	v39 =	vmul.f32 v41, v30  }
0x272: {  	v41 =	vld [tilespmem:s19+$0x2480]  }
0x273: {  	v37 =	vmul.f32 v37, v28;
	[tilespmem:s19+$0x12280] =	vst v36;
	v36 =	vadd.f32 v39, v40;
	v39 =	vld [tilespmem:s19+$0xA380];
	v40 =	vmul.f32 v42, v29  }
0x274: {  	v42 =	vld [tilespmem:s19+$0x12480];
	v43 =	vmul.f32 v43, v27  }
0x275: {  	v44 =	vmul.f32 v44, v22;
	v36 =	vadd.f32 v37, v36;
	v37 =	vld [tilespmem:s19+$0x2400];
	v35 =	vadd.f32 v40, v35  }
0x276: {  	v40 =	vld [tilespmem:s19+$0xA400]  }
0x277: {  	v38 =	vmul.f32 v38, v20;
	v44 =	vadd.f32 v44, v45;
	[tilespmem:s19+$0x12300] =	vst v36;
	v36 =	vld [tilespmem:s19+$0x12400];
	v35 =	vadd.f32 v43, v35  }
0x278: {  	v41 =	vmul.f32 v41, v26;
	v43 =	vld [tilespmem:s19+$0xA480]  }
0x279: {  	v38 =	vadd.f32 v38, v44;
	v44 =	vld [tilespmem:s19+$0x2380];
	[tilespmem:s19+$0x12500] =	vst v35  }
0x27a: {  	v35 =	vmul.f32 v37, v25;
	v37 =	vadd.f32 v41, v42  }
0x27b: {  	[tilespmem:s19+$0x12200] =	vst v38;
	v38 =	vld [tilespmem:s19+$0x12380]  }
0x27c: {  	v35 =	vadd.f32 v35, v36;
	v36 =	vmul.f32 v40, v24  }
0x27d: {  	v40 =	vmul.f32 v43, v23  }
0x27e: {  	v41 =	vmul.f32 v44, v21;
	v35 =	vadd.f32 v36, v35  }
0x27f: {  	v36 =	vadd.f32 v40, v37  }
0x280: {  	v37 =	vadd.f32 v41, v38;
	v38 =	vmul.f32 v39, v19;
	[tilespmem:s19+$0x12400] =	vst v35  }
0x281: {  	[tilespmem:s19+$0x12480] =	vst v36  }
0x282: {  	v35 =	vadd.f32 v38, v37;
	_ =	sdelay $0x1  }
0x283: {  	s21 =	sor.u32 $0x2380, s21;
	[tilespmem:s19+$0x12380] =	vst v35  }
0x284: {  	v35 =	vld [tilespmem:s21+$0x200]  }
0x285: {  	v36 =	vld [tilespmem:s21+$0x10200]  }
0x286: {  	v37 =	vld [tilespmem:s21+$0x8200];
	_ =	sdelay $0x2  }
0x287: {  	s23 =	sand.u32 $0x1C00, s7;
	s19 =	sand.u32 $0x70, s22;
	v35 =	vmul.f32 v35, v18  }
0x288: {  	s19 =	sor.u32 s19, s23  }
0x289: {  	v38 =	vld [tilespmem:s19+$0x10380];
	v35 =	vadd.f32 v35, v36;
	v36 =	vmul.f32 v37, v17  }
0x28a: {  	v37 =	vld [tilespmem:s19+$0x10500]  }
0x28b: {  	v39 =	vld [tilespmem:s19+$0x10480];
	v35 =	vadd.f32 v36, v35  }
0x28c: {  	v36 =	vld [tilespmem:s19+$0x10200]  }
0x28d: {  	v40 =	vld [tilespmem:s19+$0x10300];
	[tilespmem:s21+$0x10200] =	vst v35  }
0x28e: {  	v35 =	vld [tilespmem:s19+$0x8380]  }
0x28f: {  	v41 =	vld [tilespmem:s19+$0x8480]  }
0x290: {  	v42 =	vld [tilespmem:s19+$0x8500]  }
0x291: {  	v43 =	vld [tilespmem:s19+$0x8400]  }
0x292: {  	v44 =	vld [tilespmem:s19+$0x8200]  }
0x293: {  	v45 =	vld [tilespmem:s19+$0x500]  }
0x294: {  	v46 =	vld [tilespmem:s19+$0x8300]  }
0x295: {  	v47 =	vld [tilespmem:s19+$0x200]  }
0x296: {  	v48 =	vld [tilespmem:s19+$0x8280]  }
0x297: {  	v42 =	vmul.f32 v42, v13;
	v49 =	vld [tilespmem:s19+$0x380]  }
0x298: {  	v50 =	vld [tilespmem:s19+$0x300]  }
0x299: {  	v43 =	vmul.f32 v43, v12;
	v45 =	vmul.f32 v45, v15;
	v51 =	vld [tilespmem:s19+$0x480]  }
0x29a: {  	v44 =	vmul.f32 v44, v4;
	v47 =	vmul.f32 v47, v3;
	v52 =	vld [tilespmem:s19+$0x280]  }
0x29b: {  	v35 =	vmul.f32 v35, v10;
	v37 =	vadd.f32 v45, v37;
	v53 =	vld [tilespmem:s19+$0x400]  }
0x29c: {  	v45 =	vmul.f32 v46, v8;
	v36 =	vadd.f32 v47, v36;
	v46 =	vmul.f32 v49, v9;
	v47 =	vld [tilespmem:s19+$0x10400]  }
0x29d: {  	v41 =	vmul.f32 v41, v16;
	v37 =	vadd.f32 v42, v37;
	v49 =	vld [tilespmem:s19+$0x10280];
	v50 =	vmul.f32 v50, v7  }
0x29e: {  	v42 =	vmul.f32 v48, v6;
	v38 =	vadd.f32 v46, v38;
	v46 =	vmul.f32 v51, v14  }
0x29f: {  	v36 =	vadd.f32 v44, v36;
	v44 =	vmul.f32 v52, v5;
	v40 =	vadd.f32 v50, v40  }
0x2a0: {  	v35 =	vadd.f32 v35, v38;
	v38 =	vmul.f32 v53, v11;
	v39 =	vadd.f32 v46, v39;
	_ =	sdelay $0x1  }
0x2a1: {  	v44 =	vadd.f32 v44, v49;
	v38 =	vadd.f32 v38, v47;
	[tilespmem:s19+$0x10500] =	vst v37  }
0x2a2: {  	v37 =	vadd.f32 v41, v39;
	[tilespmem:s19+$0x10200] =	vst v36;
	v36 =	vadd.f32 v45, v40  }
0x2a3: {  	v39 =	vadd.f32 v42, v44;
	[tilespmem:s19+$0x10380] =	vst v35;
	v35 =	vadd.f32 v43, v38  }
0x2a4: {  	[tilespmem:s19+$0x10480] =	vst v37  }
0x2a5: {  	[tilespmem:s19+$0x10300] =	vst v36  }
0x2a6: {  	s21 =	sor.u32 s22, s7;
	[tilespmem:s19+$0x10280] =	vst v39  }
0x2a7: {  	s22 =	sor.u32 $0x380, s21;
	[tilespmem:s19+$0x10400] =	vst v35  }
0x2a8: {  	v35 =	vld [tilespmem:s22+$0x200]  }
0x2a9: {  	v36 =	vld [tilespmem:s22+$0x8200]  }
0x2aa: {  	v37 =	vld [tilespmem:s22+$0x10200];
	_ =	sdelay $0x2  }
0x2ab: {  	v35 =	vmul.f32 v35, v32;
	_ =	sdelay $0x1  }
0x2ac: {  	v36 =	vmul.f32 v36, v33;
	v35 =	vadd.f32 v35, v37;
	_ =	sdelay $0x1  }
0x2ad: {  	v35 =	vadd.f32 v36, v35  }
.Ltmp2:
0x2ae: {  	(pc) =	sbr.rel @p0 .LBB2_6-.Ltmp2, $4  }
0x2af: {  	[tilespmem:s22+$0x10200] =	vst v35  }
0x2b0: {  	v36 =	vld [tilespmem:s19+$0x2280]  }
0x2b1: {  	v35 =	vld [tilespmem:s19+$0x12500]  }
0x2b2: {  	v37 =	vld [tilespmem:s19+$0x12280]  }
0x2b3: {  	v3 =	vld [tilespmem:s19+$0xA280]  }
0x2b4: {  	v4 =	vld [tilespmem:s19+$0xA200]  }
0x2b5: {  	v5 =	vld [tilespmem:s19+$0x12300]  }
0x2b6: {  	v7 =	vld [tilespmem:s19+$0x2300]  }
0x2b7: {  	v8 =	vld [tilespmem:s19+$0xA300]  }
0x2b8: {  	v9 =	vld [tilespmem:s19+$0x2500];
	v6 =	vmul.f32 v36, v34  }
0x2b9: {  	v10 =	vld [tilespmem:s19+$0xA500]  }
0x2ba: {  	v11 =	vld [tilespmem:s19+$0x2200];
	v6 =	vadd.f32 v6, v37;
	v3 =	vmul.f32 v3, v31  }
0x2bb: {  	v12 =	vld [tilespmem:s19+$0x12200]  }
0x2bc: {  	v13 =	vld [tilespmem:s19+$0xA400];
	v3 =	vadd.f32 v3, v6;
	v6 =	vmul.f32 v7, v30  }
0x2bd: {  	v14 =	vld [tilespmem:s19+$0x2380]  }
0x2be: {  	v15 =	vld [tilespmem:s19+$0xA480];
	[tilespmem:s19+$0x12280] =	vst v3;
	v3 =	vadd.f32 v6, v5;
	v5 =	vmul.f32 v8, v28  }
0x2bf: {  	v16 =	vld [tilespmem:s19+$0x12380]  }
0x2c0: {  	v3 =	vadd.f32 v5, v3;
	v5 =	vld [tilespmem:s19+$0x2400]  }
0x2c1: {  	v7 =	vld [tilespmem:s19+$0x2480]  }
0x2c2: {  	v9 =	vmul.f32 v9, v29;
	[tilespmem:s19+$0x12300] =	vst v3;
	v3 =	vld [tilespmem:s19+$0x12400]  }
0x2c3: {  	v8 =	vld [tilespmem:s19+$0x12480]  }
0x2c4: {  	v11 =	vmul.f32 v11, v22;
	v10 =	vmul.f32 v10, v27;
	v9 =	vadd.f32 v9, v35;
	v6 =	vld [tilespmem:s19+$0xA380]  }
0x2c5: {  	v4 =	vmul.f32 v4, v20;
	v5 =	vmul.f32 v5, v25  }
0x2c6: {  	v11 =	vadd.f32 v11, v12;
	v9 =	vadd.f32 v10, v9;
	v7 =	vmul.f32 v7, v26  }
0x2c7: {  	v10 =	vmul.f32 v14, v21;
	v3 =	vadd.f32 v5, v3;
	v5 =	vmul.f32 v13, v24  }
0x2c8: {  	v4 =	vadd.f32 v4, v11;
	v7 =	vadd.f32 v7, v8;
	v8 =	vmul.f32 v15, v23  }
0x2c9: {  	[tilespmem:s19+$0x12500] =	vst v9;
	v6 =	vmul.f32 v6, v19;
	v3 =	vadd.f32 v5, v3;
	v5 =	vadd.f32 v10, v16  }
0x2ca: {  	[tilespmem:s19+$0x12200] =	vst v4;
	v4 =	vadd.f32 v8, v7  }
0x2cb: {  	[tilespmem:s19+$0x12400] =	vst v3;
	v3 =	vadd.f32 v6, v5  }
0x2cc: {  	[tilespmem:s19+$0x12480] =	vst v4  }
0x2cd: {  	s1 =	sor.u32 $0x2380, s21;
	[tilespmem:s19+$0x12380] =	vst v3  }
0x2ce: {  	v3 =	vld [tilespmem:s1+$0x200]  }
0x2cf: {  	v4 =	vld [tilespmem:s1+$0x10200]  }
0x2d0: {  	v5 =	vld [tilespmem:s1+$0x8200];
	_ =	sdelay $0x2  }
0x2d1: {  	v3 =	vmul.f32 v3, v18;
	_ =	sdelay $0x1  }
0x2d2: {  	v3 =	vadd.f32 v3, v4;
	v4 =	vmul.f32 v5, v17;
	_ =	sdelay $0x1  }
0x2d3: {  	v3 =	vadd.f32 v4, v3;
	_ =	sdelay $0x1  }
0x2d4: {  	s21 =	rddreg [dreg:$0xd];
	s19 =	simm.s32 $0x0;
	[tilespmem:s1+$0x10200] =	vst v3  }
0x2d5: {  	[hbm4b:s21+s19] =	stream.linear.scatter [tilespmem:s29], [sflag:$0x7], $0x4000, $0x38;
	[tilespmem:$0x18200] =	vst v63  }
0x2d6: {  	_ =	swait.ge [sflag:s31], $0x4000  }
0x2d7: {  	[sflag:s31] =	ssyncset.done $0x0  }
0x2d8: {  	[sflag:s31] =	ssyncadd.s32 $0xFFFFC000  }
0x2d9: {  	_ =	swait.ge [sflag:s16], $0x4000  }
0x2da: {  	[sflag:s16] =	ssyncset.done $0x0  }
0x2db: {  	[sflag:s16] =	ssyncadd.s32 $0xFFFFC000  }
0x2dc: {  	_ =	swait.ge [sflag:s6], $0x4000  }
0x2dd: {  	[sflag:s6] =	ssyncset.done $0x0  }
0x2de: {  	[sflag:s6] =	ssyncadd.s32 $0xFFFFC000  }
0x2df: {  	s22 =	sand.u32 $0x70, s19;
	s7 =	sand.u32 $0x1C00, s19;
	v17 =	vld [tilespmem:$0x130]  }
0x2e0: {  	s7 =	sor.u32 s22, s7;
	v60 =	vld [tilespmem:$0x1B0]  }
0x2e1: {  	v18 =	vld [tilespmem:s7+$0x14380]  }
0x2e2: {  	v19 =	vld [tilespmem:s7+$0x14500]  }
0x2e3: {  	v20 =	vld [tilespmem:s7+$0x14480]  }
0x2e4: {  	v21 =	vld [tilespmem:s7+$0x14200]  }
0x2e5: {  	v22 =	vld [tilespmem:s7+$0x14300]  }
0x2e6: {  	v23 =	vld [tilespmem:s7+$0xC380]  }
0x2e7: {  	v24 =	vld [tilespmem:s7+$0xC480]  }
0x2e8: {  	v25 =	vld [tilespmem:s7+$0xC500]  }
0x2e9: {  	v26 =	vld [tilespmem:s7+$0xC400]  }
0x2ea: {  	v27 =	vld [tilespmem:s7+$0xC200];
	v3 =	vbroadcast v17, $0x0;
	v4 =	vbroadcast v60, $0x0  }
0x2eb: {  	v28 =	vld [tilespmem:s7+$0x4500];
	v5 =	vbroadcast v17, $0x1;
	v6 =	vbroadcast v60, $0x1  }
0x2ec: {  	v29 =	vld [tilespmem:s7+$0xC300];
	v7 =	vbroadcast v17, $0x2;
	v8 =	vbroadcast v60, $0x2  }
0x2ed: {  	v30 =	vld [tilespmem:s7+$0x4200];
	v9 =	vbroadcast v17, $0x3;
	v10 =	vbroadcast v60, $0x3  }
0x2ee: {  	v33 =	vld [tilespmem:s7+$0x4480];
	v11 =	vbroadcast v17, $0x4;
	v12 =	vbroadcast v60, $0x4  }
0x2ef: {  	v31 =	vld [tilespmem:s7+$0x4380];
	v13 =	vbroadcast v60, $0x6;
	v15 =	vbroadcast v17, $0x6  }
0x2f0: {  	v32 =	vld [tilespmem:s7+$0x4300];
	v14 =	vbroadcast v17, $0x5;
	v16 =	vbroadcast v60, $0x5  }
0x2f1: {  	v61 =	vld [tilespmem:s7+$0xC280];
	v25 =	vmul.f32 v25, v13;
	v28 =	vmul.f32 v28, v15  }
0x2f2: {  	v62 =	vld [tilespmem:s7+$0x4280];
	v30 =	vmul.f32 v30, v3;
	v27 =	vmul.f32 v27, v4  }
0x2f3: {  	v63 =	vld [tilespmem:s7+$0x4400];
	v23 =	vmul.f32 v23, v10;
	v33 =	vmul.f32 v33, v14  }
0x2f4: {  	v19 =	vadd.f32 v28, v19;
	v28 =	vmul.f32 v29, v8;
	v29 =	vmul.f32 v31, v9;
	v31 =	vld [tilespmem:s7+$0x14280]  }
0x2f5: {  	v32 =	vmul.f32 v32, v7;
	v21 =	vadd.f32 v30, v21;
	v30 =	vld [tilespmem:s7+$0x14400];
	v20 =	vadd.f32 v33, v20  }
0x2f6: {  	v24 =	vmul.f32 v24, v16;
	v19 =	vadd.f32 v25, v19;
	v18 =	vadd.f32 v29, v18  }
0x2f7: {  	v22 =	vadd.f32 v32, v22;
	v21 =	vadd.f32 v27, v21;
	v25 =	vmul.f32 v62, v5  }
0x2f8: {  	v20 =	vadd.f32 v24, v20;
	v18 =	vadd.f32 v23, v18;
	v23 =	vmul.f32 v63, v11;
	[tilespmem:s7+$0x14500] =	vst v19  }
0x2f9: {  	v19 =	vmul.f32 v61, v6;
	[tilespmem:s7+$0x14200] =	vst v21;
	v25 =	vadd.f32 v25, v31  }
0x2fa: {  	v22 =	vadd.f32 v28, v22;
	v21 =	vmul.f32 v26, v12;
	[tilespmem:s7+$0x14480] =	vst v20;
	v23 =	vadd.f32 v23, v30  }
0x2fb: {  	[tilespmem:s7+$0x14380] =	vst v18;
	v18 =	vadd.f32 v19, v25  }
0x2fc: {  	[tilespmem:s7+$0x14300] =	vst v22;
	v19 =	vadd.f32 v21, v23  }
0x2fd: {  	s21 =	sor.u32 s19, s19;
	[tilespmem:s7+$0x14280] =	vst v18  }
0x2fe: {  	s23 =	sor.u32 $0x380, s21;
	[tilespmem:s7+$0x14400] =	vst v19  }
0x2ff: {  	v18 =	vld [tilespmem:s23+$0x4200]  }
0x300: {  	v19 =	vld [tilespmem:s23+$0xC200]  }
0x301: {  	v21 =	vld [tilespmem:s23+$0x14200]  }
0x302: {  	v32 =	vbroadcast v17, $0x7;
	_ =	sdelay $0x1  }
0x303: {  	v33 =	vbroadcast v60, $0x7;
	v18 =	vmul.f32 v18, v32  }
0x304: {  	v34 =	vbroadcast v17, $0x9  }
0x305: {  	v28 =	vbroadcast v60, $0xA;
	v19 =	vmul.f32 v19, v33;
	v18 =	vadd.f32 v18, v21  }
0x306: {  	v24 =	vbroadcast v60, $0xC;
	v29 =	vbroadcast v17, $0xE  }
0x307: {  	v27 =	vbroadcast v60, $0xE;
	v22 =	vbroadcast v17, $0x8;
	v18 =	vadd.f32 v19, v18  }
0x308: {  	v20 =	vbroadcast v60, $0x8;
	v26 =	vbroadcast v17, $0xD  }
0x309: {  	v31 =	vbroadcast v60, $0x9;
	v30 =	vbroadcast v17, $0xA;
	[tilespmem:s23+$0x14200] =	vst v18  }
0x30a: {  	v25 =	vbroadcast v17, $0xC;
	v23 =	vbroadcast v60, $0xD;
	v36 =	vld [tilespmem:s7+$0x6280]  }
0x30b: {  	v21 =	vbroadcast v17, $0xB;
	v19 =	vbroadcast v60, $0xB;
	v35 =	vld [tilespmem:s7+$0x16500]  }
0x30c: {  	s1 =	simm.s32 $0x10;
	v18 =	vbroadcast v17, $0xF;
	v17 =	vbroadcast v60, $0xF;
	v37 =	vld [tilespmem:s7+$0x16280]  }
.LBB2_8:
0x30d: {  	p0 =	sne.s32 s1, $0x3F0  }
0x30e: {  	v38 =	vld [tilespmem:s7+$0xE200];
	s19 =	sadd.s32 $0x80, s19;
	s22 =	smov.u32 s1;
	s1 =	sadd.s32 $0x10, s1  }
0x30f: {  	v39 =	vld [tilespmem:s7+$0xE280]  }
0x310: {  	v36 =	vmul.f32 v36, v34;
	v40 =	vld [tilespmem:s7+$0x16300]  }
0x311: {  	v41 =	vld [tilespmem:s7+$0x6300]  }
0x312: {  	v36 =	vadd.f32 v36, v37;
	v37 =	vld [tilespmem:s7+$0xE300]  }
0x313: {  	v42 =	vld [tilespmem:s7+$0x6500]  }
0x314: {  	v39 =	vmul.f32 v39, v31;
	v43 =	vld [tilespmem:s7+$0xE500]  }
0x315: {  	v44 =	vld [tilespmem:s7+$0x6200]  }
0x316: {  	v45 =	vld [tilespmem:s7+$0x16200];
	v36 =	vadd.f32 v39, v36;
	v39 =	vmul.f32 v41, v30  }
0x317: {  	v41 =	vld [tilespmem:s7+$0x6480]  }
0x318: {  	v37 =	vmul.f32 v37, v28;
	[tilespmem:s7+$0x16280] =	vst v36;
	v36 =	vadd.f32 v39, v40;
	v39 =	vld [tilespmem:s7+$0xE380];
	v40 =	vmul.f32 v42, v29  }
0x319: {  	v42 =	vld [tilespmem:s7+$0x16480];
	v43 =	vmul.f32 v43, v27  }
0x31a: {  	v44 =	vmul.f32 v44, v22;
	v36 =	vadd.f32 v37, v36;
	v37 =	vld [tilespmem:s7+$0x6400];
	v35 =	vadd.f32 v40, v35  }
0x31b: {  	v40 =	vld [tilespmem:s7+$0xE400]  }
0x31c: {  	v38 =	vmul.f32 v38, v20;
	v44 =	vadd.f32 v44, v45;
	[tilespmem:s7+$0x16300] =	vst v36;
	v36 =	vld [tilespmem:s7+$0x16400];
	v35 =	vadd.f32 v43, v35  }
0x31d: {  	v41 =	vmul.f32 v41, v26;
	v43 =	vld [tilespmem:s7+$0xE480]  }
0x31e: {  	v38 =	vadd.f32 v38, v44;
	v44 =	vld [tilespmem:s7+$0x6380];
	[tilespmem:s7+$0x16500] =	vst v35  }
0x31f: {  	v35 =	vmul.f32 v37, v25;
	v37 =	vadd.f32 v41, v42  }
0x320: {  	[tilespmem:s7+$0x16200] =	vst v38;
	v38 =	vld [tilespmem:s7+$0x16380]  }
0x321: {  	v35 =	vadd.f32 v35, v36;
	v36 =	vmul.f32 v40, v24  }
0x322: {  	v40 =	vmul.f32 v43, v23  }
0x323: {  	v41 =	vmul.f32 v44, v21;
	v35 =	vadd.f32 v36, v35  }
0x324: {  	v36 =	vadd.f32 v40, v37  }
0x325: {  	v37 =	vadd.f32 v41, v38;
	v38 =	vmul.f32 v39, v19;
	[tilespmem:s7+$0x16400] =	vst v35  }
0x326: {  	[tilespmem:s7+$0x16480] =	vst v36  }
0x327: {  	v35 =	vadd.f32 v38, v37;
	_ =	sdelay $0x1  }
0x328: {  	s21 =	sor.u32 $0x2380, s21;
	[tilespmem:s7+$0x16380] =	vst v35  }
0x329: {  	v35 =	vld [tilespmem:s21+$0x4200]  }
0x32a: {  	v36 =	vld [tilespmem:s21+$0x14200]  }
0x32b: {  	v37 =	vld [tilespmem:s21+$0xC200];
	_ =	sdelay $0x2  }
0x32c: {  	s23 =	sand.u32 $0x1C00, s19;
	s7 =	sand.u32 $0x70, s22;
	v35 =	vmul.f32 v35, v18  }
0x32d: {  	s7 =	sor.u32 s7, s23  }
0x32e: {  	v38 =	vld [tilespmem:s7+$0x14380];
	v35 =	vadd.f32 v35, v36;
	v36 =	vmul.f32 v37, v17  }
0x32f: {  	v37 =	vld [tilespmem:s7+$0x14500]  }
0x330: {  	v39 =	vld [tilespmem:s7+$0x14480];
	v35 =	vadd.f32 v36, v35  }
0x331: {  	v36 =	vld [tilespmem:s7+$0x14200]  }
0x332: {  	v40 =	vld [tilespmem:s7+$0x14300];
	[tilespmem:s21+$0x14200] =	vst v35  }
0x333: {  	v35 =	vld [tilespmem:s7+$0xC380]  }
0x334: {  	v41 =	vld [tilespmem:s7+$0xC480]  }
0x335: {  	v42 =	vld [tilespmem:s7+$0xC500]  }
0x336: {  	v43 =	vld [tilespmem:s7+$0xC400]  }
0x337: {  	v44 =	vld [tilespmem:s7+$0xC200]  }
0x338: {  	v45 =	vld [tilespmem:s7+$0x4500]  }
0x339: {  	v46 =	vld [tilespmem:s7+$0xC300]  }
0x33a: {  	v47 =	vld [tilespmem:s7+$0x4200]  }
0x33b: {  	v48 =	vld [tilespmem:s7+$0xC280]  }
0x33c: {  	v42 =	vmul.f32 v42, v13;
	v49 =	vld [tilespmem:s7+$0x4380]  }
0x33d: {  	v50 =	vld [tilespmem:s7+$0x4300]  }
0x33e: {  	v43 =	vmul.f32 v43, v12;
	v45 =	vmul.f32 v45, v15;
	v51 =	vld [tilespmem:s7+$0x4480]  }
0x33f: {  	v44 =	vmul.f32 v44, v4;
	v47 =	vmul.f32 v47, v3;
	v52 =	vld [tilespmem:s7+$0x4280]  }
0x340: {  	v35 =	vmul.f32 v35, v10;
	v37 =	vadd.f32 v45, v37;
	v53 =	vld [tilespmem:s7+$0x4400]  }
0x341: {  	v45 =	vmul.f32 v46, v8;
	v36 =	vadd.f32 v47, v36;
	v46 =	vmul.f32 v49, v9;
	v47 =	vld [tilespmem:s7+$0x14400]  }
0x342: {  	v41 =	vmul.f32 v41, v16;
	v37 =	vadd.f32 v42, v37;
	v49 =	vld [tilespmem:s7+$0x14280];
	v50 =	vmul.f32 v50, v7  }
0x343: {  	v42 =	vmul.f32 v48, v6;
	v38 =	vadd.f32 v46, v38;
	v46 =	vmul.f32 v51, v14  }
0x344: {  	v36 =	vadd.f32 v44, v36;
	v44 =	vmul.f32 v52, v5;
	v40 =	vadd.f32 v50, v40  }
0x345: {  	v35 =	vadd.f32 v35, v38;
	v38 =	vmul.f32 v53, v11;
	v39 =	vadd.f32 v46, v39;
	_ =	sdelay $0x1  }
0x346: {  	v44 =	vadd.f32 v44, v49;
	v38 =	vadd.f32 v38, v47;
	[tilespmem:s7+$0x14500] =	vst v37  }
0x347: {  	v37 =	vadd.f32 v41, v39;
	[tilespmem:s7+$0x14200] =	vst v36;
	v36 =	vadd.f32 v45, v40  }
0x348: {  	v39 =	vadd.f32 v42, v44;
	[tilespmem:s7+$0x14380] =	vst v35;
	v35 =	vadd.f32 v43, v38  }
0x349: {  	[tilespmem:s7+$0x14480] =	vst v37  }
0x34a: {  	[tilespmem:s7+$0x14300] =	vst v36  }
0x34b: {  	s21 =	sor.u32 s22, s19;
	[tilespmem:s7+$0x14280] =	vst v39  }
0x34c: {  	s22 =	sor.u32 $0x380, s21;
	[tilespmem:s7+$0x14400] =	vst v35  }
0x34d: {  	v35 =	vld [tilespmem:s22+$0x4200]  }
0x34e: {  	v36 =	vld [tilespmem:s22+$0xC200]  }
0x34f: {  	v37 =	vld [tilespmem:s22+$0x14200];
	_ =	sdelay $0x2  }
0x350: {  	v35 =	vmul.f32 v35, v32;
	_ =	sdelay $0x1  }
0x351: {  	v36 =	vmul.f32 v36, v33;
	v35 =	vadd.f32 v35, v37;
	_ =	sdelay $0x1  }
0x352: {  	v35 =	vadd.f32 v36, v35  }
.Ltmp3:
0x353: {  	(pc) =	sbr.rel @p0 .LBB2_8-.Ltmp3, $4  }
0x354: {  	[tilespmem:s22+$0x14200] =	vst v35  }
0x355: {  	v36 =	vld [tilespmem:s7+$0x6280]  }
0x356: {  	v35 =	vld [tilespmem:s7+$0x16500]  }
0x357: {  	v37 =	vld [tilespmem:s7+$0x16280]  }
0x358: {  	v3 =	vld [tilespmem:s7+$0xE280]  }
0x359: {  	v4 =	vld [tilespmem:s7+$0xE200]  }
0x35a: {  	v5 =	vld [tilespmem:s7+$0x16300]  }
0x35b: {  	v7 =	vld [tilespmem:s7+$0x6300]  }
0x35c: {  	v8 =	vld [tilespmem:s7+$0xE300]  }
0x35d: {  	v9 =	vld [tilespmem:s7+$0x6500];
	v6 =	vmul.f32 v36, v34  }
0x35e: {  	v10 =	vld [tilespmem:s7+$0xE500]  }
0x35f: {  	v11 =	vld [tilespmem:s7+$0x6200];
	v6 =	vadd.f32 v6, v37;
	v3 =	vmul.f32 v3, v31  }
0x360: {  	v52 =	vld [tilespmem:s7+$0x6480]  }
0x361: {  	v12 =	vld [tilespmem:s7+$0x16200];
	v51 =	vmul.f32 v7, v30;
	v3 =	vadd.f32 v3, v6  }
0x362: {  	v54 =	vld [tilespmem:s7+$0xE380]  }
0x363: {  	v55 =	vld [tilespmem:s7+$0x16480];
	v53 =	vmul.f32 v8, v28;
	[tilespmem:s7+$0x16280] =	vst v3;
	v3 =	vadd.f32 v51, v5  }
0x364: {  	v56 =	vld [tilespmem:s7+$0x6400]  }
0x365: {  	v13 =	vld [tilespmem:s7+$0xE400];
	v3 =	vadd.f32 v53, v3  }
0x366: {  	v14 =	vld [tilespmem:s7+$0x6380]  }
0x367: {  	[tilespmem:s7+$0x16300] =	vst v3;
	v3 =	vld [tilespmem:s7+$0x16400]  }
0x368: {  	v15 =	vld [tilespmem:s7+$0xE480];
	v9 =	vmul.f32 v9, v29  }
0x369: {  	v16 =	vld [tilespmem:s7+$0x16380];
	v11 =	vmul.f32 v11, v22;
	v10 =	vmul.f32 v10, v27  }
0x36a: {  	v4 =	vmul.f32 v4, v20;
	v9 =	vadd.f32 v9, v35;
	v5 =	vmul.f32 v56, v25  }
0x36b: {  	v7 =	vmul.f32 v52, v26;
	v57 =	vmul.f32 v13, v24;
	v11 =	vadd.f32 v11, v12  }
0x36c: {  	v58 =	vmul.f32 v14, v21;
	v9 =	vadd.f32 v10, v9;
	v3 =	vadd.f32 v5, v3  }
0x36d: {  	v59 =	vmul.f32 v15, v23;
	v7 =	vadd.f32 v7, v55;
	v4 =	vadd.f32 v4, v11  }
0x36e: {  	v60 =	vadd.f32 v58, v16;
	v6 =	vmul.f32 v54, v19;
	[tilespmem:s7+$0x16500] =	vst v9;
	v3 =	vadd.f32 v57, v3  }
0x36f: {  	v61 =	vadd.f32 v59, v7;
	[tilespmem:s7+$0x16200] =	vst v4  }
0x370: {  	[tilespmem:s7+$0x16400] =	vst v3;
	v3 =	vadd.f32 v6, v60  }
0x371: {  	[tilespmem:s7+$0x16480] =	vst v61  }
0x372: {  	s1 =	sor.u32 $0x2380, s21;
	[tilespmem:s7+$0x16380] =	vst v3  }
0x373: {  	v3 =	vld [tilespmem:s1+$0x4200]  }
0x374: {  	v4 =	vld [tilespmem:s1+$0x14200]  }
0x375: {  	v62 =	vld [tilespmem:s1+$0xC200];
	_ =	sdelay $0x2  }
0x376: {  	v3 =	vmul.f32 v3, v18;
	_ =	sdelay $0x1  }
0x377: {  	v63 =	vmul.f32 v62, v17;
	v3 =	vadd.f32 v3, v4;
	_ =	sdelay $0x1  }
0x378: {  	v3 =	vadd.f32 v63, v3;
	_ =	sdelay $0x1  }
0x379: {  	s22 =	rddreg [dreg:$0xe];
	[tilespmem:s1+$0x14200] =	vst v3  }
0x37a: {  	[hbm4b:s22+s2] =	stream.linear.scatter [tilespmem:s15], [sflag:$0x8], $0x4000, $0x38;
	[tilespmem:$0x18200] =	vst v63  }
0x37b: {  	_ =	swait.ge [sflag:s17], $0x4000  }
0x37c: {  	[sflag:s17] =	ssyncset.done $0x0  }
0x37d: {  	[sflag:s17] =	ssyncadd.s32 $0xFFFFC000  }
0x37e: {  	_ =	swait.ge [sflag:s0], $0x4000  }
0x37f: {  	s18 =	sadd.s32 $0x1, s18;
	s23 =	rddreg [dreg:$0xf]  }
0x380: {  	p0 =	sne.s32 s18, s23  }
.Ltmp4:
0x381: {  	_ = 	snop;
	(pc) =	sbr.rel @p0 .LBB2_1-.Ltmp4, $3  }
0x382: {  	_ =	sdelay $0x1  }
0x383: {  	[sflag:s0] =	ssyncset.done $0x0  }
0x384: {  	[sflag:s0] =	ssyncadd.s32 $0xFFFFC000  }
0x385: {  	_ =	sfence.sel $0x180000  }
0x386: {  	[bflag:$0x0] =	sbarrier.arrive $0xFFFF  }
0x387: {  	_ =	strace $0x9000004A  }
0x388: {  	s0 =	stileid.u32;
	[bflag:$0x2] =	sbarrier.arrive $0xFFFF  }
0x389: {  	p0 =	sne.s32 s0, $0x0;
	s0 =	rddreg [dreg:$0x2]  }
0x38a: {  	s0 =	sadd.s32 @!p0 $0x100000, s0  }
0x38b: {  	[sflag:s0] =	ssyncadd.tile.s32 @!p0 $0x1;
	_ =	shalt  }
.Lfunc_end2:
_tile_overlayer_lowered:
.L_overlay_start_2:
0x38c: {  	(tag) =	ssettag $0x2  }
0x38d: {  	s0 =	rddreg [dreg:$0x0];
	s2 =	stileid.u32  }
0x38e: {  	s1 =	rddreg [dreg:$0x1];
	p0 =	sne.s32 s2, $0x0  }
0x38f: {  	s3 =	rddreg [dreg:$0x2];
	[bflag:$0x3] =	sbarrier.arrive $0xFFFF;
	s2 =	simm.s32 @!p0 $0x1C09  }
0x390: {  	[timem:s3], [sflag:s2] =	dma.local @!p0 [hbm:s0], s1  }
0x391: {  	s0 =	simm.s32 @!p0 $0x9  }
0x392: {  	_ =	swait.ge @!p0 [sflag:s0], s1  }
0x393: {  	s1 =	ssub.s32 @!p0 $0x0, s1;
	[sflag:s0] =	ssyncset.done @!p0 $0x0  }
0x394: {  	[sflag:s0] =	ssyncadd.s32 @!p0 s1  }
0x395: {  	[bflag:$0x3] =	sbarrier.arrive $0xFFFF  }
0x396: {  	_ =	shalt  }

// kernel: kernel.7.cloned.1.call-start
scs
__scs_entry_jumppad:
0x0: {  	(pc) =	sbr.rel $0x88, $3  }
0x1: {  	(tag) =	ssettag $0x0;
	lr =	simm.s32 $0x1  }
0x2: {  	[smem:$0x3F98] =	sst lr;
	_ =	strace $0xD0000000  }
0x3: {  	_ = 	snop  }
0x4: {  	_ = 	snop  }
0x5: {  	_ = 	snop  }
0x6: {  	_ = 	snop  }
0x7: {  	_ = 	snop  }
__scs_overlays_trampoline_lowered:
0x8: {  	[smem:$0x3FA7] =	sst s0  }
0x9: {  	[smem:$0x3FA8] =	sst s1  }
0xa: {  	[smem:$0x3FA9] =	sst s2  }
0xb: {  	[smem:$0x3FAA] =	sst s3  }
0xc: {  	[smem:$0x3FAB] =	sst s4  }
0xd: {  	[smem:$0x3FAC] =	sst s5  }
0xe: {  	[smem:$0x3FAD] =	sst s6  }
0xf: {  	[smem:$0x3FAE] =	sst s7  }
0x10: {  	[smem:$0x3FAF] =	sst s8  }
0x11: {  	[smem:$0x3FB0] =	sst s9;
	s0 =	simm.s32 @!p0 $0x0  }
0x12: {  	s1 =	sld [smem:$0x3F96];
	s0 =	simm.s32 @p0 $0x1  }
0x13: {  	[smem:$0x3FB1] =	sst s0;
	s0 =	simm.s32 @!p1 $0x0  }
0x14: {  	s2 =	sld [smem:$0x3F95];
	s0 =	simm.s32 @p1 $0x1  }
0x15: {  	[smem:$0x3FB2] =	sst s0;
	s0 =	simm.s32 @!p2 $0x0  }
0x16: {  	s3 =	sld [smem:$0x3FDB];
	s0 =	simm.s32 @p2 $0x1  }
0x17: {  	s4 =	simm.s32 $0x1BF5;
	[smem:$0x3FB4] =	sst s0  }
0x18: {  	s0 =	sld [smem:$0x3F97];
	_ =	swait.ge [sflag:s4], $0x0  }
0x19: {  	s7 =	sld [smem:$0x3F98]  }
0x1a: {  	s8 =	sadd.s32 $0xFFFFE003, lr  }
0x1b: {  	s9 =	sadd.s32 $0xFFFFFEF7, lr;
	s5 =	simm.s32 $0xFFFFFFFF;
	p2 =	slt.u32 s8, $0xFFFFF086  }
0x1c: {  	p1 =	slt.u32 s9, $0xF7A;
	s5 =	simm.s32 @!p2 $0x0  }
0x1d: {  	s5 =	simm.s32 @p1 $0x1;
	p0 =	seq.s32 s7, s2  }
0x1e: {  	s7 =	smul.u32 @!p0 $0xF7A, s2;
	p2 =	seq.s32 @!p0 s5, $0x0  }
0x1f: {  	s9 =	smul.u32 $0xF7A, s1;
	s8 =	simm.s32 @!p0 $0x1BF5;
	p2 =	por !p2, p0  }
0x20: {  	[sflag:s8] =	ssyncset.s32 @!p0 $0xFFFFF086;
	s6 =	sadd.s32 @!p0 s3, s7;
	s7 =	simm.s32 @!p0 $0x108  }
0x21: {  	s3 =	sadd.s32 s3, s9;
	s6 =	sadd.s32 @!p0 $0x88, s6;
	s7 =	simm.s32 @p2 $0x1082  }
0x22: {  	[simem:s7], [sflag:s8] =	dma.local @!p0 [hbm:s6], $0xF7A  }
0x23: {  	s9 =	sor.u32 $0xD0000000, s2;
	s6 =	simm.s32 $0x108;
	_ =	swait.ge @!p0 [sflag:s8], $0x0  }
0x24: {  	s3 =	sadd.s32 $0x88, s3;
	s6 =	simm.s32 @!p1 $0x1082;
	[sflag:s4] =	ssyncset.s32 $0xFFFFF086  }
0x25: {  	[simem:s6], [sflag:s4] =	dma.local [hbm:s3], $0xF7A  }
0x26: {  	[smem:$0x3F98] =	sst s1;
	(tag) =	ssettag s2;
	_ =	strace s9  }
0x27: {  	s1 =	sld [smem:$0x3FA8]  }
0x28: {  	s2 =	sld [smem:$0x3FA9]  }
0x29: {  	s4 =	sld [smem:$0x3FAB]  }
0x2a: {  	p0 =	seq.s32 s5, $0x0;
	s5 =	sld [smem:$0x3FAC]  }
0x2b: {  	s6 =	sld [smem:$0x3FAD]  }
0x2c: {  	s7 =	sld [smem:$0x3FAE]  }
0x2d: {  	s3 =	simm.s32 $0x108;
	s8 =	sld [smem:$0x3FAF]  }
0x2e: {  	s3 =	simm.s32 @!p0 $0x1082;
	s9 =	sld [smem:$0x3FB0]  }
0x2f: {  	lr =	sadd.s32 s0, s3;
	s0 =	sld [smem:$0x3FA7]  }
0x30: {  	s3 =	sld [smem:$0x3FAA]  }
0x31: {  	[smem:$0x3FB3] =	sst s10  }
0x32: {  	s10 =	sld [smem:$0x3FB1];
	_ =	sdelay $0x3  }
0x33: {  	p0 =	seq.s32 s10, $0x1;
	s10 =	sld [smem:$0x3FB3];
	_ =	sdelay $0x3  }
0x34: {  	[smem:$0x3FB3] =	sst s10  }
0x35: {  	s10 =	sld [smem:$0x3FB2];
	_ =	sdelay $0x3  }
0x36: {  	p1 =	seq.s32 s10, $0x1;
	s10 =	sld [smem:$0x3FB3];
	_ =	sdelay $0x3  }
0x37: {  	[smem:$0x3FB3] =	sst s10  }
0x38: {  	s10 =	sld [smem:$0x3FB4]  }
0x39: {  	_ = 	snop;
	(pc) =	sbr.ind lr, $3  }
0x3a: {  	_ = 	snop  }
0x3b: {  	_ = 	snop  }
0x3c: {  	p2 =	seq.s32 s10, $0x1;
	s10 =	sld [smem:$0x3FB3]  }
0x3d: {  	_ =	shalt  }
0x3e: {  	_ =	shalt  }
0x3f: {  	_ =	shalt  }
0x40: {  	_ =	shalt  }
0x41: {  	_ =	shalt  }
0x42: {  	_ =	shalt  }
0x43: {  	_ =	shalt  }
0x44: {  	_ =	shalt  }
0x45: {  	_ =	shalt  }
0x46: {  	_ =	shalt  }
0x47: {  	_ =	shalt  }
0x48: {  	_ =	shalt  }
0x49: {  	_ =	shalt  }
0x4a: {  	_ =	shalt  }
0x4b: {  	_ =	shalt  }
0x4c: {  	_ =	shalt  }
0x4d: {  	_ =	shalt  }
0x4e: {  	_ =	shalt  }
0x4f: {  	_ =	shalt  }
0x50: {  	_ =	shalt  }
0x51: {  	_ =	shalt  }
0x52: {  	_ =	shalt  }
0x53: {  	_ =	shalt  }
0x54: {  	_ =	shalt  }
0x55: {  	_ =	shalt  }
0x56: {  	_ =	shalt  }
0x57: {  	_ =	shalt  }
0x58: {  	_ =	shalt  }
0x59: {  	_ =	shalt  }
0x5a: {  	_ =	shalt  }
0x5b: {  	_ =	shalt  }
0x5c: {  	_ =	shalt  }
0x5d: {  	_ =	shalt  }
0x5e: {  	_ =	shalt  }
0x5f: {  	_ =	shalt  }
0x60: {  	_ =	shalt  }
0x61: {  	_ =	shalt  }
0x62: {  	_ =	shalt  }
0x63: {  	_ =	shalt  }
0x64: {  	_ =	shalt  }
0x65: {  	_ =	shalt  }
0x66: {  	_ =	shalt  }
0x67: {  	_ =	shalt  }
0x68: {  	_ =	shalt  }
0x69: {  	_ =	shalt  }
0x6a: {  	_ =	shalt  }
0x6b: {  	_ =	shalt  }
0x6c: {  	_ =	shalt  }
0x6d: {  	_ =	shalt  }
0x6e: {  	_ =	shalt  }
0x6f: {  	_ =	shalt  }
0x70: {  	_ =	shalt  }
0x71: {  	_ =	shalt  }
0x72: {  	_ =	shalt  }
0x73: {  	_ =	shalt  }
0x74: {  	_ =	shalt  }
0x75: {  	_ =	shalt  }
0x76: {  	_ =	shalt  }
0x77: {  	_ =	shalt  }
0x78: {  	_ =	shalt  }
0x79: {  	_ =	shalt  }
0x7a: {  	_ =	shalt  }
0x7b: {  	_ =	shalt  }
0x7c: {  	_ =	shalt  }
0x7d: {  	_ =	shalt  }
0x7e: {  	_ =	shalt  }
0x7f: {  	_ =	shalt  }
0x80: {  	_ =	shalt  }
0x81: {  	_ =	shalt  }
0x82: {  	_ =	shalt  }
0x83: {  	_ =	shalt  }
0x84: {  	_ =	shalt  }
0x85: {  	_ =	shalt  }
0x86: {  	_ =	shalt  }
0x87: {  	_ =	shalt  }
.Lfunc_end0:
.L_simem_size_0:
called_computation_lowered:
.L_overlay_start_0:
0x88: {  	s2 =	sld [smem:$0x3FD9]  }
0x89: {  	s3 =	sld [smem:$0x3FFE];
	_ =	sdelay $0x1  }
0x8a: {  	s1 =	srdreg.scid  }
0x8b: {  	s0 =	sand.u32 $0x1, s1  }
0x8c: {  	s17 =	sshll.u32 s0, $0xA;
	s2 =	sadd.s32 s3, s2  }
0x8d: {  	s2 =	sadd.s32 s2, s17  }
0x8e: {  	[smem:$0x3FBF] =	sst s2  }
0x8f: {  	_ = 	snop  }
0x90: {  	s2 =	sld [smem:$0x3FC9];
	(tm) =	ssettm $0x1  }
0x91: {  	s18 =	sld [smem:$0x3FFB];
	_ =	sdelay $0x3  }
0x92: {  	_ =	strace s18  }
0x93: {  	s3 =	sld [smem:$0x3FFC];
	_ =	sdelay $0x3  }
0x94: {  	_ =	strace s3  }
0x95: {  	s3 =	sld [smem:$0x3FFD];
	_ =	sdelay $0x3  }
0x96: {  	_ =	strace s3  }
0x97: {  	_ =	strace $0x8FFFFFFF  }
0x98: {  	s19 =	sld [smem:$0x3FDB];
	_ =	sdelay $0x1  }
0x99: {  	s4 =	simm.s32 $_scs_section_size  }
0x9a: {  	s5 =	simm.s32 $_size__tile_overlayer_lowered;
	s6 =	simm.s32 $_tile_overlayer_lowered  }
0x9b: {  	s22 =	simm.s32 $0x1BFF;
	s21 =	sshll.u32 s6, $0x1;
	s3 =	sadd.s32 s4, s19  }
0x9c: {  	s7 =	simm.s32 $0x0;
	s20 =	sshll.u32 s5, $0x1;
	s5 =	sadd.s32 s21, s3  }
0x9d: {  	[timem:s7], [sflag:s22] =	dma.local [hbm:s5], s20  }
0x9e: {  	_ =	swait.ge [sflag:s22], s20  }
0x9f: {  	s4 =	ssub.s32 $0x0, s20;
	[sflag:s22] =	ssyncset.done $0x0  }
0xa0: {  	[sflag:s22] =	ssyncadd.s32 s4;
	_ =	sdelay $0x1  }
0xa1: {  	s23 =	simm.s32 $0x1B8B  }
0xa2: {  	_ =	swait.ge [sflag:s23], $0x1  }
0xa3: {  	[sflag:s23] =	ssyncset.done $0x0  }
0xa4: {  	s25 =	simm.s32 $0x1B8E;
	s24 =	sld [smem:$0x3FFE];
	[sflag:s23] =	ssyncadd.s32 $0xFFFFFFFF  }
0xa5: {  	s26 =	simm.s32 $execute0_lowered;
	[smem:$0x3FD2] =	sst s25  }
0xa6: {  	s5 =	sshll.u32 s26, $0x1;
	_ =	strace $0x80000046;
	[dreg:$0x1] =	wrdreg $0xFFFFFFFF  }
0xa7: {  	s28 =	simm.s32 $_size_execute0_lowered;
	s3 =	sadd.s32 s3, s5;
	[dreg:$0x0] =	wrdreg $0x0  }
0xa8: {  	s5 =	sshll.u32 s28, $0x1;
	[dreg:$0x2] =	wrdreg s3  }
0xa9: {  	[dreg:$0x3] =	wrdreg s5  }
0xaa: {  	[dreg:$0x4] =	wrdreg $0xC0  }
0xab: {  	_ =	task [dreg:s7], $0x5FFFF  }
0xac: {  	[dreg:$0x1] =	wrdreg $0xFFFFFFFF  }
0xad: {  	[dreg:$0x0] =	wrdreg $0x60  }
0xae: {  	[dreg:$0x2] =	wrdreg s2  }
0xaf: {  	[dreg:$0x3] =	wrdreg s24  }
0xb0: {  	[dreg:$0x4] =	wrdreg $0x9  }
0xb1: {  	_ =	task.clear_ibuf [dreg:s7], $0x5FFFF;
	_ =	strace $0x90000046  }
0xb2: {  	s29 =	simm.s32 $0x9;
	_ =	strace $0x80000048  }
0xb3: {  	_ =	swait.ge [sflag:s29], $0x1  }
0xb4: {  	[sflag:s29] =	ssyncadd.s32 $0xFFFFFFFF  }
0xb5: {  	_ =	strace $0x90000048  }
0xb6: {  	_ =	sfence  }
0xb7: {  	s30 =	sld [smem:$0x0];
	_ =	sdelay $0x2  }
0xb8: {  	s31 =	sshll.u32 s1, $0xD;
	s1 =	sshrl.u32 s1, $0x2  }
0xb9: {  	s3 =	sand.u32 $0x4000, s31;
	s1 =	sadd.s32 s1, s30  }
0xba: {  	s0 =	sor.u32 s3, s0;
	s1 =	sshll.u32 s1, $0x11  }
0xbb: {  	s0 =	sor.u32 s1, s0  }
0xbc: {  	s0 =	sadd.s32 $0x8F2B, s0  }
0xbd: {  	[sflag:s0] =	ssyncadd.remote.s32 $0x1  }
0xbe: {  	_ =	sfence.sel $0xFFFF  }
0xbf: {  	[dreg:$0x0] =	wrdreg $0xFFFFFFFF;
	(pc) =	sbr.abs _section_cstart, $3  }
0xc0: {  	[dreg:$0x1] =	wrdreg $0xFFFFFFFF  }
0xc1: {  	_ =	task.clear_ibuf [dreg:s7], $0x2FFFF;
	_ =	strace $0x9FFFFFFF  }
0xc2: {  	(tm) =	ssettm $0x7FFFFFFF  }
0xc3: {  	_ =	shalt  }
tec
execute0_lowered:
.L_overlay_start_1:
0x0: {  	(tag) =	ssettag $0x1  }
0x1: {  	s0 =	srdreg.scid;
	s1 =	rddreg [dreg:$0x0]  }
0x2: {  	s2 =	stileid.u32;
	s6 =	rddreg [dreg:$0x1];
	s25 =	simm.s32 $0x10000  }
0x3: {  	s8 =	simm.s32 $0x2;
	s26 =	simm.s32 $0x10080;
	s28 =	simm.s32 $0x9800  }
0x4: {  	s29 =	simm.s32 $0xA000;
	s30 =	simm.s32 $0xA800;
	s31 =	simm.s32 $0xB000  }
0x5: {  	s9 =	simm.s32 $0xC800;
	s10 =	simm.s32 $0xD000;
	s11 =	simm.s32 $0xD800  }
0x6: {  	s12 =	simm.s32 $0xE000;
	s13 =	simm.s32 $0xE800;
	s14 =	simm.s32 $0xF000  }
0x7: {  	s15 =	simm.s32 $0xF800;
	s16 =	simm.s32 $0x1;
	s0 =	sand.u32 $0x1, s0  }
0x8: {  	s3 =	sshll.u32 s2, $0x7;
	s2 =	simm.s32 $0x0;
	s4 =	sshll.u32 s0, $0x6  }
0x9: {  	[smem:$0x7FF] =	sst s2;
	s0 =	ssub.s32 $0x2, s0;
	s3 =	sor.u32 s4, s3  }
0xa: {  	_ =	strace $0x80000047;
	s22 =	sshrl.u32 s0, $0x1;
	[dreg:$0x6] =	wrdreg s25  }
0xb: {  	[dreg:$0x7] =	wrdreg s26;
	s25 =	simm.s32 $0x8800;
	s26 =	simm.s32 $0x9000  }
0xc: {  	s4 =	sshrl.u32 s3, $0x3;
	s5 =	sshll.u32 s3, $0x7;
	s3 =	sadd.s32 $0x2A00, s6  }
0xd: {  	s0 =	ssub.s32 s0, s22;
	s4 =	sadd.s32 s4, s6;
	s1 =	sadd.s32 s1, s5  }
0xe: {  	s5 =	sadd.s32 $0x2C00, s6;
	s7 =	smax.u32 s0, $0x1;
	s0 =	simm.s32 $0xC000  }
0xf: {  	v2 =	vlaneseq.u32;
	[dreg:$0x3] =	wrdreg s1;
	s23 =	sadd.s32 $0x2200, s4;
	s24 =	sadd.s32 $0x2400, s4  }
0x10: {  	vm0 =	vmmov $0xffff;
	v1 =	vshrl.u32 v2, $0x3;
	s4 =	sadd.s32 $0x2B00, s6;
	s6 =	sadd.s32 $0x2D00, s6;
	[dreg:$0x4] =	wrdreg s23  }
0x11: {  	v0 =	vand.u32 $0x7, v2;
	v2 =	vor.u32 $0x8, v2;
	v1 =	vmul.u32 $0x8, v1;
	s1 =	simm.s32 $0xB800;
	[dreg:$0x5] =	wrdreg s24;
	s24 =	simm.s32 $0x7800  }
.LBB2_1:
0x12: {  	s17 =	rddreg [dreg:$0x3]  }
0x13: {  	[tilespmem:s2], [sflag:$0x2] =	stream.linear.gather [hbm4b:s17+s2], $0x10000, $0x38;
	[tilespmem:$0x10100] =	vst v63  }
0x14: {  	_ =	swait.ge [sflag:s8], $0x10000  }
0x15: {  	s20 =	rddreg [dreg:$0x4];
	[sflag:s8] =	ssyncset.done $0x0  }
0x16: {  	s18 =	rddreg [dreg:$0x6];
	[sflag:s8] =	ssyncadd.s32 $0xFFFF0000  }
0x17: {  	[tilespmem:s18], [sflag:$0x2] =	stream.linear.gather [hbm4b:s20+s2], $0x40, $0x38;
	[tilespmem:$0x10100] =	vst v63  }
0x18: {  	_ =	swait.ge [sflag:s8], $0x40  }
0x19: {  	s21 =	rddreg [dreg:$0x5];
	[sflag:s8] =	ssyncset.done $0x0  }
0x1a: {  	s22 =	rddreg [dreg:$0x7];
	[sflag:s8] =	ssyncadd.s32 $0xFFFFFFC0  }
0x1b: {  	[tilespmem:s22], [sflag:$0x2] =	stream.linear.gather [hbm4b:s21+s2], $0x40, $0x38;
	[tilespmem:$0x10100] =	vst v63  }
0x1c: {  	_ =	swait.ge [sflag:s8], $0x40  }
0x1d: {  	[sflag:s8] =	ssyncset.done $0x0  }
0x1e: {  	[sflag:s8] =	ssyncadd.s32 $0xFFFFFFC0  }
0x1f: {  	v3 =	vld [tilespmem:$0x10000];
	_ =	sdelay $0x4  }
0x20: {  	v4 =	vshll.u32 v3, $0x3  }
0x21: {  	v3 =	vand.u32 $0x7, v3;
	v4 =	vand.u32 $0xFFFFFFC0, v4  }
0x22: {  	v3 =	vor.u32 v3, v4  }
0x23: {  	v4 =	vperm.xlane v3, v0;
	_ =	sdelay $0x1  }
0x24: {  	v4 =	vadd.s32 v1, v4;
	_ =	sdelay $0x4  }
0x25: {  	[hbm4b:s3+s2] =	stream.indirect_vreg.scatter [tilespmem:s2], [sflag:$0x1], $0x80, v4, vm0, $0xb8;
	[tilespmem:$0x10100] =	vst v63  }
0x26: {  	s17 =	simm.s32 $0x800;
	v3 =	vperm.xlane v3, v2  }
0x27: {  	[hbm4b:s4+s2] =	stream.indirect_vreg.scatter [tilespmem:s17], [sflag:$0x1], $0x80, v4, vm0, $0xb8;
	[tilespmem:$0x10100] =	vst v63  }
0x28: {  	s18 =	simm.s32 $0x1000;
	v3 =	vadd.s32 v1, v3  }
0x29: {  	[hbm4b:s5+s2] =	stream.indirect_vreg.scatter [tilespmem:s18], [sflag:$0x1], $0x80, v4, vm0, $0xb8;
	[tilespmem:$0x10100] =	vst v63  }
0x2a: {  	s19 =	simm.s32 $0x1800  }
0x2b: {  	[hbm4b:s6+s2] =	stream.indirect_vreg.scatter [tilespmem:s19], [sflag:$0x1], $0x80, v4, vm0, $0xb8;
	[tilespmem:$0x10100] =	vst v63  }
0x2c: {  	s20 =	simm.s32 $0x2000  }
0x2d: {  	[hbm4b:s3+s2] =	stream.indirect_vreg.scatter [tilespmem:s20], [sflag:$0x1], $0x80, v3, vm0, $0xb8;
	[tilespmem:$0x10100] =	vst v63  }
0x2e: {  	s21 =	simm.s32 $0x2800  }
0x2f: {  	[hbm4b:s4+s2] =	stream.indirect_vreg.scatter [tilespmem:s21], [sflag:$0x1], $0x80, v3, vm0, $0xb8;
	[tilespmem:$0x10100] =	vst v63  }
0x30: {  	s22 =	simm.s32 $0x3000  }
0x31: {  	[hbm4b:s5+s2] =	stream.indirect_vreg.scatter [tilespmem:s22], [sflag:$0x1], $0x80, v3, vm0, $0xb8;
	[tilespmem:$0x10100] =	vst v63  }
0x32: {  	s23 =	simm.s32 $0x3800  }
0x33: {  	[hbm4b:s6+s2] =	stream.indirect_vreg.scatter [tilespmem:s23], [sflag:$0x1], $0x80, v3, vm0, $0xb8;
	[tilespmem:$0x10100] =	vst v63  }
0x34: {  	v3 =	vld [tilespmem:$0x10080];
	_ =	sdelay $0x4  }
0x35: {  	v57 =	vshll.u32 v3, $0x3  }
0x36: {  	v3 =	vand.u32 $0x7, v3;
	v4 =	vand.u32 $0xFFFFFFC0, v57  }
0x37: {  	v3 =	vor.u32 v3, v4  }
0x38: {  	v4 =	vperm.xlane v3, v0;
	_ =	sdelay $0x1  }
0x39: {  	v4 =	vadd.s32 v1, v4;
	_ =	sdelay $0x4  }
0x3a: {  	[hbm4b:s3+s2] =	stream.indirect_vreg.scatter [tilespmem:s2], [sflag:$0x1], $0x80, v4, vm0, $0xb8;
	[tilespmem:$0x10100] =	vst v63  }
0x3b: {  	v3 =	vperm.xlane v3, v2  }
0x3c: {  	[hbm4b:s4+s2] =	stream.indirect_vreg.scatter [tilespmem:s17], [sflag:$0x1], $0x80, v4, vm0, $0xb8;
	[tilespmem:$0x10100] =	vst v63  }
0x3d: {  	v3 =	vadd.s32 v1, v3  }
0x3e: {  	[hbm4b:s5+s2] =	stream.indirect_vreg.scatter [tilespmem:s18], [sflag:$0x1], $0x80, v4, vm0, $0xb8;
	[tilespmem:$0x10100] =	vst v63  }
0x3f: {  	_ = 	snop  }
0x40: {  	[hbm4b:s6+s2] =	stream.indirect_vreg.scatter [tilespmem:s19], [sflag:$0x1], $0x80, v4, vm0, $0xb8;
	[tilespmem:$0x10100] =	vst v63  }
0x41: {  	_ = 	snop  }
0x42: {  	[hbm4b:s3+s2] =	stream.indirect_vreg.scatter [tilespmem:s20], [sflag:$0x1], $0x80, v3, vm0, $0xb8;
	[tilespmem:$0x10100] =	vst v63  }
0x43: {  	_ = 	snop  }
0x44: {  	[hbm4b:s4+s2] =	stream.indirect_vreg.scatter [tilespmem:s21], [sflag:$0x1], $0x80, v3, vm0, $0xb8;
	[tilespmem:$0x10100] =	vst v63  }
0x45: {  	_ = 	snop  }
0x46: {  	[hbm4b:s5+s2] =	stream.indirect_vreg.scatter [tilespmem:s22], [sflag:$0x1], $0x80, v3, vm0, $0xb8;
	[tilespmem:$0x10100] =	vst v63  }
0x47: {  	_ = 	snop  }
0x48: {  	[hbm4b:s6+s2] =	stream.indirect_vreg.scatter [tilespmem:s23], [sflag:$0x1], $0x80, v3, vm0, $0xb8;
	[tilespmem:$0x10100] =	vst v63  }
0x49: {  	v3 =	vld [tilespmem:$0x10010];
	_ =	sdelay $0x4  }
0x4a: {  	v58 =	vshll.u32 v3, $0x3  }
0x4b: {  	v3 =	vand.u32 $0x7, v3;
	v4 =	vand.u32 $0xFFFFFFC0, v58  }
0x4c: {  	v3 =	vor.u32 v3, v4  }
0x4d: {  	v4 =	vperm.xlane v3, v0;
	_ =	sdelay $0x1  }
0x4e: {  	v4 =	vadd.s32 v1, v4;
	_ =	sdelay $0x3  }
0x4f: {  	s17 =	simm.s32 $0x4000  }
0x50: {  	[hbm4b:s3+s2] =	stream.indirect_vreg.scatter [tilespmem:s17], [sflag:$0x1], $0x80, v4, vm0, $0xb8;
	[tilespmem:$0x10100] =	vst v63  }
0x51: {  	s18 =	simm.s32 $0x4800;
	v3 =	vperm.xlane v3, v2  }
0x52: {  	[hbm4b:s4+s2] =	stream.indirect_vreg.scatter [tilespmem:s18], [sflag:$0x1], $0x80, v4, vm0, $0xb8;
	[tilespmem:$0x10100] =	vst v63  }
0x53: {  	s19 =	simm.s32 $0x5000;
	v3 =	vadd.s32 v1, v3  }
0x54: {  	[hbm4b:s5+s2] =	stream.indirect_vreg.scatter [tilespmem:s19], [sflag:$0x1], $0x80, v4, vm0, $0xb8;
	[tilespmem:$0x10100] =	vst v63  }
0x55: {  	s20 =	simm.s32 $0x5800  }
0x56: {  	[hbm4b:s6+s2] =	stream.indirect_vreg.scatter [tilespmem:s20], [sflag:$0x1], $0x80, v4, vm0, $0xb8;
	[tilespmem:$0x10100] =	vst v63  }
0x57: {  	s21 =	simm.s32 $0x6000  }
0x58: {  	[hbm4b:s3+s2] =	stream.indirect_vreg.scatter [tilespmem:s21], [sflag:$0x1], $0x80, v3, vm0, $0xb8;
	[tilespmem:$0x10100] =	vst v63  }
0x59: {  	s22 =	simm.s32 $0x6800  }
0x5a: {  	[hbm4b:s4+s2] =	stream.indirect_vreg.scatter [tilespmem:s22], [sflag:$0x1], $0x80, v3, vm0, $0xb8;
	[tilespmem:$0x10100] =	vst v63  }
0x5b: {  	s23 =	simm.s32 $0x7000  }
0x5c: {  	[hbm4b:s5+s2] =	stream.indirect_vreg.scatter [tilespmem:s23], [sflag:$0x1], $0x80, v3, vm0, $0xb8;
	[tilespmem:$0x10100] =	vst v63  }
0x5d: {  	_ = 	snop  }
0x5e: {  	[hbm4b:s6+s2] =	stream.indirect_vreg.scatter [tilespmem:s24], [sflag:$0x1], $0x80, v3, vm0, $0xb8;
	[tilespmem:$0x10100] =	vst v63  }
0x5f: {  	v3 =	vld [tilespmem:$0x10090];
	_ =	sdelay $0x4  }
0x60: {  	v59 =	vshll.u32 v3, $0x3  }
0x61: {  	v3 =	vand.u32 $0x7, v3;
	v4 =	vand.u32 $0xFFFFFFC0, v59  }
0x62: {  	v3 =	vor.u32 v3, v4  }
0x63: {  	v4 =	vperm.xlane v3, v0;
	_ =	sdelay $0x1  }
0x64: {  	v4 =	vadd.s32 v1, v4;
	_ =	sdelay $0x4  }
0x65: {  	[hbm4b:s3+s2] =	stream.indirect_vreg.scatter [tilespmem:s17], [sflag:$0x1], $0x80, v4, vm0, $0xb8;
	[tilespmem:$0x10100] =	vst v63  }
0x66: {  	v3 =	vperm.xlane v3, v2  }
0x67: {  	[hbm4b:s4+s2] =	stream.indirect_vreg.scatter [tilespmem:s18], [sflag:$0x1], $0x80, v4, vm0, $0xb8;
	[tilespmem:$0x10100] =	vst v63  }
0x68: {  	v3 =	vadd.s32 v1, v3  }
0x69: {  	[hbm4b:s5+s2] =	stream.indirect_vreg.scatter [tilespmem:s19], [sflag:$0x1], $0x80, v4, vm0, $0xb8;
	[tilespmem:$0x10100] =	vst v63  }
0x6a: {  	_ = 	snop  }
0x6b: {  	[hbm4b:s6+s2] =	stream.indirect_vreg.scatter [tilespmem:s20], [sflag:$0x1], $0x80, v4, vm0, $0xb8;
	[tilespmem:$0x10100] =	vst v63  }
0x6c: {  	_ = 	snop  }
0x6d: {  	[hbm4b:s3+s2] =	stream.indirect_vreg.scatter [tilespmem:s21], [sflag:$0x1], $0x80, v3, vm0, $0xb8;
	[tilespmem:$0x10100] =	vst v63  }
0x6e: {  	_ = 	snop  }
0x6f: {  	[hbm4b:s4+s2] =	stream.indirect_vreg.scatter [tilespmem:s22], [sflag:$0x1], $0x80, v3, vm0, $0xb8;
	[tilespmem:$0x10100] =	vst v63  }
0x70: {  	_ = 	snop  }
0x71: {  	[hbm4b:s5+s2] =	stream.indirect_vreg.scatter [tilespmem:s23], [sflag:$0x1], $0x80, v3, vm0, $0xb8;
	[tilespmem:$0x10100] =	vst v63  }
0x72: {  	_ = 	snop  }
0x73: {  	[hbm4b:s6+s2] =	stream.indirect_vreg.scatter [tilespmem:s24], [sflag:$0x1], $0x80, v3, vm0, $0xb8;
	[tilespmem:$0x10100] =	vst v63  }
0x74: {  	v3 =	vld [tilespmem:$0x10020];
	_ =	sdelay $0x4  }
0x75: {  	v60 =	vshll.u32 v3, $0x3  }
0x76: {  	v3 =	vand.u32 $0x7, v3;
	v4 =	vand.u32 $0xFFFFFFC0, v60  }
0x77: {  	v3 =	vor.u32 v3, v4  }
0x78: {  	v4 =	vperm.xlane v3, v0;
	_ =	sdelay $0x1  }
0x79: {  	v4 =	vadd.s32 v1, v4;
	_ =	sdelay $0x3  }
0x7a: {  	s23 =	simm.s32 $0x8000  }
0x7b: {  	[hbm4b:s3+s2] =	stream.indirect_vreg.scatter [tilespmem:s23], [sflag:$0x1], $0x80, v4, vm0, $0xb8;
	[tilespmem:$0x10100] =	vst v63  }
0x7c: {  	v3 =	vperm.xlane v3, v2  }
0x7d: {  	[hbm4b:s4+s2] =	stream.indirect_vreg.scatter [tilespmem:s25], [sflag:$0x1], $0x80, v4, vm0, $0xb8;
	[tilespmem:$0x10100] =	vst v63  }
0x7e: {  	v3 =	vadd.s32 v1, v3  }
0x7f: {  	[hbm4b:s5+s2] =	stream.indirect_vreg.scatter [tilespmem:s26], [sflag:$0x1], $0x80, v4, vm0, $0xb8;
	[tilespmem:$0x10100] =	vst v63  }
0x80: {  	_ = 	snop  }
0x81: {  	[hbm4b:s6+s2] =	stream.indirect_vreg.scatter [tilespmem:s28], [sflag:$0x1], $0x80, v4, vm0, $0xb8;
	[tilespmem:$0x10100] =	vst v63  }
0x82: {  	_ = 	snop  }
0x83: {  	[hbm4b:s3+s2] =	stream.indirect_vreg.scatter [tilespmem:s29], [sflag:$0x1], $0x80, v3, vm0, $0xb8;
	[tilespmem:$0x10100] =	vst v63  }
0x84: {  	_ = 	snop  }
0x85: {  	[hbm4b:s4+s2] =	stream.indirect_vreg.scatter [tilespmem:s30], [sflag:$0x1], $0x80, v3, vm0, $0xb8;
	[tilespmem:$0x10100] =	vst v63  }
0x86: {  	_ = 	snop  }
0x87: {  	[hbm4b:s5+s2] =	stream.indirect_vreg.scatter [tilespmem:s31], [sflag:$0x1], $0x80, v3, vm0, $0xb8;
	[tilespmem:$0x10100] =	vst v63  }
0x88: {  	_ = 	snop  }
0x89: {  	[hbm4b:s6+s2] =	stream.indirect_vreg.scatter [tilespmem:s1], [sflag:$0x1], $0x80, v3, vm0, $0xb8;
	[tilespmem:$0x10100] =	vst v63  }
0x8a: {  	v3 =	vld [tilespmem:$0x100A0];
	_ =	sdelay $0x4  }
0x8b: {  	v61 =	vshll.u32 v3, $0x3  }
0x8c: {  	v3 =	vand.u32 $0x7, v3;
	v4 =	vand.u32 $0xFFFFFFC0, v61  }
0x8d: {  	v3 =	vor.u32 v3, v4  }
0x8e: {  	v4 =	vperm.xlane v3, v0;
	_ =	sdelay $0x1  }
0x8f: {  	v4 =	vadd.s32 v1, v4;
	_ =	sdelay $0x4  }
0x90: {  	[hbm4b:s3+s2] =	stream.indirect_vreg.scatter [tilespmem:s23], [sflag:$0x1], $0x80, v4, vm0, $0xb8;
	[tilespmem:$0x10100] =	vst v63  }
0x91: {  	v3 =	vperm.xlane v3, v2  }
0x92: {  	[hbm4b:s4+s2] =	stream.indirect_vreg.scatter [tilespmem:s25], [sflag:$0x1], $0x80, v4, vm0, $0xb8;
	[tilespmem:$0x10100] =	vst v63  }
0x93: {  	v3 =	vadd.s32 v1, v3  }
0x94: {  	[hbm4b:s5+s2] =	stream.indirect_vreg.scatter [tilespmem:s26], [sflag:$0x1], $0x80, v4, vm0, $0xb8;
	[tilespmem:$0x10100] =	vst v63  }
0x95: {  	_ = 	snop  }
0x96: {  	[hbm4b:s6+s2] =	stream.indirect_vreg.scatter [tilespmem:s28], [sflag:$0x1], $0x80, v4, vm0, $0xb8;
	[tilespmem:$0x10100] =	vst v63  }
0x97: {  	_ = 	snop  }
0x98: {  	[hbm4b:s3+s2] =	stream.indirect_vreg.scatter [tilespmem:s29], [sflag:$0x1], $0x80, v3, vm0, $0xb8;
	[tilespmem:$0x10100] =	vst v63  }
0x99: {  	_ = 	snop  }
0x9a: {  	[hbm4b:s4+s2] =	stream.indirect_vreg.scatter [tilespmem:s30], [sflag:$0x1], $0x80, v3, vm0, $0xb8;
	[tilespmem:$0x10100] =	vst v63  }
0x9b: {  	_ = 	snop  }
0x9c: {  	[hbm4b:s5+s2] =	stream.indirect_vreg.scatter [tilespmem:s31], [sflag:$0x1], $0x80, v3, vm0, $0xb8;
	[tilespmem:$0x10100] =	vst v63  }
0x9d: {  	_ = 	snop  }
0x9e: {  	[hbm4b:s6+s2] =	stream.indirect_vreg.scatter [tilespmem:s1], [sflag:$0x1], $0x80, v3, vm0, $0xb8;
	[tilespmem:$0x10100] =	vst v63  }
0x9f: {  	v3 =	vld [tilespmem:$0x10030];
	_ =	sdelay $0x4  }
0xa0: {  	v62 =	vshll.u32 v3, $0x3  }
0xa1: {  	v3 =	vand.u32 $0x7, v3;
	v4 =	vand.u32 $0xFFFFFFC0, v62  }
0xa2: {  	v3 =	vor.u32 v3, v4  }
0xa3: {  	v4 =	vperm.xlane v3, v0;
	_ =	sdelay $0x1  }
0xa4: {  	v4 =	vadd.s32 v1, v4;
	_ =	sdelay $0x4  }
0xa5: {  	[hbm4b:s3+s2] =	stream.indirect_vreg.scatter [tilespmem:s0], [sflag:$0x1], $0x80, v4, vm0, $0xb8;
	[tilespmem:$0x10100] =	vst v63  }
0xa6: {  	v3 =	vperm.xlane v3, v2  }
0xa7: {  	[hbm4b:s4+s2] =	stream.indirect_vreg.scatter [tilespmem:s9], [sflag:$0x1], $0x80, v4, vm0, $0xb8;
	[tilespmem:$0x10100] =	vst v63  }
0xa8: {  	v3 =	vadd.s32 v1, v3  }
0xa9: {  	[hbm4b:s5+s2] =	stream.indirect_vreg.scatter [tilespmem:s10], [sflag:$0x1], $0x80, v4, vm0, $0xb8;
	[tilespmem:$0x10100] =	vst v63  }
0xaa: {  	_ = 	snop  }
0xab: {  	[hbm4b:s6+s2] =	stream.indirect_vreg.scatter [tilespmem:s11], [sflag:$0x1], $0x80, v4, vm0, $0xb8;
	[tilespmem:$0x10100] =	vst v63  }
0xac: {  	_ = 	snop  }
0xad: {  	[hbm4b:s3+s2] =	stream.indirect_vreg.scatter [tilespmem:s12], [sflag:$0x1], $0x80, v3, vm0, $0xb8;
	[tilespmem:$0x10100] =	vst v63  }
0xae: {  	_ = 	snop  }
0xaf: {  	[hbm4b:s4+s2] =	stream.indirect_vreg.scatter [tilespmem:s13], [sflag:$0x1], $0x80, v3, vm0, $0xb8;
	[tilespmem:$0x10100] =	vst v63  }
0xb0: {  	_ = 	snop  }
0xb1: {  	[hbm4b:s5+s2] =	stream.indirect_vreg.scatter [tilespmem:s14], [sflag:$0x1], $0x80, v3, vm0, $0xb8;
	[tilespmem:$0x10100] =	vst v63  }
0xb2: {  	_ = 	snop  }
0xb3: {  	[hbm4b:s6+s2] =	stream.indirect_vreg.scatter [tilespmem:s15], [sflag:$0x1], $0x80, v3, vm0, $0xb8;
	[tilespmem:$0x10100] =	vst v63  }
0xb4: {  	v3 =	vld [tilespmem:$0x100B0];
	_ =	sdelay $0x4  }
0xb5: {  	v63 =	vshll.u32 v3, $0x3  }
0xb6: {  	v3 =	vand.u32 $0x7, v3;
	v4 =	vand.u32 $0xFFFFFFC0, v63  }
0xb7: {  	v3 =	vor.u32 v3, v4  }
0xb8: {  	v4 =	vperm.xlane v3, v0;
	_ =	sdelay $0x1  }
0xb9: {  	v4 =	vadd.s32 v1, v4;
	_ =	sdelay $0x4  }
0xba: {  	[hbm4b:s3+s2] =	stream.indirect_vreg.scatter [tilespmem:s0], [sflag:$0x1], $0x80, v4, vm0, $0xb8;
	[tilespmem:$0x10100] =	vst v63  }
0xbb: {  	v3 =	vperm.xlane v3, v2  }
0xbc: {  	[hbm4b:s4+s2] =	stream.indirect_vreg.scatter [tilespmem:s9], [sflag:$0x1], $0x80, v4, vm0, $0xb8;
	[tilespmem:$0x10100] =	vst v63  }
0xbd: {  	v3 =	vadd.s32 v1, v3  }
0xbe: {  	[hbm4b:s5+s2] =	stream.indirect_vreg.scatter [tilespmem:s10], [sflag:$0x1], $0x80, v4, vm0, $0xb8;
	[tilespmem:$0x10100] =	vst v63  }
0xbf: {  	_ = 	snop  }
0xc0: {  	[hbm4b:s6+s2] =	stream.indirect_vreg.scatter [tilespmem:s11], [sflag:$0x1], $0x80, v4, vm0, $0xb8;
	[tilespmem:$0x10100] =	vst v63  }
0xc1: {  	_ = 	snop  }
0xc2: {  	[hbm4b:s3+s2] =	stream.indirect_vreg.scatter [tilespmem:s12], [sflag:$0x1], $0x80, v3, vm0, $0xb8;
	[tilespmem:$0x10100] =	vst v63  }
0xc3: {  	_ = 	snop  }
0xc4: {  	[hbm4b:s4+s2] =	stream.indirect_vreg.scatter [tilespmem:s13], [sflag:$0x1], $0x80, v3, vm0, $0xb8;
	[tilespmem:$0x10100] =	vst v63  }
0xc5: {  	_ = 	snop  }
0xc6: {  	[hbm4b:s5+s2] =	stream.indirect_vreg.scatter [tilespmem:s14], [sflag:$0x1], $0x80, v3, vm0, $0xb8;
	[tilespmem:$0x10100] =	vst v63  }
0xc7: {  	_ = 	snop  }
0xc8: {  	[hbm4b:s6+s2] =	stream.indirect_vreg.scatter [tilespmem:s15], [sflag:$0x1], $0x80, v3, vm0, $0xb8;
	[tilespmem:$0x10100] =	vst v63  }
0xc9: {  	_ =	swait.ge [sflag:s16], $0x4000  }
0xca: {  	[sflag:s16] =	ssyncset.done $0x0  }
0xcb: {  	[sflag:s16] =	ssyncadd.s32 $0xFFFFC000  }
0xcc: {  	_ =	swait.ge [sflag:s16], $0x4000  }
0xcd: {  	[sflag:s16] =	ssyncset.done $0x0  }
0xce: {  	[sflag:s16] =	ssyncadd.s32 $0xFFFFC000  }
0xcf: {  	_ =	swait.ge [sflag:s16], $0x4000  }
0xd0: {  	[sflag:s16] =	ssyncset.done $0x0  }
0xd1: {  	[sflag:s16] =	ssyncadd.s32 $0xFFFFC000  }
0xd2: {  	_ =	swait.ge [sflag:s16], $0x4000  }
0xd3: {  	[sflag:s16] =	ssyncset.done $0x0  }
0xd4: {  	[sflag:s16] =	ssyncadd.s32 $0xFFFFC000  }
0xd5: {  	_ =	swait.ge [sflag:s16], $0x4000  }
0xd6: {  	[sflag:s16] =	ssyncset.done $0x0  }
0xd7: {  	[sflag:s16] =	ssyncadd.s32 $0xFFFFC000  }
0xd8: {  	_ =	swait.ge [sflag:s16], $0x4000  }
0xd9: {  	[sflag:s16] =	ssyncset.done $0x0  }
0xda: {  	[sflag:s16] =	ssyncadd.s32 $0xFFFFC000  }
0xdb: {  	p0 =	sne.s32 s7, $0x1;
	_ =	swait.ge [sflag:s16], $0x4000  }
.Ltmp0:
0xdc: {  	[sflag:s16] =	ssyncset.done $0x0;
	(pc) =	sbr.rel @p0 .LBB2_1-.Ltmp0, $4  }
0xdd: {  	[sflag:s16] =	ssyncadd.s32 $0xFFFFC000  }
0xde: {  	_ =	swait.ge [sflag:s16], $0x4000  }
0xdf: {  	[sflag:s16] =	ssyncset.done $0x0  }
0xe0: {  	s7 =	sadd.s32 $0xFFFFFFFF, s7;
	[sflag:s16] =	ssyncadd.s32 $0xFFFFC000  }
0xe1: {  	_ =	sfence.sel $0x180000  }
0xe2: {  	[bflag:$0x0] =	sbarrier.arrive $0xFFFF  }
0xe3: {  	_ =	strace $0x90000047  }
0xe4: {  	s0 =	stileid.u32;
	[bflag:$0x2] =	sbarrier.arrive $0xFFFF  }
0xe5: {  	p0 =	sne.s32 s0, $0x0;
	s0 =	rddreg [dreg:$0x2]  }
0xe6: {  	s0 =	sadd.s32 @!p0 $0x100000, s0  }
0xe7: {  	[sflag:s0] =	ssyncadd.tile.s32 @!p0 $0x1;
	_ =	shalt  }
.Lfunc_end2:
_tile_overlayer_lowered:
.L_overlay_start_2:
0xe8: {  	(tag) =	ssettag $0x2  }
0xe9: {  	s0 =	rddreg [dreg:$0x0];
	s2 =	stileid.u32  }
0xea: {  	s1 =	rddreg [dreg:$0x1];
	p0 =	sne.s32 s2, $0x0  }
0xeb: {  	s3 =	rddreg [dreg:$0x2];
	[bflag:$0x3] =	sbarrier.arrive $0xFFFF;
	s2 =	simm.s32 @!p0 $0x1C02  }
0xec: {  	[timem:s3], [sflag:s2] =	dma.local @!p0 [hbm:s0], s1  }
0xed: {  	s0 =	simm.s32 @!p0 $0x2  }
0xee: {  	_ =	swait.ge @!p0 [sflag:s0], s1  }
0xef: {  	s1 =	ssub.s32 @!p0 $0x0, s1;
	[sflag:s0] =	ssyncset.done @!p0 $0x0  }
0xf0: {  	[sflag:s0] =	ssyncadd.s32 @!p0 s1  }
0xf1: {  	[bflag:$0x3] =	sbarrier.arrive $0xFFFF  }
0xf2: {  	_ =	shalt  }

</sc_bundles>
